<compile_context>
chip_gen: v7x
topology: tpu7x:2x2x1
jax: 0.10.2.dev20260603
libtpu: 0.0.44.dev20260713+nightly
codegen_flags: <defaults>
</compile_context>

<pallas_src>
import functools

import jax
import jax.numpy as jnp
from jax import lax
from jax.experimental import pallas as pl
from jax.experimental.pallas import tpu as pltpu
from jax.experimental.pallas import tpu_sc as plsc

_NC = 2
_NS = 16
_NW = _NC * _NS

_C = 80
_NCH = 125
_PW = _C * _NCH
_NPAD = 10240


def _make_propagate(n, e_pad, d):
    nch = _NCH
    rpt = _NPAD // _NS
    nwb = rpt // _C
    assert rpt == nwb * _C and nch % 2 == 1
    mesh = plsc.VectorSubcoreMesh(
        core_axis_name="c", subcore_axis_name="s",
        num_cores=_NC, num_subcores=_NS)

    def body(h_hbm, src_hbm, dst_hbm, out_hbm,
             src_v, dst_v, buf_a, buf_b, acc, sem_a, sem_b):
        cid = lax.axis_index("c")
        sid = lax.axis_index("s")
        wid = sid * _NC + cid
        base = sid * rpt

        def zb(i, carry):
            for j in range(d // 16):
                buf_a[i, pl.ds(j * 16, 16)] = jnp.zeros((16,), jnp.float32)
            return carry
        lax.fori_loop(0, _C, zb, 0)

        def zacc(t, carry):
            pltpu.sync_copy(buf_a, acc.at[pl.ds(base + t * _C, _C)])
            return carry
        lax.fori_loop(0, nwb, zacc, 0)

        pltpu.sync_copy(src_hbm.at[pl.ds(wid * _PW, _PW)], src_v)
        pltpu.sync_copy(dst_hbm.at[wid], dst_v)
        plsc.subcore_barrier()

        def fire(k, buf, sem):
            pltpu.async_copy(h_hbm.at[src_v.at[pl.ds(k * _C, _C)]], buf, sem)

        def drain(buf, sem):
            pltpu.make_async_copy(
                h_hbm.at[src_v.at[pl.ds(0, _C)]], buf, sem).wait()

        fire(0, buf_a, sem_a)

        def pair(t, carry):
            k0 = 2 * t
            fire(k0 + 1, buf_b, sem_b)
            drain(buf_a, sem_a)
            pltpu.sync_copy(buf_a, acc.at[dst_v.at[k0]], add=True)
            fire(k0 + 2, buf_a, sem_a)
            drain(buf_b, sem_b)
            pltpu.sync_copy(buf_b, acc.at[dst_v.at[k0 + 1]], add=True)
            return carry
        lax.fori_loop(0, nch // 2, pair, 0)
        drain(buf_a, sem_a)
        pltpu.sync_copy(buf_a, acc.at[dst_v.at[nch - 1]], add=True)
        plsc.subcore_barrier()

        def wback(t, carry):
            row = base + t * _C
            pltpu.sync_copy(acc.at[pl.ds(row, _C)], buf_a)
            pltpu.sync_copy(buf_a, out_hbm.at[cid, pl.ds(row, _C)])
            return carry
        lax.fori_loop(0, nwb, wback, 0)

    return pl.kernel(
        body,
        out_type=jax.ShapeDtypeStruct((_NC, _NPAD, d), jnp.float32),
        mesh=mesh,
        scratch_types=[
            pltpu.VMEM((_PW,), jnp.int32),
            pltpu.VMEM((_NCH, _C), jnp.int32),
            pltpu.VMEM((_C, d), jnp.float32),
            pltpu.VMEM((_C, d), jnp.float32),
            pltpu.VMEM_SHARED((_NPAD, d), jnp.float32),
            pltpu.SemaphoreType.DMA,
            pltpu.SemaphoreType.DMA,
        ],
    )


def _make_degree():
    dd = 16
    nch = _NCH
    rpt = _NPAD // _NS
    nwb = rpt // _C
    ring = 8
    mesh = plsc.VectorSubcoreMesh(
        core_axis_name="c", subcore_axis_name="s",
        num_cores=_NC, num_subcores=_NS)

    def body(dst_hbm, out_hbm, dst_v, buf, acc, sem):
        cid = lax.axis_index("c")
        sid = lax.axis_index("s")
        wid = sid * _NC + cid
        base = sid * rpt

        def fill(val):
            def f(i, carry):
                buf[i, pl.ds(0, dd)] = jnp.full((16,), val, jnp.float32)
                return carry
            lax.fori_loop(0, _C, f, 0)

        fill(0.0)

        def zacc(t, carry):
            pltpu.sync_copy(buf, acc.at[pl.ds(base + t * _C, _C)])
            return carry
        lax.fori_loop(0, nwb, zacc, 0)
        fill(1.0)
        pltpu.sync_copy(dst_hbm.at[wid], dst_v)
        plsc.subcore_barrier()

        def chunk(k, carry):
            pltpu.async_copy(buf, acc.at[dst_v.at[k]], sem, add=True)

            @pl.when(k >= ring - 1)
            def _():
                pltpu.make_async_copy(buf, acc.at[dst_v.at[0]], sem).wait()
            return carry
        lax.fori_loop(0, nch, chunk, 0)

        def dr(k, carry):
            pltpu.make_async_copy(buf, acc.at[dst_v.at[0]], sem).wait()
            return carry
        lax.fori_loop(0, ring - 1, dr, 0)
        plsc.subcore_barrier()

        def wback(t, carry):
            row = base + t * _C
            pltpu.sync_copy(acc.at[pl.ds(row, _C)], buf)
            pltpu.sync_copy(buf, out_hbm.at[cid, pl.ds(row, _C)])
            return carry
        lax.fori_loop(0, nwb, wback, 0)

    return pl.kernel(
        body,
        out_type=jax.ShapeDtypeStruct((_NC, _NPAD, dd), jnp.float32),
        mesh=mesh,
        scratch_types=[
            pltpu.VMEM((_NCH, _C), jnp.int32),
            pltpu.VMEM((_C, dd), jnp.float32),
            pltpu.VMEM_SHARED((_NPAD, dd), jnp.float32),
            pltpu.SemaphoreType.DMA,
        ],
    )


def _make_row_gather(n, d, b):
    per_w = b // _NW
    mesh = plsc.VectorSubcoreMesh(
        core_axis_name="c", subcore_axis_name="s",
        num_cores=_NC, num_subcores=_NS)

    def body(table_hbm, idx_hbm, out_hbm, idx_v, rows_v, sem):
        wid = lax.axis_index("s") * _NC + lax.axis_index("c")
        base = wid * per_w
        pltpu.sync_copy(idx_hbm.at[pl.ds(base, per_w)], idx_v)
        pltpu.async_copy(table_hbm.at[idx_v], rows_v, sem).wait()
        pltpu.sync_copy(rows_v, out_hbm.at[pl.ds(base, per_w)])

    return pl.kernel(
        body,
        out_type=jax.ShapeDtypeStruct((b, d), jnp.float32),
        mesh=mesh,
        scratch_types=[
            pltpu.VMEM((per_w,), jnp.int32),
            pltpu.VMEM((per_w, d), jnp.float32),
            pltpu.SemaphoreType.DMA,
        ],
    )


_R = 2000


def _norm_mm0(degp, x, w0):
    n, d = x.shape

    def body(dp, x_ref, w_ref, norm_ref, hp_ref):
        nrm = lax.rsqrt(dp[0, :, 0:1] + dp[1, :, 0:1] + 1.0)
        norm_ref[...] = nrm
        hp_ref[...] = jnp.dot(x_ref[...], w_ref[...],
                              preferred_element_type=jnp.float32) * nrm

    return pl.pallas_call(
        body,
        grid=(n // _R,),
        in_specs=[
            pl.BlockSpec((2, _R, 16), lambda i: (0, i, 0)),
            pl.BlockSpec((_R, d), lambda i: (i, 0)),
            pl.BlockSpec((d, d), lambda i: (0, 0)),
        ],
        out_specs=[
            pl.BlockSpec((_R, 1), lambda i: (i, 0)),
            pl.BlockSpec((_R, d), lambda i: (i, 0)),
        ],
        out_shape=[
            jax.ShapeDtypeStruct((n, 1), jnp.float32),
            jax.ShapeDtypeStruct((n, d), jnp.float32),
        ],
    )(degp, x, w0)


def _tc_step(accp, h, s, nrm, w, beff):
    n, d = h.shape
    have_s = s is not None

    def body(ap, h_ref, *rest):
        if have_s:
            s_ref, nrm_ref, w_ref, b_ref, sn_ref, hn_ref = rest
        else:
            nrm_ref, w_ref, b_ref, sn_ref, hn_ref = rest
        nrm_v = nrm_ref[...]
        comb = (ap[0] + ap[1] + h_ref[...]) * nrm_v + b_ref[...]
        r = jnp.maximum(comb, 0.0)
        s_new = s_ref[...] + r if have_s else r
        sn_ref[...] = s_new
        hn_ref[...] = jnp.dot(s_new, w_ref[...],
                              preferred_element_type=jnp.float32) * nrm_v

    row = pl.BlockSpec((_R, d), lambda i: (i, 0))
    col = pl.BlockSpec((_R, 1), lambda i: (i, 0))
    in_specs = [pl.BlockSpec((2, _R, d), lambda i: (0, i, 0)), row]
    args = [accp, h]
    if have_s:
        in_specs.append(row)
        args.append(s)
    in_specs += [col,
                 pl.BlockSpec((d, d), lambda i: (0, 0)),
                 pl.BlockSpec((1, d), lambda i: (0, 0))]
    args += [nrm, w, beff]
    return pl.pallas_call(
        body,
        grid=(n // _R,),
        in_specs=in_specs,
        out_specs=[row, row],
        out_shape=[
            jax.ShapeDtypeStruct((n, d), jnp.float32),
            jax.ShapeDtypeStruct((n, d), jnp.float32),
        ],
    )(*args)


def _tc_final(accp, h, nrm, beff):
    n, d = h.shape

    def body(ap, h_ref, nrm_ref, b_ref, out_ref):
        out_ref[...] = ((ap[0] + ap[1] + h_ref[...]) * nrm_ref[...]
                        + b_ref[...])

    row = pl.BlockSpec((_R, d), lambda i: (i, 0))
    return pl.pallas_call(
        body,
        grid=(n // _R,),
        in_specs=[
            pl.BlockSpec((2, _R, d), lambda i: (0, i, 0)), row,
            pl.BlockSpec((_R, 1), lambda i: (i, 0)),
            pl.BlockSpec((1, d), lambda i: (0, 0)),
        ],
        out_specs=row,
        out_shape=jax.ShapeDtypeStruct((n, d), jnp.float32),
    )(accp, h, nrm, beff)


def _head(rows, wh, bh):
    b, d = rows.shape
    dout = wh.shape[1]

    def body(r_ref, w_ref, b_ref, out_ref):
        xr = r_ref[...]
        m = jnp.max(xr, axis=1, keepdims=True)
        lse = jnp.log(jnp.sum(jnp.exp(xr - m), axis=1, keepdims=True)) + m
        out_ref[...] = jnp.dot(xr - lse, w_ref[...],
                               preferred_element_type=jnp.float32) + b_ref[...]

    return pl.pallas_call(
        body,
        out_shape=jax.ShapeDtypeStruct((b, dout), jnp.float32),
    )(rows, wh, bh.reshape(1, dout))


def kernel(x, edge_index, node_label_index, node_label,
           W0, b0, W1, b1, W2, b2, W3, b3, Wh, bh):
    n, d = x.shape
    e = edge_index.shape[1]
    nl = node_label_index.shape[0]

    src = edge_index[0]
    dst = edge_index[1].reshape(_NW, _NCH, _C)

    degp = _make_degree()(dst)
    nrm, h0 = _norm_mm0(degp, x, W0)

    prop = _make_propagate(n, e, d)

    def bprop(h):
        return prop(lax.optimization_barrier(h), src, dst)

    s1, h1 = _tc_step(bprop(h0), h0, None, nrm, W1, (1.0 * b0).reshape(1, d))
    s2, h2 = _tc_step(bprop(h1), h1, s1, nrm, W2, (1.0 * b1).reshape(1, d))
    s3, h3 = _tc_step(bprop(h2), h2, s2, nrm, W3, (2.0 * b2).reshape(1, d))
    out3 = _tc_final(bprop(h3), h3, nrm, (3.0 * b3).reshape(1, d))

    nl_pad = ((nl + _NW * 8 - 1) // (_NW * 8)) * (_NW * 8)
    idx = jnp.concatenate(
        [node_label_index,
         jnp.zeros((nl_pad - nl,), node_label_index.dtype)])
    out3 = lax.optimization_barrier(out3)
    rows = _make_row_gather(n, d, nl_pad)(out3, idx)
    pred = _head(rows, Wh, bh)[:nl]
    return pred, node_label

# --- scband reference (transcript-rebuilt; emitter-appended) ---
"""Pipeline reference for scband-nasgnn-59330678226985 (READ-ONLY COPY).

The authoritative reference and input builder live on the scoring server;
editing this copy changes nothing except your own understanding.
"""

import jax, jax.numpy as jnp
import numpy as np

N = 10000
E = 320000
D = 128
DOUT = 64
NL = 2000

# Concrete NAS instantiation assumed (cfg.nas): node0..node3 = 'GCN',
# all inter-block activations = relu, cfg.gnn.layers_post_mp = 1 (single
# Linear(dim_in, dim_out, bias=True) in GNNNodeHead). dropout p=0.0.


def setup_inputs(seed: int = 0) -> dict:
    key = jax.random.key(seed)
    ks = jax.random.split(key, 16)
    inp = {}
    inp['x'] = jax.random.normal(ks[0], (N, D), dtype=jnp.float32)
    inp['edge_index'] = jax.random.randint(ks[1], (2, E), 0, N, dtype=jnp.int32)
    inp['node_label_index'] = jax.random.randint(ks[2], (NL,), 0, N, dtype=jnp.int32)
    inp['node_label'] = jax.random.randint(ks[3], (NL,), 0, DOUT, dtype=jnp.int32)
    # GCNConv weights for the 4 blocks (dim_in -> dim_in)
    for i in range(4):
        inp[f'W{i}'] = jax.random.normal(ks[4 + i], (D, D), dtype=jnp.float32) * (1.0 / np.sqrt(D))
        inp[f'b{i}'] = jnp.zeros((D,), dtype=jnp.float32)
    # post-MP head Linear(dim_in -> dim_out)
    inp['Wh'] = jax.random.normal(ks[12], (D, DOUT), dtype=jnp.float32) * (1.0 / np.sqrt(D))
    inp['bh'] = jnp.zeros((DOUT,), dtype=jnp.float32)
    return inp


def _gcn_conv(x, W, b, src, dst):
    # PyG GCNConv with add_self_loops=True and symmetric normalization
    h = x @ W
    deg = jnp.zeros((N,), jnp.float32).at[dst].add(1.0) + 1.0  # self-loop included
    norm = jax.lax.rsqrt(deg)
    coef = norm[src] * norm[dst]
    msgs = h[src] * coef[:, None]
    out = jnp.zeros((N, h.shape[1]), jnp.float32).at[dst].add(msgs)
    out = out + h * (norm * norm)[:, None]  # self-loop message
    return out + b


def reference(x, edge_index, node_label_index, node_label,
              W0, b0, W1, b1, W2, b2, W3, b3, Wh, bh):
    src = edge_index[0]
    dst = edge_index[1]
    Ws = [(W0, b0), (W1, b1), (W2, b2), (W3, b3)]
    block_inputs = [[x], [], [], []]
    latest = x
    for i in range(4):
        Wi, bi = Ws[i]
        out = None
        for xi in block_inputs[i]:
            o = _gcn_conv(xi, Wi, bi, src, dst)  # dropout p=0 -> identity
            out = o if out is None else out + o
        latest = out
        for j in range(i + 1, 4):
            block_inputs[j].append(jax.nn.relu(out))
    xf = jax.nn.log_softmax(latest, axis=1)
    # GNNNodeHead: post-MP MLP then index by node_label_index
    feat = xf @ Wh + bh
    pred = feat[node_label_index]
    return pred, node_label

if __name__ == "__main__":
    import jax
    _d = setup_inputs()
    print(jax.jit(kernel)(*tuple(_d.values())))

</pallas_src>

<mosaic_0001>
#map = affine_map<(d0, d1) -> (0, 0)>
#map1 = affine_map<(d0, d1) -> (0)>
#map2 = affine_map<(d0, d1) -> (0, 0, 0)>
module attributes {stable_mosaic.version = 14 : i64} {
  func.func @body(%arg0: i32, %arg1: i32, %arg2: memref<10000x128xf32, #tpu.memory_space<hbm>>, %arg3: memref<320000xi32, #tpu.memory_space<hbm>>, %arg4: memref<32x125x80xi32, #tpu.memory_space<hbm>>, %arg5: memref<2x10240x128xf32, #tpu.memory_space<hbm>>, %arg6: memref<10000xi32, #tpu.memory_space<vmem>>, %arg7: memref<125x80xi32, #tpu.memory_space<vmem>>, %arg8: memref<80x128xf32, #tpu.memory_space<vmem>>, %arg9: memref<80x128xf32, #tpu.memory_space<vmem>>, %arg10: memref<10240x128xf32, #tpu.memory_space<vmem_shared>>, %arg11: memref<!tpu.dma_semaphore, #tpu.memory_space<semaphore_mem>>, %arg12: memref<!tpu.dma_semaphore, #tpu.memory_space<semaphore_mem>>) attributes {dimension_semantics = [#tpu.dimension_semantics<core_parallel>, #tpu.dimension_semantics<subcore_parallel>], iteration_bounds = array<i64: 2, 16>, scalar_prefetch = 0 : i64, scratch_operands = 7 : i64, tpu.core_type = #tpu.core_type<sc_vector_subcore>, window_params = [{transform_indices = #map}, {transform_indices = #map1}, {transform_indices = #map2}, {transform_indices = #map2}]} {
    %mul3A = arith.constant 2 : i32
    %mul3A_0 = arith.muli %arg1, %mul3A : i32
    %add3A = arith.addi %mul3A_0, %arg0 : i32
    %mul3A_1 = arith.constant 640 : i32
    %mul3A_2 = arith.muli %arg1, %mul3A_1 : i32
    %scan3A = arith.constant 0 : i32
    %scan3A_3 = arith.constant 0 : i32
    %scan3A_4 = arith.constant 80 : i32
    %scan3A_5 = arith.addi %scan3A_3, %scan3A_4 : i32
    %scan3A_6 = arith.constant 1 : i32
    scf.for %scan3A_37 = %scan3A_3 to %scan3A_5 step %scan3A_6  : i32 {
      %broadcast_in_dim3A = arith.constant 0.000000e+00 : f32
      %broadcast_in_dim3A_38 = vector.broadcast %broadcast_in_dim3A : f32 to vector<16xf32>
      %swap3A = arith.index_cast %scan3A_37 : i32 to index
      %swap3A_39 = arith.constant 0 : index
      %swap3A_40 = tpu.vector_load %arg8[%swap3A, %swap3A_39] {strides = array<i32>} : memref<80x128xf32, #tpu.memory_space<vmem>>, vector<1x16xf32>,
      %swap3A_41 = vector.shape_cast %swap3A_40 : vector<1x16xf32> to vector<16xf32>
      %swap3A_42 = vector.shape_cast %broadcast_in_dim3A_38 : vector<16xf32> to vector<1x16xf32>
      tpu.vector_store %arg8[%swap3A, %swap3A_39], %swap3A_42 {strides = array<i32>} : memref<80x128xf32, #tpu.memory_space<vmem>>, vector<1x16xf32>,
      %broadcast_in_dim3A_43 = arith.constant 0.000000e+00 : f32
      %broadcast_in_dim3A_44 = vector.broadcast %broadcast_in_dim3A_43 : f32 to vector<16xf32>
      %swap3A_45 = arith.index_cast %scan3A_37 : i32 to index
      %swap3A_46 = arith.constant 16 : index
      %swap3A_47 = tpu.vector_load %arg8[%swap3A_45, %swap3A_46] {strides = array<i32>} : memref<80x128xf32, #tpu.memory_space<vmem>>, vector<1x16xf32>,
      %swap3A_48 = vector.shape_cast %swap3A_47 : vector<1x16xf32> to vector<16xf32>
      %swap3A_49 = vector.shape_cast %broadcast_in_dim3A_44 : vector<16xf32> to vector<1x16xf32>
      tpu.vector_store %arg8[%swap3A_45, %swap3A_46], %swap3A_49 {strides = array<i32>} : memref<80x128xf32, #tpu.memory_space<vmem>>, vector<1x16xf32>,
      %broadcast_in_dim3A_50 = arith.constant 0.000000e+00 : f32
      %broadcast_in_dim3A_51 = vector.broadcast %broadcast_in_dim3A_50 : f32 to vector<16xf32>
      %swap3A_52 = arith.index_cast %scan3A_37 : i32 to index
      %swap3A_53 = arith.constant 32 : index
      %swap3A_54 = tpu.vector_load %arg8[%swap3A_52, %swap3A_53] {strides = array<i32>} : memref<80x128xf32, #tpu.memory_space<vmem>>, vector<1x16xf32>,
      %swap3A_55 = vector.shape_cast %swap3A_54 : vector<1x16xf32> to vector<16xf32>
      %swap3A_56 = vector.shape_cast %broadcast_in_dim3A_51 : vector<16xf32> to vector<1x16xf32>
      tpu.vector_store %arg8[%swap3A_52, %swap3A_53], %swap3A_56 {strides = array<i32>} : memref<80x128xf32, #tpu.memory_space<vmem>>, vector<1x16xf32>,
      %broadcast_in_dim3A_57 = arith.constant 0.000000e+00 : f32
      %broadcast_in_dim3A_58 = vector.broadcast %broadcast_in_dim3A_57 : f32 to vector<16xf32>
      %swap3A_59 = arith.index_cast %scan3A_37 : i32 to index
      %swap3A_60 = arith.constant 48 : index
      %swap3A_61 = tpu.vector_load %arg8[%swap3A_59, %swap3A_60] {strides = array<i32>} : memref<80x128xf32, #tpu.memory_space<vmem>>, vector<1x16xf32>,
      %swap3A_62 = vector.shape_cast %swap3A_61 : vector<1x16xf32> to vector<16xf32>
      %swap3A_63 = vector.shape_cast %broadcast_in_dim3A_58 : vector<16xf32> to vector<1x16xf32>
      tpu.vector_store %arg8[%swap3A_59, %swap3A_60], %swap3A_63 {strides = array<i32>} : memref<80x128xf32, #tpu.memory_space<vmem>>, vector<1x16xf32>,
      %broadcast_in_dim3A_64 = arith.constant 0.000000e+00 : f32
      %broadcast_in_dim3A_65 = vector.broadcast %broadcast_in_dim3A_64 : f32 to vector<16xf32>
      %swap3A_66 = arith.index_cast %scan3A_37 : i32 to index
      %swap3A_67 = arith.constant 64 : index
      %swap3A_68 = tpu.vector_load %arg8[%swap3A_66, %swap3A_67] {strides = array<i32>} : memref<80x128xf32, #tpu.memory_space<vmem>>, vector<1x16xf32>,
      %swap3A_69 = vector.shape_cast %swap3A_68 : vector<1x16xf32> to vector<16xf32>
      %swap3A_70 = vector.shape_cast %broadcast_in_dim3A_65 : vector<16xf32> to vector<1x16xf32>
      tpu.vector_store %arg8[%swap3A_66, %swap3A_67], %swap3A_70 {strides = array<i32>} : memref<80x128xf32, #tpu.memory_space<vmem>>, vector<1x16xf32>,
      %broadcast_in_dim3A_71 = arith.constant 0.000000e+00 : f32
      %broadcast_in_dim3A_72 = vector.broadcast %broadcast_in_dim3A_71 : f32 to vector<16xf32>
      %swap3A_73 = arith.index_cast %scan3A_37 : i32 to index
      %swap3A_74 = arith.constant 80 : index
      %swap3A_75 = tpu.vector_load %arg8[%swap3A_73, %swap3A_74] {strides = array<i32>} : memref<80x128xf32, #tpu.memory_space<vmem>>, vector<1x16xf32>,
      %swap3A_76 = vector.shape_cast %swap3A_75 : vector<1x16xf32> to vector<16xf32>
      %swap3A_77 = vector.shape_cast %broadcast_in_dim3A_72 : vector<16xf32> to vector<1x16xf32>
      tpu.vector_store %arg8[%swap3A_73, %swap3A_74], %swap3A_77 {strides = array<i32>} : memref<80x128xf32, #tpu.memory_space<vmem>>, vector<1x16xf32>,
      %broadcast_in_dim3A_78 = arith.constant 0.000000e+00 : f32
      %broadcast_in_dim3A_79 = vector.broadcast %broadcast_in_dim3A_78 : f32 to vector<16xf32>
      %swap3A_80 = arith.index_cast %scan3A_37 : i32 to index
      %swap3A_81 = arith.constant 96 : index
      %swap3A_82 = tpu.vector_load %arg8[%swap3A_80, %swap3A_81] {strides = array<i32>} : memref<80x128xf32, #tpu.memory_space<vmem>>, vector<1x16xf32>,
      %swap3A_83 = vector.shape_cast %swap3A_82 : vector<1x16xf32> to vector<16xf32>
      %swap3A_84 = vector.shape_cast %broadcast_in_dim3A_79 : vector<16xf32> to vector<1x16xf32>
      tpu.vector_store %arg8[%swap3A_80, %swap3A_81], %swap3A_84 {strides = array<i32>} : memref<80x128xf32, #tpu.memory_space<vmem>>, vector<1x16xf32>,
      %broadcast_in_dim3A_85 = arith.constant 0.000000e+00 : f32
      %broadcast_in_dim3A_86 = vector.broadcast %broadcast_in_dim3A_85 : f32 to vector<16xf32>
      %swap3A_87 = arith.index_cast %scan3A_37 : i32 to index
      %swap3A_88 = arith.constant 112 : index
      %swap3A_89 = tpu.vector_load %arg8[%swap3A_87, %swap3A_88] {strides = array<i32>} : memref<80x128xf32, #tpu.memory_space<vmem>>, vector<1x16xf32>,
      %swap3A_90 = vector.shape_cast %swap3A_89 : vector<1x16xf32> to vector<16xf32>
      %swap3A_91 = vector.shape_cast %broadcast_in_dim3A_86 : vector<16xf32> to vector<1x16xf32>
      tpu.vector_store %arg8[%swap3A_87, %swap3A_88], %swap3A_91 {strides = array<i32>} : memref<80x128xf32, #tpu.memory_space<vmem>>, vector<1x16xf32>,
    }
    %scan3A_7 = arith.constant 80 : i32
    %scan3A_8 = arith.constant 0 : i32
    %scan3A_9 = arith.constant 0 : i32
    %scan3A_10 = arith.constant 8 : i32
    %scan3A_11 = arith.addi %scan3A_9, %scan3A_10 : i32
    %scan3A_12 = arith.constant 1 : i32
    scf.for %scan3A_37 = %scan3A_9 to %scan3A_11 step %scan3A_12  : i32 {
      %mul3A_38 = arith.constant 80 : i32
      %mul3A_39 = arith.muli %scan3A_37, %mul3A_38 : i32
      %add3A_40 = arith.addi %mul3A_2, %mul3A_39 : i32
      "tpu.region"() ({
        %run_scoped3A_41 = tpu.sem_alloc : memref<!tpu.dma_semaphore, #tpu.memory_space<semaphore_mem>>
        %dma_start3A_42 = arith.constant 0 : i32
        %dma_start3A_43 = tpu.memref_slice %arg10[%add3A_40, %dma_start3A_42] : memref<10240x128xf32, #tpu.memory_space<vmem_shared>> -> memref<80x128xf32, #tpu.memory_space<vmem_shared>>
        %dma_start3A_44 = arith.constant 0 : i32
        %dma_start3A_45 = tpu.memref_slice %arg10[%add3A_40, %dma_start3A_44] : memref<10240x128xf32, #tpu.memory_space<vmem_shared>> -> memref<80x128xf32, #tpu.memory_space<vmem_shared>>
        tpu.enqueue_dma source(%arg8 : memref<80x128xf32, #tpu.memory_space<vmem>>) target(%dma_start3A_45 : memref<80x128xf32, #tpu.memory_space<vmem_shared>>) target_semaphore(%run_scoped3A_41 : memref<!tpu.dma_semaphore, #tpu.memory_space<semaphore_mem>>)
        %dma_wait3A_46 = arith.constant 0 : i32
        %dma_wait3A_47 = tpu.memref_slice %arg10[%add3A_40, %dma_wait3A_46] : memref<10240x128xf32, #tpu.memory_space<vmem_shared>> -> memref<80x128xf32, #tpu.memory_space<vmem_shared>>
        %dma_wait3A_48 = arith.constant 0 : i32
        %dma_wait3A_49 = tpu.memref_slice %arg10[%add3A_40, %dma_wait3A_48] : memref<10240x128xf32, #tpu.memory_space<vmem_shared>> -> memref<80x128xf32, #tpu.memory_space<vmem_shared>>
        tpu.wait_dma2 semaphore(%run_scoped3A_41 : memref<!tpu.dma_semaphore, #tpu.memory_space<semaphore_mem>>) src(%arg8 : memref<80x128xf32, #tpu.memory_space<vmem>>) dst(%dma_wait3A_49 : memref<80x128xf32, #tpu.memory_space<vmem_shared>>)
        tpu.yield
      }) : () -> ()
    }
    %scan3A_13 = arith.constant 8 : i32
    %mul3A_14 = arith.constant 10000 : i32
    %mul3A_15 = arith.muli %add3A, %mul3A_14 : i32
    "tpu.region"() ({
      %run_scoped3A_37 = tpu.sem_alloc : memref<!tpu.dma_semaphore, #tpu.memory_space<semaphore_mem>>
      %dma_start3A_38 = tpu.memref_slice %arg3[%mul3A_15] : memref<320000xi32, #tpu.memory_space<hbm>> -> memref<10000xi32, #tpu.memory_space<hbm>>
      %dma_start3A_39 = tpu.memref_slice %arg3[%mul3A_15] : memref<320000xi32, #tpu.memory_space<hbm>> -> memref<10000xi32, #tpu.memory_space<hbm>>
      tpu.enqueue_dma source(%dma_start3A_39 : memref<10000xi32, #tpu.memory_space<hbm>>) target(%arg6 : memref<10000xi32, #tpu.memory_space<vmem>>) target_semaphore(%run_scoped3A_37 : memref<!tpu.dma_semaphore, #tpu.memory_space<semaphore_mem>>)
      %dma_wait3A_40 = tpu.memref_slice %arg3[%mul3A_15] : memref<320000xi32, #tpu.memory_space<hbm>> -> memref<10000xi32, #tpu.memory_space<hbm>>
      %dma_wait3A_41 = tpu.memref_slice %arg3[%mul3A_15] : memref<320000xi32, #tpu.memory_space<hbm>> -> memref<10000xi32, #tpu.memory_space<hbm>>
      tpu.wait_dma2 semaphore(%run_scoped3A_37 : memref<!tpu.dma_semaphore, #tpu.memory_space<semaphore_mem>>) src(%dma_wait3A_41 : memref<10000xi32, #tpu.memory_space<hbm>>) dst(%arg6 : memref<10000xi32, #tpu.memory_space<vmem>>)
      tpu.yield
    }) : () -> ()
    "tpu.region"() ({
      %run_scoped3A_37 = tpu.sem_alloc : memref<!tpu.dma_semaphore, #tpu.memory_space<semaphore_mem>>
      %dma_start3A_38 = arith.constant 0 : i32
      %dma_start3A_39 = arith.constant 0 : i32
      %dma_start3A_40 = tpu.memref_slice %arg4[%add3A, %dma_start3A_38, %dma_start3A_39] : memref<32x125x80xi32, #tpu.memory_space<hbm>> -> memref<1x125x80xi32, #tpu.memory_space<hbm>>
      %dma_start3A_41 = tpu.memref_squeeze %dma_start3A_40 : memref<1x125x80xi32, #tpu.memory_space<hbm>> -> memref<125x80xi32, #tpu.memory_space<hbm>>
      %dma_start3A_42 = arith.constant 0 : i32
      %dma_start3A_43 = arith.constant 0 : i32
      %dma_start3A_44 = tpu.memref_slice %arg4[%add3A, %dma_start3A_42, %dma_start3A_43] : memref<32x125x80xi32, #tpu.memory_space<hbm>> -> memref<1x125x80xi32, #tpu.memory_space<hbm>>
      %dma_start3A_45 = tpu.memref_squeeze %dma_start3A_44 : memref<1x125x80xi32, #tpu.memory_space<hbm>> -> memref<125x80xi32, #tpu.memory_space<hbm>>
      tpu.enqueue_dma source(%dma_start3A_45 : memref<125x80xi32, #tpu.memory_space<hbm>>) target(%arg7 : memref<125x80xi32, #tpu.memory_space<vmem>>) target_semaphore(%run_scoped3A_37 : memref<!tpu.dma_semaphore, #tpu.memory_space<semaphore_mem>>)
      %dma_wait3A_46 = arith.constant 0 : i32
      %dma_wait3A_47 = arith.constant 0 : i32
      %dma_wait3A_48 = tpu.memref_slice %arg4[%add3A, %dma_wait3A_46, %dma_wait3A_47] : memref<32x125x80xi32, #tpu.memory_space<hbm>> -> memref<1x125x80xi32, #tpu.memory_space<hbm>>
      %dma_wait3A_49 = tpu.memref_squeeze %dma_wait3A_48 : memref<1x125x80xi32, #tpu.memory_space<hbm>> -> memref<125x80xi32, #tpu.memory_space<hbm>>
      %dma_wait3A_50 = arith.constant 0 : i32
      %dma_wait3A_51 = arith.constant 0 : i32
      %dma_wait3A_52 = tpu.memref_slice %arg4[%add3A, %dma_wait3A_50, %dma_wait3A_51] : memref<32x125x80xi32, #tpu.memory_space<hbm>> -> memref<1x125x80xi32, #tpu.memory_space<hbm>>
      %dma_wait3A_53 = tpu.memref_squeeze %dma_wait3A_52 : memref<1x125x80xi32, #tpu.memory_space<hbm>> -> memref<125x80xi32, #tpu.memory_space<hbm>>
      tpu.wait_dma2 semaphore(%run_scoped3A_37 : memref<!tpu.dma_semaphore, #tpu.memory_space<semaphore_mem>>) src(%dma_wait3A_53 : memref<125x80xi32, #tpu.memory_space<hbm>>) dst(%arg7 : memref<125x80xi32, #tpu.memory_space<vmem>>)
      tpu.yield
    }) : () -> ()
    %barrier3A = arith.constant 0 : index
    tpu.barrier barrier_id(%barrier3A)
    %dma_start3A = arith.constant 0 : i32
    %dma_start3A_16 = tpu.memref_slice %arg6[%dma_start3A] : memref<10000xi32, #tpu.memory_space<vmem>> -> memref<80xi32, #tpu.memory_space<vmem>>
    %dma_start3A_17 = arith.constant 0 : i32
    %dma_start3A_18 = arith.constant 0 : i32
    %dma_start3A_19 = tpu.memref_slice %arg2[%dma_start3A_17, %dma_start3A_18] : memref<10000x128xf32, #tpu.memory_space<hbm>> -> memref<10000x128xf32, #tpu.memory_space<hbm>>
    tpu.enqueue_indirect_dma source(%dma_start3A_19 : memref<10000x128xf32, #tpu.memory_space<hbm>>) target(%arg8 : memref<80x128xf32, #tpu.memory_space<vmem>>) offsets(%dma_start3A_16 : memref<80xi32, #tpu.memory_space<vmem>>) semaphore(%arg11 : memref<!tpu.dma_semaphore, #tpu.memory_space<semaphore_mem>>)
    %scan3A_20 = arith.constant 0 : i32
    %scan3A_21 = arith.constant 0 : i32
    %scan3A_22 = arith.constant 62 : i32
    %scan3A_23 = arith.addi %scan3A_21, %scan3A_22 : i32
    %scan3A_24 = arith.constant 1 : i32
    scf.for %scan3A_37 = %scan3A_21 to %scan3A_23 step %scan3A_24  : i32 {
      %mul3A_38 = arith.constant 2 : i32
      %mul3A_39 = arith.muli %mul3A_38, %scan3A_37 : i32
      %add3A_40 = arith.constant 1 : i32
      %add3A_41 = arith.addi %mul3A_39, %add3A_40 : i32
      %mul3A_42 = arith.constant 80 : i32
      %mul3A_43 = arith.muli %add3A_41, %mul3A_42 : i32
      %dma_start3A_44 = tpu.memref_slice %arg6[%mul3A_43] : memref<10000xi32, #tpu.memory_space<vmem>> -> memref<80xi32, #tpu.memory_space<vmem>>
      %dma_start3A_45 = arith.constant 0 : i32
      %dma_start3A_46 = arith.constant 0 : i32
      %dma_start3A_47 = tpu.memref_slice %arg2[%dma_start3A_45, %dma_start3A_46] : memref<10000x128xf32, #tpu.memory_space<hbm>> -> memref<10000x128xf32, #tpu.memory_space<hbm>>
      tpu.enqueue_indirect_dma source(%dma_start3A_47 : memref<10000x128xf32, #tpu.memory_space<hbm>>) target(%arg9 : memref<80x128xf32, #tpu.memory_space<vmem>>) offsets(%dma_start3A_44 : memref<80xi32, #tpu.memory_space<vmem>>) semaphore(%arg12 : memref<!tpu.dma_semaphore, #tpu.memory_space<semaphore_mem>>)
      %dma_wait3A_48 = arith.constant 0 : i32
      %dma_wait3A_49 = tpu.memref_slice %arg6[%dma_wait3A_48] : memref<10000xi32, #tpu.memory_space<vmem>> -> memref<80xi32, #tpu.memory_space<vmem>>
      %dma_wait3A_50 = arith.constant 0 : i32
      %dma_wait3A_51 = arith.constant 0 : i32
      %dma_wait3A_52 = tpu.memref_slice %arg2[%dma_wait3A_50, %dma_wait3A_51] : memref<10000x128xf32, #tpu.memory_space<hbm>> -> memref<10000x128xf32, #tpu.memory_space<hbm>>
      tpu.wait_indirect_dma semaphore(%arg11 : memref<!tpu.dma_semaphore, #tpu.memory_space<semaphore_mem>>) src(%dma_wait3A_52 : memref<10000x128xf32, #tpu.memory_space<hbm>>) dst(%arg8 : memref<80x128xf32, #tpu.memory_space<vmem>>)
      "tpu.region"() ({
        %run_scoped3A_68 = tpu.sem_alloc : memref<!tpu.dma_semaphore, #tpu.memory_space<semaphore_mem>>
        %dma_start3A_69 = arith.constant 0 : i32
        %dma_start3A_70 = tpu.memref_slice %arg7[%mul3A_39, %dma_start3A_69] : memref<125x80xi32, #tpu.memory_space<vmem>> -> memref<1x80xi32, #tpu.memory_space<vmem>>
        %dma_start3A_71 = tpu.memref_squeeze %dma_start3A_70 : memref<1x80xi32, #tpu.memory_space<vmem>> -> memref<80xi32, #tpu.memory_space<vmem>>
        %dma_start3A_72 = arith.constant 0 : i32
        %dma_start3A_73 = arith.constant 0 : i32
        %dma_start3A_74 = tpu.memref_slice %arg10[%dma_start3A_72, %dma_start3A_73] : memref<10240x128xf32, #tpu.memory_space<vmem_shared>> -> memref<10240x128xf32, #tpu.memory_space<vmem_shared>>
        tpu.enqueue_indirect_dma source(%arg8 : memref<80x128xf32, #tpu.memory_space<vmem>>) target(%dma_start3A_74 : memref<10240x128xf32, #tpu.memory_space<vmem_shared>>) offsets(%dma_start3A_71 : memref<80xi32, #tpu.memory_space<vmem>>) semaphore(%run_scoped3A_68 : memref<!tpu.dma_semaphore, #tpu.memory_space<semaphore_mem>>) {add = true}
        %dma_wait3A_75 = arith.constant 0 : i32
        %dma_wait3A_76 = tpu.memref_slice %arg7[%mul3A_39, %dma_wait3A_75] : memref<125x80xi32, #tpu.memory_space<vmem>> -> memref<1x80xi32, #tpu.memory_space<vmem>>
        %dma_wait3A_77 = tpu.memref_squeeze %dma_wait3A_76 : memref<1x80xi32, #tpu.memory_space<vmem>> -> memref<80xi32, #tpu.memory_space<vmem>>
        %dma_wait3A_78 = arith.constant 0 : i32
        %dma_wait3A_79 = arith.constant 0 : i32
        %dma_wait3A_80 = tpu.memref_slice %arg10[%dma_wait3A_78, %dma_wait3A_79] : memref<10240x128xf32, #tpu.memory_space<vmem_shared>> -> memref<10240x128xf32, #tpu.memory_space<vmem_shared>>
        tpu.wait_indirect_dma semaphore(%run_scoped3A_68 : memref<!tpu.dma_semaphore, #tpu.memory_space<semaphore_mem>>) src(%arg8 : memref<80x128xf32, #tpu.memory_space<vmem>>) dst(%dma_wait3A_80 : memref<10240x128xf32, #tpu.memory_space<vmem_shared>>)
        tpu.yield
      }) : () -> ()
      %add3A_53 = arith.constant 2 : i32
      %add3A_54 = arith.addi %mul3A_39, %add3A_53 : i32
      %mul3A_55 = arith.constant 80 : i32
      %mul3A_56 = arith.muli %add3A_54, %mul3A_55 : i32
      %dma_start3A_57 = tpu.memref_slice %arg6[%mul3A_56] : memref<10000xi32, #tpu.memory_space<vmem>> -> memref<80xi32, #tpu.memory_space<vmem>>
      %dma_start3A_58 = arith.constant 0 : i32
      %dma_start3A_59 = arith.constant 0 : i32
      %dma_start3A_60 = tpu.memref_slice %arg2[%dma_start3A_58, %dma_start3A_59] : memref<10000x128xf32, #tpu.memory_space<hbm>> -> memref<10000x128xf32, #tpu.memory_space<hbm>>
      tpu.enqueue_indirect_dma source(%dma_start3A_60 : memref<10000x128xf32, #tpu.memory_space<hbm>>) target(%arg8 : memref<80x128xf32, #tpu.memory_space<vmem>>) offsets(%dma_start3A_57 : memref<80xi32, #tpu.memory_space<vmem>>) semaphore(%arg11 : memref<!tpu.dma_semaphore, #tpu.memory_space<semaphore_mem>>)
      %dma_wait3A_61 = arith.constant 0 : i32
      %dma_wait3A_62 = tpu.memref_slice %arg6[%dma_wait3A_61] : memref<10000xi32, #tpu.memory_space<vmem>> -> memref<80xi32, #tpu.memory_space<vmem>>
      %dma_wait3A_63 = arith.constant 0 : i32
      %dma_wait3A_64 = arith.constant 0 : i32
      %dma_wait3A_65 = tpu.memref_slice %arg2[%dma_wait3A_63, %dma_wait3A_64] : memref<10000x128xf32, #tpu.memory_space<hbm>> -> memref<10000x128xf32, #tpu.memory_space<hbm>>
      tpu.wait_indirect_dma semaphore(%arg12 : memref<!tpu.dma_semaphore, #tpu.memory_space<semaphore_mem>>) src(%dma_wait3A_65 : memref<10000x128xf32, #tpu.memory_space<hbm>>) dst(%arg9 : memref<80x128xf32, #tpu.memory_space<vmem>>)
      %add3A_66 = arith.constant 1 : i32
      %add3A_67 = arith.addi %mul3A_39, %add3A_66 : i32
      "tpu.region"() ({
        %run_scoped3A_68 = tpu.sem_alloc : memref<!tpu.dma_semaphore, #tpu.memory_space<semaphore_mem>>
        %dma_start3A_69 = arith.constant 0 : i32
        %dma_start3A_70 = tpu.memref_slice %arg7[%add3A_67, %dma_start3A_69] : memref<125x80xi32, #tpu.memory_space<vmem>> -> memref<1x80xi32, #tpu.memory_space<vmem>>
        %dma_start3A_71 = tpu.memref_squeeze %dma_start3A_70 : memref<1x80xi32, #tpu.memory_space<vmem>> -> memref<80xi32, #tpu.memory_space<vmem>>
        %dma_start3A_72 = arith.constant 0 : i32
        %dma_start3A_73 = arith.constant 0 : i32
        %dma_start3A_74 = tpu.memref_slice %arg10[%dma_start3A_72, %dma_start3A_73] : memref<10240x128xf32, #tpu.memory_space<vmem_shared>> -> memref<10240x128xf32, #tpu.memory_space<vmem_shared>>
        tpu.enqueue_indirect_dma source(%arg9 : memref<80x128xf32, #tpu.memory_space<vmem>>) target(%dma_start3A_74 : memref<10240x128xf32, #tpu.memory_space<vmem_shared>>) offsets(%dma_start3A_71 : memref<80xi32, #tpu.memory_space<vmem>>) semaphore(%run_scoped3A_68 : memref<!tpu.dma_semaphore, #tpu.memory_space<semaphore_mem>>) {add = true}
        %dma_wait3A_75 = arith.constant 0 : i32
        %dma_wait3A_76 = tpu.memref_slice %arg7[%add3A_67, %dma_wait3A_75] : memref<125x80xi32, #tpu.memory_space<vmem>> -> memref<1x80xi32, #tpu.memory_space<vmem>>
        %dma_wait3A_77 = tpu.memref_squeeze %dma_wait3A_76 : memref<1x80xi32, #tpu.memory_space<vmem>> -> memref<80xi32, #tpu.memory_space<vmem>>
        %dma_wait3A_78 = arith.constant 0 : i32
        %dma_wait3A_79 = arith.constant 0 : i32
        %dma_wait3A_80 = tpu.memref_slice %arg10[%dma_wait3A_78, %dma_wait3A_79] : memref<10240x128xf32, #tpu.memory_space<vmem_shared>> -> memref<10240x128xf32, #tpu.memory_space<vmem_shared>>
        tpu.wait_indirect_dma semaphore(%run_scoped3A_68 : memref<!tpu.dma_semaphore, #tpu.memory_space<semaphore_mem>>) src(%arg9 : memref<80x128xf32, #tpu.memory_space<vmem>>) dst(%dma_wait3A_80 : memref<10240x128xf32, #tpu.memory_space<vmem_shared>>)
        tpu.yield
      }) : () -> ()
    }
    %scan3A_25 = arith.constant 62 : i32
    %dma_wait3A = arith.constant 0 : i32
    %dma_wait3A_26 = tpu.memref_slice %arg6[%dma_wait3A] : memref<10000xi32, #tpu.memory_space<vmem>> -> memref<80xi32, #tpu.memory_space<vmem>>
    %dma_wait3A_27 = arith.constant 0 : i32
    %dma_wait3A_28 = arith.constant 0 : i32
    %dma_wait3A_29 = tpu.memref_slice %arg2[%dma_wait3A_27, %dma_wait3A_28] : memref<10000x128xf32, #tpu.memory_space<hbm>> -> memref<10000x128xf32, #tpu.memory_space<hbm>>
    tpu.wait_indirect_dma semaphore(%arg11 : memref<!tpu.dma_semaphore, #tpu.memory_space<semaphore_mem>>) src(%dma_wait3A_29 : memref<10000x128xf32, #tpu.memory_space<hbm>>) dst(%arg8 : memref<80x128xf32, #tpu.memory_space<vmem>>)
    %run_scoped3A = arith.constant 124 : i32
    "tpu.region"() ({
      %run_scoped3A_37 = tpu.sem_alloc : memref<!tpu.dma_semaphore, #tpu.memory_space<semaphore_mem>>
      %dma_start3A_38 = arith.constant 0 : i32
      %dma_start3A_39 = tpu.memref_slice %arg7[%run_scoped3A, %dma_start3A_38] : memref<125x80xi32, #tpu.memory_space<vmem>> -> memref<1x80xi32, #tpu.memory_space<vmem>>
      %dma_start3A_40 = tpu.memref_squeeze %dma_start3A_39 : memref<1x80xi32, #tpu.memory_space<vmem>> -> memref<80xi32, #tpu.memory_space<vmem>>
      %dma_start3A_41 = arith.constant 0 : i32
      %dma_start3A_42 = arith.constant 0 : i32
      %dma_start3A_43 = tpu.memref_slice %arg10[%dma_start3A_41, %dma_start3A_42] : memref<10240x128xf32, #tpu.memory_space<vmem_shared>> -> memref<10240x128xf32, #tpu.memory_space<vmem_shared>>
      tpu.enqueue_indirect_dma source(%arg8 : memref<80x128xf32, #tpu.memory_space<vmem>>) target(%dma_start3A_43 : memref<10240x128xf32, #tpu.memory_space<vmem_shared>>) offsets(%dma_start3A_40 : memref<80xi32, #tpu.memory_space<vmem>>) semaphore(%run_scoped3A_37 : memref<!tpu.dma_semaphore, #tpu.memory_space<semaphore_mem>>) {add = true}
      %dma_wait3A_44 = arith.constant 0 : i32
      %dma_wait3A_45 = tpu.memref_slice %arg7[%run_scoped3A, %dma_wait3A_44] : memref<125x80xi32, #tpu.memory_space<vmem>> -> memref<1x80xi32, #tpu.memory_space<vmem>>
      %dma_wait3A_46 = tpu.memref_squeeze %dma_wait3A_45 : memref<1x80xi32, #tpu.memory_space<vmem>> -> memref<80xi32, #tpu.memory_space<vmem>>
      %dma_wait3A_47 = arith.constant 0 : i32
      %dma_wait3A_48 = arith.constant 0 : i32
      %dma_wait3A_49 = tpu.memref_slice %arg10[%dma_wait3A_47, %dma_wait3A_48] : memref<10240x128xf32, #tpu.memory_space<vmem_shared>> -> memref<10240x128xf32, #tpu.memory_space<vmem_shared>>
      tpu.wait_indirect_dma semaphore(%run_scoped3A_37 : memref<!tpu.dma_semaphore, #tpu.memory_space<semaphore_mem>>) src(%arg8 : memref<80x128xf32, #tpu.memory_space<vmem>>) dst(%dma_wait3A_49 : memref<10240x128xf32, #tpu.memory_space<vmem_shared>>)
      tpu.yield
    }) : () -> ()
    %barrier3A_30 = arith.constant 0 : index
    tpu.barrier barrier_id(%barrier3A_30)
    %scan3A_31 = arith.constant 0 : i32
    %scan3A_32 = arith.constant 0 : i32
    %scan3A_33 = arith.constant 8 : i32
    %scan3A_34 = arith.addi %scan3A_32, %scan3A_33 : i32
    %scan3A_35 = arith.constant 1 : i32
    scf.for %scan3A_37 = %scan3A_32 to %scan3A_34 step %scan3A_35  : i32 {
      %mul3A_38 = arith.constant 80 : i32
      %mul3A_39 = arith.muli %scan3A_37, %mul3A_38 : i32
      %add3A_40 = arith.addi %mul3A_2, %mul3A_39 : i32
      "tpu.region"() ({
        %run_scoped3A_41 = tpu.sem_alloc : memref<!tpu.dma_semaphore, #tpu.memory_space<semaphore_mem>>
        %dma_start3A_42 = arith.constant 0 : i32
        %dma_start3A_43 = tpu.memref_slice %arg10[%add3A_40, %dma_start3A_42] : memref<10240x128xf32, #tpu.memory_space<vmem_shared>> -> memref<80x128xf32, #tpu.memory_space<vmem_shared>>
        %dma_start3A_44 = arith.constant 0 : i32
        %dma_start3A_45 = tpu.memref_slice %arg10[%add3A_40, %dma_start3A_44] : memref<10240x128xf32, #tpu.memory_space<vmem_shared>> -> memref<80x128xf32, #tpu.memory_space<vmem_shared>>
        tpu.enqueue_dma source(%dma_start3A_45 : memref<80x128xf32, #tpu.memory_space<vmem_shared>>) target(%arg8 : memref<80x128xf32, #tpu.memory_space<vmem>>) target_semaphore(%run_scoped3A_41 : memref<!tpu.dma_semaphore, #tpu.memory_space<semaphore_mem>>)
        %dma_wait3A_46 = arith.constant 0 : i32
        %dma_wait3A_47 = tpu.memref_slice %arg10[%add3A_40, %dma_wait3A_46] : memref<10240x128xf32, #tpu.memory_space<vmem_shared>> -> memref<80x128xf32, #tpu.memory_space<vmem_shared>>
        %dma_wait3A_48 = arith.constant 0 : i32
        %dma_wait3A_49 = tpu.memref_slice %arg10[%add3A_40, %dma_wait3A_48] : memref<10240x128xf32, #tpu.memory_space<vmem_shared>> -> memref<80x128xf32, #tpu.memory_space<vmem_shared>>
        tpu.wait_dma2 semaphore(%run_scoped3A_41 : memref<!tpu.dma_semaphore, #tpu.memory_space<semaphore_mem>>) src(%dma_wait3A_49 : memref<80x128xf32, #tpu.memory_space<vmem_shared>>) dst(%arg8 : memref<80x128xf32, #tpu.memory_space<vmem>>)
        tpu.yield
      }) : () -> ()
      "tpu.region"() ({
        %run_scoped3A_41 = tpu.sem_alloc : memref<!tpu.dma_semaphore, #tpu.memory_space<semaphore_mem>>
        %dma_start3A_42 = arith.constant 0 : i32
        %dma_start3A_43 = tpu.memref_slice %arg5[%arg0, %add3A_40, %dma_start3A_42] : memref<2x10240x128xf32, #tpu.memory_space<hbm>> -> memref<1x80x128xf32, #tpu.memory_space<hbm>>
        %dma_start3A_44 = tpu.memref_squeeze %dma_start3A_43 : memref<1x80x128xf32, #tpu.memory_space<hbm>> -> memref<80x128xf32, #tpu.memory_space<hbm>>
        %dma_start3A_45 = arith.constant 0 : i32
        %dma_start3A_46 = tpu.memref_slice %arg5[%arg0, %add3A_40, %dma_start3A_45] : memref<2x10240x128xf32, #tpu.memory_space<hbm>> -> memref<1x80x128xf32, #tpu.memory_space<hbm>>
        %dma_start3A_47 = tpu.memref_squeeze %dma_start3A_46 : memref<1x80x128xf32, #tpu.memory_space<hbm>> -> memref<80x128xf32, #tpu.memory_space<hbm>>
        tpu.enqueue_dma source(%arg8 : memref<80x128xf32, #tpu.memory_space<vmem>>) target(%dma_start3A_47 : memref<80x128xf32, #tpu.memory_space<hbm>>) target_semaphore(%run_scoped3A_41 : memref<!tpu.dma_semaphore, #tpu.memory_space<semaphore_mem>>)
        %dma_wait3A_48 = arith.constant 0 : i32
        %dma_wait3A_49 = tpu.memref_slice %arg5[%arg0, %add3A_40, %dma_wait3A_48] : memref<2x10240x128xf32, #tpu.memory_space<hbm>> -> memref<1x80x128xf32, #tpu.memory_space<hbm>>
        %dma_wait3A_50 = tpu.memref_squeeze %dma_wait3A_49 : memref<1x80x128xf32, #tpu.memory_space<hbm>> -> memref<80x128xf32, #tpu.memory_space<hbm>>
        %dma_wait3A_51 = arith.constant 0 : i32
        %dma_wait3A_52 = tpu.memref_slice %arg5[%arg0, %add3A_40, %dma_wait3A_51] : memref<2x10240x128xf32, #tpu.memory_space<hbm>> -> memref<1x80x128xf32, #tpu.memory_space<hbm>>
        %dma_wait3A_53 = tpu.memref_squeeze %dma_wait3A_52 : memref<1x80x128xf32, #tpu.memory_space<hbm>> -> memref<80x128xf32, #tpu.memory_space<hbm>>
        tpu.wait_dma2 semaphore(%run_scoped3A_41 : memref<!tpu.dma_semaphore, #tpu.memory_space<semaphore_mem>>) src(%arg8 : memref<80x128xf32, #tpu.memory_space<vmem>>) dst(%dma_wait3A_53 : memref<80x128xf32, #tpu.memory_space<hbm>>)
        tpu.yield
      }) : () -> ()
    }
    %scan3A_36 = arith.constant 8 : i32
    return
  }
}

#map = affine_map<(d0, d1) -> (0, 0, 0)>
module attributes {stable_mosaic.version = 14 : i64} {
  func.func @body(%arg0: i32, %arg1: i32, %arg2: memref<32x125x80xi32, #tpu.memory_space<hbm>>, %arg3: memref<2x10240x16xf32, #tpu.memory_space<hbm>>, %arg4: memref<125x80xi32, #tpu.memory_space<vmem>>, %arg5: memref<80x16xf32, #tpu.memory_space<vmem>>, %arg6: memref<10240x16xf32, #tpu.memory_space<vmem_shared>>, %arg7: memref<!tpu.dma_semaphore, #tpu.memory_space<semaphore_mem>>) attributes {dimension_semantics = [#tpu.dimension_semantics<core_parallel>, #tpu.dimension_semantics<subcore_parallel>], iteration_bounds = array<i64: 2, 16>, scalar_prefetch = 0 : i64, scratch_operands = 4 : i64, tpu.core_type = #tpu.core_type<sc_vector_subcore>, window_params = [{transform_indices = #map}, {transform_indices = #map}]} {
    %mul3A = arith.constant 2 : i32
    %mul3A_0 = arith.muli %arg1, %mul3A : i32
    %add3A = arith.addi %mul3A_0, %arg0 : i32
    %mul3A_1 = arith.constant 640 : i32
    %mul3A_2 = arith.muli %arg1, %mul3A_1 : i32
    %scan3A = arith.constant 0 : i32
    %scan3A_3 = arith.constant 0 : i32
    %scan3A_4 = arith.constant 80 : i32
    %scan3A_5 = arith.addi %scan3A_3, %scan3A_4 : i32
    %scan3A_6 = arith.constant 1 : i32
    scf.for %scan3A_39 = %scan3A_3 to %scan3A_5 step %scan3A_6  : i32 {
      %broadcast_in_dim3A = arith.constant 0.000000e+00 : f32
      %broadcast_in_dim3A_40 = vector.broadcast %broadcast_in_dim3A : f32 to vector<16xf32>
      %swap3A = arith.index_cast %scan3A_39 : i32 to index
      %swap3A_41 = arith.constant 0 : index
      %swap3A_42 = tpu.vector_load %arg5[%swap3A, %swap3A_41] {strides = array<i32>} : memref<80x16xf32, #tpu.memory_space<vmem>>, vector<1x16xf32>,
      %swap3A_43 = vector.shape_cast %swap3A_42 : vector<1x16xf32> to vector<16xf32>
      %swap3A_44 = vector.shape_cast %broadcast_in_dim3A_40 : vector<16xf32> to vector<1x16xf32>
      tpu.vector_store %arg5[%swap3A, %swap3A_41], %swap3A_44 {strides = array<i32>} : memref<80x16xf32, #tpu.memory_space<vmem>>, vector<1x16xf32>,
    }
    %scan3A_7 = arith.constant 80 : i32
    %scan3A_8 = arith.constant 0 : i32
    %scan3A_9 = arith.constant 0 : i32
    %scan3A_10 = arith.constant 8 : i32
    %scan3A_11 = arith.addi %scan3A_9, %scan3A_10 : i32
    %scan3A_12 = arith.constant 1 : i32
    scf.for %scan3A_39 = %scan3A_9 to %scan3A_11 step %scan3A_12  : i32 {
      %mul3A_40 = arith.constant 80 : i32
      %mul3A_41 = arith.muli %scan3A_39, %mul3A_40 : i32
      %add3A_42 = arith.addi %mul3A_2, %mul3A_41 : i32
      "tpu.region"() ({
        %run_scoped3A = tpu.sem_alloc : memref<!tpu.dma_semaphore, #tpu.memory_space<semaphore_mem>>
        %dma_start3A = arith.constant 0 : i32
        %dma_start3A_43 = tpu.memref_slice %arg6[%add3A_42, %dma_start3A] : memref<10240x16xf32, #tpu.memory_space<vmem_shared>> -> memref<80x16xf32, #tpu.memory_space<vmem_shared>>
        %dma_start3A_44 = arith.constant 0 : i32
        %dma_start3A_45 = tpu.memref_slice %arg6[%add3A_42, %dma_start3A_44] : memref<10240x16xf32, #tpu.memory_space<vmem_shared>> -> memref<80x16xf32, #tpu.memory_space<vmem_shared>>
        tpu.enqueue_dma source(%arg5 : memref<80x16xf32, #tpu.memory_space<vmem>>) target(%dma_start3A_45 : memref<80x16xf32, #tpu.memory_space<vmem_shared>>) target_semaphore(%run_scoped3A : memref<!tpu.dma_semaphore, #tpu.memory_space<semaphore_mem>>)
        %dma_wait3A = arith.constant 0 : i32
        %dma_wait3A_46 = tpu.memref_slice %arg6[%add3A_42, %dma_wait3A] : memref<10240x16xf32, #tpu.memory_space<vmem_shared>> -> memref<80x16xf32, #tpu.memory_space<vmem_shared>>
        %dma_wait3A_47 = arith.constant 0 : i32
        %dma_wait3A_48 = tpu.memref_slice %arg6[%add3A_42, %dma_wait3A_47] : memref<10240x16xf32, #tpu.memory_space<vmem_shared>> -> memref<80x16xf32, #tpu.memory_space<vmem_shared>>
        tpu.wait_dma2 semaphore(%run_scoped3A : memref<!tpu.dma_semaphore, #tpu.memory_space<semaphore_mem>>) src(%arg5 : memref<80x16xf32, #tpu.memory_space<vmem>>) dst(%dma_wait3A_48 : memref<80x16xf32, #tpu.memory_space<vmem_shared>>)
        tpu.yield
      }) : () -> ()
    }
    %scan3A_13 = arith.constant 8 : i32
    %scan3A_14 = arith.constant 0 : i32
    %scan3A_15 = arith.constant 0 : i32
    %scan3A_16 = arith.constant 80 : i32
    %scan3A_17 = arith.addi %scan3A_15, %scan3A_16 : i32
    %scan3A_18 = arith.constant 1 : i32
    scf.for %scan3A_39 = %scan3A_15 to %scan3A_17 step %scan3A_18  : i32 {
      %broadcast_in_dim3A = arith.constant 1.000000e+00 : f32
      %broadcast_in_dim3A_40 = vector.broadcast %broadcast_in_dim3A : f32 to vector<16xf32>
      %swap3A = arith.index_cast %scan3A_39 : i32 to index
      %swap3A_41 = arith.constant 0 : index
      %swap3A_42 = tpu.vector_load %arg5[%swap3A, %swap3A_41] {strides = array<i32>} : memref<80x16xf32, #tpu.memory_space<vmem>>, vector<1x16xf32>,
      %swap3A_43 = vector.shape_cast %swap3A_42 : vector<1x16xf32> to vector<16xf32>
      %swap3A_44 = vector.shape_cast %broadcast_in_dim3A_40 : vector<16xf32> to vector<1x16xf32>
      tpu.vector_store %arg5[%swap3A, %swap3A_41], %swap3A_44 {strides = array<i32>} : memref<80x16xf32, #tpu.memory_space<vmem>>, vector<1x16xf32>,
    }
    %scan3A_19 = arith.constant 80 : i32
    "tpu.region"() ({
      %run_scoped3A = tpu.sem_alloc : memref<!tpu.dma_semaphore, #tpu.memory_space<semaphore_mem>>
      %dma_start3A = arith.constant 0 : i32
      %dma_start3A_39 = arith.constant 0 : i32
      %dma_start3A_40 = tpu.memref_slice %arg2[%add3A, %dma_start3A, %dma_start3A_39] : memref<32x125x80xi32, #tpu.memory_space<hbm>> -> memref<1x125x80xi32, #tpu.memory_space<hbm>>
      %dma_start3A_41 = tpu.memref_squeeze %dma_start3A_40 : memref<1x125x80xi32, #tpu.memory_space<hbm>> -> memref<125x80xi32, #tpu.memory_space<hbm>>
      %dma_start3A_42 = arith.constant 0 : i32
      %dma_start3A_43 = arith.constant 0 : i32
      %dma_start3A_44 = tpu.memref_slice %arg2[%add3A, %dma_start3A_42, %dma_start3A_43] : memref<32x125x80xi32, #tpu.memory_space<hbm>> -> memref<1x125x80xi32, #tpu.memory_space<hbm>>
      %dma_start3A_45 = tpu.memref_squeeze %dma_start3A_44 : memref<1x125x80xi32, #tpu.memory_space<hbm>> -> memref<125x80xi32, #tpu.memory_space<hbm>>
      tpu.enqueue_dma source(%dma_start3A_45 : memref<125x80xi32, #tpu.memory_space<hbm>>) target(%arg4 : memref<125x80xi32, #tpu.memory_space<vmem>>) target_semaphore(%run_scoped3A : memref<!tpu.dma_semaphore, #tpu.memory_space<semaphore_mem>>)
      %dma_wait3A = arith.constant 0 : i32
      %dma_wait3A_46 = arith.constant 0 : i32
      %dma_wait3A_47 = tpu.memref_slice %arg2[%add3A, %dma_wait3A, %dma_wait3A_46] : memref<32x125x80xi32, #tpu.memory_space<hbm>> -> memref<1x125x80xi32, #tpu.memory_space<hbm>>
      %dma_wait3A_48 = tpu.memref_squeeze %dma_wait3A_47 : memref<1x125x80xi32, #tpu.memory_space<hbm>> -> memref<125x80xi32, #tpu.memory_space<hbm>>
      %dma_wait3A_49 = arith.constant 0 : i32
      %dma_wait3A_50 = arith.constant 0 : i32
      %dma_wait3A_51 = tpu.memref_slice %arg2[%add3A, %dma_wait3A_49, %dma_wait3A_50] : memref<32x125x80xi32, #tpu.memory_space<hbm>> -> memref<1x125x80xi32, #tpu.memory_space<hbm>>
      %dma_wait3A_52 = tpu.memref_squeeze %dma_wait3A_51 : memref<1x125x80xi32, #tpu.memory_space<hbm>> -> memref<125x80xi32, #tpu.memory_space<hbm>>
      tpu.wait_dma2 semaphore(%run_scoped3A : memref<!tpu.dma_semaphore, #tpu.memory_space<semaphore_mem>>) src(%dma_wait3A_52 : memref<125x80xi32, #tpu.memory_space<hbm>>) dst(%arg4 : memref<125x80xi32, #tpu.memory_space<vmem>>)
      tpu.yield
    }) : () -> ()
    %barrier3A = arith.constant 0 : index
    tpu.barrier barrier_id(%barrier3A)
    %scan3A_20 = arith.constant 0 : i32
    %scan3A_21 = arith.constant 0 : i32
    %scan3A_22 = arith.constant 125 : i32
    %scan3A_23 = arith.addi %scan3A_21, %scan3A_22 : i32
    %scan3A_24 = arith.constant 1 : i32
    scf.for %scan3A_39 = %scan3A_21 to %scan3A_23 step %scan3A_24  : i32 {
      %dma_start3A = arith.constant 0 : i32
      %dma_start3A_40 = tpu.memref_slice %arg4[%scan3A_39, %dma_start3A] : memref<125x80xi32, #tpu.memory_space<vmem>> -> memref<1x80xi32, #tpu.memory_space<vmem>>
      %dma_start3A_41 = tpu.memref_squeeze %dma_start3A_40 : memref<1x80xi32, #tpu.memory_space<vmem>> -> memref<80xi32, #tpu.memory_space<vmem>>
      %dma_start3A_42 = arith.constant 0 : i32
      %dma_start3A_43 = arith.constant 0 : i32
      %dma_start3A_44 = tpu.memref_slice %arg6[%dma_start3A_42, %dma_start3A_43] : memref<10240x16xf32, #tpu.memory_space<vmem_shared>> -> memref<10240x16xf32, #tpu.memory_space<vmem_shared>>
      tpu.enqueue_indirect_dma source(%arg5 : memref<80x16xf32, #tpu.memory_space<vmem>>) target(%dma_start3A_44 : memref<10240x16xf32, #tpu.memory_space<vmem_shared>>) offsets(%dma_start3A_41 : memref<80xi32, #tpu.memory_space<vmem>>) semaphore(%arg7 : memref<!tpu.dma_semaphore, #tpu.memory_space<semaphore_mem>>) {add = true}
      %ge3A = arith.constant 7 : i32
      %ge3A_45 = arith.cmpi sge, %scan3A_39, %ge3A : i32
      %convert_element_type3A = arith.extui %ge3A_45 : i1 to i32
      %cond3A = arith.constant 0 : i32
      %cond3A_46 = arith.cmpi ne, %convert_element_type3A, %cond3A : i32
      scf.if %cond3A_46 {
        %dma_wait3A = arith.constant 0 : i32
        %dma_wait3A_47 = arith.constant 0 : i32
        %dma_wait3A_48 = tpu.memref_slice %arg4[%dma_wait3A, %dma_wait3A_47] : memref<125x80xi32, #tpu.memory_space<vmem>> -> memref<1x80xi32, #tpu.memory_space<vmem>>
        %dma_wait3A_49 = tpu.memref_squeeze %dma_wait3A_48 : memref<1x80xi32, #tpu.memory_space<vmem>> -> memref<80xi32, #tpu.memory_space<vmem>>
        %dma_wait3A_50 = arith.constant 0 : i32
        %dma_wait3A_51 = arith.constant 0 : i32
        %dma_wait3A_52 = tpu.memref_slice %arg6[%dma_wait3A_50, %dma_wait3A_51] : memref<10240x16xf32, #tpu.memory_space<vmem_shared>> -> memref<10240x16xf32, #tpu.memory_space<vmem_shared>>
        tpu.wait_indirect_dma semaphore(%arg7 : memref<!tpu.dma_semaphore, #tpu.memory_space<semaphore_mem>>) src(%arg5 : memref<80x16xf32, #tpu.memory_space<vmem>>) dst(%dma_wait3A_52 : memref<10240x16xf32, #tpu.memory_space<vmem_shared>>)
      } else {
      }
    }
    %scan3A_25 = arith.constant 125 : i32
    %scan3A_26 = arith.constant 0 : i32
    %scan3A_27 = arith.constant 0 : i32
    %scan3A_28 = arith.constant 7 : i32
    %scan3A_29 = arith.addi %scan3A_27, %scan3A_28 : i32
    %scan3A_30 = arith.constant 1 : i32
    scf.for %scan3A_39 = %scan3A_27 to %scan3A_29 step %scan3A_30  : i32 {
      %dma_wait3A = arith.constant 0 : i32
      %dma_wait3A_40 = arith.constant 0 : i32
      %dma_wait3A_41 = tpu.memref_slice %arg4[%dma_wait3A, %dma_wait3A_40] : memref<125x80xi32, #tpu.memory_space<vmem>> -> memref<1x80xi32, #tpu.memory_space<vmem>>
      %dma_wait3A_42 = tpu.memref_squeeze %dma_wait3A_41 : memref<1x80xi32, #tpu.memory_space<vmem>> -> memref<80xi32, #tpu.memory_space<vmem>>
      %dma_wait3A_43 = arith.constant 0 : i32
      %dma_wait3A_44 = arith.constant 0 : i32
      %dma_wait3A_45 = tpu.memref_slice %arg6[%dma_wait3A_43, %dma_wait3A_44] : memref<10240x16xf32, #tpu.memory_space<vmem_shared>> -> memref<10240x16xf32, #tpu.memory_space<vmem_shared>>
      tpu.wait_indirect_dma semaphore(%arg7 : memref<!tpu.dma_semaphore, #tpu.memory_space<semaphore_mem>>) src(%arg5 : memref<80x16xf32, #tpu.memory_space<vmem>>) dst(%dma_wait3A_45 : memref<10240x16xf32, #tpu.memory_space<vmem_shared>>)
    }
    %scan3A_31 = arith.constant 7 : i32
    %barrier3A_32 = arith.constant 0 : index
    tpu.barrier barrier_id(%barrier3A_32)
    %scan3A_33 = arith.constant 0 : i32
    %scan3A_34 = arith.constant 0 : i32
    %scan3A_35 = arith.constant 8 : i32
    %scan3A_36 = arith.addi %scan3A_34, %scan3A_35 : i32
    %scan3A_37 = arith.constant 1 : i32
    scf.for %scan3A_39 = %scan3A_34 to %scan3A_36 step %scan3A_37  : i32 {
      %mul3A_40 = arith.constant 80 : i32
      %mul3A_41 = arith.muli %scan3A_39, %mul3A_40 : i32
      %add3A_42 = arith.addi %mul3A_2, %mul3A_41 : i32
      "tpu.region"() ({
        %run_scoped3A = tpu.sem_alloc : memref<!tpu.dma_semaphore, #tpu.memory_space<semaphore_mem>>
        %dma_start3A = arith.constant 0 : i32
        %dma_start3A_43 = tpu.memref_slice %arg6[%add3A_42, %dma_start3A] : memref<10240x16xf32, #tpu.memory_space<vmem_shared>> -> memref<80x16xf32, #tpu.memory_space<vmem_shared>>
        %dma_start3A_44 = arith.constant 0 : i32
        %dma_start3A_45 = tpu.memref_slice %arg6[%add3A_42, %dma_start3A_44] : memref<10240x16xf32, #tpu.memory_space<vmem_shared>> -> memref<80x16xf32, #tpu.memory_space<vmem_shared>>
        tpu.enqueue_dma source(%dma_start3A_45 : memref<80x16xf32, #tpu.memory_space<vmem_shared>>) target(%arg5 : memref<80x16xf32, #tpu.memory_space<vmem>>) target_semaphore(%run_scoped3A : memref<!tpu.dma_semaphore, #tpu.memory_space<semaphore_mem>>)
        %dma_wait3A = arith.constant 0 : i32
        %dma_wait3A_46 = tpu.memref_slice %arg6[%add3A_42, %dma_wait3A] : memref<10240x16xf32, #tpu.memory_space<vmem_shared>> -> memref<80x16xf32, #tpu.memory_space<vmem_shared>>
        %dma_wait3A_47 = arith.constant 0 : i32
        %dma_wait3A_48 = tpu.memref_slice %arg6[%add3A_42, %dma_wait3A_47] : memref<10240x16xf32, #tpu.memory_space<vmem_shared>> -> memref<80x16xf32, #tpu.memory_space<vmem_shared>>
        tpu.wait_dma2 semaphore(%run_scoped3A : memref<!tpu.dma_semaphore, #tpu.memory_space<semaphore_mem>>) src(%dma_wait3A_48 : memref<80x16xf32, #tpu.memory_space<vmem_shared>>) dst(%arg5 : memref<80x16xf32, #tpu.memory_space<vmem>>)
        tpu.yield
      }) : () -> ()
      "tpu.region"() ({
        %run_scoped3A = tpu.sem_alloc : memref<!tpu.dma_semaphore, #tpu.memory_space<semaphore_mem>>
        %dma_start3A = arith.constant 0 : i32
        %dma_start3A_43 = tpu.memref_slice %arg3[%arg0, %add3A_42, %dma_start3A] : memref<2x10240x16xf32, #tpu.memory_space<hbm>> -> memref<1x80x16xf32, #tpu.memory_space<hbm>>
        %dma_start3A_44 = tpu.memref_squeeze %dma_start3A_43 : memref<1x80x16xf32, #tpu.memory_space<hbm>> -> memref<80x16xf32, #tpu.memory_space<hbm>>
        %dma_start3A_45 = arith.constant 0 : i32
        %dma_start3A_46 = tpu.memref_slice %arg3[%arg0, %add3A_42, %dma_start3A_45] : memref<2x10240x16xf32, #tpu.memory_space<hbm>> -> memref<1x80x16xf32, #tpu.memory_space<hbm>>
        %dma_start3A_47 = tpu.memref_squeeze %dma_start3A_46 : memref<1x80x16xf32, #tpu.memory_space<hbm>> -> memref<80x16xf32, #tpu.memory_space<hbm>>
        tpu.enqueue_dma source(%arg5 : memref<80x16xf32, #tpu.memory_space<vmem>>) target(%dma_start3A_47 : memref<80x16xf32, #tpu.memory_space<hbm>>) target_semaphore(%run_scoped3A : memref<!tpu.dma_semaphore, #tpu.memory_space<semaphore_mem>>)
        %dma_wait3A = arith.constant 0 : i32
        %dma_wait3A_48 = tpu.memref_slice %arg3[%arg0, %add3A_42, %dma_wait3A] : memref<2x10240x16xf32, #tpu.memory_space<hbm>> -> memref<1x80x16xf32, #tpu.memory_space<hbm>>
        %dma_wait3A_49 = tpu.memref_squeeze %dma_wait3A_48 : memref<1x80x16xf32, #tpu.memory_space<hbm>> -> memref<80x16xf32, #tpu.memory_space<hbm>>
        %dma_wait3A_50 = arith.constant 0 : i32
        %dma_wait3A_51 = tpu.memref_slice %arg3[%arg0, %add3A_42, %dma_wait3A_50] : memref<2x10240x16xf32, #tpu.memory_space<hbm>> -> memref<1x80x16xf32, #tpu.memory_space<hbm>>
        %dma_wait3A_52 = tpu.memref_squeeze %dma_wait3A_51 : memref<1x80x16xf32, #tpu.memory_space<hbm>> -> memref<80x16xf32, #tpu.memory_space<hbm>>
        tpu.wait_dma2 semaphore(%run_scoped3A : memref<!tpu.dma_semaphore, #tpu.memory_space<semaphore_mem>>) src(%arg5 : memref<80x16xf32, #tpu.memory_space<vmem>>) dst(%dma_wait3A_52 : memref<80x16xf32, #tpu.memory_space<hbm>>)
        tpu.yield
      }) : () -> ()
    }
    %scan3A_38 = arith.constant 8 : i32
    return
  }
}

#map = affine_map<(d0, d1) -> (0, 0)>
#map1 = affine_map<(d0, d1) -> (0)>
#map2 = affine_map<(d0, d1) -> (0, 0, 0)>
module attributes {stable_mosaic.version = 14 : i64} {
  func.func @body(%arg0: i32, %arg1: i32, %arg2: memref<10000x128xf32, #tpu.memory_space<hbm>>, %arg3: memref<320000xi32, #tpu.memory_space<hbm>>, %arg4: memref<32x125x80xi32, #tpu.memory_space<hbm>>, %arg5: memref<2x10240x128xf32, #tpu.memory_space<hbm>>, %arg6: memref<10000xi32, #tpu.memory_space<vmem>>, %arg7: memref<125x80xi32, #tpu.memory_space<vmem>>, %arg8: memref<80x128xf32, #tpu.memory_space<vmem>>, %arg9: memref<80x128xf32, #tpu.memory_space<vmem>>, %arg10: memref<10240x128xf32, #tpu.memory_space<vmem_shared>>, %arg11: memref<!tpu.dma_semaphore, #tpu.memory_space<semaphore_mem>>, %arg12: memref<!tpu.dma_semaphore, #tpu.memory_space<semaphore_mem>>) attributes {dimension_semantics = [#tpu.dimension_semantics<core_parallel>, #tpu.dimension_semantics<subcore_parallel>], iteration_bounds = array<i64: 2, 16>, scalar_prefetch = 0 : i64, scratch_operands = 7 : i64, tpu.core_type = #tpu.core_type<sc_vector_subcore>, window_params = [{transform_indices = #map}, {transform_indices = #map1}, {transform_indices = #map2}, {transform_indices = #map2}]} {
    %mul3A = arith.constant 2 : i32
    %mul3A_0 = arith.muli %arg1, %mul3A : i32
    %add3A = arith.addi %mul3A_0, %arg0 : i32
    %mul3A_1 = arith.constant 640 : i32
    %mul3A_2 = arith.muli %arg1, %mul3A_1 : i32
    %scan3A = arith.constant 0 : i32
    %scan3A_3 = arith.constant 0 : i32
    %scan3A_4 = arith.constant 80 : i32
    %scan3A_5 = arith.addi %scan3A_3, %scan3A_4 : i32
    %scan3A_6 = arith.constant 1 : i32
    scf.for %scan3A_37 = %scan3A_3 to %scan3A_5 step %scan3A_6  : i32 {
      %broadcast_in_dim3A = arith.constant 0.000000e+00 : f32
      %broadcast_in_dim3A_38 = vector.broadcast %broadcast_in_dim3A : f32 to vector<16xf32>
      %swap3A = arith.index_cast %scan3A_37 : i32 to index
      %swap3A_39 = arith.constant 0 : index
      %swap3A_40 = tpu.vector_load %arg8[%swap3A, %swap3A_39] {strides = array<i32>} : memref<80x128xf32, #tpu.memory_space<vmem>>, vector<1x16xf32>,
      %swap3A_41 = vector.shape_cast %swap3A_40 : vector<1x16xf32> to vector<16xf32>
      %swap3A_42 = vector.shape_cast %broadcast_in_dim3A_38 : vector<16xf32> to vector<1x16xf32>
      tpu.vector_store %arg8[%swap3A, %swap3A_39], %swap3A_42 {strides = array<i32>} : memref<80x128xf32, #tpu.memory_space<vmem>>, vector<1x16xf32>,
      %broadcast_in_dim3A_43 = arith.constant 0.000000e+00 : f32
      %broadcast_in_dim3A_44 = vector.broadcast %broadcast_in_dim3A_43 : f32 to vector<16xf32>
      %swap3A_45 = arith.index_cast %scan3A_37 : i32 to index
      %swap3A_46 = arith.constant 16 : index
      %swap3A_47 = tpu.vector_load %arg8[%swap3A_45, %swap3A_46] {strides = array<i32>} : memref<80x128xf32, #tpu.memory_space<vmem>>, vector<1x16xf32>,
      %swap3A_48 = vector.shape_cast %swap3A_47 : vector<1x16xf32> to vector<16xf32>
      %swap3A_49 = vector.shape_cast %broadcast_in_dim3A_44 : vector<16xf32> to vector<1x16xf32>
      tpu.vector_store %arg8[%swap3A_45, %swap3A_46], %swap3A_49 {strides = array<i32>} : memref<80x128xf32, #tpu.memory_space<vmem>>, vector<1x16xf32>,
      %broadcast_in_dim3A_50 = arith.constant 0.000000e+00 : f32
      %broadcast_in_dim3A_51 = vector.broadcast %broadcast_in_dim3A_50 : f32 to vector<16xf32>
      %swap3A_52 = arith.index_cast %scan3A_37 : i32 to index
      %swap3A_53 = arith.constant 32 : index
      %swap3A_54 = tpu.vector_load %arg8[%swap3A_52, %swap3A_53] {strides = array<i32>} : memref<80x128xf32, #tpu.memory_space<vmem>>, vector<1x16xf32>,
      %swap3A_55 = vector.shape_cast %swap3A_54 : vector<1x16xf32> to vector<16xf32>
      %swap3A_56 = vector.shape_cast %broadcast_in_dim3A_51 : vector<16xf32> to vector<1x16xf32>
      tpu.vector_store %arg8[%swap3A_52, %swap3A_53], %swap3A_56 {strides = array<i32>} : memref<80x128xf32, #tpu.memory_space<vmem>>, vector<1x16xf32>,
      %broadcast_in_dim3A_57 = arith.constant 0.000000e+00 : f32
      %broadcast_in_dim3A_58 = vector.broadcast %broadcast_in_dim3A_57 : f32 to vector<16xf32>
      %swap3A_59 = arith.index_cast %scan3A_37 : i32 to index
      %swap3A_60 = arith.constant 48 : index
      %swap3A_61 = tpu.vector_load %arg8[%swap3A_59, %swap3A_60] {strides = array<i32>} : memref<80x128xf32, #tpu.memory_space<vmem>>, vector<1x16xf32>,
      %swap3A_62 = vector.shape_cast %swap3A_61 : vector<1x16xf32> to vector<16xf32>
      %swap3A_63 = vector.shape_cast %broadcast_in_dim3A_58 : vector<16xf32> to vector<1x16xf32>
      tpu.vector_store %arg8[%swap3A_59, %swap3A_60], %swap3A_63 {strides = array<i32>} : memref<80x128xf32, #tpu.memory_space<vmem>>, vector<1x16xf32>,
      %broadcast_in_dim3A_64 = arith.constant 0.000000e+00 : f32
      %broadcast_in_dim3A_65 = vector.broadcast %broadcast_in_dim3A_64 : f32 to vector<16xf32>
      %swap3A_66 = arith.index_cast %scan3A_37 : i32 to index
      %swap3A_67 = arith.constant 64 : index
      %swap3A_68 = tpu.vector_load %arg8[%swap3A_66, %swap3A_67] {strides = array<i32>} : memref<80x128xf32, #tpu.memory_space<vmem>>, vector<1x16xf32>,
      %swap3A_69 = vector.shape_cast %swap3A_68 : vector<1x16xf32> to vector<16xf32>
      %swap3A_70 = vector.shape_cast %broadcast_in_dim3A_65 : vector<16xf32> to vector<1x16xf32>
      tpu.vector_store %arg8[%swap3A_66, %swap3A_67], %swap3A_70 {strides = array<i32>} : memref<80x128xf32, #tpu.memory_space<vmem>>, vector<1x16xf32>,
      %broadcast_in_dim3A_71 = arith.constant 0.000000e+00 : f32
      %broadcast_in_dim3A_72 = vector.broadcast %broadcast_in_dim3A_71 : f32 to vector<16xf32>
      %swap3A_73 = arith.index_cast %scan3A_37 : i32 to index
      %swap3A_74 = arith.constant 80 : index
      %swap3A_75 = tpu.vector_load %arg8[%swap3A_73, %swap3A_74] {strides = array<i32>} : memref<80x128xf32, #tpu.memory_space<vmem>>, vector<1x16xf32>,
      %swap3A_76 = vector.shape_cast %swap3A_75 : vector<1x16xf32> to vector<16xf32>
      %swap3A_77 = vector.shape_cast %broadcast_in_dim3A_72 : vector<16xf32> to vector<1x16xf32>
      tpu.vector_store %arg8[%swap3A_73, %swap3A_74], %swap3A_77 {strides = array<i32>} : memref<80x128xf32, #tpu.memory_space<vmem>>, vector<1x16xf32>,
      %broadcast_in_dim3A_78 = arith.constant 0.000000e+00 : f32
      %broadcast_in_dim3A_79 = vector.broadcast %broadcast_in_dim3A_78 : f32 to vector<16xf32>
      %swap3A_80 = arith.index_cast %scan3A_37 : i32 to index
      %swap3A_81 = arith.constant 96 : index
      %swap3A_82 = tpu.vector_load %arg8[%swap3A_80, %swap3A_81] {strides = array<i32>} : memref<80x128xf32, #tpu.memory_space<vmem>>, vector<1x16xf32>,
      %swap3A_83 = vector.shape_cast %swap3A_82 : vector<1x16xf32> to vector<16xf32>
      %swap3A_84 = vector.shape_cast %broadcast_in_dim3A_79 : vector<16xf32> to vector<1x16xf32>
      tpu.vector_store %arg8[%swap3A_80, %swap3A_81], %swap3A_84 {strides = array<i32>} : memref<80x128xf32, #tpu.memory_space<vmem>>, vector<1x16xf32>,
      %broadcast_in_dim3A_85 = arith.constant 0.000000e+00 : f32
      %broadcast_in_dim3A_86 = vector.broadcast %broadcast_in_dim3A_85 : f32 to vector<16xf32>
      %swap3A_87 = arith.index_cast %scan3A_37 : i32 to index
      %swap3A_88 = arith.constant 112 : index
      %swap3A_89 = tpu.vector_load %arg8[%swap3A_87, %swap3A_88] {strides = array<i32>} : memref<80x128xf32, #tpu.memory_space<vmem>>, vector<1x16xf32>,
      %swap3A_90 = vector.shape_cast %swap3A_89 : vector<1x16xf32> to vector<16xf32>
      %swap3A_91 = vector.shape_cast %broadcast_in_dim3A_86 : vector<16xf32> to vector<1x16xf32>
      tpu.vector_store %arg8[%swap3A_87, %swap3A_88], %swap3A_91 {strides = array<i32>} : memref<80x128xf32, #tpu.memory_space<vmem>>, vector<1x16xf32>,
    }
    %scan3A_7 = arith.constant 80 : i32
    %scan3A_8 = arith.constant 0 : i32
    %scan3A_9 = arith.constant 0 : i32
    %scan3A_10 = arith.constant 8 : i32
    %scan3A_11 = arith.addi %scan3A_9, %scan3A_10 : i32
    %scan3A_12 = arith.constant 1 : i32
    scf.for %scan3A_37 = %scan3A_9 to %scan3A_11 step %scan3A_12  : i32 {
      %mul3A_38 = arith.constant 80 : i32
      %mul3A_39 = arith.muli %scan3A_37, %mul3A_38 : i32
      %add3A_40 = arith.addi %mul3A_2, %mul3A_39 : i32
      "tpu.region"() ({
        %run_scoped3A_41 = tpu.sem_alloc : memref<!tpu.dma_semaphore, #tpu.memory_space<semaphore_mem>>
        %dma_start3A_42 = arith.constant 0 : i32
        %dma_start3A_43 = tpu.memref_slice %arg10[%add3A_40, %dma_start3A_42] : memref<10240x128xf32, #tpu.memory_space<vmem_shared>> -> memref<80x128xf32, #tpu.memory_space<vmem_shared>>
        %dma_start3A_44 = arith.constant 0 : i32
        %dma_start3A_45 = tpu.memref_slice %arg10[%add3A_40, %dma_start3A_44] : memref<10240x128xf32, #tpu.memory_space<vmem_shared>> -> memref<80x128xf32, #tpu.memory_space<vmem_shared>>
        tpu.enqueue_dma source(%arg8 : memref<80x128xf32, #tpu.memory_space<vmem>>) target(%dma_start3A_45 : memref<80x128xf32, #tpu.memory_space<vmem_shared>>) target_semaphore(%run_scoped3A_41 : memref<!tpu.dma_semaphore, #tpu.memory_space<semaphore_mem>>)
        %dma_wait3A_46 = arith.constant 0 : i32
        %dma_wait3A_47 = tpu.memref_slice %arg10[%add3A_40, %dma_wait3A_46] : memref<10240x128xf32, #tpu.memory_space<vmem_shared>> -> memref<80x128xf32, #tpu.memory_space<vmem_shared>>
        %dma_wait3A_48 = arith.constant 0 : i32
        %dma_wait3A_49 = tpu.memref_slice %arg10[%add3A_40, %dma_wait3A_48] : memref<10240x128xf32, #tpu.memory_space<vmem_shared>> -> memref<80x128xf32, #tpu.memory_space<vmem_shared>>
        tpu.wait_dma2 semaphore(%run_scoped3A_41 : memref<!tpu.dma_semaphore, #tpu.memory_space<semaphore_mem>>) src(%arg8 : memref<80x128xf32, #tpu.memory_space<vmem>>) dst(%dma_wait3A_49 : memref<80x128xf32, #tpu.memory_space<vmem_shared>>)
        tpu.yield
      }) : () -> ()
    }
    %scan3A_13 = arith.constant 8 : i32
    %mul3A_14 = arith.constant 10000 : i32
    %mul3A_15 = arith.muli %add3A, %mul3A_14 : i32
    "tpu.region"() ({
      %run_scoped3A_37 = tpu.sem_alloc : memref<!tpu.dma_semaphore, #tpu.memory_space<semaphore_mem>>
      %dma_start3A_38 = tpu.memref_slice %arg3[%mul3A_15] : memref<320000xi32, #tpu.memory_space<hbm>> -> memref<10000xi32, #tpu.memory_space<hbm>>
      %dma_start3A_39 = tpu.memref_slice %arg3[%mul3A_15] : memref<320000xi32, #tpu.memory_space<hbm>> -> memref<10000xi32, #tpu.memory_space<hbm>>
      tpu.enqueue_dma source(%dma_start3A_39 : memref<10000xi32, #tpu.memory_space<hbm>>) target(%arg6 : memref<10000xi32, #tpu.memory_space<vmem>>) target_semaphore(%run_scoped3A_37 : memref<!tpu.dma_semaphore, #tpu.memory_space<semaphore_mem>>)
      %dma_wait3A_40 = tpu.memref_slice %arg3[%mul3A_15] : memref<320000xi32, #tpu.memory_space<hbm>> -> memref<10000xi32, #tpu.memory_space<hbm>>
      %dma_wait3A_41 = tpu.memref_slice %arg3[%mul3A_15] : memref<320000xi32, #tpu.memory_space<hbm>> -> memref<10000xi32, #tpu.memory_space<hbm>>
      tpu.wait_dma2 semaphore(%run_scoped3A_37 : memref<!tpu.dma_semaphore, #tpu.memory_space<semaphore_mem>>) src(%dma_wait3A_41 : memref<10000xi32, #tpu.memory_space<hbm>>) dst(%arg6 : memref<10000xi32, #tpu.memory_space<vmem>>)
      tpu.yield
    }) : () -> ()
    "tpu.region"() ({
      %run_scoped3A_37 = tpu.sem_alloc : memref<!tpu.dma_semaphore, #tpu.memory_space<semaphore_mem>>
      %dma_start3A_38 = arith.constant 0 : i32
      %dma_start3A_39 = arith.constant 0 : i32
      %dma_start3A_40 = tpu.memref_slice %arg4[%add3A, %dma_start3A_38, %dma_start3A_39] : memref<32x125x80xi32, #tpu.memory_space<hbm>> -> memref<1x125x80xi32, #tpu.memory_space<hbm>>
      %dma_start3A_41 = tpu.memref_squeeze %dma_start3A_40 : memref<1x125x80xi32, #tpu.memory_space<hbm>> -> memref<125x80xi32, #tpu.memory_space<hbm>>
      %dma_start3A_42 = arith.constant 0 : i32
      %dma_start3A_43 = arith.constant 0 : i32
      %dma_start3A_44 = tpu.memref_slice %arg4[%add3A, %dma_start3A_42, %dma_start3A_43] : memref<32x125x80xi32, #tpu.memory_space<hbm>> -> memref<1x125x80xi32, #tpu.memory_space<hbm>>
      %dma_start3A_45 = tpu.memref_squeeze %dma_start3A_44 : memref<1x125x80xi32, #tpu.memory_space<hbm>> -> memref<125x80xi32, #tpu.memory_space<hbm>>
      tpu.enqueue_dma source(%dma_start3A_45 : memref<125x80xi32, #tpu.memory_space<hbm>>) target(%arg7 : memref<125x80xi32, #tpu.memory_space<vmem>>) target_semaphore(%run_scoped3A_37 : memref<!tpu.dma_semaphore, #tpu.memory_space<semaphore_mem>>)
      %dma_wait3A_46 = arith.constant 0 : i32
      %dma_wait3A_47 = arith.constant 0 : i32
      %dma_wait3A_48 = tpu.memref_slice %arg4[%add3A, %dma_wait3A_46, %dma_wait3A_47] : memref<32x125x80xi32, #tpu.memory_space<hbm>> -> memref<1x125x80xi32, #tpu.memory_space<hbm>>
      %dma_wait3A_49 = tpu.memref_squeeze %dma_wait3A_48 : memref<1x125x80xi32, #tpu.memory_space<hbm>> -> memref<125x80xi32, #tpu.memory_space<hbm>>
      %dma_wait3A_50 = arith.constant 0 : i32
      %dma_wait3A_51 = arith.constant 0 : i32
      %dma_wait3A_52 = tpu.memref_slice %arg4[%add3A, %dma_wait3A_50, %dma_wait3A_51] : memref<32x125x80xi32, #tpu.memory_space<hbm>> -> memref<1x125x80xi32, #tpu.memory_space<hbm>>
      %dma_wait3A_53 = tpu.memref_squeeze %dma_wait3A_52 : memref<1x125x80xi32, #tpu.memory_space<hbm>> -> memref<125x80xi32, #tpu.memory_space<hbm>>
      tpu.wait_dma2 semaphore(%run_scoped3A_37 : memref<!tpu.dma_semaphore, #tpu.memory_space<semaphore_mem>>) src(%dma_wait3A_53 : memref<125x80xi32, #tpu.memory_space<hbm>>) dst(%arg7 : memref<125x80xi32, #tpu.memory_space<vmem>>)
      tpu.yield
    }) : () -> ()
    %barrier3A = arith.constant 0 : index
    tpu.barrier barrier_id(%barrier3A)
    %dma_start3A = arith.constant 0 : i32
    %dma_start3A_16 = tpu.memref_slice %arg6[%dma_start3A] : memref<10000xi32, #tpu.memory_space<vmem>> -> memref<80xi32, #tpu.memory_space<vmem>>
    %dma_start3A_17 = arith.constant 0 : i32
    %dma_start3A_18 = arith.constant 0 : i32
    %dma_start3A_19 = tpu.memref_slice %arg2[%dma_start3A_17, %dma_start3A_18] : memref<10000x128xf32, #tpu.memory_space<hbm>> -> memref<10000x128xf32, #tpu.memory_space<hbm>>
    tpu.enqueue_indirect_dma source(%dma_start3A_19 : memref<10000x128xf32, #tpu.memory_space<hbm>>) target(%arg8 : memref<80x128xf32, #tpu.memory_space<vmem>>) offsets(%dma_start3A_16 : memref<80xi32, #tpu.memory_space<vmem>>) semaphore(%arg11 : memref<!tpu.dma_semaphore, #tpu.memory_space<semaphore_mem>>)
    %scan3A_20 = arith.constant 0 : i32
    %scan3A_21 = arith.constant 0 : i32
    %scan3A_22 = arith.constant 62 : i32
    %scan3A_23 = arith.addi %scan3A_21, %scan3A_22 : i32
    %scan3A_24 = arith.constant 1 : i32
    scf.for %scan3A_37 = %scan3A_21 to %scan3A_23 step %scan3A_24  : i32 {
      %mul3A_38 = arith.constant 2 : i32
      %mul3A_39 = arith.muli %mul3A_38, %scan3A_37 : i32
      %add3A_40 = arith.constant 1 : i32
      %add3A_41 = arith.addi %mul3A_39, %add3A_40 : i32
      %mul3A_42 = arith.constant 80 : i32
      %mul3A_43 = arith.muli %add3A_41, %mul3A_42 : i32
      %dma_start3A_44 = tpu.memref_slice %arg6[%mul3A_43] : memref<10000xi32, #tpu.memory_space<vmem>> -> memref<80xi32, #tpu.memory_space<vmem>>
      %dma_start3A_45 = arith.constant 0 : i32
      %dma_start3A_46 = arith.constant 0 : i32
      %dma_start3A_47 = tpu.memref_slice %arg2[%dma_start3A_45, %dma_start3A_46] : memref<10000x128xf32, #tpu.memory_space<hbm>> -> memref<10000x128xf32, #tpu.memory_space<hbm>>
      tpu.enqueue_indirect_dma source(%dma_start3A_47 : memref<10000x128xf32, #tpu.memory_space<hbm>>) target(%arg9 : memref<80x128xf32, #tpu.memory_space<vmem>>) offsets(%dma_start3A_44 : memref<80xi32, #tpu.memory_space<vmem>>) semaphore(%arg12 : memref<!tpu.dma_semaphore, #tpu.memory_space<semaphore_mem>>)
      %dma_wait3A_48 = arith.constant 0 : i32
      %dma_wait3A_49 = tpu.memref_slice %arg6[%dma_wait3A_48] : memref<10000xi32, #tpu.memory_space<vmem>> -> memref<80xi32, #tpu.memory_space<vmem>>
      %dma_wait3A_50 = arith.constant 0 : i32
      %dma_wait3A_51 = arith.constant 0 : i32
      %dma_wait3A_52 = tpu.memref_slice %arg2[%dma_wait3A_50, %dma_wait3A_51] : memref<10000x128xf32, #tpu.memory_space<hbm>> -> memref<10000x128xf32, #tpu.memory_space<hbm>>
      tpu.wait_indirect_dma semaphore(%arg11 : memref<!tpu.dma_semaphore, #tpu.memory_space<semaphore_mem>>) src(%dma_wait3A_52 : memref<10000x128xf32, #tpu.memory_space<hbm>>) dst(%arg8 : memref<80x128xf32, #tpu.memory_space<vmem>>)
      "tpu.region"() ({
        %run_scoped3A_68 = tpu.sem_alloc : memref<!tpu.dma_semaphore, #tpu.memory_space<semaphore_mem>>
        %dma_start3A_69 = arith.constant 0 : i32
        %dma_start3A_70 = tpu.memref_slice %arg7[%mul3A_39, %dma_start3A_69] : memref<125x80xi32, #tpu.memory_space<vmem>> -> memref<1x80xi32, #tpu.memory_space<vmem>>
        %dma_start3A_71 = tpu.memref_squeeze %dma_start3A_70 : memref<1x80xi32, #tpu.memory_space<vmem>> -> memref<80xi32, #tpu.memory_space<vmem>>
        %dma_start3A_72 = arith.constant 0 : i32
        %dma_start3A_73 = arith.constant 0 : i32
        %dma_start3A_74 = tpu.memref_slice %arg10[%dma_start3A_72, %dma_start3A_73] : memref<10240x128xf32, #tpu.memory_space<vmem_shared>> -> memref<10240x128xf32, #tpu.memory_space<vmem_shared>>
        tpu.enqueue_indirect_dma source(%arg8 : memref<80x128xf32, #tpu.memory_space<vmem>>) target(%dma_start3A_74 : memref<10240x128xf32, #tpu.memory_space<vmem_shared>>) offsets(%dma_start3A_71 : memref<80xi32, #tpu.memory_space<vmem>>) semaphore(%run_scoped3A_68 : memref<!tpu.dma_semaphore, #tpu.memory_space<semaphore_mem>>) {add = true}
        %dma_wait3A_75 = arith.constant 0 : i32
        %dma_wait3A_76 = tpu.memref_slice %arg7[%mul3A_39, %dma_wait3A_75] : memref<125x80xi32, #tpu.memory_space<vmem>> -> memref<1x80xi32, #tpu.memory_space<vmem>>
        %dma_wait3A_77 = tpu.memref_squeeze %dma_wait3A_76 : memref<1x80xi32, #tpu.memory_space<vmem>> -> memref<80xi32, #tpu.memory_space<vmem>>
        %dma_wait3A_78 = arith.constant 0 : i32
        %dma_wait3A_79 = arith.constant 0 : i32
        %dma_wait3A_80 = tpu.memref_slice %arg10[%dma_wait3A_78, %dma_wait3A_79] : memref<10240x128xf32, #tpu.memory_space<vmem_shared>> -> memref<10240x128xf32, #tpu.memory_space<vmem_shared>>
        tpu.wait_indirect_dma semaphore(%run_scoped3A_68 : memref<!tpu.dma_semaphore, #tpu.memory_space<semaphore_mem>>) src(%arg8 : memref<80x128xf32, #tpu.memory_space<vmem>>) dst(%dma_wait3A_80 : memref<10240x128xf32, #tpu.memory_space<vmem_shared>>)
        tpu.yield
      }) : () -> ()
      %add3A_53 = arith.constant 2 : i32
      %add3A_54 = arith.addi %mul3A_39, %add3A_53 : i32
      %mul3A_55 = arith.constant 80 : i32
      %mul3A_56 = arith.muli %add3A_54, %mul3A_55 : i32
      %dma_start3A_57 = tpu.memref_slice %arg6[%mul3A_56] : memref<10000xi32, #tpu.memory_space<vmem>> -> memref<80xi32, #tpu.memory_space<vmem>>
      %dma_start3A_58 = arith.constant 0 : i32
      %dma_start3A_59 = arith.constant 0 : i32
      %dma_start3A_60 = tpu.memref_slice %arg2[%dma_start3A_58, %dma_start3A_59] : memref<10000x128xf32, #tpu.memory_space<hbm>> -> memref<10000x128xf32, #tpu.memory_space<hbm>>
      tpu.enqueue_indirect_dma source(%dma_start3A_60 : memref<10000x128xf32, #tpu.memory_space<hbm>>) target(%arg8 : memref<80x128xf32, #tpu.memory_space<vmem>>) offsets(%dma_start3A_57 : memref<80xi32, #tpu.memory_space<vmem>>) semaphore(%arg11 : memref<!tpu.dma_semaphore, #tpu.memory_space<semaphore_mem>>)
      %dma_wait3A_61 = arith.constant 0 : i32
      %dma_wait3A_62 = tpu.memref_slice %arg6[%dma_wait3A_61] : memref<10000xi32, #tpu.memory_space<vmem>> -> memref<80xi32, #tpu.memory_space<vmem>>
      %dma_wait3A_63 = arith.constant 0 : i32
      %dma_wait3A_64 = arith.constant 0 : i32
      %dma_wait3A_65 = tpu.memref_slice %arg2[%dma_wait3A_63, %dma_wait3A_64] : memref<10000x128xf32, #tpu.memory_space<hbm>> -> memref<10000x128xf32, #tpu.memory_space<hbm>>
      tpu.wait_indirect_dma semaphore(%arg12 : memref<!tpu.dma_semaphore, #tpu.memory_space<semaphore_mem>>) src(%dma_wait3A_65 : memref<10000x128xf32, #tpu.memory_space<hbm>>) dst(%arg9 : memref<80x128xf32, #tpu.memory_space<vmem>>)
      %add3A_66 = arith.constant 1 : i32
      %add3A_67 = arith.addi %mul3A_39, %add3A_66 : i32
      "tpu.region"() ({
        %run_scoped3A_68 = tpu.sem_alloc : memref<!tpu.dma_semaphore, #tpu.memory_space<semaphore_mem>>
        %dma_start3A_69 = arith.constant 0 : i32
        %dma_start3A_70 = tpu.memref_slice %arg7[%add3A_67, %dma_start3A_69] : memref<125x80xi32, #tpu.memory_space<vmem>> -> memref<1x80xi32, #tpu.memory_space<vmem>>
        %dma_start3A_71 = tpu.memref_squeeze %dma_start3A_70 : memref<1x80xi32, #tpu.memory_space<vmem>> -> memref<80xi32, #tpu.memory_space<vmem>>
        %dma_start3A_72 = arith.constant 0 : i32
        %dma_start3A_73 = arith.constant 0 : i32
        %dma_start3A_74 = tpu.memref_slice %arg10[%dma_start3A_72, %dma_start3A_73] : memref<10240x128xf32, #tpu.memory_space<vmem_shared>> -> memref<10240x128xf32, #tpu.memory_space<vmem_shared>>
        tpu.enqueue_indirect_dma source(%arg9 : memref<80x128xf32, #tpu.memory_space<vmem>>) target(%dma_start3A_74 : memref<10240x128xf32, #tpu.memory_space<vmem_shared>>) offsets(%dma_start3A_71 : memref<80xi32, #tpu.memory_space<vmem>>) semaphore(%run_scoped3A_68 : memref<!tpu.dma_semaphore, #tpu.memory_space<semaphore_mem>>) {add = true}
        %dma_wait3A_75 = arith.constant 0 : i32
        %dma_wait3A_76 = tpu.memref_slice %arg7[%add3A_67, %dma_wait3A_75] : memref<125x80xi32, #tpu.memory_space<vmem>> -> memref<1x80xi32, #tpu.memory_space<vmem>>
        %dma_wait3A_77 = tpu.memref_squeeze %dma_wait3A_76 : memref<1x80xi32, #tpu.memory_space<vmem>> -> memref<80xi32, #tpu.memory_space<vmem>>
        %dma_wait3A_78 = arith.constant 0 : i32
        %dma_wait3A_79 = arith.constant 0 : i32
        %dma_wait3A_80 = tpu.memref_slice %arg10[%dma_wait3A_78, %dma_wait3A_79] : memref<10240x128xf32, #tpu.memory_space<vmem_shared>> -> memref<10240x128xf32, #tpu.memory_space<vmem_shared>>
        tpu.wait_indirect_dma semaphore(%run_scoped3A_68 : memref<!tpu.dma_semaphore, #tpu.memory_space<semaphore_mem>>) src(%arg9 : memref<80x128xf32, #tpu.memory_space<vmem>>) dst(%dma_wait3A_80 : memref<10240x128xf32, #tpu.memory_space<vmem_shared>>)
        tpu.yield
      }) : () -> ()
    }
    %scan3A_25 = arith.constant 62 : i32
    %dma_wait3A = arith.constant 0 : i32
    %dma_wait3A_26 = tpu.memref_slice %arg6[%dma_wait3A] : memref<10000xi32, #tpu.memory_space<vmem>> -> memref<80xi32, #tpu.memory_space<vmem>>
    %dma_wait3A_27 = arith.constant 0 : i32
    %dma_wait3A_28 = arith.constant 0 : i32
    %dma_wait3A_29 = tpu.memref_slice %arg2[%dma_wait3A_27, %dma_wait3A_28] : memref<10000x128xf32, #tpu.memory_space<hbm>> -> memref<10000x128xf32, #tpu.memory_space<hbm>>
    tpu.wait_indirect_dma semaphore(%arg11 : memref<!tpu.dma_semaphore, #tpu.memory_space<semaphore_mem>>) src(%dma_wait3A_29 : memref<10000x128xf32, #tpu.memory_space<hbm>>) dst(%arg8 : memref<80x128xf32, #tpu.memory_space<vmem>>)
    %run_scoped3A = arith.constant 124 : i32
    "tpu.region"() ({
      %run_scoped3A_37 = tpu.sem_alloc : memref<!tpu.dma_semaphore, #tpu.memory_space<semaphore_mem>>
      %dma_start3A_38 = arith.constant 0 : i32
      %dma_start3A_39 = tpu.memref_slice %arg7[%run_scoped3A, %dma_start3A_38] : memref<125x80xi32, #tpu.memory_space<vmem>> -> memref<1x80xi32, #tpu.memory_space<vmem>>
      %dma_start3A_40 = tpu.memref_squeeze %dma_start3A_39 : memref<1x80xi32, #tpu.memory_space<vmem>> -> memref<80xi32, #tpu.memory_space<vmem>>
      %dma_start3A_41 = arith.constant 0 : i32
      %dma_start3A_42 = arith.constant 0 : i32
      %dma_start3A_43 = tpu.memref_slice %arg10[%dma_start3A_41, %dma_start3A_42] : memref<10240x128xf32, #tpu.memory_space<vmem_shared>> -> memref<10240x128xf32, #tpu.memory_space<vmem_shared>>
      tpu.enqueue_indirect_dma source(%arg8 : memref<80x128xf32, #tpu.memory_space<vmem>>) target(%dma_start3A_43 : memref<10240x128xf32, #tpu.memory_space<vmem_shared>>) offsets(%dma_start3A_40 : memref<80xi32, #tpu.memory_space<vmem>>) semaphore(%run_scoped3A_37 : memref<!tpu.dma_semaphore, #tpu.memory_space<semaphore_mem>>) {add = true}
      %dma_wait3A_44 = arith.constant 0 : i32
      %dma_wait3A_45 = tpu.memref_slice %arg7[%run_scoped3A, %dma_wait3A_44] : memref<125x80xi32, #tpu.memory_space<vmem>> -> memref<1x80xi32, #tpu.memory_space<vmem>>
      %dma_wait3A_46 = tpu.memref_squeeze %dma_wait3A_45 : memref<1x80xi32, #tpu.memory_space<vmem>> -> memref<80xi32, #tpu.memory_space<vmem>>
      %dma_wait3A_47 = arith.constant 0 : i32
      %dma_wait3A_48 = arith.constant 0 : i32
      %dma_wait3A_49 = tpu.memref_slice %arg10[%dma_wait3A_47, %dma_wait3A_48] : memref<10240x128xf32, #tpu.memory_space<vmem_shared>> -> memref<10240x128xf32, #tpu.memory_space<vmem_shared>>
      tpu.wait_indirect_dma semaphore(%run_scoped3A_37 : memref<!tpu.dma_semaphore, #tpu.memory_space<semaphore_mem>>) src(%arg8 : memref<80x128xf32, #tpu.memory_space<vmem>>) dst(%dma_wait3A_49 : memref<10240x128xf32, #tpu.memory_space<vmem_shared>>)
      tpu.yield
    }) : () -> ()
    %barrier3A_30 = arith.constant 0 : index
    tpu.barrier barrier_id(%barrier3A_30)
    %scan3A_31 = arith.constant 0 : i32
    %scan3A_32 = arith.constant 0 : i32
    %scan3A_33 = arith.constant 8 : i32
    %scan3A_34 = arith.addi %scan3A_32, %scan3A_33 : i32
    %scan3A_35 = arith.constant 1 : i32
    scf.for %scan3A_37 = %scan3A_32 to %scan3A_34 step %scan3A_35  : i32 {
      %mul3A_38 = arith.constant 80 : i32
      %mul3A_39 = arith.muli %scan3A_37, %mul3A_38 : i32
      %add3A_40 = arith.addi %mul3A_2, %mul3A_39 : i32
      "tpu.region"() ({
        %run_scoped3A_41 = tpu.sem_alloc : memref<!tpu.dma_semaphore, #tpu.memory_space<semaphore_mem>>
        %dma_start3A_42 = arith.constant 0 : i32
        %dma_start3A_43 = tpu.memref_slice %arg10[%add3A_40, %dma_start3A_42] : memref<10240x128xf32, #tpu.memory_space<vmem_shared>> -> memref<80x128xf32, #tpu.memory_space<vmem_shared>>
        %dma_start3A_44 = arith.constant 0 : i32
        %dma_start3A_45 = tpu.memref_slice %arg10[%add3A_40, %dma_start3A_44] : memref<10240x128xf32, #tpu.memory_space<vmem_shared>> -> memref<80x128xf32, #tpu.memory_space<vmem_shared>>
        tpu.enqueue_dma source(%dma_start3A_45 : memref<80x128xf32, #tpu.memory_space<vmem_shared>>) target(%arg8 : memref<80x128xf32, #tpu.memory_space<vmem>>) target_semaphore(%run_scoped3A_41 : memref<!tpu.dma_semaphore, #tpu.memory_space<semaphore_mem>>)
        %dma_wait3A_46 = arith.constant 0 : i32
        %dma_wait3A_47 = tpu.memref_slice %arg10[%add3A_40, %dma_wait3A_46] : memref<10240x128xf32, #tpu.memory_space<vmem_shared>> -> memref<80x128xf32, #tpu.memory_space<vmem_shared>>
        %dma_wait3A_48 = arith.constant 0 : i32
        %dma_wait3A_49 = tpu.memref_slice %arg10[%add3A_40, %dma_wait3A_48] : memref<10240x128xf32, #tpu.memory_space<vmem_shared>> -> memref<80x128xf32, #tpu.memory_space<vmem_shared>>
        tpu.wait_dma2 semaphore(%run_scoped3A_41 : memref<!tpu.dma_semaphore, #tpu.memory_space<semaphore_mem>>) src(%dma_wait3A_49 : memref<80x128xf32, #tpu.memory_space<vmem_shared>>) dst(%arg8 : memref<80x128xf32, #tpu.memory_space<vmem>>)
        tpu.yield
      }) : () -> ()
      "tpu.region"() ({
        %run_scoped3A_41 = tpu.sem_alloc : memref<!tpu.dma_semaphore, #tpu.memory_space<semaphore_mem>>
        %dma_start3A_42 = arith.constant 0 : i32
        %dma_start3A_43 = tpu.memref_slice %arg5[%arg0, %add3A_40, %dma_start3A_42] : memref<2x10240x128xf32, #tpu.memory_space<hbm>> -> memref<1x80x128xf32, #tpu.memory_space<hbm>>
        %dma_start3A_44 = tpu.memref_squeeze %dma_start3A_43 : memref<1x80x128xf32, #tpu.memory_space<hbm>> -> memref<80x128xf32, #tpu.memory_space<hbm>>
        %dma_start3A_45 = arith.constant 0 : i32
        %dma_start3A_46 = tpu.memref_slice %arg5[%arg0, %add3A_40, %dma_start3A_45] : memref<2x10240x128xf32, #tpu.memory_space<hbm>> -> memref<1x80x128xf32, #tpu.memory_space<hbm>>
        %dma_start3A_47 = tpu.memref_squeeze %dma_start3A_46 : memref<1x80x128xf32, #tpu.memory_space<hbm>> -> memref<80x128xf32, #tpu.memory_space<hbm>>
        tpu.enqueue_dma source(%arg8 : memref<80x128xf32, #tpu.memory_space<vmem>>) target(%dma_start3A_47 : memref<80x128xf32, #tpu.memory_space<hbm>>) target_semaphore(%run_scoped3A_41 : memref<!tpu.dma_semaphore, #tpu.memory_space<semaphore_mem>>)
        %dma_wait3A_48 = arith.constant 0 : i32
        %dma_wait3A_49 = tpu.memref_slice %arg5[%arg0, %add3A_40, %dma_wait3A_48] : memref<2x10240x128xf32, #tpu.memory_space<hbm>> -> memref<1x80x128xf32, #tpu.memory_space<hbm>>
        %dma_wait3A_50 = tpu.memref_squeeze %dma_wait3A_49 : memref<1x80x128xf32, #tpu.memory_space<hbm>> -> memref<80x128xf32, #tpu.memory_space<hbm>>
        %dma_wait3A_51 = arith.constant 0 : i32
        %dma_wait3A_52 = tpu.memref_slice %arg5[%arg0, %add3A_40, %dma_wait3A_51] : memref<2x10240x128xf32, #tpu.memory_space<hbm>> -> memref<1x80x128xf32, #tpu.memory_space<hbm>>
        %dma_wait3A_53 = tpu.memref_squeeze %dma_wait3A_52 : memref<1x80x128xf32, #tpu.memory_space<hbm>> -> memref<80x128xf32, #tpu.memory_space<hbm>>
        tpu.wait_dma2 semaphore(%run_scoped3A_41 : memref<!tpu.dma_semaphore, #tpu.memory_space<semaphore_mem>>) src(%arg8 : memref<80x128xf32, #tpu.memory_space<vmem>>) dst(%dma_wait3A_53 : memref<80x128xf32, #tpu.memory_space<hbm>>)
        tpu.yield
      }) : () -> ()
    }
    %scan3A_36 = arith.constant 8 : i32
    return
  }
}

#map = affine_map<(d0, d1) -> (0, 0)>
#map1 = affine_map<(d0, d1) -> (0)>
#map2 = affine_map<(d0, d1) -> (0, 0, 0)>
module attributes {stable_mosaic.version = 14 : i64} {
  func.func @body(%arg0: i32, %arg1: i32, %arg2: memref<10000x128xf32, #tpu.memory_space<hbm>>, %arg3: memref<320000xi32, #tpu.memory_space<hbm>>, %arg4: memref<32x125x80xi32, #tpu.memory_space<hbm>>, %arg5: memref<2x10240x128xf32, #tpu.memory_space<hbm>>, %arg6: memref<10000xi32, #tpu.memory_space<vmem>>, %arg7: memref<125x80xi32, #tpu.memory_space<vmem>>, %arg8: memref<80x128xf32, #tpu.memory_space<vmem>>, %arg9: memref<80x128xf32, #tpu.memory_space<vmem>>, %arg10: memref<10240x128xf32, #tpu.memory_space<vmem_shared>>, %arg11: memref<!tpu.dma_semaphore, #tpu.memory_space<semaphore_mem>>, %arg12: memref<!tpu.dma_semaphore, #tpu.memory_space<semaphore_mem>>) attributes {dimension_semantics = [#tpu.dimension_semantics<core_parallel>, #tpu.dimension_semantics<subcore_parallel>], iteration_bounds = array<i64: 2, 16>, scalar_prefetch = 0 : i64, scratch_operands = 7 : i64, tpu.core_type = #tpu.core_type<sc_vector_subcore>, window_params = [{transform_indices = #map}, {transform_indices = #map1}, {transform_indices = #map2}, {transform_indices = #map2}]} {
    %mul3A = arith.constant 2 : i32
    %mul3A_0 = arith.muli %arg1, %mul3A : i32
    %add3A = arith.addi %mul3A_0, %arg0 : i32
    %mul3A_1 = arith.constant 640 : i32
    %mul3A_2 = arith.muli %arg1, %mul3A_1 : i32
    %scan3A = arith.constant 0 : i32
    %scan3A_3 = arith.constant 0 : i32
    %scan3A_4 = arith.constant 80 : i32
    %scan3A_5 = arith.addi %scan3A_3, %scan3A_4 : i32
    %scan3A_6 = arith.constant 1 : i32
    scf.for %scan3A_37 = %scan3A_3 to %scan3A_5 step %scan3A_6  : i32 {
      %broadcast_in_dim3A = arith.constant 0.000000e+00 : f32
      %broadcast_in_dim3A_38 = vector.broadcast %broadcast_in_dim3A : f32 to vector<16xf32>
      %swap3A = arith.index_cast %scan3A_37 : i32 to index
      %swap3A_39 = arith.constant 0 : index
      %swap3A_40 = tpu.vector_load %arg8[%swap3A, %swap3A_39] {strides = array<i32>} : memref<80x128xf32, #tpu.memory_space<vmem>>, vector<1x16xf32>,
      %swap3A_41 = vector.shape_cast %swap3A_40 : vector<1x16xf32> to vector<16xf32>
      %swap3A_42 = vector.shape_cast %broadcast_in_dim3A_38 : vector<16xf32> to vector<1x16xf32>
      tpu.vector_store %arg8[%swap3A, %swap3A_39], %swap3A_42 {strides = array<i32>} : memref<80x128xf32, #tpu.memory_space<vmem>>, vector<1x16xf32>,
      %broadcast_in_dim3A_43 = arith.constant 0.000000e+00 : f32
      %broadcast_in_dim3A_44 = vector.broadcast %broadcast_in_dim3A_43 : f32 to vector<16xf32>
      %swap3A_45 = arith.index_cast %scan3A_37 : i32 to index
      %swap3A_46 = arith.constant 16 : index
      %swap3A_47 = tpu.vector_load %arg8[%swap3A_45, %swap3A_46] {strides = array<i32>} : memref<80x128xf32, #tpu.memory_space<vmem>>, vector<1x16xf32>,
      %swap3A_48 = vector.shape_cast %swap3A_47 : vector<1x16xf32> to vector<16xf32>
      %swap3A_49 = vector.shape_cast %broadcast_in_dim3A_44 : vector<16xf32> to vector<1x16xf32>
      tpu.vector_store %arg8[%swap3A_45, %swap3A_46], %swap3A_49 {strides = array<i32>} : memref<80x128xf32, #tpu.memory_space<vmem>>, vector<1x16xf32>,
      %broadcast_in_dim3A_50 = arith.constant 0.000000e+00 : f32
      %broadcast_in_dim3A_51 = vector.broadcast %broadcast_in_dim3A_50 : f32 to vector<16xf32>
      %swap3A_52 = arith.index_cast %scan3A_37 : i32 to index
      %swap3A_53 = arith.constant 32 : index
      %swap3A_54 = tpu.vector_load %arg8[%swap3A_52, %swap3A_53] {strides = array<i32>} : memref<80x128xf32, #tpu.memory_space<vmem>>, vector<1x16xf32>,
      %swap3A_55 = vector.shape_cast %swap3A_54 : vector<1x16xf32> to vector<16xf32>
      %swap3A_56 = vector.shape_cast %broadcast_in_dim3A_51 : vector<16xf32> to vector<1x16xf32>
      tpu.vector_store %arg8[%swap3A_52, %swap3A_53], %swap3A_56 {strides = array<i32>} : memref<80x128xf32, #tpu.memory_space<vmem>>, vector<1x16xf32>,
      %broadcast_in_dim3A_57 = arith.constant 0.000000e+00 : f32
      %broadcast_in_dim3A_58 = vector.broadcast %broadcast_in_dim3A_57 : f32 to vector<16xf32>
      %swap3A_59 = arith.index_cast %scan3A_37 : i32 to index
      %swap3A_60 = arith.constant 48 : index
      %swap3A_61 = tpu.vector_load %arg8[%swap3A_59, %swap3A_60] {strides = array<i32>} : memref<80x128xf32, #tpu.memory_space<vmem>>, vector<1x16xf32>,
      %swap3A_62 = vector.shape_cast %swap3A_61 : vector<1x16xf32> to vector<16xf32>
      %swap3A_63 = vector.shape_cast %broadcast_in_dim3A_58 : vector<16xf32> to vector<1x16xf32>
      tpu.vector_store %arg8[%swap3A_59, %swap3A_60], %swap3A_63 {strides = array<i32>} : memref<80x128xf32, #tpu.memory_space<vmem>>, vector<1x16xf32>,
      %broadcast_in_dim3A_64 = arith.constant 0.000000e+00 : f32
      %broadcast_in_dim3A_65 = vector.broadcast %broadcast_in_dim3A_64 : f32 to vector<16xf32>
      %swap3A_66 = arith.index_cast %scan3A_37 : i32 to index
      %swap3A_67 = arith.constant 64 : index
      %swap3A_68 = tpu.vector_load %arg8[%swap3A_66, %swap3A_67] {strides = array<i32>} : memref<80x128xf32, #tpu.memory_space<vmem>>, vector<1x16xf32>,
      %swap3A_69 = vector.shape_cast %swap3A_68 : vector<1x16xf32> to vector<16xf32>
      %swap3A_70 = vector.shape_cast %broadcast_in_dim3A_65 : vector<16xf32> to vector<1x16xf32>
      tpu.vector_store %arg8[%swap3A_66, %swap3A_67], %swap3A_70 {strides = array<i32>} : memref<80x128xf32, #tpu.memory_space<vmem>>, vector<1x16xf32>,
      %broadcast_in_dim3A_71 = arith.constant 0.000000e+00 : f32
      %broadcast_in_dim3A_72 = vector.broadcast %broadcast_in_dim3A_71 : f32 to vector<16xf32>
      %swap3A_73 = arith.index_cast %scan3A_37 : i32 to index
      %swap3A_74 = arith.constant 80 : index
      %swap3A_75 = tpu.vector_load %arg8[%swap3A_73, %swap3A_74] {strides = array<i32>} : memref<80x128xf32, #tpu.memory_space<vmem>>, vector<1x16xf32>,
      %swap3A_76 = vector.shape_cast %swap3A_75 : vector<1x16xf32> to vector<16xf32>
      %swap3A_77 = vector.shape_cast %broadcast_in_dim3A_72 : vector<16xf32> to vector<1x16xf32>
      tpu.vector_store %arg8[%swap3A_73, %swap3A_74], %swap3A_77 {strides = array<i32>} : memref<80x128xf32, #tpu.memory_space<vmem>>, vector<1x16xf32>,
      %broadcast_in_dim3A_78 = arith.constant 0.000000e+00 : f32
      %broadcast_in_dim3A_79 = vector.broadcast %broadcast_in_dim3A_78 : f32 to vector<16xf32>
      %swap3A_80 = arith.index_cast %scan3A_37 : i32 to index
      %swap3A_81 = arith.constant 96 : index
      %swap3A_82 = tpu.vector_load %arg8[%swap3A_80, %swap3A_81] {strides = array<i32>} : memref<80x128xf32, #tpu.memory_space<vmem>>, vector<1x16xf32>,
      %swap3A_83 = vector.shape_cast %swap3A_82 : vector<1x16xf32> to vector<16xf32>
      %swap3A_84 = vector.shape_cast %broadcast_in_dim3A_79 : vector<16xf32> to vector<1x16xf32>
      tpu.vector_store %arg8[%swap3A_80, %swap3A_81], %swap3A_84 {strides = array<i32>} : memref<80x128xf32, #tpu.memory_space<vmem>>, vector<1x16xf32>,
      %broadcast_in_dim3A_85 = arith.constant 0.000000e+00 : f32
      %broadcast_in_dim3A_86 = vector.broadcast %broadcast_in_dim3A_85 : f32 to vector<16xf32>
      %swap3A_87 = arith.index_cast %scan3A_37 : i32 to index
      %swap3A_88 = arith.constant 112 : index
      %swap3A_89 = tpu.vector_load %arg8[%swap3A_87, %swap3A_88] {strides = array<i32>} : memref<80x128xf32, #tpu.memory_space<vmem>>, vector<1x16xf32>,
      %swap3A_90 = vector.shape_cast %swap3A_89 : vector<1x16xf32> to vector<16xf32>
      %swap3A_91 = vector.shape_cast %broadcast_in_dim3A_86 : vector<16xf32> to vector<1x16xf32>
      tpu.vector_store %arg8[%swap3A_87, %swap3A_88], %swap3A_91 {strides = array<i32>} : memref<80x128xf32, #tpu.memory_space<vmem>>, vector<1x16xf32>,
    }
    %scan3A_7 = arith.constant 80 : i32
    %scan3A_8 = arith.constant 0 : i32
    %scan3A_9 = arith.constant 0 : i32
    %scan3A_10 = arith.constant 8 : i32
    %scan3A_11 = arith.addi %scan3A_9, %scan3A_10 : i32
    %scan3A_12 = arith.constant 1 : i32
    scf.for %scan3A_37 = %scan3A_9 to %scan3A_11 step %scan3A_12  : i32 {
      %mul3A_38 = arith.constant 80 : i32
      %mul3A_39 = arith.muli %scan3A_37, %mul3A_38 : i32
      %add3A_40 = arith.addi %mul3A_2, %mul3A_39 : i32
      "tpu.region"() ({
        %run_scoped3A_41 = tpu.sem_alloc : memref<!tpu.dma_semaphore, #tpu.memory_space<semaphore_mem>>
        %dma_start3A_42 = arith.constant 0 : i32
        %dma_start3A_43 = tpu.memref_slice %arg10[%add3A_40, %dma_start3A_42] : memref<10240x128xf32, #tpu.memory_space<vmem_shared>> -> memref<80x128xf32, #tpu.memory_space<vmem_shared>>
        %dma_start3A_44 = arith.constant 0 : i32
        %dma_start3A_45 = tpu.memref_slice %arg10[%add3A_40, %dma_start3A_44] : memref<10240x128xf32, #tpu.memory_space<vmem_shared>> -> memref<80x128xf32, #tpu.memory_space<vmem_shared>>
        tpu.enqueue_dma source(%arg8 : memref<80x128xf32, #tpu.memory_space<vmem>>) target(%dma_start3A_45 : memref<80x128xf32, #tpu.memory_space<vmem_shared>>) target_semaphore(%run_scoped3A_41 : memref<!tpu.dma_semaphore, #tpu.memory_space<semaphore_mem>>)
        %dma_wait3A_46 = arith.constant 0 : i32
        %dma_wait3A_47 = tpu.memref_slice %arg10[%add3A_40, %dma_wait3A_46] : memref<10240x128xf32, #tpu.memory_space<vmem_shared>> -> memref<80x128xf32, #tpu.memory_space<vmem_shared>>
        %dma_wait3A_48 = arith.constant 0 : i32
        %dma_wait3A_49 = tpu.memref_slice %arg10[%add3A_40, %dma_wait3A_48] : memref<10240x128xf32, #tpu.memory_space<vmem_shared>> -> memref<80x128xf32, #tpu.memory_space<vmem_shared>>
        tpu.wait_dma2 semaphore(%run_scoped3A_41 : memref<!tpu.dma_semaphore, #tpu.memory_space<semaphore_mem>>) src(%arg8 : memref<80x128xf32, #tpu.memory_space<vmem>>) dst(%dma_wait3A_49 : memref<80x128xf32, #tpu.memory_space<vmem_shared>>)
        tpu.yield
      }) : () -> ()
    }
    %scan3A_13 = arith.constant 8 : i32
    %mul3A_14 = arith.constant 10000 : i32
    %mul3A_15 = arith.muli %add3A, %mul3A_14 : i32
    "tpu.region"() ({
      %run_scoped3A_37 = tpu.sem_alloc : memref<!tpu.dma_semaphore, #tpu.memory_space<semaphore_mem>>
      %dma_start3A_38 = tpu.memref_slice %arg3[%mul3A_15] : memref<320000xi32, #tpu.memory_space<hbm>> -> memref<10000xi32, #tpu.memory_space<hbm>>
      %dma_start3A_39 = tpu.memref_slice %arg3[%mul3A_15] : memref<320000xi32, #tpu.memory_space<hbm>> -> memref<10000xi32, #tpu.memory_space<hbm>>
      tpu.enqueue_dma source(%dma_start3A_39 : memref<10000xi32, #tpu.memory_space<hbm>>) target(%arg6 : memref<10000xi32, #tpu.memory_space<vmem>>) target_semaphore(%run_scoped3A_37 : memref<!tpu.dma_semaphore, #tpu.memory_space<semaphore_mem>>)
      %dma_wait3A_40 = tpu.memref_slice %arg3[%mul3A_15] : memref<320000xi32, #tpu.memory_space<hbm>> -> memref<10000xi32, #tpu.memory_space<hbm>>
      %dma_wait3A_41 = tpu.memref_slice %arg3[%mul3A_15] : memref<320000xi32, #tpu.memory_space<hbm>> -> memref<10000xi32, #tpu.memory_space<hbm>>
      tpu.wait_dma2 semaphore(%run_scoped3A_37 : memref<!tpu.dma_semaphore, #tpu.memory_space<semaphore_mem>>) src(%dma_wait3A_41 : memref<10000xi32, #tpu.memory_space<hbm>>) dst(%arg6 : memref<10000xi32, #tpu.memory_space<vmem>>)
      tpu.yield
    }) : () -> ()
    "tpu.region"() ({
      %run_scoped3A_37 = tpu.sem_alloc : memref<!tpu.dma_semaphore, #tpu.memory_space<semaphore_mem>>
      %dma_start3A_38 = arith.constant 0 : i32
      %dma_start3A_39 = arith.constant 0 : i32
      %dma_start3A_40 = tpu.memref_slice %arg4[%add3A, %dma_start3A_38, %dma_start3A_39] : memref<32x125x80xi32, #tpu.memory_space<hbm>> -> memref<1x125x80xi32, #tpu.memory_space<hbm>>
      %dma_start3A_41 = tpu.memref_squeeze %dma_start3A_40 : memref<1x125x80xi32, #tpu.memory_space<hbm>> -> memref<125x80xi32, #tpu.memory_space<hbm>>
      %dma_start3A_42 = arith.constant 0 : i32
      %dma_start3A_43 = arith.constant 0 : i32
      %dma_start3A_44 = tpu.memref_slice %arg4[%add3A, %dma_start3A_42, %dma_start3A_43] : memref<32x125x80xi32, #tpu.memory_space<hbm>> -> memref<1x125x80xi32, #tpu.memory_space<hbm>>
      %dma_start3A_45 = tpu.memref_squeeze %dma_start3A_44 : memref<1x125x80xi32, #tpu.memory_space<hbm>> -> memref<125x80xi32, #tpu.memory_space<hbm>>
      tpu.enqueue_dma source(%dma_start3A_45 : memref<125x80xi32, #tpu.memory_space<hbm>>) target(%arg7 : memref<125x80xi32, #tpu.memory_space<vmem>>) target_semaphore(%run_scoped3A_37 : memref<!tpu.dma_semaphore, #tpu.memory_space<semaphore_mem>>)
      %dma_wait3A_46 = arith.constant 0 : i32
      %dma_wait3A_47 = arith.constant 0 : i32
      %dma_wait3A_48 = tpu.memref_slice %arg4[%add3A, %dma_wait3A_46, %dma_wait3A_47] : memref<32x125x80xi32, #tpu.memory_space<hbm>> -> memref<1x125x80xi32, #tpu.memory_space<hbm>>
      %dma_wait3A_49 = tpu.memref_squeeze %dma_wait3A_48 : memref<1x125x80xi32, #tpu.memory_space<hbm>> -> memref<125x80xi32, #tpu.memory_space<hbm>>
      %dma_wait3A_50 = arith.constant 0 : i32
      %dma_wait3A_51 = arith.constant 0 : i32
      %dma_wait3A_52 = tpu.memref_slice %arg4[%add3A, %dma_wait3A_50, %dma_wait3A_51] : memref<32x125x80xi32, #tpu.memory_space<hbm>> -> memref<1x125x80xi32, #tpu.memory_space<hbm>>
      %dma_wait3A_53 = tpu.memref_squeeze %dma_wait3A_52 : memref<1x125x80xi32, #tpu.memory_space<hbm>> -> memref<125x80xi32, #tpu.memory_space<hbm>>
      tpu.wait_dma2 semaphore(%run_scoped3A_37 : memref<!tpu.dma_semaphore, #tpu.memory_space<semaphore_mem>>) src(%dma_wait3A_53 : memref<125x80xi32, #tpu.memory_space<hbm>>) dst(%arg7 : memref<125x80xi32, #tpu.memory_space<vmem>>)
      tpu.yield
    }) : () -> ()
    %barrier3A = arith.constant 0 : index
    tpu.barrier barrier_id(%barrier3A)
    %dma_start3A = arith.constant 0 : i32
    %dma_start3A_16 = tpu.memref_slice %arg6[%dma_start3A] : memref<10000xi32, #tpu.memory_space<vmem>> -> memref<80xi32, #tpu.memory_space<vmem>>
    %dma_start3A_17 = arith.constant 0 : i32
    %dma_start3A_18 = arith.constant 0 : i32
    %dma_start3A_19 = tpu.memref_slice %arg2[%dma_start3A_17, %dma_start3A_18] : memref<10000x128xf32, #tpu.memory_space<hbm>> -> memref<10000x128xf32, #tpu.memory_space<hbm>>
    tpu.enqueue_indirect_dma source(%dma_start3A_19 : memref<10000x128xf32, #tpu.memory_space<hbm>>) target(%arg8 : memref<80x128xf32, #tpu.memory_space<vmem>>) offsets(%dma_start3A_16 : memref<80xi32, #tpu.memory_space<vmem>>) semaphore(%arg11 : memref<!tpu.dma_semaphore, #tpu.memory_space<semaphore_mem>>)
    %scan3A_20 = arith.constant 0 : i32
    %scan3A_21 = arith.constant 0 : i32
    %scan3A_22 = arith.constant 62 : i32
    %scan3A_23 = arith.addi %scan3A_21, %scan3A_22 : i32
    %scan3A_24 = arith.constant 1 : i32
    scf.for %scan3A_37 = %scan3A_21 to %scan3A_23 step %scan3A_24  : i32 {
      %mul3A_38 = arith.constant 2 : i32
      %mul3A_39 = arith.muli %mul3A_38, %scan3A_37 : i32
      %add3A_40 = arith.constant 1 : i32
      %add3A_41 = arith.addi %mul3A_39, %add3A_40 : i32
      %mul3A_42 = arith.constant 80 : i32
      %mul3A_43 = arith.muli %add3A_41, %mul3A_42 : i32
      %dma_start3A_44 = tpu.memref_slice %arg6[%mul3A_43] : memref<10000xi32, #tpu.memory_space<vmem>> -> memref<80xi32, #tpu.memory_space<vmem>>
      %dma_start3A_45 = arith.constant 0 : i32
      %dma_start3A_46 = arith.constant 0 : i32
      %dma_start3A_47 = tpu.memref_slice %arg2[%dma_start3A_45, %dma_start3A_46] : memref<10000x128xf32, #tpu.memory_space<hbm>> -> memref<10000x128xf32, #tpu.memory_space<hbm>>
      tpu.enqueue_indirect_dma source(%dma_start3A_47 : memref<10000x128xf32, #tpu.memory_space<hbm>>) target(%arg9 : memref<80x128xf32, #tpu.memory_space<vmem>>) offsets(%dma_start3A_44 : memref<80xi32, #tpu.memory_space<vmem>>) semaphore(%arg12 : memref<!tpu.dma_semaphore, #tpu.memory_space<semaphore_mem>>)
      %dma_wait3A_48 = arith.constant 0 : i32
      %dma_wait3A_49 = tpu.memref_slice %arg6[%dma_wait3A_48] : memref<10000xi32, #tpu.memory_space<vmem>> -> memref<80xi32, #tpu.memory_space<vmem>>
      %dma_wait3A_50 = arith.constant 0 : i32
      %dma_wait3A_51 = arith.constant 0 : i32
      %dma_wait3A_52 = tpu.memref_slice %arg2[%dma_wait3A_50, %dma_wait3A_51] : memref<10000x128xf32, #tpu.memory_space<hbm>> -> memref<10000x128xf32, #tpu.memory_space<hbm>>
      tpu.wait_indirect_dma semaphore(%arg11 : memref<!tpu.dma_semaphore, #tpu.memory_space<semaphore_mem>>) src(%dma_wait3A_52 : memref<10000x128xf32, #tpu.memory_space<hbm>>) dst(%arg8 : memref<80x128xf32, #tpu.memory_space<vmem>>)
      "tpu.region"() ({
        %run_scoped3A_68 = tpu.sem_alloc : memref<!tpu.dma_semaphore, #tpu.memory_space<semaphore_mem>>
        %dma_start3A_69 = arith.constant 0 : i32
        %dma_start3A_70 = tpu.memref_slice %arg7[%mul3A_39, %dma_start3A_69] : memref<125x80xi32, #tpu.memory_space<vmem>> -> memref<1x80xi32, #tpu.memory_space<vmem>>
        %dma_start3A_71 = tpu.memref_squeeze %dma_start3A_70 : memref<1x80xi32, #tpu.memory_space<vmem>> -> memref<80xi32, #tpu.memory_space<vmem>>
        %dma_start3A_72 = arith.constant 0 : i32
        %dma_start3A_73 = arith.constant 0 : i32
        %dma_start3A_74 = tpu.memref_slice %arg10[%dma_start3A_72, %dma_start3A_73] : memref<10240x128xf32, #tpu.memory_space<vmem_shared>> -> memref<10240x128xf32, #tpu.memory_space<vmem_shared>>
        tpu.enqueue_indirect_dma source(%arg8 : memref<80x128xf32, #tpu.memory_space<vmem>>) target(%dma_start3A_74 : memref<10240x128xf32, #tpu.memory_space<vmem_shared>>) offsets(%dma_start3A_71 : memref<80xi32, #tpu.memory_space<vmem>>) semaphore(%run_scoped3A_68 : memref<!tpu.dma_semaphore, #tpu.memory_space<semaphore_mem>>) {add = true}
        %dma_wait3A_75 = arith.constant 0 : i32
        %dma_wait3A_76 = tpu.memref_slice %arg7[%mul3A_39, %dma_wait3A_75] : memref<125x80xi32, #tpu.memory_space<vmem>> -> memref<1x80xi32, #tpu.memory_space<vmem>>
        %dma_wait3A_77 = tpu.memref_squeeze %dma_wait3A_76 : memref<1x80xi32, #tpu.memory_space<vmem>> -> memref<80xi32, #tpu.memory_space<vmem>>
        %dma_wait3A_78 = arith.constant 0 : i32
        %dma_wait3A_79 = arith.constant 0 : i32
        %dma_wait3A_80 = tpu.memref_slice %arg10[%dma_wait3A_78, %dma_wait3A_79] : memref<10240x128xf32, #tpu.memory_space<vmem_shared>> -> memref<10240x128xf32, #tpu.memory_space<vmem_shared>>
        tpu.wait_indirect_dma semaphore(%run_scoped3A_68 : memref<!tpu.dma_semaphore, #tpu.memory_space<semaphore_mem>>) src(%arg8 : memref<80x128xf32, #tpu.memory_space<vmem>>) dst(%dma_wait3A_80 : memref<10240x128xf32, #tpu.memory_space<vmem_shared>>)
        tpu.yield
      }) : () -> ()
      %add3A_53 = arith.constant 2 : i32
      %add3A_54 = arith.addi %mul3A_39, %add3A_53 : i32
      %mul3A_55 = arith.constant 80 : i32
      %mul3A_56 = arith.muli %add3A_54, %mul3A_55 : i32
      %dma_start3A_57 = tpu.memref_slice %arg6[%mul3A_56] : memref<10000xi32, #tpu.memory_space<vmem>> -> memref<80xi32, #tpu.memory_space<vmem>>
      %dma_start3A_58 = arith.constant 0 : i32
      %dma_start3A_59 = arith.constant 0 : i32
      %dma_start3A_60 = tpu.memref_slice %arg2[%dma_start3A_58, %dma_start3A_59] : memref<10000x128xf32, #tpu.memory_space<hbm>> -> memref<10000x128xf32, #tpu.memory_space<hbm>>
      tpu.enqueue_indirect_dma source(%dma_start3A_60 : memref<10000x128xf32, #tpu.memory_space<hbm>>) target(%arg8 : memref<80x128xf32, #tpu.memory_space<vmem>>) offsets(%dma_start3A_57 : memref<80xi32, #tpu.memory_space<vmem>>) semaphore(%arg11 : memref<!tpu.dma_semaphore, #tpu.memory_space<semaphore_mem>>)
      %dma_wait3A_61 = arith.constant 0 : i32
      %dma_wait3A_62 = tpu.memref_slice %arg6[%dma_wait3A_61] : memref<10000xi32, #tpu.memory_space<vmem>> -> memref<80xi32, #tpu.memory_space<vmem>>
      %dma_wait3A_63 = arith.constant 0 : i32
      %dma_wait3A_64 = arith.constant 0 : i32
      %dma_wait3A_65 = tpu.memref_slice %arg2[%dma_wait3A_63, %dma_wait3A_64] : memref<10000x128xf32, #tpu.memory_space<hbm>> -> memref<10000x128xf32, #tpu.memory_space<hbm>>
      tpu.wait_indirect_dma semaphore(%arg12 : memref<!tpu.dma_semaphore, #tpu.memory_space<semaphore_mem>>) src(%dma_wait3A_65 : memref<10000x128xf32, #tpu.memory_space<hbm>>) dst(%arg9 : memref<80x128xf32, #tpu.memory_space<vmem>>)
      %add3A_66 = arith.constant 1 : i32
      %add3A_67 = arith.addi %mul3A_39, %add3A_66 : i32
      "tpu.region"() ({
        %run_scoped3A_68 = tpu.sem_alloc : memref<!tpu.dma_semaphore, #tpu.memory_space<semaphore_mem>>
        %dma_start3A_69 = arith.constant 0 : i32
        %dma_start3A_70 = tpu.memref_slice %arg7[%add3A_67, %dma_start3A_69] : memref<125x80xi32, #tpu.memory_space<vmem>> -> memref<1x80xi32, #tpu.memory_space<vmem>>
        %dma_start3A_71 = tpu.memref_squeeze %dma_start3A_70 : memref<1x80xi32, #tpu.memory_space<vmem>> -> memref<80xi32, #tpu.memory_space<vmem>>
        %dma_start3A_72 = arith.constant 0 : i32
        %dma_start3A_73 = arith.constant 0 : i32
        %dma_start3A_74 = tpu.memref_slice %arg10[%dma_start3A_72, %dma_start3A_73] : memref<10240x128xf32, #tpu.memory_space<vmem_shared>> -> memref<10240x128xf32, #tpu.memory_space<vmem_shared>>
        tpu.enqueue_indirect_dma source(%arg9 : memref<80x128xf32, #tpu.memory_space<vmem>>) target(%dma_start3A_74 : memref<10240x128xf32, #tpu.memory_space<vmem_shared>>) offsets(%dma_start3A_71 : memref<80xi32, #tpu.memory_space<vmem>>) semaphore(%run_scoped3A_68 : memref<!tpu.dma_semaphore, #tpu.memory_space<semaphore_mem>>) {add = true}
        %dma_wait3A_75 = arith.constant 0 : i32
        %dma_wait3A_76 = tpu.memref_slice %arg7[%add3A_67, %dma_wait3A_75] : memref<125x80xi32, #tpu.memory_space<vmem>> -> memref<1x80xi32, #tpu.memory_space<vmem>>
        %dma_wait3A_77 = tpu.memref_squeeze %dma_wait3A_76 : memref<1x80xi32, #tpu.memory_space<vmem>> -> memref<80xi32, #tpu.memory_space<vmem>>
        %dma_wait3A_78 = arith.constant 0 : i32
        %dma_wait3A_79 = arith.constant 0 : i32
        %dma_wait3A_80 = tpu.memref_slice %arg10[%dma_wait3A_78, %dma_wait3A_79] : memref<10240x128xf32, #tpu.memory_space<vmem_shared>> -> memref<10240x128xf32, #tpu.memory_space<vmem_shared>>
        tpu.wait_indirect_dma semaphore(%run_scoped3A_68 : memref<!tpu.dma_semaphore, #tpu.memory_space<semaphore_mem>>) src(%arg9 : memref<80x128xf32, #tpu.memory_space<vmem>>) dst(%dma_wait3A_80 : memref<10240x128xf32, #tpu.memory_space<vmem_shared>>)
        tpu.yield
      }) : () -> ()
    }
    %scan3A_25 = arith.constant 62 : i32
    %dma_wait3A = arith.constant 0 : i32
    %dma_wait3A_26 = tpu.memref_slice %arg6[%dma_wait3A] : memref<10000xi32, #tpu.memory_space<vmem>> -> memref<80xi32, #tpu.memory_space<vmem>>
    %dma_wait3A_27 = arith.constant 0 : i32
    %dma_wait3A_28 = arith.constant 0 : i32
    %dma_wait3A_29 = tpu.memref_slice %arg2[%dma_wait3A_27, %dma_wait3A_28] : memref<10000x128xf32, #tpu.memory_space<hbm>> -> memref<10000x128xf32, #tpu.memory_space<hbm>>
    tpu.wait_indirect_dma semaphore(%arg11 : memref<!tpu.dma_semaphore, #tpu.memory_space<semaphore_mem>>) src(%dma_wait3A_29 : memref<10000x128xf32, #tpu.memory_space<hbm>>) dst(%arg8 : memref<80x128xf32, #tpu.memory_space<vmem>>)
    %run_scoped3A = arith.constant 124 : i32
    "tpu.region"() ({
      %run_scoped3A_37 = tpu.sem_alloc : memref<!tpu.dma_semaphore, #tpu.memory_space<semaphore_mem>>
      %dma_start3A_38 = arith.constant 0 : i32
      %dma_start3A_39 = tpu.memref_slice %arg7[%run_scoped3A, %dma_start3A_38] : memref<125x80xi32, #tpu.memory_space<vmem>> -> memref<1x80xi32, #tpu.memory_space<vmem>>
      %dma_start3A_40 = tpu.memref_squeeze %dma_start3A_39 : memref<1x80xi32, #tpu.memory_space<vmem>> -> memref<80xi32, #tpu.memory_space<vmem>>
      %dma_start3A_41 = arith.constant 0 : i32
      %dma_start3A_42 = arith.constant 0 : i32
      %dma_start3A_43 = tpu.memref_slice %arg10[%dma_start3A_41, %dma_start3A_42] : memref<10240x128xf32, #tpu.memory_space<vmem_shared>> -> memref<10240x128xf32, #tpu.memory_space<vmem_shared>>
      tpu.enqueue_indirect_dma source(%arg8 : memref<80x128xf32, #tpu.memory_space<vmem>>) target(%dma_start3A_43 : memref<10240x128xf32, #tpu.memory_space<vmem_shared>>) offsets(%dma_start3A_40 : memref<80xi32, #tpu.memory_space<vmem>>) semaphore(%run_scoped3A_37 : memref<!tpu.dma_semaphore, #tpu.memory_space<semaphore_mem>>) {add = true}
      %dma_wait3A_44 = arith.constant 0 : i32
      %dma_wait3A_45 = tpu.memref_slice %arg7[%run_scoped3A, %dma_wait3A_44] : memref<125x80xi32, #tpu.memory_space<vmem>> -> memref<1x80xi32, #tpu.memory_space<vmem>>
      %dma_wait3A_46 = tpu.memref_squeeze %dma_wait3A_45 : memref<1x80xi32, #tpu.memory_space<vmem>> -> memref<80xi32, #tpu.memory_space<vmem>>
      %dma_wait3A_47 = arith.constant 0 : i32
      %dma_wait3A_48 = arith.constant 0 : i32
      %dma_wait3A_49 = tpu.memref_slice %arg10[%dma_wait3A_47, %dma_wait3A_48] : memref<10240x128xf32, #tpu.memory_space<vmem_shared>> -> memref<10240x128xf32, #tpu.memory_space<vmem_shared>>
      tpu.wait_indirect_dma semaphore(%run_scoped3A_37 : memref<!tpu.dma_semaphore, #tpu.memory_space<semaphore_mem>>) src(%arg8 : memref<80x128xf32, #tpu.memory_space<vmem>>) dst(%dma_wait3A_49 : memref<10240x128xf32, #tpu.memory_space<vmem_shared>>)
      tpu.yield
    }) : () -> ()
    %barrier3A_30 = arith.constant 0 : index
    tpu.barrier barrier_id(%barrier3A_30)
    %scan3A_31 = arith.constant 0 : i32
    %scan3A_32 = arith.constant 0 : i32
    %scan3A_33 = arith.constant 8 : i32
    %scan3A_34 = arith.addi %scan3A_32, %scan3A_33 : i32
    %scan3A_35 = arith.constant 1 : i32
    scf.for %scan3A_37 = %scan3A_32 to %scan3A_34 step %scan3A_35  : i32 {
      %mul3A_38 = arith.constant 80 : i32
      %mul3A_39 = arith.muli %scan3A_37, %mul3A_38 : i32
      %add3A_40 = arith.addi %mul3A_2, %mul3A_39 : i32
      "tpu.region"() ({
        %run_scoped3A_41 = tpu.sem_alloc : memref<!tpu.dma_semaphore, #tpu.memory_space<semaphore_mem>>
        %dma_start3A_42 = arith.constant 0 : i32
        %dma_start3A_43 = tpu.memref_slice %arg10[%add3A_40, %dma_start3A_42] : memref<10240x128xf32, #tpu.memory_space<vmem_shared>> -> memref<80x128xf32, #tpu.memory_space<vmem_shared>>
        %dma_start3A_44 = arith.constant 0 : i32
        %dma_start3A_45 = tpu.memref_slice %arg10[%add3A_40, %dma_start3A_44] : memref<10240x128xf32, #tpu.memory_space<vmem_shared>> -> memref<80x128xf32, #tpu.memory_space<vmem_shared>>
        tpu.enqueue_dma source(%dma_start3A_45 : memref<80x128xf32, #tpu.memory_space<vmem_shared>>) target(%arg8 : memref<80x128xf32, #tpu.memory_space<vmem>>) target_semaphore(%run_scoped3A_41 : memref<!tpu.dma_semaphore, #tpu.memory_space<semaphore_mem>>)
        %dma_wait3A_46 = arith.constant 0 : i32
        %dma_wait3A_47 = tpu.memref_slice %arg10[%add3A_40, %dma_wait3A_46] : memref<10240x128xf32, #tpu.memory_space<vmem_shared>> -> memref<80x128xf32, #tpu.memory_space<vmem_shared>>
        %dma_wait3A_48 = arith.constant 0 : i32
        %dma_wait3A_49 = tpu.memref_slice %arg10[%add3A_40, %dma_wait3A_48] : memref<10240x128xf32, #tpu.memory_space<vmem_shared>> -> memref<80x128xf32, #tpu.memory_space<vmem_shared>>
        tpu.wait_dma2 semaphore(%run_scoped3A_41 : memref<!tpu.dma_semaphore, #tpu.memory_space<semaphore_mem>>) src(%dma_wait3A_49 : memref<80x128xf32, #tpu.memory_space<vmem_shared>>) dst(%arg8 : memref<80x128xf32, #tpu.memory_space<vmem>>)
        tpu.yield
      }) : () -> ()
      "tpu.region"() ({
        %run_scoped3A_41 = tpu.sem_alloc : memref<!tpu.dma_semaphore, #tpu.memory_space<semaphore_mem>>
        %dma_start3A_42 = arith.constant 0 : i32
        %dma_start3A_43 = tpu.memref_slice %arg5[%arg0, %add3A_40, %dma_start3A_42] : memref<2x10240x128xf32, #tpu.memory_space<hbm>> -> memref<1x80x128xf32, #tpu.memory_space<hbm>>
        %dma_start3A_44 = tpu.memref_squeeze %dma_start3A_43 : memref<1x80x128xf32, #tpu.memory_space<hbm>> -> memref<80x128xf32, #tpu.memory_space<hbm>>
        %dma_start3A_45 = arith.constant 0 : i32
        %dma_start3A_46 = tpu.memref_slice %arg5[%arg0, %add3A_40, %dma_start3A_45] : memref<2x10240x128xf32, #tpu.memory_space<hbm>> -> memref<1x80x128xf32, #tpu.memory_space<hbm>>
        %dma_start3A_47 = tpu.memref_squeeze %dma_start3A_46 : memref<1x80x128xf32, #tpu.memory_space<hbm>> -> memref<80x128xf32, #tpu.memory_space<hbm>>
        tpu.enqueue_dma source(%arg8 : memref<80x128xf32, #tpu.memory_space<vmem>>) target(%dma_start3A_47 : memref<80x128xf32, #tpu.memory_space<hbm>>) target_semaphore(%run_scoped3A_41 : memref<!tpu.dma_semaphore, #tpu.memory_space<semaphore_mem>>)
        %dma_wait3A_48 = arith.constant 0 : i32
        %dma_wait3A_49 = tpu.memref_slice %arg5[%arg0, %add3A_40, %dma_wait3A_48] : memref<2x10240x128xf32, #tpu.memory_space<hbm>> -> memref<1x80x128xf32, #tpu.memory_space<hbm>>
        %dma_wait3A_50 = tpu.memref_squeeze %dma_wait3A_49 : memref<1x80x128xf32, #tpu.memory_space<hbm>> -> memref<80x128xf32, #tpu.memory_space<hbm>>
        %dma_wait3A_51 = arith.constant 0 : i32
        %dma_wait3A_52 = tpu.memref_slice %arg5[%arg0, %add3A_40, %dma_wait3A_51] : memref<2x10240x128xf32, #tpu.memory_space<hbm>> -> memref<1x80x128xf32, #tpu.memory_space<hbm>>
        %dma_wait3A_53 = tpu.memref_squeeze %dma_wait3A_52 : memref<1x80x128xf32, #tpu.memory_space<hbm>> -> memref<80x128xf32, #tpu.memory_space<hbm>>
        tpu.wait_dma2 semaphore(%run_scoped3A_41 : memref<!tpu.dma_semaphore, #tpu.memory_space<semaphore_mem>>) src(%arg8 : memref<80x128xf32, #tpu.memory_space<vmem>>) dst(%dma_wait3A_53 : memref<80x128xf32, #tpu.memory_space<hbm>>)
        tpu.yield
      }) : () -> ()
    }
    %scan3A_36 = arith.constant 8 : i32
    return
  }
}

#map = affine_map<(d0, d1) -> (0, 0)>
#map1 = affine_map<(d0, d1) -> (0)>
#map2 = affine_map<(d0, d1) -> (0, 0, 0)>
module attributes {stable_mosaic.version = 14 : i64} {
  func.func @body(%arg0: i32, %arg1: i32, %arg2: memref<10000x128xf32, #tpu.memory_space<hbm>>, %arg3: memref<320000xi32, #tpu.memory_space<hbm>>, %arg4: memref<32x125x80xi32, #tpu.memory_space<hbm>>, %arg5: memref<2x10240x128xf32, #tpu.memory_space<hbm>>, %arg6: memref<10000xi32, #tpu.memory_space<vmem>>, %arg7: memref<125x80xi32, #tpu.memory_space<vmem>>, %arg8: memref<80x128xf32, #tpu.memory_space<vmem>>, %arg9: memref<80x128xf32, #tpu.memory_space<vmem>>, %arg10: memref<10240x128xf32, #tpu.memory_space<vmem_shared>>, %arg11: memref<!tpu.dma_semaphore, #tpu.memory_space<semaphore_mem>>, %arg12: memref<!tpu.dma_semaphore, #tpu.memory_space<semaphore_mem>>) attributes {dimension_semantics = [#tpu.dimension_semantics<core_parallel>, #tpu.dimension_semantics<subcore_parallel>], iteration_bounds = array<i64: 2, 16>, scalar_prefetch = 0 : i64, scratch_operands = 7 : i64, tpu.core_type = #tpu.core_type<sc_vector_subcore>, window_params = [{transform_indices = #map}, {transform_indices = #map1}, {transform_indices = #map2}, {transform_indices = #map2}]} {
    %mul3A = arith.constant 2 : i32
    %mul3A_0 = arith.muli %arg1, %mul3A : i32
    %add3A = arith.addi %mul3A_0, %arg0 : i32
    %mul3A_1 = arith.constant 640 : i32
    %mul3A_2 = arith.muli %arg1, %mul3A_1 : i32
    %scan3A = arith.constant 0 : i32
    %scan3A_3 = arith.constant 0 : i32
    %scan3A_4 = arith.constant 80 : i32
    %scan3A_5 = arith.addi %scan3A_3, %scan3A_4 : i32
    %scan3A_6 = arith.constant 1 : i32
    scf.for %scan3A_37 = %scan3A_3 to %scan3A_5 step %scan3A_6  : i32 {
      %broadcast_in_dim3A = arith.constant 0.000000e+00 : f32
      %broadcast_in_dim3A_38 = vector.broadcast %broadcast_in_dim3A : f32 to vector<16xf32>
      %swap3A = arith.index_cast %scan3A_37 : i32 to index
      %swap3A_39 = arith.constant 0 : index
      %swap3A_40 = tpu.vector_load %arg8[%swap3A, %swap3A_39] {strides = array<i32>} : memref<80x128xf32, #tpu.memory_space<vmem>>, vector<1x16xf32>,
      %swap3A_41 = vector.shape_cast %swap3A_40 : vector<1x16xf32> to vector<16xf32>
      %swap3A_42 = vector.shape_cast %broadcast_in_dim3A_38 : vector<16xf32> to vector<1x16xf32>
      tpu.vector_store %arg8[%swap3A, %swap3A_39], %swap3A_42 {strides = array<i32>} : memref<80x128xf32, #tpu.memory_space<vmem>>, vector<1x16xf32>,
      %broadcast_in_dim3A_43 = arith.constant 0.000000e+00 : f32
      %broadcast_in_dim3A_44 = vector.broadcast %broadcast_in_dim3A_43 : f32 to vector<16xf32>
      %swap3A_45 = arith.index_cast %scan3A_37 : i32 to index
      %swap3A_46 = arith.constant 16 : index
      %swap3A_47 = tpu.vector_load %arg8[%swap3A_45, %swap3A_46] {strides = array<i32>} : memref<80x128xf32, #tpu.memory_space<vmem>>, vector<1x16xf32>,
      %swap3A_48 = vector.shape_cast %swap3A_47 : vector<1x16xf32> to vector<16xf32>
      %swap3A_49 = vector.shape_cast %broadcast_in_dim3A_44 : vector<16xf32> to vector<1x16xf32>
      tpu.vector_store %arg8[%swap3A_45, %swap3A_46], %swap3A_49 {strides = array<i32>} : memref<80x128xf32, #tpu.memory_space<vmem>>, vector<1x16xf32>,
      %broadcast_in_dim3A_50 = arith.constant 0.000000e+00 : f32
      %broadcast_in_dim3A_51 = vector.broadcast %broadcast_in_dim3A_50 : f32 to vector<16xf32>
      %swap3A_52 = arith.index_cast %scan3A_37 : i32 to index
      %swap3A_53 = arith.constant 32 : index
      %swap3A_54 = tpu.vector_load %arg8[%swap3A_52, %swap3A_53] {strides = array<i32>} : memref<80x128xf32, #tpu.memory_space<vmem>>, vector<1x16xf32>,
      %swap3A_55 = vector.shape_cast %swap3A_54 : vector<1x16xf32> to vector<16xf32>
      %swap3A_56 = vector.shape_cast %broadcast_in_dim3A_51 : vector<16xf32> to vector<1x16xf32>
      tpu.vector_store %arg8[%swap3A_52, %swap3A_53], %swap3A_56 {strides = array<i32>} : memref<80x128xf32, #tpu.memory_space<vmem>>, vector<1x16xf32>,
      %broadcast_in_dim3A_57 = arith.constant 0.000000e+00 : f32
      %broadcast_in_dim3A_58 = vector.broadcast %broadcast_in_dim3A_57 : f32 to vector<16xf32>
      %swap3A_59 = arith.index_cast %scan3A_37 : i32 to index
      %swap3A_60 = arith.constant 48 : index
      %swap3A_61 = tpu.vector_load %arg8[%swap3A_59, %swap3A_60] {strides = array<i32>} : memref<80x128xf32, #tpu.memory_space<vmem>>, vector<1x16xf32>,
      %swap3A_62 = vector.shape_cast %swap3A_61 : vector<1x16xf32> to vector<16xf32>
      %swap3A_63 = vector.shape_cast %broadcast_in_dim3A_58 : vector<16xf32> to vector<1x16xf32>
      tpu.vector_store %arg8[%swap3A_59, %swap3A_60], %swap3A_63 {strides = array<i32>} : memref<80x128xf32, #tpu.memory_space<vmem>>, vector<1x16xf32>,
      %broadcast_in_dim3A_64 = arith.constant 0.000000e+00 : f32
      %broadcast_in_dim3A_65 = vector.broadcast %broadcast_in_dim3A_64 : f32 to vector<16xf32>
      %swap3A_66 = arith.index_cast %scan3A_37 : i32 to index
      %swap3A_67 = arith.constant 64 : index
      %swap3A_68 = tpu.vector_load %arg8[%swap3A_66, %swap3A_67] {strides = array<i32>} : memref<80x128xf32, #tpu.memory_space<vmem>>, vector<1x16xf32>,
      %swap3A_69 = vector.shape_cast %swap3A_68 : vector<1x16xf32> to vector<16xf32>
      %swap3A_70 = vector.shape_cast %broadcast_in_dim3A_65 : vector<16xf32> to vector<1x16xf32>
      tpu.vector_store %arg8[%swap3A_66, %swap3A_67], %swap3A_70 {strides = array<i32>} : memref<80x128xf32, #tpu.memory_space<vmem>>, vector<1x16xf32>,
      %broadcast_in_dim3A_71 = arith.constant 0.000000e+00 : f32
      %broadcast_in_dim3A_72 = vector.broadcast %broadcast_in_dim3A_71 : f32 to vector<16xf32>
      %swap3A_73 = arith.index_cast %scan3A_37 : i32 to index
      %swap3A_74 = arith.constant 80 : index
      %swap3A_75 = tpu.vector_load %arg8[%swap3A_73, %swap3A_74] {strides = array<i32>} : memref<80x128xf32, #tpu.memory_space<vmem>>, vector<1x16xf32>,
      %swap3A_76 = vector.shape_cast %swap3A_75 : vector<1x16xf32> to vector<16xf32>
      %swap3A_77 = vector.shape_cast %broadcast_in_dim3A_72 : vector<16xf32> to vector<1x16xf32>
      tpu.vector_store %arg8[%swap3A_73, %swap3A_74], %swap3A_77 {strides = array<i32>} : memref<80x128xf32, #tpu.memory_space<vmem>>, vector<1x16xf32>,
      %broadcast_in_dim3A_78 = arith.constant 0.000000e+00 : f32
      %broadcast_in_dim3A_79 = vector.broadcast %broadcast_in_dim3A_78 : f32 to vector<16xf32>
      %swap3A_80 = arith.index_cast %scan3A_37 : i32 to index
      %swap3A_81 = arith.constant 96 : index
      %swap3A_82 = tpu.vector_load %arg8[%swap3A_80, %swap3A_81] {strides = array<i32>} : memref<80x128xf32, #tpu.memory_space<vmem>>, vector<1x16xf32>,
      %swap3A_83 = vector.shape_cast %swap3A_82 : vector<1x16xf32> to vector<16xf32>
      %swap3A_84 = vector.shape_cast %broadcast_in_dim3A_79 : vector<16xf32> to vector<1x16xf32>
      tpu.vector_store %arg8[%swap3A_80, %swap3A_81], %swap3A_84 {strides = array<i32>} : memref<80x128xf32, #tpu.memory_space<vmem>>, vector<1x16xf32>,
      %broadcast_in_dim3A_85 = arith.constant 0.000000e+00 : f32
      %broadcast_in_dim3A_86 = vector.broadcast %broadcast_in_dim3A_85 : f32 to vector<16xf32>
      %swap3A_87 = arith.index_cast %scan3A_37 : i32 to index
      %swap3A_88 = arith.constant 112 : index
      %swap3A_89 = tpu.vector_load %arg8[%swap3A_87, %swap3A_88] {strides = array<i32>} : memref<80x128xf32, #tpu.memory_space<vmem>>, vector<1x16xf32>,
      %swap3A_90 = vector.shape_cast %swap3A_89 : vector<1x16xf32> to vector<16xf32>
      %swap3A_91 = vector.shape_cast %broadcast_in_dim3A_86 : vector<16xf32> to vector<1x16xf32>
      tpu.vector_store %arg8[%swap3A_87, %swap3A_88], %swap3A_91 {strides = array<i32>} : memref<80x128xf32, #tpu.memory_space<vmem>>, vector<1x16xf32>,
    }
    %scan3A_7 = arith.constant 80 : i32
    %scan3A_8 = arith.constant 0 : i32
    %scan3A_9 = arith.constant 0 : i32
    %scan3A_10 = arith.constant 8 : i32
    %scan3A_11 = arith.addi %scan3A_9, %scan3A_10 : i32
    %scan3A_12 = arith.constant 1 : i32
    scf.for %scan3A_37 = %scan3A_9 to %scan3A_11 step %scan3A_12  : i32 {
      %mul3A_38 = arith.constant 80 : i32
      %mul3A_39 = arith.muli %scan3A_37, %mul3A_38 : i32
      %add3A_40 = arith.addi %mul3A_2, %mul3A_39 : i32
      "tpu.region"() ({
        %run_scoped3A_41 = tpu.sem_alloc : memref<!tpu.dma_semaphore, #tpu.memory_space<semaphore_mem>>
        %dma_start3A_42 = arith.constant 0 : i32
        %dma_start3A_43 = tpu.memref_slice %arg10[%add3A_40, %dma_start3A_42] : memref<10240x128xf32, #tpu.memory_space<vmem_shared>> -> memref<80x128xf32, #tpu.memory_space<vmem_shared>>
        %dma_start3A_44 = arith.constant 0 : i32
        %dma_start3A_45 = tpu.memref_slice %arg10[%add3A_40, %dma_start3A_44] : memref<10240x128xf32, #tpu.memory_space<vmem_shared>> -> memref<80x128xf32, #tpu.memory_space<vmem_shared>>
        tpu.enqueue_dma source(%arg8 : memref<80x128xf32, #tpu.memory_space<vmem>>) target(%dma_start3A_45 : memref<80x128xf32, #tpu.memory_space<vmem_shared>>) target_semaphore(%run_scoped3A_41 : memref<!tpu.dma_semaphore, #tpu.memory_space<semaphore_mem>>)
        %dma_wait3A_46 = arith.constant 0 : i32
        %dma_wait3A_47 = tpu.memref_slice %arg10[%add3A_40, %dma_wait3A_46] : memref<10240x128xf32, #tpu.memory_space<vmem_shared>> -> memref<80x128xf32, #tpu.memory_space<vmem_shared>>
        %dma_wait3A_48 = arith.constant 0 : i32
        %dma_wait3A_49 = tpu.memref_slice %arg10[%add3A_40, %dma_wait3A_48] : memref<10240x128xf32, #tpu.memory_space<vmem_shared>> -> memref<80x128xf32, #tpu.memory_space<vmem_shared>>
        tpu.wait_dma2 semaphore(%run_scoped3A_41 : memref<!tpu.dma_semaphore, #tpu.memory_space<semaphore_mem>>) src(%arg8 : memref<80x128xf32, #tpu.memory_space<vmem>>) dst(%dma_wait3A_49 : memref<80x128xf32, #tpu.memory_space<vmem_shared>>)
        tpu.yield
      }) : () -> ()
    }
    %scan3A_13 = arith.constant 8 : i32
    %mul3A_14 = arith.constant 10000 : i32
    %mul3A_15 = arith.muli %add3A, %mul3A_14 : i32
    "tpu.region"() ({
      %run_scoped3A_37 = tpu.sem_alloc : memref<!tpu.dma_semaphore, #tpu.memory_space<semaphore_mem>>
      %dma_start3A_38 = tpu.memref_slice %arg3[%mul3A_15] : memref<320000xi32, #tpu.memory_space<hbm>> -> memref<10000xi32, #tpu.memory_space<hbm>>
      %dma_start3A_39 = tpu.memref_slice %arg3[%mul3A_15] : memref<320000xi32, #tpu.memory_space<hbm>> -> memref<10000xi32, #tpu.memory_space<hbm>>
      tpu.enqueue_dma source(%dma_start3A_39 : memref<10000xi32, #tpu.memory_space<hbm>>) target(%arg6 : memref<10000xi32, #tpu.memory_space<vmem>>) target_semaphore(%run_scoped3A_37 : memref<!tpu.dma_semaphore, #tpu.memory_space<semaphore_mem>>)
      %dma_wait3A_40 = tpu.memref_slice %arg3[%mul3A_15] : memref<320000xi32, #tpu.memory_space<hbm>> -> memref<10000xi32, #tpu.memory_space<hbm>>
      %dma_wait3A_41 = tpu.memref_slice %arg3[%mul3A_15] : memref<320000xi32, #tpu.memory_space<hbm>> -> memref<10000xi32, #tpu.memory_space<hbm>>
      tpu.wait_dma2 semaphore(%run_scoped3A_37 : memref<!tpu.dma_semaphore, #tpu.memory_space<semaphore_mem>>) src(%dma_wait3A_41 : memref<10000xi32, #tpu.memory_space<hbm>>) dst(%arg6 : memref<10000xi32, #tpu.memory_space<vmem>>)
      tpu.yield
    }) : () -> ()
    "tpu.region"() ({
      %run_scoped3A_37 = tpu.sem_alloc : memref<!tpu.dma_semaphore, #tpu.memory_space<semaphore_mem>>
      %dma_start3A_38 = arith.constant 0 : i32
      %dma_start3A_39 = arith.constant 0 : i32
      %dma_start3A_40 = tpu.memref_slice %arg4[%add3A, %dma_start3A_38, %dma_start3A_39] : memref<32x125x80xi32, #tpu.memory_space<hbm>> -> memref<1x125x80xi32, #tpu.memory_space<hbm>>
      %dma_start3A_41 = tpu.memref_squeeze %dma_start3A_40 : memref<1x125x80xi32, #tpu.memory_space<hbm>> -> memref<125x80xi32, #tpu.memory_space<hbm>>
      %dma_start3A_42 = arith.constant 0 : i32
      %dma_start3A_43 = arith.constant 0 : i32
      %dma_start3A_44 = tpu.memref_slice %arg4[%add3A, %dma_start3A_42, %dma_start3A_43] : memref<32x125x80xi32, #tpu.memory_space<hbm>> -> memref<1x125x80xi32, #tpu.memory_space<hbm>>
      %dma_start3A_45 = tpu.memref_squeeze %dma_start3A_44 : memref<1x125x80xi32, #tpu.memory_space<hbm>> -> memref<125x80xi32, #tpu.memory_space<hbm>>
      tpu.enqueue_dma source(%dma_start3A_45 : memref<125x80xi32, #tpu.memory_space<hbm>>) target(%arg7 : memref<125x80xi32, #tpu.memory_space<vmem>>) target_semaphore(%run_scoped3A_37 : memref<!tpu.dma_semaphore, #tpu.memory_space<semaphore_mem>>)
      %dma_wait3A_46 = arith.constant 0 : i32
      %dma_wait3A_47 = arith.constant 0 : i32
      %dma_wait3A_48 = tpu.memref_slice %arg4[%add3A, %dma_wait3A_46, %dma_wait3A_47] : memref<32x125x80xi32, #tpu.memory_space<hbm>> -> memref<1x125x80xi32, #tpu.memory_space<hbm>>
      %dma_wait3A_49 = tpu.memref_squeeze %dma_wait3A_48 : memref<1x125x80xi32, #tpu.memory_space<hbm>> -> memref<125x80xi32, #tpu.memory_space<hbm>>
      %dma_wait3A_50 = arith.constant 0 : i32
      %dma_wait3A_51 = arith.constant 0 : i32
      %dma_wait3A_52 = tpu.memref_slice %arg4[%add3A, %dma_wait3A_50, %dma_wait3A_51] : memref<32x125x80xi32, #tpu.memory_space<hbm>> -> memref<1x125x80xi32, #tpu.memory_space<hbm>>
      %dma_wait3A_53 = tpu.memref_squeeze %dma_wait3A_52 : memref<1x125x80xi32, #tpu.memory_space<hbm>> -> memref<125x80xi32, #tpu.memory_space<hbm>>
      tpu.wait_dma2 semaphore(%run_scoped3A_37 : memref<!tpu.dma_semaphore, #tpu.memory_space<semaphore_mem>>) src(%dma_wait3A_53 : memref<125x80xi32, #tpu.memory_space<hbm>>) dst(%arg7 : memref<125x80xi32, #tpu.memory_space<vmem>>)
      tpu.yield
    }) : () -> ()
    %barrier3A = arith.constant 0 : index
    tpu.barrier barrier_id(%barrier3A)
    %dma_start3A = arith.constant 0 : i32
    %dma_start3A_16 = tpu.memref_slice %arg6[%dma_start3A] : memref<10000xi32, #tpu.memory_space<vmem>> -> memref<80xi32, #tpu.memory_space<vmem>>
    %dma_start3A_17 = arith.constant 0 : i32
    %dma_start3A_18 = arith.constant 0 : i32
    %dma_start3A_19 = tpu.memref_slice %arg2[%dma_start3A_17, %dma_start3A_18] : memref<10000x128xf32, #tpu.memory_space<hbm>> -> memref<10000x128xf32, #tpu.memory_space<hbm>>
    tpu.enqueue_indirect_dma source(%dma_start3A_19 : memref<10000x128xf32, #tpu.memory_space<hbm>>) target(%arg8 : memref<80x128xf32, #tpu.memory_space<vmem>>) offsets(%dma_start3A_16 : memref<80xi32, #tpu.memory_space<vmem>>) semaphore(%arg11 : memref<!tpu.dma_semaphore, #tpu.memory_space<semaphore_mem>>)
    %scan3A_20 = arith.constant 0 : i32
    %scan3A_21 = arith.constant 0 : i32
    %scan3A_22 = arith.constant 62 : i32
    %scan3A_23 = arith.addi %scan3A_21, %scan3A_22 : i32
    %scan3A_24 = arith.constant 1 : i32
    scf.for %scan3A_37 = %scan3A_21 to %scan3A_23 step %scan3A_24  : i32 {
      %mul3A_38 = arith.constant 2 : i32
      %mul3A_39 = arith.muli %mul3A_38, %scan3A_37 : i32
      %add3A_40 = arith.constant 1 : i32
      %add3A_41 = arith.addi %mul3A_39, %add3A_40 : i32
      %mul3A_42 = arith.constant 80 : i32
      %mul3A_43 = arith.muli %add3A_41, %mul3A_42 : i32
      %dma_start3A_44 = tpu.memref_slice %arg6[%mul3A_43] : memref<10000xi32, #tpu.memory_space<vmem>> -> memref<80xi32, #tpu.memory_space<vmem>>
      %dma_start3A_45 = arith.constant 0 : i32
      %dma_start3A_46 = arith.constant 0 : i32
      %dma_start3A_47 = tpu.memref_slice %arg2[%dma_start3A_45, %dma_start3A_46] : memref<10000x128xf32, #tpu.memory_space<hbm>> -> memref<10000x128xf32, #tpu.memory_space<hbm>>
      tpu.enqueue_indirect_dma source(%dma_start3A_47 : memref<10000x128xf32, #tpu.memory_space<hbm>>) target(%arg9 : memref<80x128xf32, #tpu.memory_space<vmem>>) offsets(%dma_start3A_44 : memref<80xi32, #tpu.memory_space<vmem>>) semaphore(%arg12 : memref<!tpu.dma_semaphore, #tpu.memory_space<semaphore_mem>>)
      %dma_wait3A_48 = arith.constant 0 : i32
      %dma_wait3A_49 = tpu.memref_slice %arg6[%dma_wait3A_48] : memref<10000xi32, #tpu.memory_space<vmem>> -> memref<80xi32, #tpu.memory_space<vmem>>
      %dma_wait3A_50 = arith.constant 0 : i32
      %dma_wait3A_51 = arith.constant 0 : i32
      %dma_wait3A_52 = tpu.memref_slice %arg2[%dma_wait3A_50, %dma_wait3A_51] : memref<10000x128xf32, #tpu.memory_space<hbm>> -> memref<10000x128xf32, #tpu.memory_space<hbm>>
      tpu.wait_indirect_dma semaphore(%arg11 : memref<!tpu.dma_semaphore, #tpu.memory_space<semaphore_mem>>) src(%dma_wait3A_52 : memref<10000x128xf32, #tpu.memory_space<hbm>>) dst(%arg8 : memref<80x128xf32, #tpu.memory_space<vmem>>)
      "tpu.region"() ({
        %run_scoped3A_68 = tpu.sem_alloc : memref<!tpu.dma_semaphore, #tpu.memory_space<semaphore_mem>>
        %dma_start3A_69 = arith.constant 0 : i32
        %dma_start3A_70 = tpu.memref_slice %arg7[%mul3A_39, %dma_start3A_69] : memref<125x80xi32, #tpu.memory_space<vmem>> -> memref<1x80xi32, #tpu.memory_space<vmem>>
        %dma_start3A_71 = tpu.memref_squeeze %dma_start3A_70 : memref<1x80xi32, #tpu.memory_space<vmem>> -> memref<80xi32, #tpu.memory_space<vmem>>
        %dma_start3A_72 = arith.constant 0 : i32
        %dma_start3A_73 = arith.constant 0 : i32
        %dma_start3A_74 = tpu.memref_slice %arg10[%dma_start3A_72, %dma_start3A_73] : memref<10240x128xf32, #tpu.memory_space<vmem_shared>> -> memref<10240x128xf32, #tpu.memory_space<vmem_shared>>
        tpu.enqueue_indirect_dma source(%arg8 : memref<80x128xf32, #tpu.memory_space<vmem>>) target(%dma_start3A_74 : memref<10240x128xf32, #tpu.memory_space<vmem_shared>>) offsets(%dma_start3A_71 : memref<80xi32, #tpu.memory_space<vmem>>) semaphore(%run_scoped3A_68 : memref<!tpu.dma_semaphore, #tpu.memory_space<semaphore_mem>>) {add = true}
        %dma_wait3A_75 = arith.constant 0 : i32
        %dma_wait3A_76 = tpu.memref_slice %arg7[%mul3A_39, %dma_wait3A_75] : memref<125x80xi32, #tpu.memory_space<vmem>> -> memref<1x80xi32, #tpu.memory_space<vmem>>
        %dma_wait3A_77 = tpu.memref_squeeze %dma_wait3A_76 : memref<1x80xi32, #tpu.memory_space<vmem>> -> memref<80xi32, #tpu.memory_space<vmem>>
        %dma_wait3A_78 = arith.constant 0 : i32
        %dma_wait3A_79 = arith.constant 0 : i32
        %dma_wait3A_80 = tpu.memref_slice %arg10[%dma_wait3A_78, %dma_wait3A_79] : memref<10240x128xf32, #tpu.memory_space<vmem_shared>> -> memref<10240x128xf32, #tpu.memory_space<vmem_shared>>
        tpu.wait_indirect_dma semaphore(%run_scoped3A_68 : memref<!tpu.dma_semaphore, #tpu.memory_space<semaphore_mem>>) src(%arg8 : memref<80x128xf32, #tpu.memory_space<vmem>>) dst(%dma_wait3A_80 : memref<10240x128xf32, #tpu.memory_space<vmem_shared>>)
        tpu.yield
      }) : () -> ()
      %add3A_53 = arith.constant 2 : i32
      %add3A_54 = arith.addi %mul3A_39, %add3A_53 : i32
      %mul3A_55 = arith.constant 80 : i32
      %mul3A_56 = arith.muli %add3A_54, %mul3A_55 : i32
      %dma_start3A_57 = tpu.memref_slice %arg6[%mul3A_56] : memref<10000xi32, #tpu.memory_space<vmem>> -> memref<80xi32, #tpu.memory_space<vmem>>
      %dma_start3A_58 = arith.constant 0 : i32
      %dma_start3A_59 = arith.constant 0 : i32
      %dma_start3A_60 = tpu.memref_slice %arg2[%dma_start3A_58, %dma_start3A_59] : memref<10000x128xf32, #tpu.memory_space<hbm>> -> memref<10000x128xf32, #tpu.memory_space<hbm>>
      tpu.enqueue_indirect_dma source(%dma_start3A_60 : memref<10000x128xf32, #tpu.memory_space<hbm>>) target(%arg8 : memref<80x128xf32, #tpu.memory_space<vmem>>) offsets(%dma_start3A_57 : memref<80xi32, #tpu.memory_space<vmem>>) semaphore(%arg11 : memref<!tpu.dma_semaphore, #tpu.memory_space<semaphore_mem>>)
      %dma_wait3A_61 = arith.constant 0 : i32
      %dma_wait3A_62 = tpu.memref_slice %arg6[%dma_wait3A_61] : memref<10000xi32, #tpu.memory_space<vmem>> -> memref<80xi32, #tpu.memory_space<vmem>>
      %dma_wait3A_63 = arith.constant 0 : i32
      %dma_wait3A_64 = arith.constant 0 : i32
      %dma_wait3A_65 = tpu.memref_slice %arg2[%dma_wait3A_63, %dma_wait3A_64] : memref<10000x128xf32, #tpu.memory_space<hbm>> -> memref<10000x128xf32, #tpu.memory_space<hbm>>
      tpu.wait_indirect_dma semaphore(%arg12 : memref<!tpu.dma_semaphore, #tpu.memory_space<semaphore_mem>>) src(%dma_wait3A_65 : memref<10000x128xf32, #tpu.memory_space<hbm>>) dst(%arg9 : memref<80x128xf32, #tpu.memory_space<vmem>>)
      %add3A_66 = arith.constant 1 : i32
      %add3A_67 = arith.addi %mul3A_39, %add3A_66 : i32
      "tpu.region"() ({
        %run_scoped3A_68 = tpu.sem_alloc : memref<!tpu.dma_semaphore, #tpu.memory_space<semaphore_mem>>
        %dma_start3A_69 = arith.constant 0 : i32
        %dma_start3A_70 = tpu.memref_slice %arg7[%add3A_67, %dma_start3A_69] : memref<125x80xi32, #tpu.memory_space<vmem>> -> memref<1x80xi32, #tpu.memory_space<vmem>>
        %dma_start3A_71 = tpu.memref_squeeze %dma_start3A_70 : memref<1x80xi32, #tpu.memory_space<vmem>> -> memref<80xi32, #tpu.memory_space<vmem>>
        %dma_start3A_72 = arith.constant 0 : i32
        %dma_start3A_73 = arith.constant 0 : i32
        %dma_start3A_74 = tpu.memref_slice %arg10[%dma_start3A_72, %dma_start3A_73] : memref<10240x128xf32, #tpu.memory_space<vmem_shared>> -> memref<10240x128xf32, #tpu.memory_space<vmem_shared>>
        tpu.enqueue_indirect_dma source(%arg9 : memref<80x128xf32, #tpu.memory_space<vmem>>) target(%dma_start3A_74 : memref<10240x128xf32, #tpu.memory_space<vmem_shared>>) offsets(%dma_start3A_71 : memref<80xi32, #tpu.memory_space<vmem>>) semaphore(%run_scoped3A_68 : memref<!tpu.dma_semaphore, #tpu.memory_space<semaphore_mem>>) {add = true}
        %dma_wait3A_75 = arith.constant 0 : i32
        %dma_wait3A_76 = tpu.memref_slice %arg7[%add3A_67, %dma_wait3A_75] : memref<125x80xi32, #tpu.memory_space<vmem>> -> memref<1x80xi32, #tpu.memory_space<vmem>>
        %dma_wait3A_77 = tpu.memref_squeeze %dma_wait3A_76 : memref<1x80xi32, #tpu.memory_space<vmem>> -> memref<80xi32, #tpu.memory_space<vmem>>
        %dma_wait3A_78 = arith.constant 0 : i32
        %dma_wait3A_79 = arith.constant 0 : i32
        %dma_wait3A_80 = tpu.memref_slice %arg10[%dma_wait3A_78, %dma_wait3A_79] : memref<10240x128xf32, #tpu.memory_space<vmem_shared>> -> memref<10240x128xf32, #tpu.memory_space<vmem_shared>>
        tpu.wait_indirect_dma semaphore(%run_scoped3A_68 : memref<!tpu.dma_semaphore, #tpu.memory_space<semaphore_mem>>) src(%arg9 : memref<80x128xf32, #tpu.memory_space<vmem>>) dst(%dma_wait3A_80 : memref<10240x128xf32, #tpu.memory_space<vmem_shared>>)
        tpu.yield
      }) : () -> ()
    }
    %scan3A_25 = arith.constant 62 : i32
    %dma_wait3A = arith.constant 0 : i32
    %dma_wait3A_26 = tpu.memref_slice %arg6[%dma_wait3A] : memref<10000xi32, #tpu.memory_space<vmem>> -> memref<80xi32, #tpu.memory_space<vmem>>
    %dma_wait3A_27 = arith.constant 0 : i32
    %dma_wait3A_28 = arith.constant 0 : i32
    %dma_wait3A_29 = tpu.memref_slice %arg2[%dma_wait3A_27, %dma_wait3A_28] : memref<10000x128xf32, #tpu.memory_space<hbm>> -> memref<10000x128xf32, #tpu.memory_space<hbm>>
    tpu.wait_indirect_dma semaphore(%arg11 : memref<!tpu.dma_semaphore, #tpu.memory_space<semaphore_mem>>) src(%dma_wait3A_29 : memref<10000x128xf32, #tpu.memory_space<hbm>>) dst(%arg8 : memref<80x128xf32, #tpu.memory_space<vmem>>)
    %run_scoped3A = arith.constant 124 : i32
    "tpu.region"() ({
      %run_scoped3A_37 = tpu.sem_alloc : memref<!tpu.dma_semaphore, #tpu.memory_space<semaphore_mem>>
      %dma_start3A_38 = arith.constant 0 : i32
      %dma_start3A_39 = tpu.memref_slice %arg7[%run_scoped3A, %dma_start3A_38] : memref<125x80xi32, #tpu.memory_space<vmem>> -> memref<1x80xi32, #tpu.memory_space<vmem>>
      %dma_start3A_40 = tpu.memref_squeeze %dma_start3A_39 : memref<1x80xi32, #tpu.memory_space<vmem>> -> memref<80xi32, #tpu.memory_space<vmem>>
      %dma_start3A_41 = arith.constant 0 : i32
      %dma_start3A_42 = arith.constant 0 : i32
      %dma_start3A_43 = tpu.memref_slice %arg10[%dma_start3A_41, %dma_start3A_42] : memref<10240x128xf32, #tpu.memory_space<vmem_shared>> -> memref<10240x128xf32, #tpu.memory_space<vmem_shared>>
      tpu.enqueue_indirect_dma source(%arg8 : memref<80x128xf32, #tpu.memory_space<vmem>>) target(%dma_start3A_43 : memref<10240x128xf32, #tpu.memory_space<vmem_shared>>) offsets(%dma_start3A_40 : memref<80xi32, #tpu.memory_space<vmem>>) semaphore(%run_scoped3A_37 : memref<!tpu.dma_semaphore, #tpu.memory_space<semaphore_mem>>) {add = true}
      %dma_wait3A_44 = arith.constant 0 : i32
      %dma_wait3A_45 = tpu.memref_slice %arg7[%run_scoped3A, %dma_wait3A_44] : memref<125x80xi32, #tpu.memory_space<vmem>> -> memref<1x80xi32, #tpu.memory_space<vmem>>
      %dma_wait3A_46 = tpu.memref_squeeze %dma_wait3A_45 : memref<1x80xi32, #tpu.memory_space<vmem>> -> memref<80xi32, #tpu.memory_space<vmem>>
      %dma_wait3A_47 = arith.constant 0 : i32
      %dma_wait3A_48 = arith.constant 0 : i32
      %dma_wait3A_49 = tpu.memref_slice %arg10[%dma_wait3A_47, %dma_wait3A_48] : memref<10240x128xf32, #tpu.memory_space<vmem_shared>> -> memref<10240x128xf32, #tpu.memory_space<vmem_shared>>
      tpu.wait_indirect_dma semaphore(%run_scoped3A_37 : memref<!tpu.dma_semaphore, #tpu.memory_space<semaphore_mem>>) src(%arg8 : memref<80x128xf32, #tpu.memory_space<vmem>>) dst(%dma_wait3A_49 : memref<10240x128xf32, #tpu.memory_space<vmem_shared>>)
      tpu.yield
    }) : () -> ()
    %barrier3A_30 = arith.constant 0 : index
    tpu.barrier barrier_id(%barrier3A_30)
    %scan3A_31 = arith.constant 0 : i32
    %scan3A_32 = arith.constant 0 : i32
    %scan3A_33 = arith.constant 8 : i32
    %scan3A_34 = arith.addi %scan3A_32, %scan3A_33 : i32
    %scan3A_35 = arith.constant 1 : i32
    scf.for %scan3A_37 = %scan3A_32 to %scan3A_34 step %scan3A_35  : i32 {
      %mul3A_38 = arith.constant 80 : i32
      %mul3A_39 = arith.muli %scan3A_37, %mul3A_38 : i32
      %add3A_40 = arith.addi %mul3A_2, %mul3A_39 : i32
      "tpu.region"() ({
        %run_scoped3A_41 = tpu.sem_alloc : memref<!tpu.dma_semaphore, #tpu.memory_space<semaphore_mem>>
        %dma_start3A_42 = arith.constant 0 : i32
        %dma_start3A_43 = tpu.memref_slice %arg10[%add3A_40, %dma_start3A_42] : memref<10240x128xf32, #tpu.memory_space<vmem_shared>> -> memref<80x128xf32, #tpu.memory_space<vmem_shared>>
        %dma_start3A_44 = arith.constant 0 : i32
        %dma_start3A_45 = tpu.memref_slice %arg10[%add3A_40, %dma_start3A_44] : memref<10240x128xf32, #tpu.memory_space<vmem_shared>> -> memref<80x128xf32, #tpu.memory_space<vmem_shared>>
        tpu.enqueue_dma source(%dma_start3A_45 : memref<80x128xf32, #tpu.memory_space<vmem_shared>>) target(%arg8 : memref<80x128xf32, #tpu.memory_space<vmem>>) target_semaphore(%run_scoped3A_41 : memref<!tpu.dma_semaphore, #tpu.memory_space<semaphore_mem>>)
        %dma_wait3A_46 = arith.constant 0 : i32
        %dma_wait3A_47 = tpu.memref_slice %arg10[%add3A_40, %dma_wait3A_46] : memref<10240x128xf32, #tpu.memory_space<vmem_shared>> -> memref<80x128xf32, #tpu.memory_space<vmem_shared>>
        %dma_wait3A_48 = arith.constant 0 : i32
        %dma_wait3A_49 = tpu.memref_slice %arg10[%add3A_40, %dma_wait3A_48] : memref<10240x128xf32, #tpu.memory_space<vmem_shared>> -> memref<80x128xf32, #tpu.memory_space<vmem_shared>>
        tpu.wait_dma2 semaphore(%run_scoped3A_41 : memref<!tpu.dma_semaphore, #tpu.memory_space<semaphore_mem>>) src(%dma_wait3A_49 : memref<80x128xf32, #tpu.memory_space<vmem_shared>>) dst(%arg8 : memref<80x128xf32, #tpu.memory_space<vmem>>)
        tpu.yield
      }) : () -> ()
      "tpu.region"() ({
        %run_scoped3A_41 = tpu.sem_alloc : memref<!tpu.dma_semaphore, #tpu.memory_space<semaphore_mem>>
        %dma_start3A_42 = arith.constant 0 : i32
        %dma_start3A_43 = tpu.memref_slice %arg5[%arg0, %add3A_40, %dma_start3A_42] : memref<2x10240x128xf32, #tpu.memory_space<hbm>> -> memref<1x80x128xf32, #tpu.memory_space<hbm>>
        %dma_start3A_44 = tpu.memref_squeeze %dma_start3A_43 : memref<1x80x128xf32, #tpu.memory_space<hbm>> -> memref<80x128xf32, #tpu.memory_space<hbm>>
        %dma_start3A_45 = arith.constant 0 : i32
        %dma_start3A_46 = tpu.memref_slice %arg5[%arg0, %add3A_40, %dma_start3A_45] : memref<2x10240x128xf32, #tpu.memory_space<hbm>> -> memref<1x80x128xf32, #tpu.memory_space<hbm>>
        %dma_start3A_47 = tpu.memref_squeeze %dma_start3A_46 : memref<1x80x128xf32, #tpu.memory_space<hbm>> -> memref<80x128xf32, #tpu.memory_space<hbm>>
        tpu.enqueue_dma source(%arg8 : memref<80x128xf32, #tpu.memory_space<vmem>>) target(%dma_start3A_47 : memref<80x128xf32, #tpu.memory_space<hbm>>) target_semaphore(%run_scoped3A_41 : memref<!tpu.dma_semaphore, #tpu.memory_space<semaphore_mem>>)
        %dma_wait3A_48 = arith.constant 0 : i32
        %dma_wait3A_49 = tpu.memref_slice %arg5[%arg0, %add3A_40, %dma_wait3A_48] : memref<2x10240x128xf32, #tpu.memory_space<hbm>> -> memref<1x80x128xf32, #tpu.memory_space<hbm>>
        %dma_wait3A_50 = tpu.memref_squeeze %dma_wait3A_49 : memref<1x80x128xf32, #tpu.memory_space<hbm>> -> memref<80x128xf32, #tpu.memory_space<hbm>>
        %dma_wait3A_51 = arith.constant 0 : i32
        %dma_wait3A_52 = tpu.memref_slice %arg5[%arg0, %add3A_40, %dma_wait3A_51] : memref<2x10240x128xf32, #tpu.memory_space<hbm>> -> memref<1x80x128xf32, #tpu.memory_space<hbm>>
        %dma_wait3A_53 = tpu.memref_squeeze %dma_wait3A_52 : memref<1x80x128xf32, #tpu.memory_space<hbm>> -> memref<80x128xf32, #tpu.memory_space<hbm>>
        tpu.wait_dma2 semaphore(%run_scoped3A_41 : memref<!tpu.dma_semaphore, #tpu.memory_space<semaphore_mem>>) src(%arg8 : memref<80x128xf32, #tpu.memory_space<vmem>>) dst(%dma_wait3A_53 : memref<80x128xf32, #tpu.memory_space<hbm>>)
        tpu.yield
      }) : () -> ()
    }
    %scan3A_36 = arith.constant 8 : i32
    return
  }
}

#map = affine_map<(d0, d1) -> (0, 0)>
#map1 = affine_map<(d0, d1) -> (0)>
module attributes {stable_mosaic.version = 14 : i64} {
  func.func @body(%arg0: i32, %arg1: i32, %arg2: memref<10000x128xf32, #tpu.memory_space<hbm>>, %arg3: memref<2048xi32, #tpu.memory_space<hbm>>, %arg4: memref<2048x128xf32, #tpu.memory_space<hbm>>, %arg5: memref<64xi32, #tpu.memory_space<vmem>>, %arg6: memref<64x128xf32, #tpu.memory_space<vmem>>, %arg7: memref<!tpu.dma_semaphore, #tpu.memory_space<semaphore_mem>>) attributes {dimension_semantics = [#tpu.dimension_semantics<core_parallel>, #tpu.dimension_semantics<subcore_parallel>], iteration_bounds = array<i64: 2, 16>, scalar_prefetch = 0 : i64, scratch_operands = 3 : i64, tpu.core_type = #tpu.core_type<sc_vector_subcore>, window_params = [{transform_indices = #map}, {transform_indices = #map1}, {transform_indices = #map}]} {
    %mul3A = arith.constant 2 : i32
    %mul3A_0 = arith.muli %arg1, %mul3A : i32
    %add3A = arith.addi %mul3A_0, %arg0 : i32
    %mul3A_1 = arith.constant 64 : i32
    %mul3A_2 = arith.muli %add3A, %mul3A_1 : i32
    "tpu.region"() ({
      %run_scoped3A = tpu.sem_alloc : memref<!tpu.dma_semaphore, #tpu.memory_space<semaphore_mem>>
      %dma_start3A_7 = tpu.memref_slice %arg3[%mul3A_2] : memref<2048xi32, #tpu.memory_space<hbm>> -> memref<64xi32, #tpu.memory_space<hbm>>
      %dma_start3A_8 = tpu.memref_slice %arg3[%mul3A_2] : memref<2048xi32, #tpu.memory_space<hbm>> -> memref<64xi32, #tpu.memory_space<hbm>>
      tpu.enqueue_dma source(%dma_start3A_8 : memref<64xi32, #tpu.memory_space<hbm>>) target(%arg5 : memref<64xi32, #tpu.memory_space<vmem>>) target_semaphore(%run_scoped3A : memref<!tpu.dma_semaphore, #tpu.memory_space<semaphore_mem>>)
      %dma_wait3A_9 = tpu.memref_slice %arg3[%mul3A_2] : memref<2048xi32, #tpu.memory_space<hbm>> -> memref<64xi32, #tpu.memory_space<hbm>>
      %dma_wait3A_10 = tpu.memref_slice %arg3[%mul3A_2] : memref<2048xi32, #tpu.memory_space<hbm>> -> memref<64xi32, #tpu.memory_space<hbm>>
      tpu.wait_dma2 semaphore(%run_scoped3A : memref<!tpu.dma_semaphore, #tpu.memory_space<semaphore_mem>>) src(%dma_wait3A_10 : memref<64xi32, #tpu.memory_space<hbm>>) dst(%arg5 : memref<64xi32, #tpu.memory_space<vmem>>)
      tpu.yield
    }) : () -> ()
    %dma_start3A = arith.constant 0 : i32
    %dma_start3A_3 = arith.constant 0 : i32
    %dma_start3A_4 = tpu.memref_slice %arg2[%dma_start3A, %dma_start3A_3] : memref<10000x128xf32, #tpu.memory_space<hbm>> -> memref<10000x128xf32, #tpu.memory_space<hbm>>
    tpu.enqueue_indirect_dma source(%dma_start3A_4 : memref<10000x128xf32, #tpu.memory_space<hbm>>) target(%arg6 : memref<64x128xf32, #tpu.memory_space<vmem>>) offsets(%arg5 : memref<64xi32, #tpu.memory_space<vmem>>) semaphore(%arg7 : memref<!tpu.dma_semaphore, #tpu.memory_space<semaphore_mem>>)
    %dma_wait3A = arith.constant 0 : i32
    %dma_wait3A_5 = arith.constant 0 : i32
    %dma_wait3A_6 = tpu.memref_slice %arg2[%dma_wait3A, %dma_wait3A_5] : memref<10000x128xf32, #tpu.memory_space<hbm>> -> memref<10000x128xf32, #tpu.memory_space<hbm>>
    tpu.wait_indirect_dma semaphore(%arg7 : memref<!tpu.dma_semaphore, #tpu.memory_space<semaphore_mem>>) src(%dma_wait3A_6 : memref<10000x128xf32, #tpu.memory_space<hbm>>) dst(%arg6 : memref<64x128xf32, #tpu.memory_space<vmem>>)
    "tpu.region"() ({
      %run_scoped3A = tpu.sem_alloc : memref<!tpu.dma_semaphore, #tpu.memory_space<semaphore_mem>>
      %dma_start3A_7 = arith.constant 0 : i32
      %dma_start3A_8 = tpu.memref_slice %arg4[%mul3A_2, %dma_start3A_7] : memref<2048x128xf32, #tpu.memory_space<hbm>> -> memref<64x128xf32, #tpu.memory_space<hbm>>
      %dma_start3A_9 = arith.constant 0 : i32
      %dma_start3A_10 = tpu.memref_slice %arg4[%mul3A_2, %dma_start3A_9] : memref<2048x128xf32, #tpu.memory_space<hbm>> -> memref<64x128xf32, #tpu.memory_space<hbm>>
      tpu.enqueue_dma source(%arg6 : memref<64x128xf32, #tpu.memory_space<vmem>>) target(%dma_start3A_10 : memref<64x128xf32, #tpu.memory_space<hbm>>) target_semaphore(%run_scoped3A : memref<!tpu.dma_semaphore, #tpu.memory_space<semaphore_mem>>)
      %dma_wait3A_11 = arith.constant 0 : i32
      %dma_wait3A_12 = tpu.memref_slice %arg4[%mul3A_2, %dma_wait3A_11] : memref<2048x128xf32, #tpu.memory_space<hbm>> -> memref<64x128xf32, #tpu.memory_space<hbm>>
      %dma_wait3A_13 = arith.constant 0 : i32
      %dma_wait3A_14 = tpu.memref_slice %arg4[%mul3A_2, %dma_wait3A_13] : memref<2048x128xf32, #tpu.memory_space<hbm>> -> memref<64x128xf32, #tpu.memory_space<hbm>>
      tpu.wait_dma2 semaphore(%run_scoped3A : memref<!tpu.dma_semaphore, #tpu.memory_space<semaphore_mem>>) src(%arg6 : memref<64x128xf32, #tpu.memory_space<vmem>>) dst(%dma_wait3A_14 : memref<64x128xf32, #tpu.memory_space<hbm>>)
      tpu.yield
    }) : () -> ()
    return
  }
}

module attributes {stable_mosaic.version = 14 : i64} {
  func.func @body(%arg0: i32, %arg1: memref<2x2000x128xf32, #tpu.memory_space<vmem>>, %arg2: memref<2000x128xf32, #tpu.memory_space<vmem>>, %arg3: memref<2000x1xf32, #tpu.memory_space<vmem>>, %arg4: memref<128x128xf32, #tpu.memory_space<vmem>>, %arg5: memref<1x128xf32, #tpu.memory_space<vmem>>, %arg6: memref<2000x128xf32, #tpu.memory_space<vmem>>, %arg7: memref<2000x128xf32, #tpu.memory_space<vmem>>) attributes {dimension_semantics = [#tpu.dimension_semantics<arbitrary>], iteration_bounds = array<i64: 5>, scalar_prefetch = 0 : i64, scratch_operands = 0 : i64, tpu.core_type = #tpu.core_type<tc>, window_params = [{transform_indices = @transform_0, window_bounds = array<i64: 2, 2000, 128>}, {transform_indices = @transform_1, window_bounds = array<i64: 2000, 128>}, {transform_indices = @transform_2, window_bounds = array<i64: 2000, 1>}, {pipeline_mode = #tpu.pipeline_mode<synchronous>, transform_indices = @transform_3, window_bounds = array<i64: 128, 128>}, {pipeline_mode = #tpu.pipeline_mode<synchronous>, transform_indices = @transform_4, window_bounds = array<i64: 1, 128>}, {transform_indices = @transform_5, window_bounds = array<i64: 2000, 128>}, {transform_indices = @transform_6, window_bounds = array<i64: 2000, 128>}]} {
    %get3A = arith.constant 0 : index
    %get3A_0 = arith.constant 0 : index
    %get3A_1 = vector.load %arg3[%get3A, %get3A_0] : memref<2000x1xf32, #tpu.memory_space<vmem>>, vector<2000x1xf32>
    %get3A_2 = arith.constant 0 : index
    %get3A_3 = arith.constant 0 : index
    %get3A_4 = arith.constant 0 : index
    %get3A_5 = vector.load %arg1[%get3A_2, %get3A_3, %get3A_4] : memref<2x2000x128xf32, #tpu.memory_space<vmem>>, vector<1x2000x128xf32>
    %get3A_6 = vector.shape_cast %get3A_5 : vector<1x2000x128xf32> to vector<2000x128xf32>
    %get3A_7 = arith.constant 1 : index
    %get3A_8 = arith.constant 0 : index
    %get3A_9 = arith.constant 0 : index
    %get3A_10 = vector.load %arg1[%get3A_7, %get3A_8, %get3A_9] : memref<2x2000x128xf32, #tpu.memory_space<vmem>>, vector<1x2000x128xf32>
    %get3A_11 = vector.shape_cast %get3A_10 : vector<1x2000x128xf32> to vector<2000x128xf32>
    %add3A = arith.addf %get3A_6, %get3A_11 : vector<2000x128xf32>
    %get3A_12 = arith.constant 0 : index
    %get3A_13 = arith.constant 0 : index
    %get3A_14 = vector.load %arg2[%get3A_12, %get3A_13] : memref<2000x128xf32, #tpu.memory_space<vmem>>, vector<2000x128xf32>
    %add3A_15 = arith.addf %add3A, %get3A_14 : vector<2000x128xf32>
    %mul3A = vector.broadcast %get3A_1 : vector<2000x1xf32> to vector<2000x128xf32>
    %mul3A_16 = arith.mulf %add3A_15, %mul3A : vector<2000x128xf32>
    %get3A_17 = arith.constant 0 : index
    %get3A_18 = arith.constant 0 : index
    %get3A_19 = vector.load %arg5[%get3A_17, %get3A_18] : memref<1x128xf32, #tpu.memory_space<vmem>>, vector<1x128xf32>
    %add3A_20 = vector.broadcast %get3A_19 : vector<1x128xf32> to vector<2000x128xf32>
    %add3A_21 = arith.addf %mul3A_16, %add3A_20 : vector<2000x128xf32>
    %max3A = arith.constant 0.000000e+00 : f32
    %max3A_22 = vector.broadcast %max3A : f32 to vector<2000x128xf32>
    %max3A_23 = arith.maximumf %add3A_21, %max3A_22 : vector<2000x128xf32>
    %swap3A = arith.constant 0 : index
    %swap3A_24 = arith.constant 0 : index
    %swap3A_25 = vector.load %arg6[%swap3A, %swap3A_24] : memref<2000x128xf32, #tpu.memory_space<vmem>>, vector<2000x128xf32>
    tpu.vector_store %arg6[%swap3A, %swap3A_24], %max3A_23 {strides = array<i32>} : memref<2000x128xf32, #tpu.memory_space<vmem>>, vector<2000x128xf32>,
    %get3A_26 = arith.constant 0 : index
    %get3A_27 = arith.constant 0 : index
    %get3A_28 = vector.load %arg4[%get3A_26, %get3A_27] : memref<128x128xf32, #tpu.memory_space<vmem>>, vector<128x128xf32>
    %dot_general3A = arith.constant dense<0.000000e+00> : vector<2000x128xf32>
    %dot_general3A_29 = tpu.matmul %max3A_23, %get3A_28, %dot_general3A {dimension_numbers = #tpu.dot_dimension_numbers<[1], [0], [0], [1], [0, 0, 1, 1], [], []>, transpose_lhs_hint = false} : vector<2000x128xf32>, vector<128x128xf32>, vector<2000x128xf32> -> vector<2000x128xf32>
    %mul3A_30 = vector.broadcast %get3A_1 : vector<2000x1xf32> to vector<2000x128xf32>
    %mul3A_31 = arith.mulf %dot_general3A_29, %mul3A_30 : vector<2000x128xf32>
    %swap3A_32 = arith.constant 0 : index
    %swap3A_33 = arith.constant 0 : index
    %swap3A_34 = vector.load %arg7[%swap3A_32, %swap3A_33] : memref<2000x128xf32, #tpu.memory_space<vmem>>, vector<2000x128xf32>
    tpu.vector_store %arg7[%swap3A_32, %swap3A_33], %mul3A_31 {strides = array<i32>} : memref<2000x128xf32, #tpu.memory_space<vmem>>, vector<2000x128xf32>,
    return
  }
  func.func @transform_0(%arg0: i32) -> (i32, i32, i32) {
    %c0_i32 = arith.constant 0 : i32
    %c0_i32_0 = arith.constant 0 : i32
    %c0_i32_1 = arith.constant 0 : i32
    return %c0_i32, %arg0, %c0_i32_0 : i32, i32, i32
  }
  func.func @transform_1(%arg0: i32) -> (i32, i32) {
    %c0_i32 = arith.constant 0 : i32
    %c0_i32_0 = arith.constant 0 : i32
    return %arg0, %c0_i32 : i32, i32
  }
  func.func @transform_2(%arg0: i32) -> (i32, i32) {
    %c0_i32 = arith.constant 0 : i32
    %c0_i32_0 = arith.constant 0 : i32
    return %arg0, %c0_i32 : i32, i32
  }
  func.func @transform_3(%arg0: i32) -> (i32, i32) {
    %c0_i32 = arith.constant 0 : i32
    %c0_i32_0 = arith.constant 0 : i32
    %c0_i32_1 = arith.constant 0 : i32
    return %c0_i32, %c0_i32_0 : i32, i32
  }
  func.func @transform_4(%arg0: i32) -> (i32, i32) {
    %c0_i32 = arith.constant 0 : i32
    %c0_i32_0 = arith.constant 0 : i32
    %c0_i32_1 = arith.constant 0 : i32
    return %c0_i32, %c0_i32_0 : i32, i32
  }
  func.func @transform_5(%arg0: i32) -> (i32, i32) {
    %c0_i32 = arith.constant 0 : i32
    %c0_i32_0 = arith.constant 0 : i32
    return %arg0, %c0_i32 : i32, i32
  }
  func.func @transform_6(%arg0: i32) -> (i32, i32) {
    %c0_i32 = arith.constant 0 : i32
    %c0_i32_0 = arith.constant 0 : i32
    return %arg0, %c0_i32 : i32, i32
  }
}

module attributes {stable_mosaic.version = 14 : i64} {
  func.func @body(%arg0: i32, %arg1: memref<2x2000x16xf32, #tpu.memory_space<vmem>>, %arg2: memref<2000x128xf32, #tpu.memory_space<vmem>>, %arg3: memref<128x128xf32, #tpu.memory_space<vmem>>, %arg4: memref<2000x1xf32, #tpu.memory_space<vmem>>, %arg5: memref<2000x128xf32, #tpu.memory_space<vmem>>) attributes {dimension_semantics = [#tpu.dimension_semantics<arbitrary>], iteration_bounds = array<i64: 5>, scalar_prefetch = 0 : i64, scratch_operands = 0 : i64, tpu.core_type = #tpu.core_type<tc>, window_params = [{transform_indices = @transform_0, window_bounds = array<i64: 2, 2000, 16>}, {transform_indices = @transform_1, window_bounds = array<i64: 2000, 128>}, {pipeline_mode = #tpu.pipeline_mode<synchronous>, transform_indices = @transform_2, window_bounds = array<i64: 128, 128>}, {transform_indices = @transform_3, window_bounds = array<i64: 2000, 1>}, {transform_indices = @transform_4, window_bounds = array<i64: 2000, 128>}]} {
    %get3A = arith.constant 0 : index
    %get3A_0 = arith.constant 0 : index
    %get3A_1 = arith.constant 0 : index
    %get3A_2 = vector.load %arg1[%get3A, %get3A_0, %get3A_1] : memref<2x2000x16xf32, #tpu.memory_space<vmem>>, vector<1x2000x1xf32>
    %get3A_3 = vector.shape_cast %get3A_2 : vector<1x2000x1xf32> to vector<2000x1xf32>
    %get3A_4 = arith.constant 1 : index
    %get3A_5 = arith.constant 0 : index
    %get3A_6 = arith.constant 0 : index
    %get3A_7 = vector.load %arg1[%get3A_4, %get3A_5, %get3A_6] : memref<2x2000x16xf32, #tpu.memory_space<vmem>>, vector<1x2000x1xf32>
    %get3A_8 = vector.shape_cast %get3A_7 : vector<1x2000x1xf32> to vector<2000x1xf32>
    %add3A = arith.addf %get3A_3, %get3A_8 : vector<2000x1xf32>
    %add3A_9 = arith.constant 1.000000e+00 : f32
    %add3A_10 = vector.broadcast %add3A_9 : f32 to vector<2000x1xf32>
    %add3A_11 = arith.addf %add3A, %add3A_10 : vector<2000x1xf32>
    %rsqrt3A = math.rsqrt %add3A_11 : vector<2000x1xf32>
    %swap3A = arith.constant 0 : index
    %swap3A_12 = arith.constant 0 : index
    %swap3A_13 = vector.load %arg4[%swap3A, %swap3A_12] : memref<2000x1xf32, #tpu.memory_space<vmem>>, vector<2000x1xf32>
    tpu.vector_store %arg4[%swap3A, %swap3A_12], %rsqrt3A {strides = array<i32>} : memref<2000x1xf32, #tpu.memory_space<vmem>>, vector<2000x1xf32>,
    %get3A_14 = arith.constant 0 : index
    %get3A_15 = arith.constant 0 : index
    %get3A_16 = vector.load %arg2[%get3A_14, %get3A_15] : memref<2000x128xf32, #tpu.memory_space<vmem>>, vector<2000x128xf32>
    %get3A_17 = arith.constant 0 : index
    %get3A_18 = arith.constant 0 : index
    %get3A_19 = vector.load %arg3[%get3A_17, %get3A_18] : memref<128x128xf32, #tpu.memory_space<vmem>>, vector<128x128xf32>
    %dot_general3A = arith.constant dense<0.000000e+00> : vector<2000x128xf32>
    %dot_general3A_20 = tpu.matmul %get3A_16, %get3A_19, %dot_general3A {dimension_numbers = #tpu.dot_dimension_numbers<[1], [0], [0], [1], [0, 0, 1, 1], [], []>, transpose_lhs_hint = false} : vector<2000x128xf32>, vector<128x128xf32>, vector<2000x128xf32> -> vector<2000x128xf32>
    %mul3A = vector.broadcast %rsqrt3A : vector<2000x1xf32> to vector<2000x128xf32>
    %mul3A_21 = arith.mulf %dot_general3A_20, %mul3A : vector<2000x128xf32>
    %swap3A_22 = arith.constant 0 : index
    %swap3A_23 = arith.constant 0 : index
    %swap3A_24 = vector.load %arg5[%swap3A_22, %swap3A_23] : memref<2000x128xf32, #tpu.memory_space<vmem>>, vector<2000x128xf32>
    tpu.vector_store %arg5[%swap3A_22, %swap3A_23], %mul3A_21 {strides = array<i32>} : memref<2000x128xf32, #tpu.memory_space<vmem>>, vector<2000x128xf32>,
    return
  }
  func.func @transform_0(%arg0: i32) -> (i32, i32, i32) {
    %c0_i32 = arith.constant 0 : i32
    %c0_i32_0 = arith.constant 0 : i32
    %c0_i32_1 = arith.constant 0 : i32
    return %c0_i32, %arg0, %c0_i32_0 : i32, i32, i32
  }
  func.func @transform_1(%arg0: i32) -> (i32, i32) {
    %c0_i32 = arith.constant 0 : i32
    %c0_i32_0 = arith.constant 0 : i32
    return %arg0, %c0_i32 : i32, i32
  }
  func.func @transform_2(%arg0: i32) -> (i32, i32) {
    %c0_i32 = arith.constant 0 : i32
    %c0_i32_0 = arith.constant 0 : i32
    %c0_i32_1 = arith.constant 0 : i32
    return %c0_i32, %c0_i32_0 : i32, i32
  }
  func.func @transform_3(%arg0: i32) -> (i32, i32) {
    %c0_i32 = arith.constant 0 : i32
    %c0_i32_0 = arith.constant 0 : i32
    return %arg0, %c0_i32 : i32, i32
  }
  func.func @transform_4(%arg0: i32) -> (i32, i32) {
    %c0_i32 = arith.constant 0 : i32
    %c0_i32_0 = arith.constant 0 : i32
    return %arg0, %c0_i32 : i32, i32
  }
}

module attributes {stable_mosaic.version = 14 : i64} {
  func.func @body(%arg0: i32, %arg1: memref<2x2000x128xf32, #tpu.memory_space<vmem>>, %arg2: memref<2000x128xf32, #tpu.memory_space<vmem>>, %arg3: memref<2000x128xf32, #tpu.memory_space<vmem>>, %arg4: memref<2000x1xf32, #tpu.memory_space<vmem>>, %arg5: memref<128x128xf32, #tpu.memory_space<vmem>>, %arg6: memref<1x128xf32, #tpu.memory_space<vmem>>, %arg7: memref<2000x128xf32, #tpu.memory_space<vmem>>, %arg8: memref<2000x128xf32, #tpu.memory_space<vmem>>) attributes {dimension_semantics = [#tpu.dimension_semantics<arbitrary>], iteration_bounds = array<i64: 5>, scalar_prefetch = 0 : i64, scratch_operands = 0 : i64, tpu.core_type = #tpu.core_type<tc>, window_params = [{transform_indices = @transform_0, window_bounds = array<i64: 2, 2000, 128>}, {transform_indices = @transform_1, window_bounds = array<i64: 2000, 128>}, {transform_indices = @transform_2, window_bounds = array<i64: 2000, 128>}, {transform_indices = @transform_3, window_bounds = array<i64: 2000, 1>}, {pipeline_mode = #tpu.pipeline_mode<synchronous>, transform_indices = @transform_4, window_bounds = array<i64: 128, 128>}, {pipeline_mode = #tpu.pipeline_mode<synchronous>, transform_indices = @transform_5, window_bounds = array<i64: 1, 128>}, {transform_indices = @transform_6, window_bounds = array<i64: 2000, 128>}, {transform_indices = @transform_7, window_bounds = array<i64: 2000, 128>}]} {
    %get3A = arith.constant 0 : index
    %get3A_0 = arith.constant 0 : index
    %get3A_1 = vector.load %arg4[%get3A, %get3A_0] : memref<2000x1xf32, #tpu.memory_space<vmem>>, vector<2000x1xf32>
    %get3A_2 = arith.constant 0 : index
    %get3A_3 = arith.constant 0 : index
    %get3A_4 = arith.constant 0 : index
    %get3A_5 = vector.load %arg1[%get3A_2, %get3A_3, %get3A_4] : memref<2x2000x128xf32, #tpu.memory_space<vmem>>, vector<1x2000x128xf32>
    %get3A_6 = vector.shape_cast %get3A_5 : vector<1x2000x128xf32> to vector<2000x128xf32>
    %get3A_7 = arith.constant 1 : index
    %get3A_8 = arith.constant 0 : index
    %get3A_9 = arith.constant 0 : index
    %get3A_10 = vector.load %arg1[%get3A_7, %get3A_8, %get3A_9] : memref<2x2000x128xf32, #tpu.memory_space<vmem>>, vector<1x2000x128xf32>
    %get3A_11 = vector.shape_cast %get3A_10 : vector<1x2000x128xf32> to vector<2000x128xf32>
    %add3A = arith.addf %get3A_6, %get3A_11 : vector<2000x128xf32>
    %get3A_12 = arith.constant 0 : index
    %get3A_13 = arith.constant 0 : index
    %get3A_14 = vector.load %arg2[%get3A_12, %get3A_13] : memref<2000x128xf32, #tpu.memory_space<vmem>>, vector<2000x128xf32>
    %add3A_15 = arith.addf %add3A, %get3A_14 : vector<2000x128xf32>
    %mul3A = vector.broadcast %get3A_1 : vector<2000x1xf32> to vector<2000x128xf32>
    %mul3A_16 = arith.mulf %add3A_15, %mul3A : vector<2000x128xf32>
    %get3A_17 = arith.constant 0 : index
    %get3A_18 = arith.constant 0 : index
    %get3A_19 = vector.load %arg6[%get3A_17, %get3A_18] : memref<1x128xf32, #tpu.memory_space<vmem>>, vector<1x128xf32>
    %add3A_20 = vector.broadcast %get3A_19 : vector<1x128xf32> to vector<2000x128xf32>
    %add3A_21 = arith.addf %mul3A_16, %add3A_20 : vector<2000x128xf32>
    %max3A = arith.constant 0.000000e+00 : f32
    %max3A_22 = vector.broadcast %max3A : f32 to vector<2000x128xf32>
    %max3A_23 = arith.maximumf %add3A_21, %max3A_22 : vector<2000x128xf32>
    %get3A_24 = arith.constant 0 : index
    %get3A_25 = arith.constant 0 : index
    %get3A_26 = vector.load %arg3[%get3A_24, %get3A_25] : memref<2000x128xf32, #tpu.memory_space<vmem>>, vector<2000x128xf32>
    %add3A_27 = arith.addf %get3A_26, %max3A_23 : vector<2000x128xf32>
    %swap3A = arith.constant 0 : index
    %swap3A_28 = arith.constant 0 : index
    %swap3A_29 = vector.load %arg7[%swap3A, %swap3A_28] : memref<2000x128xf32, #tpu.memory_space<vmem>>, vector<2000x128xf32>
    tpu.vector_store %arg7[%swap3A, %swap3A_28], %add3A_27 {strides = array<i32>} : memref<2000x128xf32, #tpu.memory_space<vmem>>, vector<2000x128xf32>,
    %get3A_30 = arith.constant 0 : index
    %get3A_31 = arith.constant 0 : index
    %get3A_32 = vector.load %arg5[%get3A_30, %get3A_31] : memref<128x128xf32, #tpu.memory_space<vmem>>, vector<128x128xf32>
    %dot_general3A = arith.constant dense<0.000000e+00> : vector<2000x128xf32>
    %dot_general3A_33 = tpu.matmul %add3A_27, %get3A_32, %dot_general3A {dimension_numbers = #tpu.dot_dimension_numbers<[1], [0], [0], [1], [0, 0, 1, 1], [], []>, transpose_lhs_hint = false} : vector<2000x128xf32>, vector<128x128xf32>, vector<2000x128xf32> -> vector<2000x128xf32>
    %mul3A_34 = vector.broadcast %get3A_1 : vector<2000x1xf32> to vector<2000x128xf32>
    %mul3A_35 = arith.mulf %dot_general3A_33, %mul3A_34 : vector<2000x128xf32>
    %swap3A_36 = arith.constant 0 : index
    %swap3A_37 = arith.constant 0 : index
    %swap3A_38 = vector.load %arg8[%swap3A_36, %swap3A_37] : memref<2000x128xf32, #tpu.memory_space<vmem>>, vector<2000x128xf32>
    tpu.vector_store %arg8[%swap3A_36, %swap3A_37], %mul3A_35 {strides = array<i32>} : memref<2000x128xf32, #tpu.memory_space<vmem>>, vector<2000x128xf32>,
    return
  }
  func.func @transform_0(%arg0: i32) -> (i32, i32, i32) {
    %c0_i32 = arith.constant 0 : i32
    %c0_i32_0 = arith.constant 0 : i32
    %c0_i32_1 = arith.constant 0 : i32
    return %c0_i32, %arg0, %c0_i32_0 : i32, i32, i32
  }
  func.func @transform_1(%arg0: i32) -> (i32, i32) {
    %c0_i32 = arith.constant 0 : i32
    %c0_i32_0 = arith.constant 0 : i32
    return %arg0, %c0_i32 : i32, i32
  }
  func.func @transform_2(%arg0: i32) -> (i32, i32) {
    %c0_i32 = arith.constant 0 : i32
    %c0_i32_0 = arith.constant 0 : i32
    return %arg0, %c0_i32 : i32, i32
  }
  func.func @transform_3(%arg0: i32) -> (i32, i32) {
    %c0_i32 = arith.constant 0 : i32
    %c0_i32_0 = arith.constant 0 : i32
    return %arg0, %c0_i32 : i32, i32
  }
  func.func @transform_4(%arg0: i32) -> (i32, i32) {
    %c0_i32 = arith.constant 0 : i32
    %c0_i32_0 = arith.constant 0 : i32
    %c0_i32_1 = arith.constant 0 : i32
    return %c0_i32, %c0_i32_0 : i32, i32
  }
  func.func @transform_5(%arg0: i32) -> (i32, i32) {
    %c0_i32 = arith.constant 0 : i32
    %c0_i32_0 = arith.constant 0 : i32
    %c0_i32_1 = arith.constant 0 : i32
    return %c0_i32, %c0_i32_0 : i32, i32
  }
  func.func @transform_6(%arg0: i32) -> (i32, i32) {
    %c0_i32 = arith.constant 0 : i32
    %c0_i32_0 = arith.constant 0 : i32
    return %arg0, %c0_i32 : i32, i32
  }
  func.func @transform_7(%arg0: i32) -> (i32, i32) {
    %c0_i32 = arith.constant 0 : i32
    %c0_i32_0 = arith.constant 0 : i32
    return %arg0, %c0_i32 : i32, i32
  }
}

module attributes {stable_mosaic.version = 14 : i64} {
  func.func @body(%arg0: i32, %arg1: memref<2x2000x128xf32, #tpu.memory_space<vmem>>, %arg2: memref<2000x128xf32, #tpu.memory_space<vmem>>, %arg3: memref<2000x128xf32, #tpu.memory_space<vmem>>, %arg4: memref<2000x1xf32, #tpu.memory_space<vmem>>, %arg5: memref<128x128xf32, #tpu.memory_space<vmem>>, %arg6: memref<1x128xf32, #tpu.memory_space<vmem>>, %arg7: memref<2000x128xf32, #tpu.memory_space<vmem>>, %arg8: memref<2000x128xf32, #tpu.memory_space<vmem>>) attributes {dimension_semantics = [#tpu.dimension_semantics<arbitrary>], iteration_bounds = array<i64: 5>, scalar_prefetch = 0 : i64, scratch_operands = 0 : i64, tpu.core_type = #tpu.core_type<tc>, window_params = [{transform_indices = @transform_0, window_bounds = array<i64: 2, 2000, 128>}, {transform_indices = @transform_1, window_bounds = array<i64: 2000, 128>}, {transform_indices = @transform_2, window_bounds = array<i64: 2000, 128>}, {transform_indices = @transform_3, window_bounds = array<i64: 2000, 1>}, {pipeline_mode = #tpu.pipeline_mode<synchronous>, transform_indices = @transform_4, window_bounds = array<i64: 128, 128>}, {pipeline_mode = #tpu.pipeline_mode<synchronous>, transform_indices = @transform_5, window_bounds = array<i64: 1, 128>}, {transform_indices = @transform_6, window_bounds = array<i64: 2000, 128>}, {transform_indices = @transform_7, window_bounds = array<i64: 2000, 128>}]} {
    %get3A = arith.constant 0 : index
    %get3A_0 = arith.constant 0 : index
    %get3A_1 = vector.load %arg4[%get3A, %get3A_0] : memref<2000x1xf32, #tpu.memory_space<vmem>>, vector<2000x1xf32>
    %get3A_2 = arith.constant 0 : index
    %get3A_3 = arith.constant 0 : index
    %get3A_4 = arith.constant 0 : index
    %get3A_5 = vector.load %arg1[%get3A_2, %get3A_3, %get3A_4] : memref<2x2000x128xf32, #tpu.memory_space<vmem>>, vector<1x2000x128xf32>
    %get3A_6 = vector.shape_cast %get3A_5 : vector<1x2000x128xf32> to vector<2000x128xf32>
    %get3A_7 = arith.constant 1 : index
    %get3A_8 = arith.constant 0 : index
    %get3A_9 = arith.constant 0 : index
    %get3A_10 = vector.load %arg1[%get3A_7, %get3A_8, %get3A_9] : memref<2x2000x128xf32, #tpu.memory_space<vmem>>, vector<1x2000x128xf32>
    %get3A_11 = vector.shape_cast %get3A_10 : vector<1x2000x128xf32> to vector<2000x128xf32>
    %add3A = arith.addf %get3A_6, %get3A_11 : vector<2000x128xf32>
    %get3A_12 = arith.constant 0 : index
    %get3A_13 = arith.constant 0 : index
    %get3A_14 = vector.load %arg2[%get3A_12, %get3A_13] : memref<2000x128xf32, #tpu.memory_space<vmem>>, vector<2000x128xf32>
    %add3A_15 = arith.addf %add3A, %get3A_14 : vector<2000x128xf32>
    %mul3A = vector.broadcast %get3A_1 : vector<2000x1xf32> to vector<2000x128xf32>
    %mul3A_16 = arith.mulf %add3A_15, %mul3A : vector<2000x128xf32>
    %get3A_17 = arith.constant 0 : index
    %get3A_18 = arith.constant 0 : index
    %get3A_19 = vector.load %arg6[%get3A_17, %get3A_18] : memref<1x128xf32, #tpu.memory_space<vmem>>, vector<1x128xf32>
    %add3A_20 = vector.broadcast %get3A_19 : vector<1x128xf32> to vector<2000x128xf32>
    %add3A_21 = arith.addf %mul3A_16, %add3A_20 : vector<2000x128xf32>
    %max3A = arith.constant 0.000000e+00 : f32
    %max3A_22 = vector.broadcast %max3A : f32 to vector<2000x128xf32>
    %max3A_23 = arith.maximumf %add3A_21, %max3A_22 : vector<2000x128xf32>
    %get3A_24 = arith.constant 0 : index
    %get3A_25 = arith.constant 0 : index
    %get3A_26 = vector.load %arg3[%get3A_24, %get3A_25] : memref<2000x128xf32, #tpu.memory_space<vmem>>, vector<2000x128xf32>
    %add3A_27 = arith.addf %get3A_26, %max3A_23 : vector<2000x128xf32>
    %swap3A = arith.constant 0 : index
    %swap3A_28 = arith.constant 0 : index
    %swap3A_29 = vector.load %arg7[%swap3A, %swap3A_28] : memref<2000x128xf32, #tpu.memory_space<vmem>>, vector<2000x128xf32>
    tpu.vector_store %arg7[%swap3A, %swap3A_28], %add3A_27 {strides = array<i32>} : memref<2000x128xf32, #tpu.memory_space<vmem>>, vector<2000x128xf32>,
    %get3A_30 = arith.constant 0 : index
    %get3A_31 = arith.constant 0 : index
    %get3A_32 = vector.load %arg5[%get3A_30, %get3A_31] : memref<128x128xf32, #tpu.memory_space<vmem>>, vector<128x128xf32>
    %dot_general3A = arith.constant dense<0.000000e+00> : vector<2000x128xf32>
    %dot_general3A_33 = tpu.matmul %add3A_27, %get3A_32, %dot_general3A {dimension_numbers = #tpu.dot_dimension_numbers<[1], [0], [0], [1], [0, 0, 1, 1], [], []>, transpose_lhs_hint = false} : vector<2000x128xf32>, vector<128x128xf32>, vector<2000x128xf32> -> vector<2000x128xf32>
    %mul3A_34 = vector.broadcast %get3A_1 : vector<2000x1xf32> to vector<2000x128xf32>
    %mul3A_35 = arith.mulf %dot_general3A_33, %mul3A_34 : vector<2000x128xf32>
    %swap3A_36 = arith.constant 0 : index
    %swap3A_37 = arith.constant 0 : index
    %swap3A_38 = vector.load %arg8[%swap3A_36, %swap3A_37] : memref<2000x128xf32, #tpu.memory_space<vmem>>, vector<2000x128xf32>
    tpu.vector_store %arg8[%swap3A_36, %swap3A_37], %mul3A_35 {strides = array<i32>} : memref<2000x128xf32, #tpu.memory_space<vmem>>, vector<2000x128xf32>,
    return
  }
  func.func @transform_0(%arg0: i32) -> (i32, i32, i32) {
    %c0_i32 = arith.constant 0 : i32
    %c0_i32_0 = arith.constant 0 : i32
    %c0_i32_1 = arith.constant 0 : i32
    return %c0_i32, %arg0, %c0_i32_0 : i32, i32, i32
  }
  func.func @transform_1(%arg0: i32) -> (i32, i32) {
    %c0_i32 = arith.constant 0 : i32
    %c0_i32_0 = arith.constant 0 : i32
    return %arg0, %c0_i32 : i32, i32
  }
  func.func @transform_2(%arg0: i32) -> (i32, i32) {
    %c0_i32 = arith.constant 0 : i32
    %c0_i32_0 = arith.constant 0 : i32
    return %arg0, %c0_i32 : i32, i32
  }
  func.func @transform_3(%arg0: i32) -> (i32, i32) {
    %c0_i32 = arith.constant 0 : i32
    %c0_i32_0 = arith.constant 0 : i32
    return %arg0, %c0_i32 : i32, i32
  }
  func.func @transform_4(%arg0: i32) -> (i32, i32) {
    %c0_i32 = arith.constant 0 : i32
    %c0_i32_0 = arith.constant 0 : i32
    %c0_i32_1 = arith.constant 0 : i32
    return %c0_i32, %c0_i32_0 : i32, i32
  }
  func.func @transform_5(%arg0: i32) -> (i32, i32) {
    %c0_i32 = arith.constant 0 : i32
    %c0_i32_0 = arith.constant 0 : i32
    %c0_i32_1 = arith.constant 0 : i32
    return %c0_i32, %c0_i32_0 : i32, i32
  }
  func.func @transform_6(%arg0: i32) -> (i32, i32) {
    %c0_i32 = arith.constant 0 : i32
    %c0_i32_0 = arith.constant 0 : i32
    return %arg0, %c0_i32 : i32, i32
  }
  func.func @transform_7(%arg0: i32) -> (i32, i32) {
    %c0_i32 = arith.constant 0 : i32
    %c0_i32_0 = arith.constant 0 : i32
    return %arg0, %c0_i32 : i32, i32
  }
}

module attributes {stable_mosaic.version = 14 : i64} {
  func.func @body(%arg0: i32, %arg1: memref<2x2000x128xf32, #tpu.memory_space<vmem>>, %arg2: memref<2000x128xf32, #tpu.memory_space<vmem>>, %arg3: memref<2000x1xf32, #tpu.memory_space<vmem>>, %arg4: memref<1x128xf32, #tpu.memory_space<vmem>>, %arg5: memref<2000x128xf32, #tpu.memory_space<vmem>>) attributes {dimension_semantics = [#tpu.dimension_semantics<arbitrary>], iteration_bounds = array<i64: 5>, scalar_prefetch = 0 : i64, scratch_operands = 0 : i64, tpu.core_type = #tpu.core_type<tc>, window_params = [{transform_indices = @transform_0, window_bounds = array<i64: 2, 2000, 128>}, {transform_indices = @transform_1, window_bounds = array<i64: 2000, 128>}, {transform_indices = @transform_2, window_bounds = array<i64: 2000, 1>}, {pipeline_mode = #tpu.pipeline_mode<synchronous>, transform_indices = @transform_3, window_bounds = array<i64: 1, 128>}, {transform_indices = @transform_4, window_bounds = array<i64: 2000, 128>}]} {
    %get3A = arith.constant 0 : index
    %get3A_0 = arith.constant 0 : index
    %get3A_1 = arith.constant 0 : index
    %get3A_2 = vector.load %arg1[%get3A, %get3A_0, %get3A_1] : memref<2x2000x128xf32, #tpu.memory_space<vmem>>, vector<1x2000x128xf32>
    %get3A_3 = vector.shape_cast %get3A_2 : vector<1x2000x128xf32> to vector<2000x128xf32>
    %get3A_4 = arith.constant 1 : index
    %get3A_5 = arith.constant 0 : index
    %get3A_6 = arith.constant 0 : index
    %get3A_7 = vector.load %arg1[%get3A_4, %get3A_5, %get3A_6] : memref<2x2000x128xf32, #tpu.memory_space<vmem>>, vector<1x2000x128xf32>
    %get3A_8 = vector.shape_cast %get3A_7 : vector<1x2000x128xf32> to vector<2000x128xf32>
    %add3A = arith.addf %get3A_3, %get3A_8 : vector<2000x128xf32>
    %get3A_9 = arith.constant 0 : index
    %get3A_10 = arith.constant 0 : index
    %get3A_11 = vector.load %arg2[%get3A_9, %get3A_10] : memref<2000x128xf32, #tpu.memory_space<vmem>>, vector<2000x128xf32>
    %add3A_12 = arith.addf %add3A, %get3A_11 : vector<2000x128xf32>
    %get3A_13 = arith.constant 0 : index
    %get3A_14 = arith.constant 0 : index
    %get3A_15 = vector.load %arg3[%get3A_13, %get3A_14] : memref<2000x1xf32, #tpu.memory_space<vmem>>, vector<2000x1xf32>
    %mul3A = vector.broadcast %get3A_15 : vector<2000x1xf32> to vector<2000x128xf32>
    %mul3A_16 = arith.mulf %add3A_12, %mul3A : vector<2000x128xf32>
    %get3A_17 = arith.constant 0 : index
    %get3A_18 = arith.constant 0 : index
    %get3A_19 = vector.load %arg4[%get3A_17, %get3A_18] : memref<1x128xf32, #tpu.memory_space<vmem>>, vector<1x128xf32>
    %add3A_20 = vector.broadcast %get3A_19 : vector<1x128xf32> to vector<2000x128xf32>
    %add3A_21 = arith.addf %mul3A_16, %add3A_20 : vector<2000x128xf32>
    %swap3A = arith.constant 0 : index
    %swap3A_22 = arith.constant 0 : index
    %swap3A_23 = vector.load %arg5[%swap3A, %swap3A_22] : memref<2000x128xf32, #tpu.memory_space<vmem>>, vector<2000x128xf32>
    tpu.vector_store %arg5[%swap3A, %swap3A_22], %add3A_21 {strides = array<i32>} : memref<2000x128xf32, #tpu.memory_space<vmem>>, vector<2000x128xf32>,
    return
  }
  func.func @transform_0(%arg0: i32) -> (i32, i32, i32) {
    %c0_i32 = arith.constant 0 : i32
    %c0_i32_0 = arith.constant 0 : i32
    %c0_i32_1 = arith.constant 0 : i32
    return %c0_i32, %arg0, %c0_i32_0 : i32, i32, i32
  }
  func.func @transform_1(%arg0: i32) -> (i32, i32) {
    %c0_i32 = arith.constant 0 : i32
    %c0_i32_0 = arith.constant 0 : i32
    return %arg0, %c0_i32 : i32, i32
  }
  func.func @transform_2(%arg0: i32) -> (i32, i32) {
    %c0_i32 = arith.constant 0 : i32
    %c0_i32_0 = arith.constant 0 : i32
    return %arg0, %c0_i32 : i32, i32
  }
  func.func @transform_3(%arg0: i32) -> (i32, i32) {
    %c0_i32 = arith.constant 0 : i32
    %c0_i32_0 = arith.constant 0 : i32
    %c0_i32_1 = arith.constant 0 : i32
    return %c0_i32, %c0_i32_0 : i32, i32
  }
  func.func @transform_4(%arg0: i32) -> (i32, i32) {
    %c0_i32 = arith.constant 0 : i32
    %c0_i32_0 = arith.constant 0 : i32
    return %arg0, %c0_i32 : i32, i32
  }
}

module attributes {stable_mosaic.version = 14 : i64} {
  func.func @body(%arg0: memref<2048x128xf32, #tpu.memory_space<vmem>>, %arg1: memref<128x64xf32, #tpu.memory_space<vmem>>, %arg2: memref<1x64xf32, #tpu.memory_space<vmem>>, %arg3: memref<2048x64xf32, #tpu.memory_space<vmem>>) attributes {dimension_semantics = [], scalar_prefetch = 0 : i64, scratch_operands = 0 : i64, tpu.core_type = #tpu.core_type<tc>} {
    %get3A = arith.constant 0 : index
    %get3A_0 = arith.constant 0 : index
    %get3A_1 = vector.load %arg0[%get3A, %get3A_0] : memref<2048x128xf32, #tpu.memory_space<vmem>>, vector<2048x128xf32>
    %reduce_max3A = arith.constant dense<0xFF800000> : vector<2048xf32>
    %reduce_max3A_2 = vector.multi_reduction <maximumf>, %get3A_1, %reduce_max3A [1] : vector<2048x128xf32> to vector<2048xf32>
    %broadcast_in_dim3A = vector.shape_cast %reduce_max3A_2 : vector<2048xf32> to vector<2048x1xf32>
    %sub3A = vector.broadcast %broadcast_in_dim3A : vector<2048x1xf32> to vector<2048x128xf32>
    %sub3A_3 = arith.subf %get3A_1, %sub3A : vector<2048x128xf32>
    %exp3A = math.exp %sub3A_3 : vector<2048x128xf32>
    %reduce_sum3A = arith.constant dense<0.000000e+00> : vector<2048xf32>
    %reduce_sum3A_4 = vector.multi_reduction <add>, %exp3A, %reduce_sum3A [1] : vector<2048x128xf32> to vector<2048xf32>
    %broadcast_in_dim3A_5 = vector.shape_cast %reduce_sum3A_4 : vector<2048xf32> to vector<2048x1xf32>
    %log3A = math.log %broadcast_in_dim3A_5 : vector<2048x1xf32>
    %add3A = arith.addf %log3A, %broadcast_in_dim3A : vector<2048x1xf32>
    %sub3A_6 = vector.broadcast %add3A : vector<2048x1xf32> to vector<2048x128xf32>
    %sub3A_7 = arith.subf %get3A_1, %sub3A_6 : vector<2048x128xf32>
    %get3A_8 = arith.constant 0 : index
    %get3A_9 = arith.constant 0 : index
    %get3A_10 = vector.load %arg1[%get3A_8, %get3A_9] : memref<128x64xf32, #tpu.memory_space<vmem>>, vector<128x64xf32>
    %dot_general3A = arith.constant dense<0.000000e+00> : vector<2048x64xf32>
    %dot_general3A_11 = tpu.matmul %sub3A_7, %get3A_10, %dot_general3A {dimension_numbers = #tpu.dot_dimension_numbers<[1], [0], [0], [1], [0, 0, 1, 1], [], []>, transpose_lhs_hint = false} : vector<2048x128xf32>, vector<128x64xf32>, vector<2048x64xf32> -> vector<2048x64xf32>
    %get3A_12 = arith.constant 0 : index
    %get3A_13 = arith.constant 0 : index
    %get3A_14 = vector.load %arg2[%get3A_12, %get3A_13] : memref<1x64xf32, #tpu.memory_space<vmem>>, vector<1x64xf32>
    %add3A_15 = vector.broadcast %get3A_14 : vector<1x64xf32> to vector<2048x64xf32>
    %add3A_16 = arith.addf %dot_general3A_11, %add3A_15 : vector<2048x64xf32>
    %swap3A = arith.constant 0 : index
    %swap3A_17 = arith.constant 0 : index
    %swap3A_18 = vector.load %arg3[%swap3A, %swap3A_17] : memref<2048x64xf32, #tpu.memory_space<vmem>>, vector<2048x64xf32>
    tpu.vector_store %arg3[%swap3A, %swap3A_17], %add3A_16 {strides = array<i32>} : memref<2048x64xf32, #tpu.memory_space<vmem>>, vector<2048x64xf32>,
    return
  }
}

</mosaic_0001>

<sc_bundles>
// kernel: kernel.14.cloned.1.call-start
scs
__scs_entry_jumppad:
0x0: {  	(pc) =	sbr.rel $0x88, $3  }
0x1: {  	(tag) =	ssettag $0x0;
	lr =	simm.s32 $0x1  }
0x2: {  	[smem:$0x3F93] =	sst lr;
	_ =	strace $0xD0000000  }
0x3: {  	_ = 	snop  }
0x4: {  	_ = 	snop  }
0x5: {  	_ = 	snop  }
0x6: {  	_ = 	snop  }
0x7: {  	_ = 	snop  }
__scs_overlays_trampoline_lowered:
0x8: {  	[smem:$0x3FA2] =	sst s0  }
0x9: {  	[smem:$0x3FA3] =	sst s1  }
0xa: {  	[smem:$0x3FA4] =	sst s2  }
0xb: {  	[smem:$0x3FA5] =	sst s3  }
0xc: {  	[smem:$0x3FA6] =	sst s4  }
0xd: {  	[smem:$0x3FA7] =	sst s5  }
0xe: {  	[smem:$0x3FA8] =	sst s6  }
0xf: {  	[smem:$0x3FA9] =	sst s7  }
0x10: {  	[smem:$0x3FAA] =	sst s8  }
0x11: {  	[smem:$0x3FAB] =	sst s9;
	s0 =	simm.s32 @!p0 $0x0  }
0x12: {  	s1 =	sld [smem:$0x3F91];
	s0 =	simm.s32 @p0 $0x1  }
0x13: {  	[smem:$0x3FAC] =	sst s0;
	s0 =	simm.s32 @!p1 $0x0  }
0x14: {  	s2 =	sld [smem:$0x3F90];
	s0 =	simm.s32 @p1 $0x1  }
0x15: {  	[smem:$0x3FAD] =	sst s0;
	s0 =	simm.s32 @!p2 $0x0  }
0x16: {  	s3 =	sld [smem:$0x3FDB];
	s0 =	simm.s32 @p2 $0x1  }
0x17: {  	s4 =	simm.s32 $0x1BF5;
	[smem:$0x3FAF] =	sst s0  }
0x18: {  	s0 =	sld [smem:$0x3F92];
	_ =	swait.ge [sflag:s4], $0x0  }
0x19: {  	s7 =	sld [smem:$0x3F93]  }
0x1a: {  	s8 =	sadd.s32 $0xFFFFE003, lr  }
0x1b: {  	s9 =	sadd.s32 $0xFFFFFEF7, lr;
	s5 =	simm.s32 $0xFFFFFFFF;
	p2 =	slt.u32 s8, $0xFFFFF086  }
0x1c: {  	p1 =	slt.u32 s9, $0xF7A;
	s5 =	simm.s32 @!p2 $0x0  }
0x1d: {  	s5 =	simm.s32 @p1 $0x1;
	p0 =	seq.s32 s7, s2  }
0x1e: {  	s7 =	smul.u32 @!p0 $0xF7A, s2;
	p2 =	seq.s32 @!p0 s5, $0x0  }
0x1f: {  	s9 =	smul.u32 $0xF7A, s1;
	s8 =	simm.s32 @!p0 $0x1BF5;
	p2 =	por !p2, p0  }
0x20: {  	[sflag:s8] =	ssyncset.s32 @!p0 $0xFFFFF086;
	s6 =	sadd.s32 @!p0 s3, s7;
	s7 =	simm.s32 @!p0 $0x108  }
0x21: {  	s3 =	sadd.s32 s3, s9;
	s6 =	sadd.s32 @!p0 $0x88, s6;
	s7 =	simm.s32 @p2 $0x1082  }
0x22: {  	[simem:s7], [sflag:s8] =	dma.local @!p0 [hbm:s6], $0xF7A  }
0x23: {  	s9 =	sor.u32 $0xD0000000, s2;
	s6 =	simm.s32 $0x108;
	_ =	swait.ge @!p0 [sflag:s8], $0x0  }
0x24: {  	s3 =	sadd.s32 $0x88, s3;
	s6 =	simm.s32 @!p1 $0x1082;
	[sflag:s4] =	ssyncset.s32 $0xFFFFF086  }
0x25: {  	[simem:s6], [sflag:s4] =	dma.local [hbm:s3], $0xF7A  }
0x26: {  	[smem:$0x3F93] =	sst s1;
	(tag) =	ssettag s2;
	_ =	strace s9  }
0x27: {  	s1 =	sld [smem:$0x3FA3]  }
0x28: {  	s2 =	sld [smem:$0x3FA4]  }
0x29: {  	s4 =	sld [smem:$0x3FA6]  }
0x2a: {  	p0 =	seq.s32 s5, $0x0;
	s5 =	sld [smem:$0x3FA7]  }
0x2b: {  	s6 =	sld [smem:$0x3FA8]  }
0x2c: {  	s7 =	sld [smem:$0x3FA9]  }
0x2d: {  	s3 =	simm.s32 $0x108;
	s8 =	sld [smem:$0x3FAA]  }
0x2e: {  	s3 =	simm.s32 @!p0 $0x1082;
	s9 =	sld [smem:$0x3FAB]  }
0x2f: {  	lr =	sadd.s32 s0, s3;
	s0 =	sld [smem:$0x3FA2]  }
0x30: {  	s3 =	sld [smem:$0x3FA5]  }
0x31: {  	[smem:$0x3FAE] =	sst s10  }
0x32: {  	s10 =	sld [smem:$0x3FAC];
	_ =	sdelay $0x3  }
0x33: {  	p0 =	seq.s32 s10, $0x1;
	s10 =	sld [smem:$0x3FAE];
	_ =	sdelay $0x3  }
0x34: {  	[smem:$0x3FAE] =	sst s10  }
0x35: {  	s10 =	sld [smem:$0x3FAD];
	_ =	sdelay $0x3  }
0x36: {  	p1 =	seq.s32 s10, $0x1;
	s10 =	sld [smem:$0x3FAE];
	_ =	sdelay $0x3  }
0x37: {  	[smem:$0x3FAE] =	sst s10  }
0x38: {  	s10 =	sld [smem:$0x3FAF]  }
0x39: {  	_ = 	snop;
	(pc) =	sbr.ind lr, $3  }
0x3a: {  	_ = 	snop  }
0x3b: {  	_ = 	snop  }
0x3c: {  	p2 =	seq.s32 s10, $0x1;
	s10 =	sld [smem:$0x3FAE]  }
0x3d: {  	_ =	shalt  }
0x3e: {  	_ =	shalt  }
0x3f: {  	_ =	shalt  }
0x40: {  	_ =	shalt  }
0x41: {  	_ =	shalt  }
0x42: {  	_ =	shalt  }
0x43: {  	_ =	shalt  }
0x44: {  	_ =	shalt  }
0x45: {  	_ =	shalt  }
0x46: {  	_ =	shalt  }
0x47: {  	_ =	shalt  }
0x48: {  	_ =	shalt  }
0x49: {  	_ =	shalt  }
0x4a: {  	_ =	shalt  }
0x4b: {  	_ =	shalt  }
0x4c: {  	_ =	shalt  }
0x4d: {  	_ =	shalt  }
0x4e: {  	_ =	shalt  }
0x4f: {  	_ =	shalt  }
0x50: {  	_ =	shalt  }
0x51: {  	_ =	shalt  }
0x52: {  	_ =	shalt  }
0x53: {  	_ =	shalt  }
0x54: {  	_ =	shalt  }
0x55: {  	_ =	shalt  }
0x56: {  	_ =	shalt  }
0x57: {  	_ =	shalt  }
0x58: {  	_ =	shalt  }
0x59: {  	_ =	shalt  }
0x5a: {  	_ =	shalt  }
0x5b: {  	_ =	shalt  }
0x5c: {  	_ =	shalt  }
0x5d: {  	_ =	shalt  }
0x5e: {  	_ =	shalt  }
0x5f: {  	_ =	shalt  }
0x60: {  	_ =	shalt  }
0x61: {  	_ =	shalt  }
0x62: {  	_ =	shalt  }
0x63: {  	_ =	shalt  }
0x64: {  	_ =	shalt  }
0x65: {  	_ =	shalt  }
0x66: {  	_ =	shalt  }
0x67: {  	_ =	shalt  }
0x68: {  	_ =	shalt  }
0x69: {  	_ =	shalt  }
0x6a: {  	_ =	shalt  }
0x6b: {  	_ =	shalt  }
0x6c: {  	_ =	shalt  }
0x6d: {  	_ =	shalt  }
0x6e: {  	_ =	shalt  }
0x6f: {  	_ =	shalt  }
0x70: {  	_ =	shalt  }
0x71: {  	_ =	shalt  }
0x72: {  	_ =	shalt  }
0x73: {  	_ =	shalt  }
0x74: {  	_ =	shalt  }
0x75: {  	_ =	shalt  }
0x76: {  	_ =	shalt  }
0x77: {  	_ =	shalt  }
0x78: {  	_ =	shalt  }
0x79: {  	_ =	shalt  }
0x7a: {  	_ =	shalt  }
0x7b: {  	_ =	shalt  }
0x7c: {  	_ =	shalt  }
0x7d: {  	_ =	shalt  }
0x7e: {  	_ =	shalt  }
0x7f: {  	_ =	shalt  }
0x80: {  	_ =	shalt  }
0x81: {  	_ =	shalt  }
0x82: {  	_ =	shalt  }
0x83: {  	_ =	shalt  }
0x84: {  	_ =	shalt  }
0x85: {  	_ =	shalt  }
0x86: {  	_ =	shalt  }
0x87: {  	_ =	shalt  }
.Lfunc_end0:
.L_simem_size_0:
called_computation_lowered:
.L_overlay_start_0:
0x88: {  	s2 =	sld [smem:$0x3FD9]  }
0x89: {  	s3 =	sld [smem:$0x3FFE];
	_ =	sdelay $0x1  }
0x8a: {  	s1 =	srdreg.scid  }
0x8b: {  	s0 =	sand.u32 $0x1, s1  }
0x8c: {  	s16 =	sshll.u32 s0, $0xA;
	s2 =	sadd.s32 s3, s2  }
0x8d: {  	s2 =	sadd.s32 s2, s16  }
0x8e: {  	[smem:$0x3FBA] =	sst s2  }
0x8f: {  	_ = 	snop  }
0x90: {  	(tm) =	ssettm $0x1  }
0x91: {  	s17 =	sld [smem:$0x3FFB];
	_ =	sdelay $0x3  }
0x92: {  	_ =	strace s17  }
0x93: {  	s2 =	sld [smem:$0x3FFC];
	_ =	sdelay $0x3  }
0x94: {  	_ =	strace s2  }
0x95: {  	s2 =	sld [smem:$0x3FFD];
	_ =	sdelay $0x3  }
0x96: {  	_ =	strace s2  }
0x97: {  	_ =	strace $0x8FFFFFFF  }
0x98: {  	s18 =	sld [smem:$0x3FDB];
	_ =	sdelay $0x1  }
0x99: {  	s19 =	simm.s32 $_scs_section_size  }
0x9a: {  	s4 =	simm.s32 $_size__tile_overlayer_lowered;
	s5 =	simm.s32 $_tile_overlayer_lowered  }
0x9b: {  	s22 =	simm.s32 $0x1BFF;
	s21 =	sshll.u32 s5, $0x1;
	s2 =	sadd.s32 s19, s18  }
0x9c: {  	s6 =	simm.s32 $0x0;
	s20 =	sshll.u32 s4, $0x1;
	s4 =	sadd.s32 s21, s2  }
0x9d: {  	[timem:s6], [sflag:s22] =	dma.local [hbm:s4], s20  }
0x9e: {  	_ =	swait.ge [sflag:s22], s20  }
0x9f: {  	s3 =	ssub.s32 $0x0, s20;
	[sflag:s22] =	ssyncset.done $0x0  }
0xa0: {  	[sflag:s22] =	ssyncadd.s32 s3;
	_ =	sdelay $0x1  }
0xa1: {  	s23 =	simm.s32 $0x1B8B  }
0xa2: {  	_ =	swait.ge [sflag:s23], $0x1  }
0xa3: {  	[sflag:s23] =	ssyncset.done $0x0  }
0xa4: {  	s25 =	simm.s32 $0x1B8E;
	s24 =	sld [smem:$0x3FFE];
	[sflag:s23] =	ssyncadd.s32 $0xFFFFFFFF  }
0xa5: {  	s26 =	simm.s32 $execute0_lowered;
	[smem:$0x3FD2] =	sst s25  }
0xa6: {  	s4 =	sshll.u32 s26, $0x1;
	_ =	strace $0x80000046;
	[dreg:$0x1] =	wrdreg $0xFFFFFFFF  }
0xa7: {  	s28 =	simm.s32 $_size_execute0_lowered;
	s2 =	sadd.s32 s2, s4;
	[dreg:$0x0] =	wrdreg $0x0  }
0xa8: {  	s4 =	sshll.u32 s28, $0x1;
	[dreg:$0x2] =	wrdreg s2  }
0xa9: {  	[dreg:$0x3] =	wrdreg s4  }
0xaa: {  	[dreg:$0x4] =	wrdreg $0xC0  }
0xab: {  	_ =	task [dreg:s6], $0x5FFFF  }
0xac: {  	[dreg:$0x1] =	wrdreg $0xFFFFFFFF  }
0xad: {  	[dreg:$0x0] =	wrdreg $0x60  }
0xae: {  	[dreg:$0x2] =	wrdreg s24  }
0xaf: {  	[dreg:$0x3] =	wrdreg $0x68000  }
0xb0: {  	[dreg:$0x4] =	wrdreg $0x9  }
0xb1: {  	_ =	task.clear_ibuf [dreg:s6], $0x5FFFF;
	_ =	strace $0x90000046  }
0xb2: {  	s29 =	simm.s32 $0x9;
	_ =	strace $0x80000048  }
0xb3: {  	_ =	swait.ge [sflag:s29], $0x1  }
0xb4: {  	[sflag:s29] =	ssyncadd.s32 $0xFFFFFFFF  }
0xb5: {  	_ =	strace $0x90000048  }
0xb6: {  	_ =	sfence  }
0xb7: {  	s30 =	sld [smem:$0x0];
	_ =	sdelay $0x2  }
0xb8: {  	s31 =	sshll.u32 s1, $0xD;
	s1 =	sshrl.u32 s1, $0x2  }
0xb9: {  	s3 =	sand.u32 $0x4000, s31;
	s1 =	sadd.s32 s1, s30  }
0xba: {  	s0 =	sor.u32 s3, s0;
	s1 =	sshll.u32 s1, $0x11  }
0xbb: {  	s0 =	sor.u32 s1, s0  }
0xbc: {  	s0 =	sadd.s32 $0x8F2B, s0  }
0xbd: {  	[sflag:s0] =	ssyncadd.remote.s32 $0x1  }
0xbe: {  	_ =	sfence.sel $0xFFFF  }
0xbf: {  	[dreg:$0x0] =	wrdreg $0xFFFFFFFF;
	(pc) =	sbr.abs _section_cstart, $3  }
0xc0: {  	[dreg:$0x1] =	wrdreg $0xFFFFFFFF  }
0xc1: {  	_ =	task.clear_ibuf [dreg:s6], $0x2FFFF;
	_ =	strace $0x9FFFFFFF  }
0xc2: {  	(tm) =	ssettm $0x7FFFFFFF  }
0xc3: {  	_ =	shalt  }
tec
execute0_lowered:
.L_overlay_start_1:
0x0: {  	(tag) =	ssettag $0x1  }
0x1: {  	s0 =	rddreg [dreg:$0x0]  }
0x2: {  	s1 =	rddreg [dreg:$0x1];
	s3 =	srdreg.scid;
	s2 =	simm.s32 $0x0  }
0x3: {  	s9 =	stileid.u32;
	s23 =	simm.s32 $0x2;
	s24 =	simm.s32 $0x50  }
0x4: {  	s28 =	simm.s32 $0x180;
	s29 =	simm.s32 $0x200;
	s30 =	simm.s32 $0x280  }
0x5: {  	s31 =	simm.s32 $0x300;
	s3 =	sand.u32 $0x1, s3;
	s8 =	smul.u32 $0x50000, s9  }
0x6: {  	[smem:$0x7FF] =	sst s2;
	s7 =	sshll.u32 s9, $0xC;
	s13 =	smul.u32 $0x14000, s9  }
0x7: {  	s4 =	sshll.u32 s3, $0xB;
	_ =	strace $0x80000047;
	s5 =	ssub.s32 $0x2, s3  }
0x8: {  	s3 =	smul.u32 $0x140000, s3;
	s4 =	sadd.s32 s4, s0;
	s0 =	sadd.s32 $0x1F400, s0  }
0x9: {  	s6 =	sshrl.u32 s5, $0x1;
	s25 =	sshrl.u32 s8, $0x2;
	s14 =	sor.u32 $0x2800, s13  }
0xa: {  	s16 =	sadd.s32 $0x5000, s13;
	s17 =	sadd.s32 $0x7800, s13;
	s18 =	sadd.s32 $0xA000, s13  }
0xb: {  	s19 =	sadd.s32 $0xC800, s13;
	s20 =	sadd.s32 $0xF000, s13;
	s21 =	sadd.s32 $0x11800, s13  }
0xc: {  	s6 =	ssub.s32 s5, s6;
	s4 =	sadd.s32 s7, s4;
	s5 =	sadd.s32 s25, s1  }
0xd: {  	s7 =	sadd.s32 s14, s1;
	s8 =	sadd.s32 s16, s1;
	s9 =	sadd.s32 s17, s1  }
0xe: {  	s10 =	sadd.s32 s18, s1;
	s11 =	sadd.s32 s19, s1;
	s12 =	sadd.s32 s20, s1  }
0xf: {  	s15 =	sadd.s32 s3, s13;
	s22 =	sadd.s32 s3, s14;
	s13 =	sadd.s32 s21, s1  }
0x10: {  	s16 =	sadd.s32 s3, s16;
	s17 =	sadd.s32 s3, s17;
	s18 =	sadd.s32 s3, s18  }
0x11: {  	s19 =	sadd.s32 s3, s19;
	s20 =	sadd.s32 s3, s20;
	s3 =	sadd.s32 s3, s21  }
0x12: {  	s4 =	sadd.s32 $0xF400, s4;
	s6 =	smax.u32 s6, $0x1;
	s15 =	sshrl.u32 s15, $0x3  }
0x13: {  	s26 =	sshrl.u32 s22, $0x3;
	s16 =	sshrl.u32 s16, $0x3;
	s17 =	sshrl.u32 s17, $0x3  }
0x14: {  	s18 =	sshrl.u32 s18, $0x3;
	s19 =	sshrl.u32 s19, $0x3;
	s20 =	sshrl.u32 s20, $0x3  }
0x15: {  	s3 =	sshrl.u32 s3, $0x3;
	s22 =	simm.s32 $0x4000;
	s14 =	sadd.s32 s0, s15  }
0x16: {  	s15 =	sadd.s32 s0, s26;
	s16 =	sadd.s32 s0, s16;
	s17 =	sadd.s32 s0, s17  }
0x17: {  	s18 =	sadd.s32 s0, s18;
	s19 =	sadd.s32 s0, s19;
	s20 =	sadd.s32 s0, s20  }
0x18: {  	v0 =	vimm.f32 $0.0e+00;
	v1 =	vimm.f32 $1.000000000e+00;
	s21 =	sadd.s32 s0, s3;
	s0 =	simm.s32 $0x1;
	s3 =	simm.s32 $0x0  }
.LBB2_1:
0x19: {  	s25 =	simm.s32 $0x200;
	s26 =	simm.s32 $0x0  }
.LBB2_2:
0x1a: {  	p0 =	sne.s32 s25, $0x9E00;
	[tilespmem:s26+$0x4000] =	vst v0;
	s26 =	smov.u32 s25;
	s25 =	sadd.s32 $0x200, s25  }
.Ltmp0:
0x1b: {  	(pc) =	sbr.rel @p0 .LBB2_2-.Ltmp0, $2  }
0x1c: {  	_ =	sdelay $0x2  }
0x1d: {  	s26 =	sshra.s32 s26, $0x2  }
0x1e: {  	[tilespmem:s26+$0x4000] =	vst v0  }
0x1f: {  	[spmem:s5] =	stream.linear.scatter [tilespmem:s22], [sflag:$0x2], $0x2800, $0x38;
	[tilespmem:$0x9000] =	vst v63  }
0x20: {  	_ =	swait.ge [sflag:s23], $0x2800  }
0x21: {  	[sflag:s23] =	ssyncset.done $0x0  }
0x22: {  	[sflag:s23] =	ssyncadd.s32 $0xFFFFD800  }
0x23: {  	[spmem:s7] =	stream.linear.scatter [tilespmem:s22], [sflag:$0x2], $0x2800, $0x38;
	[tilespmem:$0x9000] =	vst v63  }
0x24: {  	_ =	swait.ge [sflag:s23], $0x2800  }
0x25: {  	[sflag:s23] =	ssyncset.done $0x0  }
0x26: {  	[sflag:s23] =	ssyncadd.s32 $0xFFFFD800  }
0x27: {  	[spmem:s8] =	stream.linear.scatter [tilespmem:s22], [sflag:$0x2], $0x2800, $0x38;
	[tilespmem:$0x9000] =	vst v63  }
0x28: {  	_ =	swait.ge [sflag:s23], $0x2800  }
0x29: {  	[sflag:s23] =	ssyncset.done $0x0  }
0x2a: {  	[sflag:s23] =	ssyncadd.s32 $0xFFFFD800  }
0x2b: {  	[spmem:s9] =	stream.linear.scatter [tilespmem:s22], [sflag:$0x2], $0x2800, $0x38;
	[tilespmem:$0x9000] =	vst v63  }
0x2c: {  	_ =	swait.ge [sflag:s23], $0x2800  }
0x2d: {  	[sflag:s23] =	ssyncset.done $0x0  }
0x2e: {  	[sflag:s23] =	ssyncadd.s32 $0xFFFFD800  }
0x2f: {  	[spmem:s10] =	stream.linear.scatter [tilespmem:s22], [sflag:$0x2], $0x2800, $0x38;
	[tilespmem:$0x9000] =	vst v63  }
0x30: {  	_ =	swait.ge [sflag:s23], $0x2800  }
0x31: {  	[sflag:s23] =	ssyncset.done $0x0  }
0x32: {  	[sflag:s23] =	ssyncadd.s32 $0xFFFFD800  }
0x33: {  	[spmem:s11] =	stream.linear.scatter [tilespmem:s22], [sflag:$0x2], $0x2800, $0x38;
	[tilespmem:$0x9000] =	vst v63  }
0x34: {  	_ =	swait.ge [sflag:s23], $0x2800  }
0x35: {  	[sflag:s23] =	ssyncset.done $0x0  }
0x36: {  	[sflag:s23] =	ssyncadd.s32 $0xFFFFD800  }
0x37: {  	[spmem:s12] =	stream.linear.scatter [tilespmem:s22], [sflag:$0x2], $0x2800, $0x38;
	[tilespmem:$0x9000] =	vst v63  }
0x38: {  	_ =	swait.ge [sflag:s23], $0x2800  }
0x39: {  	[sflag:s23] =	ssyncset.done $0x0  }
0x3a: {  	[sflag:s23] =	ssyncadd.s32 $0xFFFFD800  }
0x3b: {  	[spmem:s13] =	stream.linear.scatter [tilespmem:s22], [sflag:$0x2], $0x2800, $0x38;
	[tilespmem:$0x9000] =	vst v63  }
0x3c: {  	_ =	swait.ge [sflag:s23], $0x2800  }
0x3d: {  	[sflag:s23] =	ssyncset.done $0x0  }
0x3e: {  	s25 =	simm.s32 $0x200;
	s26 =	simm.s32 $0x0;
	[sflag:s23] =	ssyncadd.s32 $0xFFFFD800  }
.LBB2_4:
0x3f: {  	p0 =	sne.s32 s25, $0x9E00;
	[tilespmem:s26+$0x4000] =	vst v1;
	s26 =	smov.u32 s25;
	s25 =	sadd.s32 $0x200, s25  }
.Ltmp1:
0x40: {  	(pc) =	sbr.rel @p0 .LBB2_4-.Ltmp1, $2  }
0x41: {  	_ =	sdelay $0x2  }
0x42: {  	s26 =	sshra.s32 s26, $0x2  }
0x43: {  	[tilespmem:s26+$0x4000] =	vst v1  }
0x44: {  	[tilespmem:s2], [sflag:$0x2] =	stream.linear.gather [hbm4b:s4+s2], $0x3E80, $0x38;
	[tilespmem:$0x9000] =	vst v63  }
0x45: {  	_ =	swait.ge [sflag:s23], $0x3E80  }
0x46: {  	[sflag:s23] =	ssyncset.done $0x0  }
0x47: {  	[sflag:s23] =	ssyncadd.s32 $0xFFFFC180  }
0x48: {  	[bflag:$0x0] =	sbarrier.arrive $0xFFFF  }
0x49: {  	[spmem:s1] =	stream.indirect.scatter.add.f32 [tilespmem:s22], [sflag:$0x1], $0x10, s2, s24, $0xb8;
	[tilespmem:$0x9000] =	vst v63  }
0x4a: {  	s25 =	simm.s32 $0x80  }
0x4b: {  	[spmem:s1] =	stream.indirect.scatter.add.f32 [tilespmem:s22], [sflag:$0x1], $0x10, s25, s24, $0xb8;
	[tilespmem:$0x9000] =	vst v63  }
0x4c: {  	s26 =	simm.s32 $0x100  }
0x4d: {  	[spmem:s1] =	stream.indirect.scatter.add.f32 [tilespmem:s22], [sflag:$0x1], $0x10, s26, s24, $0xb8;
	[tilespmem:$0x9000] =	vst v63  }
0x4e: {  	_ = 	snop  }
0x4f: {  	[spmem:s1] =	stream.indirect.scatter.add.f32 [tilespmem:s22], [sflag:$0x1], $0x10, s28, s24, $0xb8;
	[tilespmem:$0x9000] =	vst v63  }
0x50: {  	_ = 	snop  }
0x51: {  	[spmem:s1] =	stream.indirect.scatter.add.f32 [tilespmem:s22], [sflag:$0x1], $0x10, s29, s24, $0xb8;
	[tilespmem:$0x9000] =	vst v63  }
0x52: {  	_ = 	snop  }
0x53: {  	[spmem:s1] =	stream.indirect.scatter.add.f32 [tilespmem:s22], [sflag:$0x1], $0x10, s30, s24, $0xb8;
	[tilespmem:$0x9000] =	vst v63  }
0x54: {  	_ = 	snop  }
0x55: {  	[spmem:s1] =	stream.indirect.scatter.add.f32 [tilespmem:s22], [sflag:$0x1], $0x10, s31, s24, $0xb8;
	[tilespmem:$0x9000] =	vst v63  }
0x56: {  	s26 =	simm.s32 $0x380  }
0x57: {  	[spmem:s1] =	stream.indirect.scatter.add.f32 [tilespmem:s22], [sflag:$0x1], $0x10, s26, s24, $0xb8;
	[tilespmem:$0x9000] =	vst v63  }
0x58: {  	_ =	swait.ge [sflag:s0], $0x500  }
0x59: {  	s25 =	simm.s32 $0x1000;
	[sflag:s0] =	ssyncset.done $0x0  }
.LBB2_6:
0x5a: {  	s26 =	sshra.s32 s25, $0x2;
	[sflag:s0] =	ssyncadd.s32 $0xFFFFFB00;
	p0 =	sne.s32 s25, $0xF800  }
0x5b: {  	[spmem:s1] =	stream.indirect.scatter.add.f32 [tilespmem:s22], [sflag:$0x1], $0x10, s26, s24, $0xb8;
	[tilespmem:$0x9000] =	vst v63  }
.Ltmp2:
0x5c: {  	_ = 	snop;
	(pc) =	sbr.rel @p0 .LBB2_6-.Ltmp2, $4  }
0x5d: {  	_ = 	snop  }
0x5e: {  	s25 =	sadd.s32 $0x200, s25  }
0x5f: {  	_ =	swait.ge [sflag:s0], $0x500  }
0x60: {  	[sflag:s0] =	ssyncset.done $0x0  }
0x61: {  	[sflag:s0] =	ssyncadd.s32 $0xFFFFFB00  }
0x62: {  	_ =	swait.ge [sflag:s0], $0x500  }
0x63: {  	[sflag:s0] =	ssyncset.done $0x0  }
0x64: {  	[sflag:s0] =	ssyncadd.s32 $0xFFFFFB00  }
0x65: {  	_ =	swait.ge [sflag:s0], $0x500  }
0x66: {  	[sflag:s0] =	ssyncset.done $0x0  }
0x67: {  	[sflag:s0] =	ssyncadd.s32 $0xFFFFFB00  }
0x68: {  	_ =	swait.ge [sflag:s0], $0x500  }
0x69: {  	[sflag:s0] =	ssyncset.done $0x0  }
0x6a: {  	[sflag:s0] =	ssyncadd.s32 $0xFFFFFB00  }
0x6b: {  	_ =	swait.ge [sflag:s0], $0x500  }
0x6c: {  	[sflag:s0] =	ssyncset.done $0x0  }
0x6d: {  	[sflag:s0] =	ssyncadd.s32 $0xFFFFFB00  }
0x6e: {  	_ =	swait.ge [sflag:s0], $0x500  }
0x6f: {  	[sflag:s0] =	ssyncset.done $0x0  }
0x70: {  	[sflag:s0] =	ssyncadd.s32 $0xFFFFFB00  }
0x71: {  	_ =	swait.ge [sflag:s0], $0x500  }
0x72: {  	[sflag:s0] =	ssyncset.done $0x0  }
0x73: {  	[sflag:s0] =	ssyncadd.s32 $0xFFFFFB00  }
0x74: {  	_ =	swait.ge [sflag:s0], $0x500  }
0x75: {  	[sflag:s0] =	ssyncset.done $0x0  }
0x76: {  	[sflag:s0] =	ssyncadd.s32 $0xFFFFFB00  }
0x77: {  	[bflag:$0x0] =	sbarrier.arrive $0xFFFF  }
0x78: {  	[tilespmem:s22], [sflag:$0x2] =	stream.linear.gather [spmem:s5], $0x2800, $0x38;
	[tilespmem:$0x9000] =	vst v63  }
0x79: {  	_ =	swait.ge [sflag:s23], $0x2800  }
0x7a: {  	[sflag:s23] =	ssyncset.done $0x0  }
0x7b: {  	[sflag:s23] =	ssyncadd.s32 $0xFFFFD800  }
0x7c: {  	[hbm4b:s14+s2] =	stream.linear.scatter [tilespmem:s22], [sflag:$0x2], $0x2800, $0x38;
	[tilespmem:$0x9000] =	vst v63  }
0x7d: {  	_ =	swait.ge [sflag:s23], $0x2800  }
0x7e: {  	[sflag:s23] =	ssyncset.done $0x0  }
0x7f: {  	[sflag:s23] =	ssyncadd.s32 $0xFFFFD800  }
0x80: {  	[tilespmem:s22], [sflag:$0x2] =	stream.linear.gather [spmem:s7], $0x2800, $0x38;
	[tilespmem:$0x9000] =	vst v63  }
0x81: {  	_ =	swait.ge [sflag:s23], $0x2800  }
0x82: {  	[sflag:s23] =	ssyncset.done $0x0  }
0x83: {  	[sflag:s23] =	ssyncadd.s32 $0xFFFFD800  }
0x84: {  	[hbm4b:s15+s2] =	stream.linear.scatter [tilespmem:s22], [sflag:$0x2], $0x2800, $0x38;
	[tilespmem:$0x9000] =	vst v63  }
0x85: {  	_ =	swait.ge [sflag:s23], $0x2800  }
0x86: {  	[sflag:s23] =	ssyncset.done $0x0  }
0x87: {  	[sflag:s23] =	ssyncadd.s32 $0xFFFFD800  }
0x88: {  	[tilespmem:s22], [sflag:$0x2] =	stream.linear.gather [spmem:s8], $0x2800, $0x38;
	[tilespmem:$0x9000] =	vst v63  }
0x89: {  	_ =	swait.ge [sflag:s23], $0x2800  }
0x8a: {  	[sflag:s23] =	ssyncset.done $0x0  }
0x8b: {  	[sflag:s23] =	ssyncadd.s32 $0xFFFFD800  }
0x8c: {  	[hbm4b:s16+s2] =	stream.linear.scatter [tilespmem:s22], [sflag:$0x2], $0x2800, $0x38;
	[tilespmem:$0x9000] =	vst v63  }
0x8d: {  	_ =	swait.ge [sflag:s23], $0x2800  }
0x8e: {  	[sflag:s23] =	ssyncset.done $0x0  }
0x8f: {  	[sflag:s23] =	ssyncadd.s32 $0xFFFFD800  }
0x90: {  	[tilespmem:s22], [sflag:$0x2] =	stream.linear.gather [spmem:s9], $0x2800, $0x38;
	[tilespmem:$0x9000] =	vst v63  }
0x91: {  	_ =	swait.ge [sflag:s23], $0x2800  }
0x92: {  	[sflag:s23] =	ssyncset.done $0x0  }
0x93: {  	[sflag:s23] =	ssyncadd.s32 $0xFFFFD800  }
0x94: {  	[hbm4b:s17+s2] =	stream.linear.scatter [tilespmem:s22], [sflag:$0x2], $0x2800, $0x38;
	[tilespmem:$0x9000] =	vst v63  }
0x95: {  	_ =	swait.ge [sflag:s23], $0x2800  }
0x96: {  	[sflag:s23] =	ssyncset.done $0x0  }
0x97: {  	[sflag:s23] =	ssyncadd.s32 $0xFFFFD800  }
0x98: {  	[tilespmem:s22], [sflag:$0x2] =	stream.linear.gather [spmem:s10], $0x2800, $0x38;
	[tilespmem:$0x9000] =	vst v63  }
0x99: {  	_ =	swait.ge [sflag:s23], $0x2800  }
0x9a: {  	[sflag:s23] =	ssyncset.done $0x0  }
0x9b: {  	[sflag:s23] =	ssyncadd.s32 $0xFFFFD800  }
0x9c: {  	[hbm4b:s18+s2] =	stream.linear.scatter [tilespmem:s22], [sflag:$0x2], $0x2800, $0x38;
	[tilespmem:$0x9000] =	vst v63  }
0x9d: {  	_ =	swait.ge [sflag:s23], $0x2800  }
0x9e: {  	[sflag:s23] =	ssyncset.done $0x0  }
0x9f: {  	[sflag:s23] =	ssyncadd.s32 $0xFFFFD800  }
0xa0: {  	[tilespmem:s22], [sflag:$0x2] =	stream.linear.gather [spmem:s11], $0x2800, $0x38;
	[tilespmem:$0x9000] =	vst v63  }
0xa1: {  	_ =	swait.ge [sflag:s23], $0x2800  }
0xa2: {  	[sflag:s23] =	ssyncset.done $0x0  }
0xa3: {  	[sflag:s23] =	ssyncadd.s32 $0xFFFFD800  }
0xa4: {  	[hbm4b:s19+s2] =	stream.linear.scatter [tilespmem:s22], [sflag:$0x2], $0x2800, $0x38;
	[tilespmem:$0x9000] =	vst v63  }
0xa5: {  	_ =	swait.ge [sflag:s23], $0x2800  }
0xa6: {  	[sflag:s23] =	ssyncset.done $0x0  }
0xa7: {  	[sflag:s23] =	ssyncadd.s32 $0xFFFFD800  }
0xa8: {  	[tilespmem:s22], [sflag:$0x2] =	stream.linear.gather [spmem:s12], $0x2800, $0x38;
	[tilespmem:$0x9000] =	vst v63  }
0xa9: {  	_ =	swait.ge [sflag:s23], $0x2800  }
0xaa: {  	[sflag:s23] =	ssyncset.done $0x0  }
0xab: {  	[sflag:s23] =	ssyncadd.s32 $0xFFFFD800  }
0xac: {  	[hbm4b:s20+s2] =	stream.linear.scatter [tilespmem:s22], [sflag:$0x2], $0x2800, $0x38;
	[tilespmem:$0x9000] =	vst v63  }
0xad: {  	_ =	swait.ge [sflag:s23], $0x2800  }
0xae: {  	[sflag:s23] =	ssyncset.done $0x0  }
0xaf: {  	[sflag:s23] =	ssyncadd.s32 $0xFFFFD800  }
0xb0: {  	[tilespmem:s22], [sflag:$0x2] =	stream.linear.gather [spmem:s13], $0x2800, $0x38;
	[tilespmem:$0x9000] =	vst v63  }
0xb1: {  	s3 =	sadd.s32 $0x1, s3;
	_ =	swait.ge [sflag:s23], $0x2800  }
0xb2: {  	p0 =	sne.s32 s3, s6;
	[sflag:s23] =	ssyncset.done $0x0  }
.Ltmp3:
0xb3: {  	[sflag:s23] =	ssyncadd.s32 $0xFFFFD800;
	(pc) =	sbr.rel @p0 .LBB2_1-.Ltmp3, $4  }
0xb4: {  	[hbm4b:s21+s2] =	stream.linear.scatter [tilespmem:s22], [sflag:$0x2], $0x2800, $0x38;
	[tilespmem:$0x9000] =	vst v63  }
0xb5: {  	_ =	swait.ge [sflag:s23], $0x2800  }
0xb6: {  	[sflag:s23] =	ssyncset.done $0x0  }
0xb7: {  	[sflag:s23] =	ssyncadd.s32 $0xFFFFD800  }
0xb8: {  	_ =	sfence.sel $0x180000  }
0xb9: {  	[bflag:$0x0] =	sbarrier.arrive $0xFFFF  }
0xba: {  	_ =	strace $0x90000047  }
0xbb: {  	s0 =	stileid.u32;
	[bflag:$0x2] =	sbarrier.arrive $0xFFFF  }
0xbc: {  	p0 =	sne.s32 s0, $0x0;
	s0 =	rddreg [dreg:$0x2]  }
0xbd: {  	s0 =	sadd.s32 @!p0 $0x100000, s0  }
0xbe: {  	[sflag:s0] =	ssyncadd.tile.s32 @!p0 $0x1;
	_ =	shalt  }
.Lfunc_end2:
_tile_overlayer_lowered:
.L_overlay_start_2:
0xbf: {  	(tag) =	ssettag $0x2  }
0xc0: {  	s0 =	rddreg [dreg:$0x0];
	s2 =	stileid.u32  }
0xc1: {  	s1 =	rddreg [dreg:$0x1];
	p0 =	sne.s32 s2, $0x0  }
0xc2: {  	s3 =	rddreg [dreg:$0x2];
	[bflag:$0x3] =	sbarrier.arrive $0xFFFF;
	s2 =	simm.s32 @!p0 $0x1C02  }
0xc3: {  	[timem:s3], [sflag:s2] =	dma.local @!p0 [hbm:s0], s1  }
0xc4: {  	s0 =	simm.s32 @!p0 $0x2  }
0xc5: {  	_ =	swait.ge @!p0 [sflag:s0], s1  }
0xc6: {  	s1 =	ssub.s32 @!p0 $0x0, s1;
	[sflag:s0] =	ssyncset.done @!p0 $0x0  }
0xc7: {  	[sflag:s0] =	ssyncadd.s32 @!p0 s1  }
0xc8: {  	[bflag:$0x3] =	sbarrier.arrive $0xFFFF  }
0xc9: {  	_ =	shalt  }

// kernel: kernel.17.cloned.1.call-start
scs
__scs_entry_jumppad:
0x0: {  	(pc) =	sbr.rel $0x88, $3  }
0x1: {  	(tag) =	ssettag $0x0;
	lr =	simm.s32 $0x1  }
0x2: {  	[smem:$0x3F93] =	sst lr;
	_ =	strace $0xD0000000  }
0x3: {  	_ = 	snop  }
0x4: {  	_ = 	snop  }
0x5: {  	_ = 	snop  }
0x6: {  	_ = 	snop  }
0x7: {  	_ = 	snop  }
__scs_overlays_trampoline_lowered:
0x8: {  	[smem:$0x3FA2] =	sst s0  }
0x9: {  	[smem:$0x3FA3] =	sst s1  }
0xa: {  	[smem:$0x3FA4] =	sst s2  }
0xb: {  	[smem:$0x3FA5] =	sst s3  }
0xc: {  	[smem:$0x3FA6] =	sst s4  }
0xd: {  	[smem:$0x3FA7] =	sst s5  }
0xe: {  	[smem:$0x3FA8] =	sst s6  }
0xf: {  	[smem:$0x3FA9] =	sst s7  }
0x10: {  	[smem:$0x3FAA] =	sst s8  }
0x11: {  	[smem:$0x3FAB] =	sst s9;
	s0 =	simm.s32 @!p0 $0x0  }
0x12: {  	s1 =	sld [smem:$0x3F91];
	s0 =	simm.s32 @p0 $0x1  }
0x13: {  	[smem:$0x3FAC] =	sst s0;
	s0 =	simm.s32 @!p1 $0x0  }
0x14: {  	s2 =	sld [smem:$0x3F90];
	s0 =	simm.s32 @p1 $0x1  }
0x15: {  	[smem:$0x3FAD] =	sst s0;
	s0 =	simm.s32 @!p2 $0x0  }
0x16: {  	s3 =	sld [smem:$0x3FDB];
	s0 =	simm.s32 @p2 $0x1  }
0x17: {  	s4 =	simm.s32 $0x1BF5;
	[smem:$0x3FAF] =	sst s0  }
0x18: {  	s0 =	sld [smem:$0x3F92];
	_ =	swait.ge [sflag:s4], $0x0  }
0x19: {  	s7 =	sld [smem:$0x3F93]  }
0x1a: {  	s8 =	sadd.s32 $0xFFFFE003, lr  }
0x1b: {  	s9 =	sadd.s32 $0xFFFFFEF7, lr;
	s5 =	simm.s32 $0xFFFFFFFF;
	p2 =	slt.u32 s8, $0xFFFFF086  }
0x1c: {  	p1 =	slt.u32 s9, $0xF7A;
	s5 =	simm.s32 @!p2 $0x0  }
0x1d: {  	s5 =	simm.s32 @p1 $0x1;
	p0 =	seq.s32 s7, s2  }
0x1e: {  	s7 =	smul.u32 @!p0 $0xF7A, s2;
	p2 =	seq.s32 @!p0 s5, $0x0  }
0x1f: {  	s9 =	smul.u32 $0xF7A, s1;
	s8 =	simm.s32 @!p0 $0x1BF5;
	p2 =	por !p2, p0  }
0x20: {  	[sflag:s8] =	ssyncset.s32 @!p0 $0xFFFFF086;
	s6 =	sadd.s32 @!p0 s3, s7;
	s7 =	simm.s32 @!p0 $0x108  }
0x21: {  	s3 =	sadd.s32 s3, s9;
	s6 =	sadd.s32 @!p0 $0x88, s6;
	s7 =	simm.s32 @p2 $0x1082  }
0x22: {  	[simem:s7], [sflag:s8] =	dma.local @!p0 [hbm:s6], $0xF7A  }
0x23: {  	s9 =	sor.u32 $0xD0000000, s2;
	s6 =	simm.s32 $0x108;
	_ =	swait.ge @!p0 [sflag:s8], $0x0  }
0x24: {  	s3 =	sadd.s32 $0x88, s3;
	s6 =	simm.s32 @!p1 $0x1082;
	[sflag:s4] =	ssyncset.s32 $0xFFFFF086  }
0x25: {  	[simem:s6], [sflag:s4] =	dma.local [hbm:s3], $0xF7A  }
0x26: {  	[smem:$0x3F93] =	sst s1;
	(tag) =	ssettag s2;
	_ =	strace s9  }
0x27: {  	s1 =	sld [smem:$0x3FA3]  }
0x28: {  	s2 =	sld [smem:$0x3FA4]  }
0x29: {  	s4 =	sld [smem:$0x3FA6]  }
0x2a: {  	p0 =	seq.s32 s5, $0x0;
	s5 =	sld [smem:$0x3FA7]  }
0x2b: {  	s6 =	sld [smem:$0x3FA8]  }
0x2c: {  	s7 =	sld [smem:$0x3FA9]  }
0x2d: {  	s3 =	simm.s32 $0x108;
	s8 =	sld [smem:$0x3FAA]  }
0x2e: {  	s3 =	simm.s32 @!p0 $0x1082;
	s9 =	sld [smem:$0x3FAB]  }
0x2f: {  	lr =	sadd.s32 s0, s3;
	s0 =	sld [smem:$0x3FA2]  }
0x30: {  	s3 =	sld [smem:$0x3FA5]  }
0x31: {  	[smem:$0x3FAE] =	sst s10  }
0x32: {  	s10 =	sld [smem:$0x3FAC];
	_ =	sdelay $0x3  }
0x33: {  	p0 =	seq.s32 s10, $0x1;
	s10 =	sld [smem:$0x3FAE];
	_ =	sdelay $0x3  }
0x34: {  	[smem:$0x3FAE] =	sst s10  }
0x35: {  	s10 =	sld [smem:$0x3FAD];
	_ =	sdelay $0x3  }
0x36: {  	p1 =	seq.s32 s10, $0x1;
	s10 =	sld [smem:$0x3FAE];
	_ =	sdelay $0x3  }
0x37: {  	[smem:$0x3FAE] =	sst s10  }
0x38: {  	s10 =	sld [smem:$0x3FAF]  }
0x39: {  	_ = 	snop;
	(pc) =	sbr.ind lr, $3  }
0x3a: {  	_ = 	snop  }
0x3b: {  	_ = 	snop  }
0x3c: {  	p2 =	seq.s32 s10, $0x1;
	s10 =	sld [smem:$0x3FAE]  }
0x3d: {  	_ =	shalt  }
0x3e: {  	_ =	shalt  }
0x3f: {  	_ =	shalt  }
0x40: {  	_ =	shalt  }
0x41: {  	_ =	shalt  }
0x42: {  	_ =	shalt  }
0x43: {  	_ =	shalt  }
0x44: {  	_ =	shalt  }
0x45: {  	_ =	shalt  }
0x46: {  	_ =	shalt  }
0x47: {  	_ =	shalt  }
0x48: {  	_ =	shalt  }
0x49: {  	_ =	shalt  }
0x4a: {  	_ =	shalt  }
0x4b: {  	_ =	shalt  }
0x4c: {  	_ =	shalt  }
0x4d: {  	_ =	shalt  }
0x4e: {  	_ =	shalt  }
0x4f: {  	_ =	shalt  }
0x50: {  	_ =	shalt  }
0x51: {  	_ =	shalt  }
0x52: {  	_ =	shalt  }
0x53: {  	_ =	shalt  }
0x54: {  	_ =	shalt  }
0x55: {  	_ =	shalt  }
0x56: {  	_ =	shalt  }
0x57: {  	_ =	shalt  }
0x58: {  	_ =	shalt  }
0x59: {  	_ =	shalt  }
0x5a: {  	_ =	shalt  }
0x5b: {  	_ =	shalt  }
0x5c: {  	_ =	shalt  }
0x5d: {  	_ =	shalt  }
0x5e: {  	_ =	shalt  }
0x5f: {  	_ =	shalt  }
0x60: {  	_ =	shalt  }
0x61: {  	_ =	shalt  }
0x62: {  	_ =	shalt  }
0x63: {  	_ =	shalt  }
0x64: {  	_ =	shalt  }
0x65: {  	_ =	shalt  }
0x66: {  	_ =	shalt  }
0x67: {  	_ =	shalt  }
0x68: {  	_ =	shalt  }
0x69: {  	_ =	shalt  }
0x6a: {  	_ =	shalt  }
0x6b: {  	_ =	shalt  }
0x6c: {  	_ =	shalt  }
0x6d: {  	_ =	shalt  }
0x6e: {  	_ =	shalt  }
0x6f: {  	_ =	shalt  }
0x70: {  	_ =	shalt  }
0x71: {  	_ =	shalt  }
0x72: {  	_ =	shalt  }
0x73: {  	_ =	shalt  }
0x74: {  	_ =	shalt  }
0x75: {  	_ =	shalt  }
0x76: {  	_ =	shalt  }
0x77: {  	_ =	shalt  }
0x78: {  	_ =	shalt  }
0x79: {  	_ =	shalt  }
0x7a: {  	_ =	shalt  }
0x7b: {  	_ =	shalt  }
0x7c: {  	_ =	shalt  }
0x7d: {  	_ =	shalt  }
0x7e: {  	_ =	shalt  }
0x7f: {  	_ =	shalt  }
0x80: {  	_ =	shalt  }
0x81: {  	_ =	shalt  }
0x82: {  	_ =	shalt  }
0x83: {  	_ =	shalt  }
0x84: {  	_ =	shalt  }
0x85: {  	_ =	shalt  }
0x86: {  	_ =	shalt  }
0x87: {  	_ =	shalt  }
.Lfunc_end0:
.L_simem_size_0:
called_computation.1_lowered:
.L_overlay_start_0:
0x88: {  	s2 =	sld [smem:$0x3FD9]  }
0x89: {  	s3 =	sld [smem:$0x3FFE];
	_ =	sdelay $0x1  }
0x8a: {  	s1 =	srdreg.scid  }
0x8b: {  	s0 =	sand.u32 $0x1, s1  }
0x8c: {  	s16 =	sshll.u32 s0, $0xA;
	s2 =	sadd.s32 s3, s2  }
0x8d: {  	s2 =	sadd.s32 s2, s16  }
0x8e: {  	[smem:$0x3FBA] =	sst s2  }
0x8f: {  	_ = 	snop  }
0x90: {  	(tm) =	ssettm $0x1  }
0x91: {  	s17 =	sld [smem:$0x3FFB];
	_ =	sdelay $0x3  }
0x92: {  	_ =	strace s17  }
0x93: {  	s2 =	sld [smem:$0x3FFC];
	_ =	sdelay $0x3  }
0x94: {  	_ =	strace s2  }
0x95: {  	s2 =	sld [smem:$0x3FFD];
	_ =	sdelay $0x3  }
0x96: {  	_ =	strace s2  }
0x97: {  	_ =	strace $0x8FFFFFFF  }
0x98: {  	s18 =	sld [smem:$0x3FDB];
	_ =	sdelay $0x1  }
0x99: {  	s19 =	simm.s32 $_scs_section_size  }
0x9a: {  	s4 =	simm.s32 $_size__tile_overlayer_lowered;
	s5 =	simm.s32 $_tile_overlayer_lowered  }
0x9b: {  	s22 =	simm.s32 $0x1BFF;
	s21 =	sshll.u32 s5, $0x1;
	s2 =	sadd.s32 s19, s18  }
0x9c: {  	s6 =	simm.s32 $0x0;
	s20 =	sshll.u32 s4, $0x1;
	s4 =	sadd.s32 s21, s2  }
0x9d: {  	[timem:s6], [sflag:s22] =	dma.local [hbm:s4], s20  }
0x9e: {  	_ =	swait.ge [sflag:s22], s20  }
0x9f: {  	s3 =	ssub.s32 $0x0, s20;
	[sflag:s22] =	ssyncset.done $0x0  }
0xa0: {  	[sflag:s22] =	ssyncadd.s32 s3;
	_ =	sdelay $0x1  }
0xa1: {  	s23 =	simm.s32 $0x1B8B  }
0xa2: {  	_ =	swait.ge [sflag:s23], $0x1  }
0xa3: {  	[sflag:s23] =	ssyncset.done $0x0  }
0xa4: {  	s25 =	simm.s32 $0x1B8E;
	s24 =	sld [smem:$0x3FFE];
	[sflag:s23] =	ssyncadd.s32 $0xFFFFFFFF  }
0xa5: {  	s26 =	simm.s32 $execute0_lowered;
	[smem:$0x3FD2] =	sst s25  }
0xa6: {  	s4 =	sshll.u32 s26, $0x1;
	_ =	strace $0x80000049;
	[dreg:$0x1] =	wrdreg $0xFFFFFFFF  }
0xa7: {  	s28 =	simm.s32 $_size_execute0_lowered;
	s2 =	sadd.s32 s2, s4;
	[dreg:$0x0] =	wrdreg $0x0  }
0xa8: {  	s4 =	sshll.u32 s28, $0x1;
	[dreg:$0x2] =	wrdreg s2  }
0xa9: {  	[dreg:$0x3] =	wrdreg s4  }
0xaa: {  	[dreg:$0x4] =	wrdreg $0xC0  }
0xab: {  	_ =	task [dreg:s6], $0x5FFFF  }
0xac: {  	[dreg:$0x1] =	wrdreg $0xFFFFFFFF  }
0xad: {  	[dreg:$0x0] =	wrdreg $0x60  }
0xae: {  	[dreg:$0x2] =	wrdreg s24  }
0xaf: {  	[dreg:$0x3] =	wrdreg $0xB7800  }
0xb0: {  	[dreg:$0x4] =	wrdreg $0x9  }
0xb1: {  	_ =	task.clear_ibuf [dreg:s6], $0x5FFFF;
	_ =	strace $0x90000049  }
0xb2: {  	s29 =	simm.s32 $0x9;
	_ =	strace $0x8000004B  }
0xb3: {  	_ =	swait.ge [sflag:s29], $0x1  }
0xb4: {  	[sflag:s29] =	ssyncadd.s32 $0xFFFFFFFF  }
0xb5: {  	_ =	strace $0x9000004B  }
0xb6: {  	_ =	sfence  }
0xb7: {  	s30 =	sld [smem:$0x0];
	_ =	sdelay $0x2  }
0xb8: {  	s31 =	sshll.u32 s1, $0xD;
	s1 =	sshrl.u32 s1, $0x2  }
0xb9: {  	s3 =	sand.u32 $0x4000, s31;
	s1 =	sadd.s32 s1, s30  }
0xba: {  	s0 =	sor.u32 s3, s0;
	s1 =	sshll.u32 s1, $0x11  }
0xbb: {  	s0 =	sor.u32 s1, s0  }
0xbc: {  	s0 =	sadd.s32 $0x8F2B, s0  }
0xbd: {  	[sflag:s0] =	ssyncadd.remote.s32 $0x1  }
0xbe: {  	_ =	sfence.sel $0xFFFF  }
0xbf: {  	[dreg:$0x0] =	wrdreg $0xFFFFFFFF;
	(pc) =	sbr.abs _section_cstart, $3  }
0xc0: {  	[dreg:$0x1] =	wrdreg $0xFFFFFFFF  }
0xc1: {  	_ =	task.clear_ibuf [dreg:s6], $0x2FFFF;
	_ =	strace $0x9FFFFFFF  }
0xc2: {  	(tm) =	ssettm $0x7FFFFFFF  }
0xc3: {  	_ =	shalt  }
tec
execute0_lowered:
.L_overlay_start_1:
0x0: {  	(tag) =	ssettag $0x1  }
0x1: {  	s0 =	rddreg [dreg:$0x0]  }
0x2: {  	s1 =	srdreg.scid;
	s10 =	stileid.u32  }
0x3: {  	s2 =	rddreg [dreg:$0x1];
	s3 =	simm.s32 $0x0;
	s28 =	simm.s32 $0x50  }
0x4: {  	s29 =	simm.s32 $0x8F80;
	s30 =	simm.s32 $0x1;
	s31 =	simm.s32 $0x2  }
0x5: {  	s1 =	sand.u32 $0x1, s1;
	s4 =	sshll.u32 s10, $0x1;
	s9 =	smul.u32 $0x50000, s10  }
0x6: {  	[smem:$0x7FF] =	sst s3;
	s15 =	smul.u32 $0x14000, s10;
	s5 =	sor.u32 s1, s4  }
0x7: {  	_ =	strace $0x8000004A;
	s7 =	ssub.s32 $0x2, s1;
	s1 =	smul.u32 $0x140000, s1  }
0x8: {  	s4 =	sadd.s32 $0x1F400, s0;
	s6 =	smul.u32 $0x4E2, s5;
	s5 =	sshll.u32 s5, $0xB  }
0x9: {  	s8 =	sshrl.u32 s7, $0x1;
	s22 =	sshrl.u32 s9, $0x2;
	s24 =	sor.u32 $0x2800, s15  }
0xa: {  	s18 =	sadd.s32 $0x5000, s15;
	s19 =	sadd.s32 $0x7800, s15;
	s20 =	sadd.s32 $0xA000, s15  }
0xb: {  	s21 =	sadd.s32 $0xC800, s15;
	s5 =	sadd.s32 s5, s0;
	s8 =	ssub.s32 s7, s8  }
0xc: {  	s7 =	sadd.s32 s22, s2;
	s9 =	sadd.s32 s24, s2;
	s10 =	sadd.s32 s18, s2  }
0xd: {  	s11 =	sadd.s32 s19, s2;
	s12 =	sadd.s32 s20, s2;
	s13 =	sadd.s32 s21, s2  }
0xe: {  	s22 =	sadd.s32 $0xF000, s15;
	s16 =	sadd.s32 s1, s15;
	s25 =	sadd.s32 s1, s18  }
0xf: {  	s26 =	sadd.s32 s1, s19;
	s6 =	sadd.s32 s6, s0;
	s0 =	sadd.s32 $0x6D800, s0  }
0x10: {  	s5 =	sadd.s32 $0xF400, s5;
	s23 =	smax.u32 s8, $0x1;
	s14 =	sadd.s32 s22, s2  }
0x11: {  	s16 =	sshrl.u32 s16, $0x3;
	s8 =	sshrl.u32 s26, $0x3;
	[dreg:$0x4] =	wrdreg s5  }
0x12: {  	s26 =	sadd.s32 s1, s22;
	s6 =	sadd.s32 $0x5600, s6;
	[dreg:$0x5] =	wrdreg s23  }
0x13: {  	s5 =	sadd.s32 s1, s24;
	s23 =	sadd.s32 $0x11800, s15;
	s16 =	sadd.s32 s0, s16  }
0x14: {  	s19 =	sadd.s32 s0, s8;
	s22 =	sshrl.u32 s26, $0x3;
	[dreg:$0x3] =	wrdreg s6  }
0x15: {  	s5 =	sshrl.u32 s5, $0x3;
	s15 =	sadd.s32 s23, s2;
	s6 =	sadd.s32 s1, s20  }
0x16: {  	s22 =	sadd.s32 s0, s22;
	s17 =	sadd.s32 s0, s5;
	s5 =	sshrl.u32 s25, $0x3  }
0x17: {  	s24 =	sshrl.u32 s6, $0x3;
	s25 =	sadd.s32 s1, s21;
	s1 =	sadd.s32 s1, s23  }
0x18: {  	s18 =	sadd.s32 s0, s5;
	s20 =	sadd.s32 s0, s24;
	s5 =	sshrl.u32 s25, $0x3  }
0x19: {  	s1 =	sshrl.u32 s1, $0x3;
	s24 =	simm.s32 $0x6780;
	s25 =	simm.s32 $0x3  }
0x1a: {  	v0 =	vimm.f32 $0.0e+00;
	s21 =	sadd.s32 s0, s5;
	s23 =	sadd.s32 s0, s1;
	s0 =	simm.s32 $0x0  }
.LBB2_1:
0x1b: {  	s1 =	simm.s32 $0x0;
	s5 =	simm.s32 $0x200  }
.LBB2_2:
0x1c: {  	p0 =	sne.s32 s5, $0x9E00;
	[tilespmem:s1+$0x67F0] =	vst v0  }
0x1d: {  	[tilespmem:s1+$0x6780] =	vst v0  }
0x1e: {  	[tilespmem:s1+$0x6790] =	vst v0  }
.Ltmp0:
0x1f: {  	[tilespmem:s1+$0x67A0] =	vst v0;
	(pc) =	sbr.rel @p0 .LBB2_2-.Ltmp0, $4  }
0x20: {  	[tilespmem:s1+$0x67B0] =	vst v0  }
0x21: {  	[tilespmem:s1+$0x67C0] =	vst v0  }
0x22: {  	[tilespmem:s1+$0x67D0] =	vst v0  }
0x23: {  	[tilespmem:s1+$0x67E0] =	vst v0;
	s1 =	sshra.s32 s5, $0x2;
	s5 =	sadd.s32 $0x200, s5  }
0x24: {  	[tilespmem:s1+$0x67F0] =	vst v0  }
0x25: {  	[tilespmem:s1+$0x6780] =	vst v0  }
0x26: {  	[tilespmem:s1+$0x6790] =	vst v0  }
0x27: {  	[tilespmem:s1+$0x67A0] =	vst v0  }
0x28: {  	[tilespmem:s1+$0x67B0] =	vst v0  }
0x29: {  	[tilespmem:s1+$0x67C0] =	vst v0  }
0x2a: {  	[tilespmem:s1+$0x67D0] =	vst v0  }
0x2b: {  	[tilespmem:s1+$0x67E0] =	vst v0  }
0x2c: {  	[spmem:s7] =	stream.linear.scatter [tilespmem:s24], [sflag:$0x3], $0x2800, $0x38;
	[tilespmem:$0x1F780] =	vst v63  }
0x2d: {  	_ =	swait.ge [sflag:s25], $0x2800  }
0x2e: {  	[sflag:s25] =	ssyncset.done $0x0  }
0x2f: {  	[sflag:s25] =	ssyncadd.s32 $0xFFFFD800  }
0x30: {  	[spmem:s9] =	stream.linear.scatter [tilespmem:s24], [sflag:$0x3], $0x2800, $0x38;
	[tilespmem:$0x1F780] =	vst v63  }
0x31: {  	_ =	swait.ge [sflag:s25], $0x2800  }
0x32: {  	[sflag:s25] =	ssyncset.done $0x0  }
0x33: {  	[sflag:s25] =	ssyncadd.s32 $0xFFFFD800  }
0x34: {  	[spmem:s10] =	stream.linear.scatter [tilespmem:s24], [sflag:$0x3], $0x2800, $0x38;
	[tilespmem:$0x1F780] =	vst v63  }
0x35: {  	_ =	swait.ge [sflag:s25], $0x2800  }
0x36: {  	[sflag:s25] =	ssyncset.done $0x0  }
0x37: {  	[sflag:s25] =	ssyncadd.s32 $0xFFFFD800  }
0x38: {  	[spmem:s11] =	stream.linear.scatter [tilespmem:s24], [sflag:$0x3], $0x2800, $0x38;
	[tilespmem:$0x1F780] =	vst v63  }
0x39: {  	_ =	swait.ge [sflag:s25], $0x2800  }
0x3a: {  	[sflag:s25] =	ssyncset.done $0x0  }
0x3b: {  	[sflag:s25] =	ssyncadd.s32 $0xFFFFD800  }
0x3c: {  	[spmem:s12] =	stream.linear.scatter [tilespmem:s24], [sflag:$0x3], $0x2800, $0x38;
	[tilespmem:$0x1F780] =	vst v63  }
0x3d: {  	_ =	swait.ge [sflag:s25], $0x2800  }
0x3e: {  	[sflag:s25] =	ssyncset.done $0x0  }
0x3f: {  	[sflag:s25] =	ssyncadd.s32 $0xFFFFD800  }
0x40: {  	[spmem:s13] =	stream.linear.scatter [tilespmem:s24], [sflag:$0x3], $0x2800, $0x38;
	[tilespmem:$0x1F780] =	vst v63  }
0x41: {  	_ =	swait.ge [sflag:s25], $0x2800  }
0x42: {  	[sflag:s25] =	ssyncset.done $0x0  }
0x43: {  	[sflag:s25] =	ssyncadd.s32 $0xFFFFD800  }
0x44: {  	[spmem:s14] =	stream.linear.scatter [tilespmem:s24], [sflag:$0x3], $0x2800, $0x38;
	[tilespmem:$0x1F780] =	vst v63  }
0x45: {  	_ =	swait.ge [sflag:s25], $0x2800  }
0x46: {  	[sflag:s25] =	ssyncset.done $0x0  }
0x47: {  	[sflag:s25] =	ssyncadd.s32 $0xFFFFD800  }
0x48: {  	[spmem:s15] =	stream.linear.scatter [tilespmem:s24], [sflag:$0x3], $0x2800, $0x38;
	[tilespmem:$0x1F780] =	vst v63  }
0x49: {  	_ =	swait.ge [sflag:s25], $0x2800  }
0x4a: {  	[sflag:s25] =	ssyncset.done $0x0  }
0x4b: {  	s8 =	simm.s32 $0x0;
	s5 =	rddreg [dreg:$0x3];
	[sflag:s25] =	ssyncadd.s32 $0xFFFFD800  }
0x4c: {  	[tilespmem:s8], [sflag:$0x3] =	stream.linear.gather [hbm4b:s5+s8], $0x2710, $0x38;
	[tilespmem:$0x1F780] =	vst v63  }
0x4d: {  	_ =	swait.ge [sflag:s25], $0x2710  }
0x4e: {  	[sflag:s25] =	ssyncset.done $0x0  }
0x4f: {  	s6 =	simm.s32 $0x2780;
	s26 =	rddreg [dreg:$0x4];
	[sflag:s25] =	ssyncadd.s32 $0xFFFFD8F0  }
0x50: {  	[tilespmem:s6], [sflag:$0x3] =	stream.linear.gather [hbm4b:s26+s8], $0x3E80, $0x38;
	[tilespmem:$0x1F780] =	vst v63  }
0x51: {  	_ =	swait.ge [sflag:s25], $0x3E80  }
0x52: {  	[sflag:s25] =	ssyncset.done $0x0  }
0x53: {  	[sflag:s25] =	ssyncadd.s32 $0xFFFFC180  }
0x54: {  	[bflag:$0x0] =	sbarrier.arrive $0xFFFF  }
0x55: {  	[tilespmem:s24], [sflag:$0x1] =	stream.indirect.gather [hbm4b:s4+s28], $0x80, s8, s28, $0xb8;
	[tilespmem:$0x1F780] =	vst v63  }
0x56: {  	s5 =	simm.s32 $0x50  }
0x57: {  	[tilespmem:s29], [sflag:$0x2] =	stream.indirect.gather [hbm4b:s4+s28], $0x80, s5, s28, $0xb8;
	[tilespmem:$0x1F780] =	vst v63  }
0x58: {  	_ =	swait.ge [sflag:s30], $0x2800  }
0x59: {  	[sflag:s30] =	ssyncset.done $0x0  }
0x5a: {  	s6 =	simm.s32 $0x2780;
	[sflag:s30] =	ssyncadd.s32 $0xFFFFD800  }
0x5b: {  	[spmem:s2] =	stream.indirect.scatter.add.f32 [tilespmem:s24], [sflag:$0x3], $0x80, s6, s28, $0xb8;
	[tilespmem:$0x1F780] =	vst v63  }
0x5c: {  	_ =	swait.ge [sflag:s25], $0x2800  }
0x5d: {  	[sflag:s25] =	ssyncset.done $0x0  }
0x5e: {  	s8 =	simm.s32 $0xA0;
	[sflag:s25] =	ssyncadd.s32 $0xFFFFD800  }
0x5f: {  	[tilespmem:s24], [sflag:$0x1] =	stream.indirect.gather [hbm4b:s4+s28], $0x80, s8, s28, $0xb8;
	[tilespmem:$0x1F780] =	vst v63  }
0x60: {  	_ =	swait.ge [sflag:s31], $0x2800  }
0x61: {  	[sflag:s31] =	ssyncset.done $0x0  }
0x62: {  	s26 =	simm.s32 $0x2800;
	[sflag:s31] =	ssyncadd.s32 $0xFFFFD800  }
0x63: {  	[spmem:s2] =	stream.indirect.scatter.add.f32 [tilespmem:s29], [sflag:$0x3], $0x80, s26, s28, $0xb8;
	[tilespmem:$0x1F780] =	vst v63  }
0x64: {  	s1 =	simm.s32 $0x400;
	_ =	swait.ge [sflag:s25], $0x2800  }
0x65: {  	s5 =	simm.s32 $0x800;
	s26 =	simm.s32 $0x140;
	[sflag:s25] =	ssyncset.done $0x0  }
.LBB2_4:
0x66: {  	p0 =	sne.s32 s5, $0xF400;
	s6 =	sadd.s32 $0xFFFFFFB0, s26;
	[sflag:s25] =	ssyncadd.s32 $0xFFFFD800  }
0x67: {  	[tilespmem:s29], [sflag:$0x2] =	stream.indirect.gather [hbm4b:s4+s28], $0x80, s6, s28, $0xb8;
	[tilespmem:$0x1F780] =	vst v63  }
0x68: {  	s6 =	smov.u32 s5;
	s5 =	sadd.s32 $0x400, s5;
	_ =	swait.ge [sflag:s30], $0x2800  }
0x69: {  	s8 =	sshra.s32 s1, $0x2;
	s1 =	smov.u32 s6;
	[sflag:s30] =	ssyncset.done $0x0  }
0x6a: {  	s6 =	sadd.s32 $0x2780, s8;
	[sflag:s30] =	ssyncadd.s32 $0xFFFFD800  }
0x6b: {  	[spmem:s2] =	stream.indirect.scatter.add.f32 [tilespmem:s24], [sflag:$0x3], $0x80, s6, s28, $0xb8;
	[tilespmem:$0x1F780] =	vst v63  }
0x6c: {  	_ =	swait.ge [sflag:s25], $0x2800  }
0x6d: {  	[sflag:s25] =	ssyncset.done $0x0  }
0x6e: {  	[sflag:s25] =	ssyncadd.s32 $0xFFFFD800  }
0x6f: {  	[tilespmem:s24], [sflag:$0x1] =	stream.indirect.gather [hbm4b:s4+s28], $0x80, s26, s28, $0xb8;
	[tilespmem:$0x1F780] =	vst v63  }
0x70: {  	_ =	swait.ge [sflag:s31], $0x2800  }
.Ltmp1:
0x71: {  	[sflag:s31] =	ssyncset.done $0x0;
	(pc) =	sbr.rel @p0 .LBB2_4-.Ltmp1, $4  }
0x72: {  	s6 =	sadd.s32 $0x2800, s8;
	[sflag:s31] =	ssyncadd.s32 $0xFFFFD800  }
0x73: {  	[spmem:s2] =	stream.indirect.scatter.add.f32 [tilespmem:s29], [sflag:$0x3], $0x80, s6, s28, $0xb8;
	[tilespmem:$0x1F780] =	vst v63  }
0x74: {  	_ =	swait.ge [sflag:s25], $0x2800  }
0x75: {  	s26 =	sadd.s32 $0xA0, s26;
	[sflag:s25] =	ssyncset.done $0x0  }
0x76: {  	s5 =	sadd.s32 $0xFFFFFFB0, s26;
	[sflag:s25] =	ssyncadd.s32 $0xFFFFD800  }
0x77: {  	[tilespmem:s29], [sflag:$0x2] =	stream.indirect.gather [hbm4b:s4+s28], $0x80, s5, s28, $0xb8;
	[tilespmem:$0x1F780] =	vst v63  }
0x78: {  	_ =	swait.ge [sflag:s30], $0x2800  }
0x79: {  	s1 =	sshra.s32 s1, $0x2;
	[sflag:s30] =	ssyncset.done $0x0  }
0x7a: {  	s6 =	sadd.s32 $0x2780, s1;
	[sflag:s30] =	ssyncadd.s32 $0xFFFFD800  }
0x7b: {  	[spmem:s2] =	stream.indirect.scatter.add.f32 [tilespmem:s24], [sflag:$0x3], $0x80, s6, s28, $0xb8;
	[tilespmem:$0x1F780] =	vst v63  }
0x7c: {  	_ =	swait.ge [sflag:s25], $0x2800  }
0x7d: {  	[sflag:s25] =	ssyncset.done $0x0  }
0x7e: {  	[sflag:s25] =	ssyncadd.s32 $0xFFFFD800  }
0x7f: {  	[tilespmem:s24], [sflag:$0x1] =	stream.indirect.gather [hbm4b:s4+s28], $0x80, s26, s28, $0xb8;
	[tilespmem:$0x1F780] =	vst v63  }
0x80: {  	_ =	swait.ge [sflag:s31], $0x2800  }
0x81: {  	[sflag:s31] =	ssyncset.done $0x0  }
0x82: {  	s1 =	sadd.s32 $0x2800, s1;
	[sflag:s31] =	ssyncadd.s32 $0xFFFFD800  }
0x83: {  	[spmem:s2] =	stream.indirect.scatter.add.f32 [tilespmem:s29], [sflag:$0x3], $0x80, s1, s28, $0xb8;
	[tilespmem:$0x1F780] =	vst v63  }
0x84: {  	_ =	swait.ge [sflag:s25], $0x2800  }
0x85: {  	[sflag:s25] =	ssyncset.done $0x0  }
0x86: {  	[sflag:s25] =	ssyncadd.s32 $0xFFFFD800  }
0x87: {  	_ =	swait.ge [sflag:s30], $0x2800  }
0x88: {  	[sflag:s30] =	ssyncset.done $0x0  }
0x89: {  	s8 =	simm.s32 $0x6580;
	[sflag:s30] =	ssyncadd.s32 $0xFFFFD800  }
0x8a: {  	[spmem:s2] =	stream.indirect.scatter.add.f32 [tilespmem:s24], [sflag:$0x3], $0x80, s8, s28, $0xb8;
	[tilespmem:$0x1F780] =	vst v63  }
0x8b: {  	_ =	swait.ge [sflag:s25], $0x2800  }
0x8c: {  	[sflag:s25] =	ssyncset.done $0x0  }
0x8d: {  	[sflag:s25] =	ssyncadd.s32 $0xFFFFD800  }
0x8e: {  	[bflag:$0x0] =	sbarrier.arrive $0xFFFF  }
0x8f: {  	[tilespmem:s24], [sflag:$0x3] =	stream.linear.gather [spmem:s7], $0x2800, $0x38;
	[tilespmem:$0x1F780] =	vst v63  }
0x90: {  	_ =	swait.ge [sflag:s25], $0x2800  }
0x91: {  	[sflag:s25] =	ssyncset.done $0x0  }
0x92: {  	[sflag:s25] =	ssyncadd.s32 $0xFFFFD800  }
0x93: {  	[hbm4b:s16+s3] =	stream.linear.scatter [tilespmem:s24], [sflag:$0x3], $0x2800, $0x38;
	[tilespmem:$0x1F780] =	vst v63  }
0x94: {  	_ =	swait.ge [sflag:s25], $0x2800  }
0x95: {  	[sflag:s25] =	ssyncset.done $0x0  }
0x96: {  	[sflag:s25] =	ssyncadd.s32 $0xFFFFD800  }
0x97: {  	[tilespmem:s24], [sflag:$0x3] =	stream.linear.gather [spmem:s9], $0x2800, $0x38;
	[tilespmem:$0x1F780] =	vst v63  }
0x98: {  	_ =	swait.ge [sflag:s25], $0x2800  }
0x99: {  	[sflag:s25] =	ssyncset.done $0x0  }
0x9a: {  	[sflag:s25] =	ssyncadd.s32 $0xFFFFD800  }
0x9b: {  	[hbm4b:s17+s3] =	stream.linear.scatter [tilespmem:s24], [sflag:$0x3], $0x2800, $0x38;
	[tilespmem:$0x1F780] =	vst v63  }
0x9c: {  	_ =	swait.ge [sflag:s25], $0x2800  }
0x9d: {  	[sflag:s25] =	ssyncset.done $0x0  }
0x9e: {  	[sflag:s25] =	ssyncadd.s32 $0xFFFFD800  }
0x9f: {  	[tilespmem:s24], [sflag:$0x3] =	stream.linear.gather [spmem:s10], $0x2800, $0x38;
	[tilespmem:$0x1F780] =	vst v63  }
0xa0: {  	_ =	swait.ge [sflag:s25], $0x2800  }
0xa1: {  	[sflag:s25] =	ssyncset.done $0x0  }
0xa2: {  	[sflag:s25] =	ssyncadd.s32 $0xFFFFD800  }
0xa3: {  	[hbm4b:s18+s3] =	stream.linear.scatter [tilespmem:s24], [sflag:$0x3], $0x2800, $0x38;
	[tilespmem:$0x1F780] =	vst v63  }
0xa4: {  	_ =	swait.ge [sflag:s25], $0x2800  }
0xa5: {  	[sflag:s25] =	ssyncset.done $0x0  }
0xa6: {  	[sflag:s25] =	ssyncadd.s32 $0xFFFFD800  }
0xa7: {  	[tilespmem:s24], [sflag:$0x3] =	stream.linear.gather [spmem:s11], $0x2800, $0x38;
	[tilespmem:$0x1F780] =	vst v63  }
0xa8: {  	_ =	swait.ge [sflag:s25], $0x2800  }
0xa9: {  	[sflag:s25] =	ssyncset.done $0x0  }
0xaa: {  	[sflag:s25] =	ssyncadd.s32 $0xFFFFD800  }
0xab: {  	[hbm4b:s19+s3] =	stream.linear.scatter [tilespmem:s24], [sflag:$0x3], $0x2800, $0x38;
	[tilespmem:$0x1F780] =	vst v63  }
0xac: {  	_ =	swait.ge [sflag:s25], $0x2800  }
0xad: {  	[sflag:s25] =	ssyncset.done $0x0  }
0xae: {  	[sflag:s25] =	ssyncadd.s32 $0xFFFFD800  }
0xaf: {  	[tilespmem:s24], [sflag:$0x3] =	stream.linear.gather [spmem:s12], $0x2800, $0x38;
	[tilespmem:$0x1F780] =	vst v63  }
0xb0: {  	_ =	swait.ge [sflag:s25], $0x2800  }
0xb1: {  	[sflag:s25] =	ssyncset.done $0x0  }
0xb2: {  	[sflag:s25] =	ssyncadd.s32 $0xFFFFD800  }
0xb3: {  	[hbm4b:s20+s3] =	stream.linear.scatter [tilespmem:s24], [sflag:$0x3], $0x2800, $0x38;
	[tilespmem:$0x1F780] =	vst v63  }
0xb4: {  	_ =	swait.ge [sflag:s25], $0x2800  }
0xb5: {  	[sflag:s25] =	ssyncset.done $0x0  }
0xb6: {  	[sflag:s25] =	ssyncadd.s32 $0xFFFFD800  }
0xb7: {  	[tilespmem:s24], [sflag:$0x3] =	stream.linear.gather [spmem:s13], $0x2800, $0x38;
	[tilespmem:$0x1F780] =	vst v63  }
0xb8: {  	_ =	swait.ge [sflag:s25], $0x2800  }
0xb9: {  	[sflag:s25] =	ssyncset.done $0x0  }
0xba: {  	[sflag:s25] =	ssyncadd.s32 $0xFFFFD800  }
0xbb: {  	[hbm4b:s21+s3] =	stream.linear.scatter [tilespmem:s24], [sflag:$0x3], $0x2800, $0x38;
	[tilespmem:$0x1F780] =	vst v63  }
0xbc: {  	_ =	swait.ge [sflag:s25], $0x2800  }
0xbd: {  	[sflag:s25] =	ssyncset.done $0x0  }
0xbe: {  	[sflag:s25] =	ssyncadd.s32 $0xFFFFD800  }
0xbf: {  	[tilespmem:s24], [sflag:$0x3] =	stream.linear.gather [spmem:s14], $0x2800, $0x38;
	[tilespmem:$0x1F780] =	vst v63  }
0xc0: {  	_ =	swait.ge [sflag:s25], $0x2800  }
0xc1: {  	[sflag:s25] =	ssyncset.done $0x0  }
0xc2: {  	[sflag:s25] =	ssyncadd.s32 $0xFFFFD800  }
0xc3: {  	[hbm4b:s22+s3] =	stream.linear.scatter [tilespmem:s24], [sflag:$0x3], $0x2800, $0x38;
	[tilespmem:$0x1F780] =	vst v63  }
0xc4: {  	_ =	swait.ge [sflag:s25], $0x2800  }
0xc5: {  	[sflag:s25] =	ssyncset.done $0x0  }
0xc6: {  	[sflag:s25] =	ssyncadd.s32 $0xFFFFD800  }
0xc7: {  	[tilespmem:s24], [sflag:$0x3] =	stream.linear.gather [spmem:s15], $0x2800, $0x38;
	[tilespmem:$0x1F780] =	vst v63  }
0xc8: {  	_ =	swait.ge [sflag:s25], $0x2800  }
0xc9: {  	[sflag:s25] =	ssyncset.done $0x0  }
0xca: {  	[sflag:s25] =	ssyncadd.s32 $0xFFFFD800  }
0xcb: {  	[hbm4b:s23+s3] =	stream.linear.scatter [tilespmem:s24], [sflag:$0x3], $0x2800, $0x38;
	[tilespmem:$0x1F780] =	vst v63  }
0xcc: {  	_ =	swait.ge [sflag:s25], $0x2800  }
0xcd: {  	s0 =	sadd.s32 $0x1, s0;
	s26 =	rddreg [dreg:$0x5]  }
0xce: {  	p0 =	sne.s32 s0, s26  }
.Ltmp2:
0xcf: {  	_ = 	snop;
	(pc) =	sbr.rel @p0 .LBB2_1-.Ltmp2, $3  }
0xd0: {  	_ =	sdelay $0x1  }
0xd1: {  	[sflag:s25] =	ssyncset.done $0x0  }
0xd2: {  	[sflag:s25] =	ssyncadd.s32 $0xFFFFD800  }
0xd3: {  	_ =	sfence.sel $0x180000  }
0xd4: {  	[bflag:$0x0] =	sbarrier.arrive $0xFFFF  }
0xd5: {  	_ =	strace $0x9000004A  }
0xd6: {  	s0 =	stileid.u32;
	[bflag:$0x2] =	sbarrier.arrive $0xFFFF  }
0xd7: {  	p0 =	sne.s32 s0, $0x0;
	s0 =	rddreg [dreg:$0x2]  }
0xd8: {  	s0 =	sadd.s32 @!p0 $0x100000, s0  }
0xd9: {  	[sflag:s0] =	ssyncadd.tile.s32 @!p0 $0x1;
	_ =	shalt  }
.Lfunc_end2:
_tile_overlayer_lowered:
.L_overlay_start_2:
0xda: {  	(tag) =	ssettag $0x2  }
0xdb: {  	s0 =	rddreg [dreg:$0x0];
	s2 =	stileid.u32  }
0xdc: {  	s1 =	rddreg [dreg:$0x1];
	p0 =	sne.s32 s2, $0x0  }
0xdd: {  	s3 =	rddreg [dreg:$0x2];
	[bflag:$0x3] =	sbarrier.arrive $0xFFFF;
	s2 =	simm.s32 @!p0 $0x1C03  }
0xde: {  	[timem:s3], [sflag:s2] =	dma.local @!p0 [hbm:s0], s1  }
0xdf: {  	s0 =	simm.s32 @!p0 $0x3  }
0xe0: {  	_ =	swait.ge @!p0 [sflag:s0], s1  }
0xe1: {  	s1 =	ssub.s32 @!p0 $0x0, s1;
	[sflag:s0] =	ssyncset.done @!p0 $0x0  }
0xe2: {  	[sflag:s0] =	ssyncadd.s32 @!p0 s1  }
0xe3: {  	[bflag:$0x3] =	sbarrier.arrive $0xFFFF  }
0xe4: {  	_ =	shalt  }

// kernel: kernel.20.cloned.1.call-start
scs
__scs_entry_jumppad:
0x0: {  	(pc) =	sbr.rel $0x88, $3  }
0x1: {  	(tag) =	ssettag $0x0;
	lr =	simm.s32 $0x1  }
0x2: {  	[smem:$0x3F93] =	sst lr;
	_ =	strace $0xD0000000  }
0x3: {  	_ = 	snop  }
0x4: {  	_ = 	snop  }
0x5: {  	_ = 	snop  }
0x6: {  	_ = 	snop  }
0x7: {  	_ = 	snop  }
__scs_overlays_trampoline_lowered:
0x8: {  	[smem:$0x3FA2] =	sst s0  }
0x9: {  	[smem:$0x3FA3] =	sst s1  }
0xa: {  	[smem:$0x3FA4] =	sst s2  }
0xb: {  	[smem:$0x3FA5] =	sst s3  }
0xc: {  	[smem:$0x3FA6] =	sst s4  }
0xd: {  	[smem:$0x3FA7] =	sst s5  }
0xe: {  	[smem:$0x3FA8] =	sst s6  }
0xf: {  	[smem:$0x3FA9] =	sst s7  }
0x10: {  	[smem:$0x3FAA] =	sst s8  }
0x11: {  	[smem:$0x3FAB] =	sst s9;
	s0 =	simm.s32 @!p0 $0x0  }
0x12: {  	s1 =	sld [smem:$0x3F91];
	s0 =	simm.s32 @p0 $0x1  }
0x13: {  	[smem:$0x3FAC] =	sst s0;
	s0 =	simm.s32 @!p1 $0x0  }
0x14: {  	s2 =	sld [smem:$0x3F90];
	s0 =	simm.s32 @p1 $0x1  }
0x15: {  	[smem:$0x3FAD] =	sst s0;
	s0 =	simm.s32 @!p2 $0x0  }
0x16: {  	s3 =	sld [smem:$0x3FDB];
	s0 =	simm.s32 @p2 $0x1  }
0x17: {  	s4 =	simm.s32 $0x1BF5;
	[smem:$0x3FAF] =	sst s0  }
0x18: {  	s0 =	sld [smem:$0x3F92];
	_ =	swait.ge [sflag:s4], $0x0  }
0x19: {  	s7 =	sld [smem:$0x3F93]  }
0x1a: {  	s8 =	sadd.s32 $0xFFFFE003, lr  }
0x1b: {  	s9 =	sadd.s32 $0xFFFFFEF7, lr;
	s5 =	simm.s32 $0xFFFFFFFF;
	p2 =	slt.u32 s8, $0xFFFFF086  }
0x1c: {  	p1 =	slt.u32 s9, $0xF7A;
	s5 =	simm.s32 @!p2 $0x0  }
0x1d: {  	s5 =	simm.s32 @p1 $0x1;
	p0 =	seq.s32 s7, s2  }
0x1e: {  	s7 =	smul.u32 @!p0 $0xF7A, s2;
	p2 =	seq.s32 @!p0 s5, $0x0  }
0x1f: {  	s9 =	smul.u32 $0xF7A, s1;
	s8 =	simm.s32 @!p0 $0x1BF5;
	p2 =	por !p2, p0  }
0x20: {  	[sflag:s8] =	ssyncset.s32 @!p0 $0xFFFFF086;
	s6 =	sadd.s32 @!p0 s3, s7;
	s7 =	simm.s32 @!p0 $0x108  }
0x21: {  	s3 =	sadd.s32 s3, s9;
	s6 =	sadd.s32 @!p0 $0x88, s6;
	s7 =	simm.s32 @p2 $0x1082  }
0x22: {  	[simem:s7], [sflag:s8] =	dma.local @!p0 [hbm:s6], $0xF7A  }
0x23: {  	s9 =	sor.u32 $0xD0000000, s2;
	s6 =	simm.s32 $0x108;
	_ =	swait.ge @!p0 [sflag:s8], $0x0  }
0x24: {  	s3 =	sadd.s32 $0x88, s3;
	s6 =	simm.s32 @!p1 $0x1082;
	[sflag:s4] =	ssyncset.s32 $0xFFFFF086  }
0x25: {  	[simem:s6], [sflag:s4] =	dma.local [hbm:s3], $0xF7A  }
0x26: {  	[smem:$0x3F93] =	sst s1;
	(tag) =	ssettag s2;
	_ =	strace s9  }
0x27: {  	s1 =	sld [smem:$0x3FA3]  }
0x28: {  	s2 =	sld [smem:$0x3FA4]  }
0x29: {  	s4 =	sld [smem:$0x3FA6]  }
0x2a: {  	p0 =	seq.s32 s5, $0x0;
	s5 =	sld [smem:$0x3FA7]  }
0x2b: {  	s6 =	sld [smem:$0x3FA8]  }
0x2c: {  	s7 =	sld [smem:$0x3FA9]  }
0x2d: {  	s3 =	simm.s32 $0x108;
	s8 =	sld [smem:$0x3FAA]  }
0x2e: {  	s3 =	simm.s32 @!p0 $0x1082;
	s9 =	sld [smem:$0x3FAB]  }
0x2f: {  	lr =	sadd.s32 s0, s3;
	s0 =	sld [smem:$0x3FA2]  }
0x30: {  	s3 =	sld [smem:$0x3FA5]  }
0x31: {  	[smem:$0x3FAE] =	sst s10  }
0x32: {  	s10 =	sld [smem:$0x3FAC];
	_ =	sdelay $0x3  }
0x33: {  	p0 =	seq.s32 s10, $0x1;
	s10 =	sld [smem:$0x3FAE];
	_ =	sdelay $0x3  }
0x34: {  	[smem:$0x3FAE] =	sst s10  }
0x35: {  	s10 =	sld [smem:$0x3FAD];
	_ =	sdelay $0x3  }
0x36: {  	p1 =	seq.s32 s10, $0x1;
	s10 =	sld [smem:$0x3FAE];
	_ =	sdelay $0x3  }
0x37: {  	[smem:$0x3FAE] =	sst s10  }
0x38: {  	s10 =	sld [smem:$0x3FAF]  }
0x39: {  	_ = 	snop;
	(pc) =	sbr.ind lr, $3  }
0x3a: {  	_ = 	snop  }
0x3b: {  	_ = 	snop  }
0x3c: {  	p2 =	seq.s32 s10, $0x1;
	s10 =	sld [smem:$0x3FAE]  }
0x3d: {  	_ =	shalt  }
0x3e: {  	_ =	shalt  }
0x3f: {  	_ =	shalt  }
0x40: {  	_ =	shalt  }
0x41: {  	_ =	shalt  }
0x42: {  	_ =	shalt  }
0x43: {  	_ =	shalt  }
0x44: {  	_ =	shalt  }
0x45: {  	_ =	shalt  }
0x46: {  	_ =	shalt  }
0x47: {  	_ =	shalt  }
0x48: {  	_ =	shalt  }
0x49: {  	_ =	shalt  }
0x4a: {  	_ =	shalt  }
0x4b: {  	_ =	shalt  }
0x4c: {  	_ =	shalt  }
0x4d: {  	_ =	shalt  }
0x4e: {  	_ =	shalt  }
0x4f: {  	_ =	shalt  }
0x50: {  	_ =	shalt  }
0x51: {  	_ =	shalt  }
0x52: {  	_ =	shalt  }
0x53: {  	_ =	shalt  }
0x54: {  	_ =	shalt  }
0x55: {  	_ =	shalt  }
0x56: {  	_ =	shalt  }
0x57: {  	_ =	shalt  }
0x58: {  	_ =	shalt  }
0x59: {  	_ =	shalt  }
0x5a: {  	_ =	shalt  }
0x5b: {  	_ =	shalt  }
0x5c: {  	_ =	shalt  }
0x5d: {  	_ =	shalt  }
0x5e: {  	_ =	shalt  }
0x5f: {  	_ =	shalt  }
0x60: {  	_ =	shalt  }
0x61: {  	_ =	shalt  }
0x62: {  	_ =	shalt  }
0x63: {  	_ =	shalt  }
0x64: {  	_ =	shalt  }
0x65: {  	_ =	shalt  }
0x66: {  	_ =	shalt  }
0x67: {  	_ =	shalt  }
0x68: {  	_ =	shalt  }
0x69: {  	_ =	shalt  }
0x6a: {  	_ =	shalt  }
0x6b: {  	_ =	shalt  }
0x6c: {  	_ =	shalt  }
0x6d: {  	_ =	shalt  }
0x6e: {  	_ =	shalt  }
0x6f: {  	_ =	shalt  }
0x70: {  	_ =	shalt  }
0x71: {  	_ =	shalt  }
0x72: {  	_ =	shalt  }
0x73: {  	_ =	shalt  }
0x74: {  	_ =	shalt  }
0x75: {  	_ =	shalt  }
0x76: {  	_ =	shalt  }
0x77: {  	_ =	shalt  }
0x78: {  	_ =	shalt  }
0x79: {  	_ =	shalt  }
0x7a: {  	_ =	shalt  }
0x7b: {  	_ =	shalt  }
0x7c: {  	_ =	shalt  }
0x7d: {  	_ =	shalt  }
0x7e: {  	_ =	shalt  }
0x7f: {  	_ =	shalt  }
0x80: {  	_ =	shalt  }
0x81: {  	_ =	shalt  }
0x82: {  	_ =	shalt  }
0x83: {  	_ =	shalt  }
0x84: {  	_ =	shalt  }
0x85: {  	_ =	shalt  }
0x86: {  	_ =	shalt  }
0x87: {  	_ =	shalt  }
.Lfunc_end0:
.L_simem_size_0:
called_computation.2_lowered:
.L_overlay_start_0:
0x88: {  	s2 =	sld [smem:$0x3FD9]  }
0x89: {  	s3 =	sld [smem:$0x3FFE];
	_ =	sdelay $0x1  }
0x8a: {  	s1 =	srdreg.scid  }
0x8b: {  	s0 =	sand.u32 $0x1, s1  }
0x8c: {  	s16 =	sshll.u32 s0, $0xA;
	s2 =	sadd.s32 s3, s2  }
0x8d: {  	s2 =	sadd.s32 s2, s16  }
0x8e: {  	[smem:$0x3FBA] =	sst s2  }
0x8f: {  	_ = 	snop  }
0x90: {  	(tm) =	ssettm $0x1  }
0x91: {  	s17 =	sld [smem:$0x3FFB];
	_ =	sdelay $0x3  }
0x92: {  	_ =	strace s17  }
0x93: {  	s2 =	sld [smem:$0x3FFC];
	_ =	sdelay $0x3  }
0x94: {  	_ =	strace s2  }
0x95: {  	s2 =	sld [smem:$0x3FFD];
	_ =	sdelay $0x3  }
0x96: {  	_ =	strace s2  }
0x97: {  	_ =	strace $0x8FFFFFFF  }
0x98: {  	s18 =	sld [smem:$0x3FDB];
	_ =	sdelay $0x1  }
0x99: {  	s19 =	simm.s32 $_scs_section_size  }
0x9a: {  	s4 =	simm.s32 $_size__tile_overlayer_lowered;
	s5 =	simm.s32 $_tile_overlayer_lowered  }
0x9b: {  	s22 =	simm.s32 $0x1BFF;
	s21 =	sshll.u32 s5, $0x1;
	s2 =	sadd.s32 s19, s18  }
0x9c: {  	s6 =	simm.s32 $0x0;
	s20 =	sshll.u32 s4, $0x1;
	s4 =	sadd.s32 s21, s2  }
0x9d: {  	[timem:s6], [sflag:s22] =	dma.local [hbm:s4], s20  }
0x9e: {  	_ =	swait.ge [sflag:s22], s20  }
0x9f: {  	s3 =	ssub.s32 $0x0, s20;
	[sflag:s22] =	ssyncset.done $0x0  }
0xa0: {  	[sflag:s22] =	ssyncadd.s32 s3;
	_ =	sdelay $0x1  }
0xa1: {  	s23 =	simm.s32 $0x1B8B  }
0xa2: {  	_ =	swait.ge [sflag:s23], $0x1  }
0xa3: {  	[sflag:s23] =	ssyncset.done $0x0  }
0xa4: {  	s25 =	simm.s32 $0x1B8E;
	s24 =	sld [smem:$0x3FFE];
	[sflag:s23] =	ssyncadd.s32 $0xFFFFFFFF  }
0xa5: {  	s26 =	simm.s32 $execute0_lowered;
	[smem:$0x3FD2] =	sst s25  }
0xa6: {  	s4 =	sshll.u32 s26, $0x1;
	_ =	strace $0x8000004C;
	[dreg:$0x1] =	wrdreg $0xFFFFFFFF  }
0xa7: {  	s28 =	simm.s32 $_size_execute0_lowered;
	s2 =	sadd.s32 s2, s4;
	[dreg:$0x0] =	wrdreg $0x0  }
0xa8: {  	s4 =	sshll.u32 s28, $0x1;
	[dreg:$0x2] =	wrdreg s2  }
0xa9: {  	[dreg:$0x3] =	wrdreg s4  }
0xaa: {  	[dreg:$0x4] =	wrdreg $0xC0  }
0xab: {  	_ =	task [dreg:s6], $0x5FFFF  }
0xac: {  	[dreg:$0x1] =	wrdreg $0xFFFFFFFF  }
0xad: {  	[dreg:$0x0] =	wrdreg $0x60  }
0xae: {  	[dreg:$0x2] =	wrdreg s24  }
0xaf: {  	[dreg:$0x3] =	wrdreg $0xB7800  }
0xb0: {  	[dreg:$0x4] =	wrdreg $0x9  }
0xb1: {  	_ =	task.clear_ibuf [dreg:s6], $0x5FFFF;
	_ =	strace $0x9000004C  }
0xb2: {  	s29 =	simm.s32 $0x9;
	_ =	strace $0x8000004E  }
0xb3: {  	_ =	swait.ge [sflag:s29], $0x1  }
0xb4: {  	[sflag:s29] =	ssyncadd.s32 $0xFFFFFFFF  }
0xb5: {  	_ =	strace $0x9000004E  }
0xb6: {  	_ =	sfence  }
0xb7: {  	s30 =	sld [smem:$0x0];
	_ =	sdelay $0x2  }
0xb8: {  	s31 =	sshll.u32 s1, $0xD;
	s1 =	sshrl.u32 s1, $0x2  }
0xb9: {  	s3 =	sand.u32 $0x4000, s31;
	s1 =	sadd.s32 s1, s30  }
0xba: {  	s0 =	sor.u32 s3, s0;
	s1 =	sshll.u32 s1, $0x11  }
0xbb: {  	s0 =	sor.u32 s1, s0  }
0xbc: {  	s0 =	sadd.s32 $0x8F2B, s0  }
0xbd: {  	[sflag:s0] =	ssyncadd.remote.s32 $0x1  }
0xbe: {  	_ =	sfence.sel $0xFFFF  }
0xbf: {  	[dreg:$0x0] =	wrdreg $0xFFFFFFFF;
	(pc) =	sbr.abs _section_cstart, $3  }
0xc0: {  	[dreg:$0x1] =	wrdreg $0xFFFFFFFF  }
0xc1: {  	_ =	task.clear_ibuf [dreg:s6], $0x2FFFF;
	_ =	strace $0x9FFFFFFF  }
0xc2: {  	(tm) =	ssettm $0x7FFFFFFF  }
0xc3: {  	_ =	shalt  }
tec
execute0_lowered:
.L_overlay_start_1:
0x0: {  	(tag) =	ssettag $0x1  }
0x1: {  	s0 =	rddreg [dreg:$0x0]  }
0x2: {  	s1 =	srdreg.scid;
	s10 =	stileid.u32  }
0x3: {  	s2 =	rddreg [dreg:$0x1];
	s3 =	simm.s32 $0x0;
	s28 =	simm.s32 $0x50  }
0x4: {  	s29 =	simm.s32 $0x8F80;
	s30 =	simm.s32 $0x1;
	s31 =	simm.s32 $0x2  }
0x5: {  	s1 =	sand.u32 $0x1, s1;
	s4 =	sshll.u32 s10, $0x1;
	s9 =	smul.u32 $0x50000, s10  }
0x6: {  	[smem:$0x7FF] =	sst s3;
	s15 =	smul.u32 $0x14000, s10;
	s5 =	sor.u32 s1, s4  }
0x7: {  	_ =	strace $0x8000004D;
	s7 =	ssub.s32 $0x2, s1;
	s1 =	smul.u32 $0x140000, s1  }
0x8: {  	s4 =	sadd.s32 $0x1F400, s0;
	s6 =	smul.u32 $0x4E2, s5;
	s5 =	sshll.u32 s5, $0xB  }
0x9: {  	s8 =	sshrl.u32 s7, $0x1;
	s22 =	sshrl.u32 s9, $0x2;
	s24 =	sor.u32 $0x2800, s15  }
0xa: {  	s18 =	sadd.s32 $0x5000, s15;
	s19 =	sadd.s32 $0x7800, s15;
	s20 =	sadd.s32 $0xA000, s15  }
0xb: {  	s21 =	sadd.s32 $0xC800, s15;
	s5 =	sadd.s32 s5, s0;
	s8 =	ssub.s32 s7, s8  }
0xc: {  	s7 =	sadd.s32 s22, s2;
	s9 =	sadd.s32 s24, s2;
	s10 =	sadd.s32 s18, s2  }
0xd: {  	s11 =	sadd.s32 s19, s2;
	s12 =	sadd.s32 s20, s2;
	s13 =	sadd.s32 s21, s2  }
0xe: {  	s22 =	sadd.s32 $0xF000, s15;
	s16 =	sadd.s32 s1, s15;
	s25 =	sadd.s32 s1, s18  }
0xf: {  	s26 =	sadd.s32 s1, s19;
	s6 =	sadd.s32 s6, s0;
	s0 =	sadd.s32 $0x6D800, s0  }
0x10: {  	s5 =	sadd.s32 $0xF400, s5;
	s23 =	smax.u32 s8, $0x1;
	s14 =	sadd.s32 s22, s2  }
0x11: {  	s16 =	sshrl.u32 s16, $0x3;
	s8 =	sshrl.u32 s26, $0x3;
	[dreg:$0x4] =	wrdreg s5  }
0x12: {  	s26 =	sadd.s32 s1, s22;
	s6 =	sadd.s32 $0x5600, s6;
	[dreg:$0x5] =	wrdreg s23  }
0x13: {  	s5 =	sadd.s32 s1, s24;
	s23 =	sadd.s32 $0x11800, s15;
	s16 =	sadd.s32 s0, s16  }
0x14: {  	s19 =	sadd.s32 s0, s8;
	s22 =	sshrl.u32 s26, $0x3;
	[dreg:$0x3] =	wrdreg s6  }
0x15: {  	s5 =	sshrl.u32 s5, $0x3;
	s15 =	sadd.s32 s23, s2;
	s6 =	sadd.s32 s1, s20  }
0x16: {  	s22 =	sadd.s32 s0, s22;
	s17 =	sadd.s32 s0, s5;
	s5 =	sshrl.u32 s25, $0x3  }
0x17: {  	s24 =	sshrl.u32 s6, $0x3;
	s25 =	sadd.s32 s1, s21;
	s1 =	sadd.s32 s1, s23  }
0x18: {  	s18 =	sadd.s32 s0, s5;
	s20 =	sadd.s32 s0, s24;
	s5 =	sshrl.u32 s25, $0x3  }
0x19: {  	s1 =	sshrl.u32 s1, $0x3;
	s24 =	simm.s32 $0x6780;
	s25 =	simm.s32 $0x3  }
0x1a: {  	v0 =	vimm.f32 $0.0e+00;
	s21 =	sadd.s32 s0, s5;
	s23 =	sadd.s32 s0, s1;
	s0 =	simm.s32 $0x0  }
.LBB2_1:
0x1b: {  	s1 =	simm.s32 $0x0;
	s5 =	simm.s32 $0x200  }
.LBB2_2:
0x1c: {  	p0 =	sne.s32 s5, $0x9E00;
	[tilespmem:s1+$0x67F0] =	vst v0  }
0x1d: {  	[tilespmem:s1+$0x6780] =	vst v0  }
0x1e: {  	[tilespmem:s1+$0x6790] =	vst v0  }
.Ltmp0:
0x1f: {  	[tilespmem:s1+$0x67A0] =	vst v0;
	(pc) =	sbr.rel @p0 .LBB2_2-.Ltmp0, $4  }
0x20: {  	[tilespmem:s1+$0x67B0] =	vst v0  }
0x21: {  	[tilespmem:s1+$0x67C0] =	vst v0  }
0x22: {  	[tilespmem:s1+$0x67D0] =	vst v0  }
0x23: {  	[tilespmem:s1+$0x67E0] =	vst v0;
	s1 =	sshra.s32 s5, $0x2;
	s5 =	sadd.s32 $0x200, s5  }
0x24: {  	[tilespmem:s1+$0x67F0] =	vst v0  }
0x25: {  	[tilespmem:s1+$0x6780] =	vst v0  }
0x26: {  	[tilespmem:s1+$0x6790] =	vst v0  }
0x27: {  	[tilespmem:s1+$0x67A0] =	vst v0  }
0x28: {  	[tilespmem:s1+$0x67B0] =	vst v0  }
0x29: {  	[tilespmem:s1+$0x67C0] =	vst v0  }
0x2a: {  	[tilespmem:s1+$0x67D0] =	vst v0  }
0x2b: {  	[tilespmem:s1+$0x67E0] =	vst v0  }
0x2c: {  	[spmem:s7] =	stream.linear.scatter [tilespmem:s24], [sflag:$0x3], $0x2800, $0x38;
	[tilespmem:$0x1F780] =	vst v63  }
0x2d: {  	_ =	swait.ge [sflag:s25], $0x2800  }
0x2e: {  	[sflag:s25] =	ssyncset.done $0x0  }
0x2f: {  	[sflag:s25] =	ssyncadd.s32 $0xFFFFD800  }
0x30: {  	[spmem:s9] =	stream.linear.scatter [tilespmem:s24], [sflag:$0x3], $0x2800, $0x38;
	[tilespmem:$0x1F780] =	vst v63  }
0x31: {  	_ =	swait.ge [sflag:s25], $0x2800  }
0x32: {  	[sflag:s25] =	ssyncset.done $0x0  }
0x33: {  	[sflag:s25] =	ssyncadd.s32 $0xFFFFD800  }
0x34: {  	[spmem:s10] =	stream.linear.scatter [tilespmem:s24], [sflag:$0x3], $0x2800, $0x38;
	[tilespmem:$0x1F780] =	vst v63  }
0x35: {  	_ =	swait.ge [sflag:s25], $0x2800  }
0x36: {  	[sflag:s25] =	ssyncset.done $0x0  }
0x37: {  	[sflag:s25] =	ssyncadd.s32 $0xFFFFD800  }
0x38: {  	[spmem:s11] =	stream.linear.scatter [tilespmem:s24], [sflag:$0x3], $0x2800, $0x38;
	[tilespmem:$0x1F780] =	vst v63  }
0x39: {  	_ =	swait.ge [sflag:s25], $0x2800  }
0x3a: {  	[sflag:s25] =	ssyncset.done $0x0  }
0x3b: {  	[sflag:s25] =	ssyncadd.s32 $0xFFFFD800  }
0x3c: {  	[spmem:s12] =	stream.linear.scatter [tilespmem:s24], [sflag:$0x3], $0x2800, $0x38;
	[tilespmem:$0x1F780] =	vst v63  }
0x3d: {  	_ =	swait.ge [sflag:s25], $0x2800  }
0x3e: {  	[sflag:s25] =	ssyncset.done $0x0  }
0x3f: {  	[sflag:s25] =	ssyncadd.s32 $0xFFFFD800  }
0x40: {  	[spmem:s13] =	stream.linear.scatter [tilespmem:s24], [sflag:$0x3], $0x2800, $0x38;
	[tilespmem:$0x1F780] =	vst v63  }
0x41: {  	_ =	swait.ge [sflag:s25], $0x2800  }
0x42: {  	[sflag:s25] =	ssyncset.done $0x0  }
0x43: {  	[sflag:s25] =	ssyncadd.s32 $0xFFFFD800  }
0x44: {  	[spmem:s14] =	stream.linear.scatter [tilespmem:s24], [sflag:$0x3], $0x2800, $0x38;
	[tilespmem:$0x1F780] =	vst v63  }
0x45: {  	_ =	swait.ge [sflag:s25], $0x2800  }
0x46: {  	[sflag:s25] =	ssyncset.done $0x0  }
0x47: {  	[sflag:s25] =	ssyncadd.s32 $0xFFFFD800  }
0x48: {  	[spmem:s15] =	stream.linear.scatter [tilespmem:s24], [sflag:$0x3], $0x2800, $0x38;
	[tilespmem:$0x1F780] =	vst v63  }
0x49: {  	_ =	swait.ge [sflag:s25], $0x2800  }
0x4a: {  	[sflag:s25] =	ssyncset.done $0x0  }
0x4b: {  	s8 =	simm.s32 $0x0;
	s5 =	rddreg [dreg:$0x3];
	[sflag:s25] =	ssyncadd.s32 $0xFFFFD800  }
0x4c: {  	[tilespmem:s8], [sflag:$0x3] =	stream.linear.gather [hbm4b:s5+s8], $0x2710, $0x38;
	[tilespmem:$0x1F780] =	vst v63  }
0x4d: {  	_ =	swait.ge [sflag:s25], $0x2710  }
0x4e: {  	[sflag:s25] =	ssyncset.done $0x0  }
0x4f: {  	s6 =	simm.s32 $0x2780;
	s26 =	rddreg [dreg:$0x4];
	[sflag:s25] =	ssyncadd.s32 $0xFFFFD8F0  }
0x50: {  	[tilespmem:s6], [sflag:$0x3] =	stream.linear.gather [hbm4b:s26+s8], $0x3E80, $0x38;
	[tilespmem:$0x1F780] =	vst v63  }
0x51: {  	_ =	swait.ge [sflag:s25], $0x3E80  }
0x52: {  	[sflag:s25] =	ssyncset.done $0x0  }
0x53: {  	[sflag:s25] =	ssyncadd.s32 $0xFFFFC180  }
0x54: {  	[bflag:$0x0] =	sbarrier.arrive $0xFFFF  }
0x55: {  	[tilespmem:s24], [sflag:$0x1] =	stream.indirect.gather [hbm4b:s4+s28], $0x80, s8, s28, $0xb8;
	[tilespmem:$0x1F780] =	vst v63  }
0x56: {  	s5 =	simm.s32 $0x50  }
0x57: {  	[tilespmem:s29], [sflag:$0x2] =	stream.indirect.gather [hbm4b:s4+s28], $0x80, s5, s28, $0xb8;
	[tilespmem:$0x1F780] =	vst v63  }
0x58: {  	_ =	swait.ge [sflag:s30], $0x2800  }
0x59: {  	[sflag:s30] =	ssyncset.done $0x0  }
0x5a: {  	s6 =	simm.s32 $0x2780;
	[sflag:s30] =	ssyncadd.s32 $0xFFFFD800  }
0x5b: {  	[spmem:s2] =	stream.indirect.scatter.add.f32 [tilespmem:s24], [sflag:$0x3], $0x80, s6, s28, $0xb8;
	[tilespmem:$0x1F780] =	vst v63  }
0x5c: {  	_ =	swait.ge [sflag:s25], $0x2800  }
0x5d: {  	[sflag:s25] =	ssyncset.done $0x0  }
0x5e: {  	s8 =	simm.s32 $0xA0;
	[sflag:s25] =	ssyncadd.s32 $0xFFFFD800  }
0x5f: {  	[tilespmem:s24], [sflag:$0x1] =	stream.indirect.gather [hbm4b:s4+s28], $0x80, s8, s28, $0xb8;
	[tilespmem:$0x1F780] =	vst v63  }
0x60: {  	_ =	swait.ge [sflag:s31], $0x2800  }
0x61: {  	[sflag:s31] =	ssyncset.done $0x0  }
0x62: {  	s26 =	simm.s32 $0x2800;
	[sflag:s31] =	ssyncadd.s32 $0xFFFFD800  }
0x63: {  	[spmem:s2] =	stream.indirect.scatter.add.f32 [tilespmem:s29], [sflag:$0x3], $0x80, s26, s28, $0xb8;
	[tilespmem:$0x1F780] =	vst v63  }
0x64: {  	s1 =	simm.s32 $0x400;
	_ =	swait.ge [sflag:s25], $0x2800  }
0x65: {  	s5 =	simm.s32 $0x800;
	s26 =	simm.s32 $0x140;
	[sflag:s25] =	ssyncset.done $0x0  }
.LBB2_4:
0x66: {  	p0 =	sne.s32 s5, $0xF400;
	s6 =	sadd.s32 $0xFFFFFFB0, s26;
	[sflag:s25] =	ssyncadd.s32 $0xFFFFD800  }
0x67: {  	[tilespmem:s29], [sflag:$0x2] =	stream.indirect.gather [hbm4b:s4+s28], $0x80, s6, s28, $0xb8;
	[tilespmem:$0x1F780] =	vst v63  }
0x68: {  	s6 =	smov.u32 s5;
	s5 =	sadd.s32 $0x400, s5;
	_ =	swait.ge [sflag:s30], $0x2800  }
0x69: {  	s8 =	sshra.s32 s1, $0x2;
	s1 =	smov.u32 s6;
	[sflag:s30] =	ssyncset.done $0x0  }
0x6a: {  	s6 =	sadd.s32 $0x2780, s8;
	[sflag:s30] =	ssyncadd.s32 $0xFFFFD800  }
0x6b: {  	[spmem:s2] =	stream.indirect.scatter.add.f32 [tilespmem:s24], [sflag:$0x3], $0x80, s6, s28, $0xb8;
	[tilespmem:$0x1F780] =	vst v63  }
0x6c: {  	_ =	swait.ge [sflag:s25], $0x2800  }
0x6d: {  	[sflag:s25] =	ssyncset.done $0x0  }
0x6e: {  	[sflag:s25] =	ssyncadd.s32 $0xFFFFD800  }
0x6f: {  	[tilespmem:s24], [sflag:$0x1] =	stream.indirect.gather [hbm4b:s4+s28], $0x80, s26, s28, $0xb8;
	[tilespmem:$0x1F780] =	vst v63  }
0x70: {  	_ =	swait.ge [sflag:s31], $0x2800  }
.Ltmp1:
0x71: {  	[sflag:s31] =	ssyncset.done $0x0;
	(pc) =	sbr.rel @p0 .LBB2_4-.Ltmp1, $4  }
0x72: {  	s6 =	sadd.s32 $0x2800, s8;
	[sflag:s31] =	ssyncadd.s32 $0xFFFFD800  }
0x73: {  	[spmem:s2] =	stream.indirect.scatter.add.f32 [tilespmem:s29], [sflag:$0x3], $0x80, s6, s28, $0xb8;
	[tilespmem:$0x1F780] =	vst v63  }
0x74: {  	_ =	swait.ge [sflag:s25], $0x2800  }
0x75: {  	s26 =	sadd.s32 $0xA0, s26;
	[sflag:s25] =	ssyncset.done $0x0  }
0x76: {  	s5 =	sadd.s32 $0xFFFFFFB0, s26;
	[sflag:s25] =	ssyncadd.s32 $0xFFFFD800  }
0x77: {  	[tilespmem:s29], [sflag:$0x2] =	stream.indirect.gather [hbm4b:s4+s28], $0x80, s5, s28, $0xb8;
	[tilespmem:$0x1F780] =	vst v63  }
0x78: {  	_ =	swait.ge [sflag:s30], $0x2800  }
0x79: {  	s1 =	sshra.s32 s1, $0x2;
	[sflag:s30] =	ssyncset.done $0x0  }
0x7a: {  	s6 =	sadd.s32 $0x2780, s1;
	[sflag:s30] =	ssyncadd.s32 $0xFFFFD800  }
0x7b: {  	[spmem:s2] =	stream.indirect.scatter.add.f32 [tilespmem:s24], [sflag:$0x3], $0x80, s6, s28, $0xb8;
	[tilespmem:$0x1F780] =	vst v63  }
0x7c: {  	_ =	swait.ge [sflag:s25], $0x2800  }
0x7d: {  	[sflag:s25] =	ssyncset.done $0x0  }
0x7e: {  	[sflag:s25] =	ssyncadd.s32 $0xFFFFD800  }
0x7f: {  	[tilespmem:s24], [sflag:$0x1] =	stream.indirect.gather [hbm4b:s4+s28], $0x80, s26, s28, $0xb8;
	[tilespmem:$0x1F780] =	vst v63  }
0x80: {  	_ =	swait.ge [sflag:s31], $0x2800  }
0x81: {  	[sflag:s31] =	ssyncset.done $0x0  }
0x82: {  	s1 =	sadd.s32 $0x2800, s1;
	[sflag:s31] =	ssyncadd.s32 $0xFFFFD800  }
0x83: {  	[spmem:s2] =	stream.indirect.scatter.add.f32 [tilespmem:s29], [sflag:$0x3], $0x80, s1, s28, $0xb8;
	[tilespmem:$0x1F780] =	vst v63  }
0x84: {  	_ =	swait.ge [sflag:s25], $0x2800  }
0x85: {  	[sflag:s25] =	ssyncset.done $0x0  }
0x86: {  	[sflag:s25] =	ssyncadd.s32 $0xFFFFD800  }
0x87: {  	_ =	swait.ge [sflag:s30], $0x2800  }
0x88: {  	[sflag:s30] =	ssyncset.done $0x0  }
0x89: {  	s8 =	simm.s32 $0x6580;
	[sflag:s30] =	ssyncadd.s32 $0xFFFFD800  }
0x8a: {  	[spmem:s2] =	stream.indirect.scatter.add.f32 [tilespmem:s24], [sflag:$0x3], $0x80, s8, s28, $0xb8;
	[tilespmem:$0x1F780] =	vst v63  }
0x8b: {  	_ =	swait.ge [sflag:s25], $0x2800  }
0x8c: {  	[sflag:s25] =	ssyncset.done $0x0  }
0x8d: {  	[sflag:s25] =	ssyncadd.s32 $0xFFFFD800  }
0x8e: {  	[bflag:$0x0] =	sbarrier.arrive $0xFFFF  }
0x8f: {  	[tilespmem:s24], [sflag:$0x3] =	stream.linear.gather [spmem:s7], $0x2800, $0x38;
	[tilespmem:$0x1F780] =	vst v63  }
0x90: {  	_ =	swait.ge [sflag:s25], $0x2800  }
0x91: {  	[sflag:s25] =	ssyncset.done $0x0  }
0x92: {  	[sflag:s25] =	ssyncadd.s32 $0xFFFFD800  }
0x93: {  	[hbm4b:s16+s3] =	stream.linear.scatter [tilespmem:s24], [sflag:$0x3], $0x2800, $0x38;
	[tilespmem:$0x1F780] =	vst v63  }
0x94: {  	_ =	swait.ge [sflag:s25], $0x2800  }
0x95: {  	[sflag:s25] =	ssyncset.done $0x0  }
0x96: {  	[sflag:s25] =	ssyncadd.s32 $0xFFFFD800  }
0x97: {  	[tilespmem:s24], [sflag:$0x3] =	stream.linear.gather [spmem:s9], $0x2800, $0x38;
	[tilespmem:$0x1F780] =	vst v63  }
0x98: {  	_ =	swait.ge [sflag:s25], $0x2800  }
0x99: {  	[sflag:s25] =	ssyncset.done $0x0  }
0x9a: {  	[sflag:s25] =	ssyncadd.s32 $0xFFFFD800  }
0x9b: {  	[hbm4b:s17+s3] =	stream.linear.scatter [tilespmem:s24], [sflag:$0x3], $0x2800, $0x38;
	[tilespmem:$0x1F780] =	vst v63  }
0x9c: {  	_ =	swait.ge [sflag:s25], $0x2800  }
0x9d: {  	[sflag:s25] =	ssyncset.done $0x0  }
0x9e: {  	[sflag:s25] =	ssyncadd.s32 $0xFFFFD800  }
0x9f: {  	[tilespmem:s24], [sflag:$0x3] =	stream.linear.gather [spmem:s10], $0x2800, $0x38;
	[tilespmem:$0x1F780] =	vst v63  }
0xa0: {  	_ =	swait.ge [sflag:s25], $0x2800  }
0xa1: {  	[sflag:s25] =	ssyncset.done $0x0  }
0xa2: {  	[sflag:s25] =	ssyncadd.s32 $0xFFFFD800  }
0xa3: {  	[hbm4b:s18+s3] =	stream.linear.scatter [tilespmem:s24], [sflag:$0x3], $0x2800, $0x38;
	[tilespmem:$0x1F780] =	vst v63  }
0xa4: {  	_ =	swait.ge [sflag:s25], $0x2800  }
0xa5: {  	[sflag:s25] =	ssyncset.done $0x0  }
0xa6: {  	[sflag:s25] =	ssyncadd.s32 $0xFFFFD800  }
0xa7: {  	[tilespmem:s24], [sflag:$0x3] =	stream.linear.gather [spmem:s11], $0x2800, $0x38;
	[tilespmem:$0x1F780] =	vst v63  }
0xa8: {  	_ =	swait.ge [sflag:s25], $0x2800  }
0xa9: {  	[sflag:s25] =	ssyncset.done $0x0  }
0xaa: {  	[sflag:s25] =	ssyncadd.s32 $0xFFFFD800  }
0xab: {  	[hbm4b:s19+s3] =	stream.linear.scatter [tilespmem:s24], [sflag:$0x3], $0x2800, $0x38;
	[tilespmem:$0x1F780] =	vst v63  }
0xac: {  	_ =	swait.ge [sflag:s25], $0x2800  }
0xad: {  	[sflag:s25] =	ssyncset.done $0x0  }
0xae: {  	[sflag:s25] =	ssyncadd.s32 $0xFFFFD800  }
0xaf: {  	[tilespmem:s24], [sflag:$0x3] =	stream.linear.gather [spmem:s12], $0x2800, $0x38;
	[tilespmem:$0x1F780] =	vst v63  }
0xb0: {  	_ =	swait.ge [sflag:s25], $0x2800  }
0xb1: {  	[sflag:s25] =	ssyncset.done $0x0  }
0xb2: {  	[sflag:s25] =	ssyncadd.s32 $0xFFFFD800  }
0xb3: {  	[hbm4b:s20+s3] =	stream.linear.scatter [tilespmem:s24], [sflag:$0x3], $0x2800, $0x38;
	[tilespmem:$0x1F780] =	vst v63  }
0xb4: {  	_ =	swait.ge [sflag:s25], $0x2800  }
0xb5: {  	[sflag:s25] =	ssyncset.done $0x0  }
0xb6: {  	[sflag:s25] =	ssyncadd.s32 $0xFFFFD800  }
0xb7: {  	[tilespmem:s24], [sflag:$0x3] =	stream.linear.gather [spmem:s13], $0x2800, $0x38;
	[tilespmem:$0x1F780] =	vst v63  }
0xb8: {  	_ =	swait.ge [sflag:s25], $0x2800  }
0xb9: {  	[sflag:s25] =	ssyncset.done $0x0  }
0xba: {  	[sflag:s25] =	ssyncadd.s32 $0xFFFFD800  }
0xbb: {  	[hbm4b:s21+s3] =	stream.linear.scatter [tilespmem:s24], [sflag:$0x3], $0x2800, $0x38;
	[tilespmem:$0x1F780] =	vst v63  }
0xbc: {  	_ =	swait.ge [sflag:s25], $0x2800  }
0xbd: {  	[sflag:s25] =	ssyncset.done $0x0  }
0xbe: {  	[sflag:s25] =	ssyncadd.s32 $0xFFFFD800  }
0xbf: {  	[tilespmem:s24], [sflag:$0x3] =	stream.linear.gather [spmem:s14], $0x2800, $0x38;
	[tilespmem:$0x1F780] =	vst v63  }
0xc0: {  	_ =	swait.ge [sflag:s25], $0x2800  }
0xc1: {  	[sflag:s25] =	ssyncset.done $0x0  }
0xc2: {  	[sflag:s25] =	ssyncadd.s32 $0xFFFFD800  }
0xc3: {  	[hbm4b:s22+s3] =	stream.linear.scatter [tilespmem:s24], [sflag:$0x3], $0x2800, $0x38;
	[tilespmem:$0x1F780] =	vst v63  }
0xc4: {  	_ =	swait.ge [sflag:s25], $0x2800  }
0xc5: {  	[sflag:s25] =	ssyncset.done $0x0  }
0xc6: {  	[sflag:s25] =	ssyncadd.s32 $0xFFFFD800  }
0xc7: {  	[tilespmem:s24], [sflag:$0x3] =	stream.linear.gather [spmem:s15], $0x2800, $0x38;
	[tilespmem:$0x1F780] =	vst v63  }
0xc8: {  	_ =	swait.ge [sflag:s25], $0x2800  }
0xc9: {  	[sflag:s25] =	ssyncset.done $0x0  }
0xca: {  	[sflag:s25] =	ssyncadd.s32 $0xFFFFD800  }
0xcb: {  	[hbm4b:s23+s3] =	stream.linear.scatter [tilespmem:s24], [sflag:$0x3], $0x2800, $0x38;
	[tilespmem:$0x1F780] =	vst v63  }
0xcc: {  	_ =	swait.ge [sflag:s25], $0x2800  }
0xcd: {  	s0 =	sadd.s32 $0x1, s0;
	s26 =	rddreg [dreg:$0x5]  }
0xce: {  	p0 =	sne.s32 s0, s26  }
.Ltmp2:
0xcf: {  	_ = 	snop;
	(pc) =	sbr.rel @p0 .LBB2_1-.Ltmp2, $3  }
0xd0: {  	_ =	sdelay $0x1  }
0xd1: {  	[sflag:s25] =	ssyncset.done $0x0  }
0xd2: {  	[sflag:s25] =	ssyncadd.s32 $0xFFFFD800  }
0xd3: {  	_ =	sfence.sel $0x180000  }
0xd4: {  	[bflag:$0x0] =	sbarrier.arrive $0xFFFF  }
0xd5: {  	_ =	strace $0x9000004D  }
0xd6: {  	s0 =	stileid.u32;
	[bflag:$0x2] =	sbarrier.arrive $0xFFFF  }
0xd7: {  	p0 =	sne.s32 s0, $0x0;
	s0 =	rddreg [dreg:$0x2]  }
0xd8: {  	s0 =	sadd.s32 @!p0 $0x100000, s0  }
0xd9: {  	[sflag:s0] =	ssyncadd.tile.s32 @!p0 $0x1;
	_ =	shalt  }
.Lfunc_end2:
_tile_overlayer_lowered:
.L_overlay_start_2:
0xda: {  	(tag) =	ssettag $0x2  }
0xdb: {  	s0 =	rddreg [dreg:$0x0];
	s2 =	stileid.u32  }
0xdc: {  	s1 =	rddreg [dreg:$0x1];
	p0 =	sne.s32 s2, $0x0  }
0xdd: {  	s3 =	rddreg [dreg:$0x2];
	[bflag:$0x3] =	sbarrier.arrive $0xFFFF;
	s2 =	simm.s32 @!p0 $0x1C03  }
0xde: {  	[timem:s3], [sflag:s2] =	dma.local @!p0 [hbm:s0], s1  }
0xdf: {  	s0 =	simm.s32 @!p0 $0x3  }
0xe0: {  	_ =	swait.ge @!p0 [sflag:s0], s1  }
0xe1: {  	s1 =	ssub.s32 @!p0 $0x0, s1;
	[sflag:s0] =	ssyncset.done @!p0 $0x0  }
0xe2: {  	[sflag:s0] =	ssyncadd.s32 @!p0 s1  }
0xe3: {  	[bflag:$0x3] =	sbarrier.arrive $0xFFFF  }
0xe4: {  	_ =	shalt  }

// kernel: kernel.23.cloned.1.call-start
scs
__scs_entry_jumppad:
0x0: {  	(pc) =	sbr.rel $0x88, $3  }
0x1: {  	(tag) =	ssettag $0x0;
	lr =	simm.s32 $0x1  }
0x2: {  	[smem:$0x3F93] =	sst lr;
	_ =	strace $0xD0000000  }
0x3: {  	_ = 	snop  }
0x4: {  	_ = 	snop  }
0x5: {  	_ = 	snop  }
0x6: {  	_ = 	snop  }
0x7: {  	_ = 	snop  }
__scs_overlays_trampoline_lowered:
0x8: {  	[smem:$0x3FA2] =	sst s0  }
0x9: {  	[smem:$0x3FA3] =	sst s1  }
0xa: {  	[smem:$0x3FA4] =	sst s2  }
0xb: {  	[smem:$0x3FA5] =	sst s3  }
0xc: {  	[smem:$0x3FA6] =	sst s4  }
0xd: {  	[smem:$0x3FA7] =	sst s5  }
0xe: {  	[smem:$0x3FA8] =	sst s6  }
0xf: {  	[smem:$0x3FA9] =	sst s7  }
0x10: {  	[smem:$0x3FAA] =	sst s8  }
0x11: {  	[smem:$0x3FAB] =	sst s9;
	s0 =	simm.s32 @!p0 $0x0  }
0x12: {  	s1 =	sld [smem:$0x3F91];
	s0 =	simm.s32 @p0 $0x1  }
0x13: {  	[smem:$0x3FAC] =	sst s0;
	s0 =	simm.s32 @!p1 $0x0  }
0x14: {  	s2 =	sld [smem:$0x3F90];
	s0 =	simm.s32 @p1 $0x1  }
0x15: {  	[smem:$0x3FAD] =	sst s0;
	s0 =	simm.s32 @!p2 $0x0  }
0x16: {  	s3 =	sld [smem:$0x3FDB];
	s0 =	simm.s32 @p2 $0x1  }
0x17: {  	s4 =	simm.s32 $0x1BF5;
	[smem:$0x3FAF] =	sst s0  }
0x18: {  	s0 =	sld [smem:$0x3F92];
	_ =	swait.ge [sflag:s4], $0x0  }
0x19: {  	s7 =	sld [smem:$0x3F93]  }
0x1a: {  	s8 =	sadd.s32 $0xFFFFE003, lr  }
0x1b: {  	s9 =	sadd.s32 $0xFFFFFEF7, lr;
	s5 =	simm.s32 $0xFFFFFFFF;
	p2 =	slt.u32 s8, $0xFFFFF086  }
0x1c: {  	p1 =	slt.u32 s9, $0xF7A;
	s5 =	simm.s32 @!p2 $0x0  }
0x1d: {  	s5 =	simm.s32 @p1 $0x1;
	p0 =	seq.s32 s7, s2  }
0x1e: {  	s7 =	smul.u32 @!p0 $0xF7A, s2;
	p2 =	seq.s32 @!p0 s5, $0x0  }
0x1f: {  	s9 =	smul.u32 $0xF7A, s1;
	s8 =	simm.s32 @!p0 $0x1BF5;
	p2 =	por !p2, p0  }
0x20: {  	[sflag:s8] =	ssyncset.s32 @!p0 $0xFFFFF086;
	s6 =	sadd.s32 @!p0 s3, s7;
	s7 =	simm.s32 @!p0 $0x108  }
0x21: {  	s3 =	sadd.s32 s3, s9;
	s6 =	sadd.s32 @!p0 $0x88, s6;
	s7 =	simm.s32 @p2 $0x1082  }
0x22: {  	[simem:s7], [sflag:s8] =	dma.local @!p0 [hbm:s6], $0xF7A  }
0x23: {  	s9 =	sor.u32 $0xD0000000, s2;
	s6 =	simm.s32 $0x108;
	_ =	swait.ge @!p0 [sflag:s8], $0x0  }
0x24: {  	s3 =	sadd.s32 $0x88, s3;
	s6 =	simm.s32 @!p1 $0x1082;
	[sflag:s4] =	ssyncset.s32 $0xFFFFF086  }
0x25: {  	[simem:s6], [sflag:s4] =	dma.local [hbm:s3], $0xF7A  }
0x26: {  	[smem:$0x3F93] =	sst s1;
	(tag) =	ssettag s2;
	_ =	strace s9  }
0x27: {  	s1 =	sld [smem:$0x3FA3]  }
0x28: {  	s2 =	sld [smem:$0x3FA4]  }
0x29: {  	s4 =	sld [smem:$0x3FA6]  }
0x2a: {  	p0 =	seq.s32 s5, $0x0;
	s5 =	sld [smem:$0x3FA7]  }
0x2b: {  	s6 =	sld [smem:$0x3FA8]  }
0x2c: {  	s7 =	sld [smem:$0x3FA9]  }
0x2d: {  	s3 =	simm.s32 $0x108;
	s8 =	sld [smem:$0x3FAA]  }
0x2e: {  	s3 =	simm.s32 @!p0 $0x1082;
	s9 =	sld [smem:$0x3FAB]  }
0x2f: {  	lr =	sadd.s32 s0, s3;
	s0 =	sld [smem:$0x3FA2]  }
0x30: {  	s3 =	sld [smem:$0x3FA5]  }
0x31: {  	[smem:$0x3FAE] =	sst s10  }
0x32: {  	s10 =	sld [smem:$0x3FAC];
	_ =	sdelay $0x3  }
0x33: {  	p0 =	seq.s32 s10, $0x1;
	s10 =	sld [smem:$0x3FAE];
	_ =	sdelay $0x3  }
0x34: {  	[smem:$0x3FAE] =	sst s10  }
0x35: {  	s10 =	sld [smem:$0x3FAD];
	_ =	sdelay $0x3  }
0x36: {  	p1 =	seq.s32 s10, $0x1;
	s10 =	sld [smem:$0x3FAE];
	_ =	sdelay $0x3  }
0x37: {  	[smem:$0x3FAE] =	sst s10  }
0x38: {  	s10 =	sld [smem:$0x3FAF]  }
0x39: {  	_ = 	snop;
	(pc) =	sbr.ind lr, $3  }
0x3a: {  	_ = 	snop  }
0x3b: {  	_ = 	snop  }
0x3c: {  	p2 =	seq.s32 s10, $0x1;
	s10 =	sld [smem:$0x3FAE]  }
0x3d: {  	_ =	shalt  }
0x3e: {  	_ =	shalt  }
0x3f: {  	_ =	shalt  }
0x40: {  	_ =	shalt  }
0x41: {  	_ =	shalt  }
0x42: {  	_ =	shalt  }
0x43: {  	_ =	shalt  }
0x44: {  	_ =	shalt  }
0x45: {  	_ =	shalt  }
0x46: {  	_ =	shalt  }
0x47: {  	_ =	shalt  }
0x48: {  	_ =	shalt  }
0x49: {  	_ =	shalt  }
0x4a: {  	_ =	shalt  }
0x4b: {  	_ =	shalt  }
0x4c: {  	_ =	shalt  }
0x4d: {  	_ =	shalt  }
0x4e: {  	_ =	shalt  }
0x4f: {  	_ =	shalt  }
0x50: {  	_ =	shalt  }
0x51: {  	_ =	shalt  }
0x52: {  	_ =	shalt  }
0x53: {  	_ =	shalt  }
0x54: {  	_ =	shalt  }
0x55: {  	_ =	shalt  }
0x56: {  	_ =	shalt  }
0x57: {  	_ =	shalt  }
0x58: {  	_ =	shalt  }
0x59: {  	_ =	shalt  }
0x5a: {  	_ =	shalt  }
0x5b: {  	_ =	shalt  }
0x5c: {  	_ =	shalt  }
0x5d: {  	_ =	shalt  }
0x5e: {  	_ =	shalt  }
0x5f: {  	_ =	shalt  }
0x60: {  	_ =	shalt  }
0x61: {  	_ =	shalt  }
0x62: {  	_ =	shalt  }
0x63: {  	_ =	shalt  }
0x64: {  	_ =	shalt  }
0x65: {  	_ =	shalt  }
0x66: {  	_ =	shalt  }
0x67: {  	_ =	shalt  }
0x68: {  	_ =	shalt  }
0x69: {  	_ =	shalt  }
0x6a: {  	_ =	shalt  }
0x6b: {  	_ =	shalt  }
0x6c: {  	_ =	shalt  }
0x6d: {  	_ =	shalt  }
0x6e: {  	_ =	shalt  }
0x6f: {  	_ =	shalt  }
0x70: {  	_ =	shalt  }
0x71: {  	_ =	shalt  }
0x72: {  	_ =	shalt  }
0x73: {  	_ =	shalt  }
0x74: {  	_ =	shalt  }
0x75: {  	_ =	shalt  }
0x76: {  	_ =	shalt  }
0x77: {  	_ =	shalt  }
0x78: {  	_ =	shalt  }
0x79: {  	_ =	shalt  }
0x7a: {  	_ =	shalt  }
0x7b: {  	_ =	shalt  }
0x7c: {  	_ =	shalt  }
0x7d: {  	_ =	shalt  }
0x7e: {  	_ =	shalt  }
0x7f: {  	_ =	shalt  }
0x80: {  	_ =	shalt  }
0x81: {  	_ =	shalt  }
0x82: {  	_ =	shalt  }
0x83: {  	_ =	shalt  }
0x84: {  	_ =	shalt  }
0x85: {  	_ =	shalt  }
0x86: {  	_ =	shalt  }
0x87: {  	_ =	shalt  }
.Lfunc_end0:
.L_simem_size_0:
called_computation.3_lowered:
.L_overlay_start_0:
0x88: {  	s2 =	sld [smem:$0x3FD9]  }
0x89: {  	s3 =	sld [smem:$0x3FFE];
	_ =	sdelay $0x1  }
0x8a: {  	s1 =	srdreg.scid  }
0x8b: {  	s0 =	sand.u32 $0x1, s1  }
0x8c: {  	s16 =	sshll.u32 s0, $0xA;
	s2 =	sadd.s32 s3, s2  }
0x8d: {  	s2 =	sadd.s32 s2, s16  }
0x8e: {  	[smem:$0x3FBA] =	sst s2  }
0x8f: {  	_ = 	snop  }
0x90: {  	(tm) =	ssettm $0x1  }
0x91: {  	s17 =	sld [smem:$0x3FFB];
	_ =	sdelay $0x3  }
0x92: {  	_ =	strace s17  }
0x93: {  	s2 =	sld [smem:$0x3FFC];
	_ =	sdelay $0x3  }
0x94: {  	_ =	strace s2  }
0x95: {  	s2 =	sld [smem:$0x3FFD];
	_ =	sdelay $0x3  }
0x96: {  	_ =	strace s2  }
0x97: {  	_ =	strace $0x8FFFFFFF  }
0x98: {  	s18 =	sld [smem:$0x3FDB];
	_ =	sdelay $0x1  }
0x99: {  	s19 =	simm.s32 $_scs_section_size  }
0x9a: {  	s4 =	simm.s32 $_size__tile_overlayer_lowered;
	s5 =	simm.s32 $_tile_overlayer_lowered  }
0x9b: {  	s22 =	simm.s32 $0x1BFF;
	s21 =	sshll.u32 s5, $0x1;
	s2 =	sadd.s32 s19, s18  }
0x9c: {  	s6 =	simm.s32 $0x0;
	s20 =	sshll.u32 s4, $0x1;
	s4 =	sadd.s32 s21, s2  }
0x9d: {  	[timem:s6], [sflag:s22] =	dma.local [hbm:s4], s20  }
0x9e: {  	_ =	swait.ge [sflag:s22], s20  }
0x9f: {  	s3 =	ssub.s32 $0x0, s20;
	[sflag:s22] =	ssyncset.done $0x0  }
0xa0: {  	[sflag:s22] =	ssyncadd.s32 s3;
	_ =	sdelay $0x1  }
0xa1: {  	s23 =	simm.s32 $0x1B8B  }
0xa2: {  	_ =	swait.ge [sflag:s23], $0x1  }
0xa3: {  	[sflag:s23] =	ssyncset.done $0x0  }
0xa4: {  	s25 =	simm.s32 $0x1B8E;
	s24 =	sld [smem:$0x3FFE];
	[sflag:s23] =	ssyncadd.s32 $0xFFFFFFFF  }
0xa5: {  	s26 =	simm.s32 $execute0_lowered;
	[smem:$0x3FD2] =	sst s25  }
0xa6: {  	s4 =	sshll.u32 s26, $0x1;
	_ =	strace $0x8000004F;
	[dreg:$0x1] =	wrdreg $0xFFFFFFFF  }
0xa7: {  	s28 =	simm.s32 $_size_execute0_lowered;
	s2 =	sadd.s32 s2, s4;
	[dreg:$0x0] =	wrdreg $0x0  }
0xa8: {  	s4 =	sshll.u32 s28, $0x1;
	[dreg:$0x2] =	wrdreg s2  }
0xa9: {  	[dreg:$0x3] =	wrdreg s4  }
0xaa: {  	[dreg:$0x4] =	wrdreg $0xC0  }
0xab: {  	_ =	task [dreg:s6], $0x5FFFF  }
0xac: {  	[dreg:$0x1] =	wrdreg $0xFFFFFFFF  }
0xad: {  	[dreg:$0x0] =	wrdreg $0x60  }
0xae: {  	[dreg:$0x2] =	wrdreg s24  }
0xaf: {  	[dreg:$0x3] =	wrdreg $0xB7800  }
0xb0: {  	[dreg:$0x4] =	wrdreg $0x9  }
0xb1: {  	_ =	task.clear_ibuf [dreg:s6], $0x5FFFF;
	_ =	strace $0x9000004F  }
0xb2: {  	s29 =	simm.s32 $0x9;
	_ =	strace $0x80000051  }
0xb3: {  	_ =	swait.ge [sflag:s29], $0x1  }
0xb4: {  	[sflag:s29] =	ssyncadd.s32 $0xFFFFFFFF  }
0xb5: {  	_ =	strace $0x90000051  }
0xb6: {  	_ =	sfence  }
0xb7: {  	s30 =	sld [smem:$0x0];
	_ =	sdelay $0x2  }
0xb8: {  	s31 =	sshll.u32 s1, $0xD;
	s1 =	sshrl.u32 s1, $0x2  }
0xb9: {  	s3 =	sand.u32 $0x4000, s31;
	s1 =	sadd.s32 s1, s30  }
0xba: {  	s0 =	sor.u32 s3, s0;
	s1 =	sshll.u32 s1, $0x11  }
0xbb: {  	s0 =	sor.u32 s1, s0  }
0xbc: {  	s0 =	sadd.s32 $0x8F2B, s0  }
0xbd: {  	[sflag:s0] =	ssyncadd.remote.s32 $0x1  }
0xbe: {  	_ =	sfence.sel $0xFFFF  }
0xbf: {  	[dreg:$0x0] =	wrdreg $0xFFFFFFFF;
	(pc) =	sbr.abs _section_cstart, $3  }
0xc0: {  	[dreg:$0x1] =	wrdreg $0xFFFFFFFF  }
0xc1: {  	_ =	task.clear_ibuf [dreg:s6], $0x2FFFF;
	_ =	strace $0x9FFFFFFF  }
0xc2: {  	(tm) =	ssettm $0x7FFFFFFF  }
0xc3: {  	_ =	shalt  }
tec
execute0_lowered:
.L_overlay_start_1:
0x0: {  	(tag) =	ssettag $0x1  }
0x1: {  	s0 =	rddreg [dreg:$0x0]  }
0x2: {  	s1 =	srdreg.scid;
	s10 =	stileid.u32  }
0x3: {  	s2 =	rddreg [dreg:$0x1];
	s3 =	simm.s32 $0x0;
	s28 =	simm.s32 $0x50  }
0x4: {  	s29 =	simm.s32 $0x8F80;
	s30 =	simm.s32 $0x1;
	s31 =	simm.s32 $0x2  }
0x5: {  	s1 =	sand.u32 $0x1, s1;
	s4 =	sshll.u32 s10, $0x1;
	s9 =	smul.u32 $0x50000, s10  }
0x6: {  	[smem:$0x7FF] =	sst s3;
	s15 =	smul.u32 $0x14000, s10;
	s5 =	sor.u32 s1, s4  }
0x7: {  	_ =	strace $0x80000050;
	s7 =	ssub.s32 $0x2, s1;
	s1 =	smul.u32 $0x140000, s1  }
0x8: {  	s4 =	sadd.s32 $0x1F400, s0;
	s6 =	smul.u32 $0x4E2, s5;
	s5 =	sshll.u32 s5, $0xB  }
0x9: {  	s8 =	sshrl.u32 s7, $0x1;
	s22 =	sshrl.u32 s9, $0x2;
	s24 =	sor.u32 $0x2800, s15  }
0xa: {  	s18 =	sadd.s32 $0x5000, s15;
	s19 =	sadd.s32 $0x7800, s15;
	s20 =	sadd.s32 $0xA000, s15  }
0xb: {  	s21 =	sadd.s32 $0xC800, s15;
	s5 =	sadd.s32 s5, s0;
	s8 =	ssub.s32 s7, s8  }
0xc: {  	s7 =	sadd.s32 s22, s2;
	s9 =	sadd.s32 s24, s2;
	s10 =	sadd.s32 s18, s2  }
0xd: {  	s11 =	sadd.s32 s19, s2;
	s12 =	sadd.s32 s20, s2;
	s13 =	sadd.s32 s21, s2  }
0xe: {  	s22 =	sadd.s32 $0xF000, s15;
	s16 =	sadd.s32 s1, s15;
	s25 =	sadd.s32 s1, s18  }
0xf: {  	s26 =	sadd.s32 s1, s19;
	s6 =	sadd.s32 s6, s0;
	s0 =	sadd.s32 $0x6D800, s0  }
0x10: {  	s5 =	sadd.s32 $0xF400, s5;
	s23 =	smax.u32 s8, $0x1;
	s14 =	sadd.s32 s22, s2  }
0x11: {  	s16 =	sshrl.u32 s16, $0x3;
	s8 =	sshrl.u32 s26, $0x3;
	[dreg:$0x4] =	wrdreg s5  }
0x12: {  	s26 =	sadd.s32 s1, s22;
	s6 =	sadd.s32 $0x5600, s6;
	[dreg:$0x5] =	wrdreg s23  }
0x13: {  	s5 =	sadd.s32 s1, s24;
	s23 =	sadd.s32 $0x11800, s15;
	s16 =	sadd.s32 s0, s16  }
0x14: {  	s19 =	sadd.s32 s0, s8;
	s22 =	sshrl.u32 s26, $0x3;
	[dreg:$0x3] =	wrdreg s6  }
0x15: {  	s5 =	sshrl.u32 s5, $0x3;
	s15 =	sadd.s32 s23, s2;
	s6 =	sadd.s32 s1, s20  }
0x16: {  	s22 =	sadd.s32 s0, s22;
	s17 =	sadd.s32 s0, s5;
	s5 =	sshrl.u32 s25, $0x3  }
0x17: {  	s24 =	sshrl.u32 s6, $0x3;
	s25 =	sadd.s32 s1, s21;
	s1 =	sadd.s32 s1, s23  }
0x18: {  	s18 =	sadd.s32 s0, s5;
	s20 =	sadd.s32 s0, s24;
	s5 =	sshrl.u32 s25, $0x3  }
0x19: {  	s1 =	sshrl.u32 s1, $0x3;
	s24 =	simm.s32 $0x6780;
	s25 =	simm.s32 $0x3  }
0x1a: {  	v0 =	vimm.f32 $0.0e+00;
	s21 =	sadd.s32 s0, s5;
	s23 =	sadd.s32 s0, s1;
	s0 =	simm.s32 $0x0  }
.LBB2_1:
0x1b: {  	s1 =	simm.s32 $0x0;
	s5 =	simm.s32 $0x200  }
.LBB2_2:
0x1c: {  	p0 =	sne.s32 s5, $0x9E00;
	[tilespmem:s1+$0x67F0] =	vst v0  }
0x1d: {  	[tilespmem:s1+$0x6780] =	vst v0  }
0x1e: {  	[tilespmem:s1+$0x6790] =	vst v0  }
.Ltmp0:
0x1f: {  	[tilespmem:s1+$0x67A0] =	vst v0;
	(pc) =	sbr.rel @p0 .LBB2_2-.Ltmp0, $4  }
0x20: {  	[tilespmem:s1+$0x67B0] =	vst v0  }
0x21: {  	[tilespmem:s1+$0x67C0] =	vst v0  }
0x22: {  	[tilespmem:s1+$0x67D0] =	vst v0  }
0x23: {  	[tilespmem:s1+$0x67E0] =	vst v0;
	s1 =	sshra.s32 s5, $0x2;
	s5 =	sadd.s32 $0x200, s5  }
0x24: {  	[tilespmem:s1+$0x67F0] =	vst v0  }
0x25: {  	[tilespmem:s1+$0x6780] =	vst v0  }
0x26: {  	[tilespmem:s1+$0x6790] =	vst v0  }
0x27: {  	[tilespmem:s1+$0x67A0] =	vst v0  }
0x28: {  	[tilespmem:s1+$0x67B0] =	vst v0  }
0x29: {  	[tilespmem:s1+$0x67C0] =	vst v0  }
0x2a: {  	[tilespmem:s1+$0x67D0] =	vst v0  }
0x2b: {  	[tilespmem:s1+$0x67E0] =	vst v0  }
0x2c: {  	[spmem:s7] =	stream.linear.scatter [tilespmem:s24], [sflag:$0x3], $0x2800, $0x38;
	[tilespmem:$0x1F780] =	vst v63  }
0x2d: {  	_ =	swait.ge [sflag:s25], $0x2800  }
0x2e: {  	[sflag:s25] =	ssyncset.done $0x0  }
0x2f: {  	[sflag:s25] =	ssyncadd.s32 $0xFFFFD800  }
0x30: {  	[spmem:s9] =	stream.linear.scatter [tilespmem:s24], [sflag:$0x3], $0x2800, $0x38;
	[tilespmem:$0x1F780] =	vst v63  }
0x31: {  	_ =	swait.ge [sflag:s25], $0x2800  }
0x32: {  	[sflag:s25] =	ssyncset.done $0x0  }
0x33: {  	[sflag:s25] =	ssyncadd.s32 $0xFFFFD800  }
0x34: {  	[spmem:s10] =	stream.linear.scatter [tilespmem:s24], [sflag:$0x3], $0x2800, $0x38;
	[tilespmem:$0x1F780] =	vst v63  }
0x35: {  	_ =	swait.ge [sflag:s25], $0x2800  }
0x36: {  	[sflag:s25] =	ssyncset.done $0x0  }
0x37: {  	[sflag:s25] =	ssyncadd.s32 $0xFFFFD800  }
0x38: {  	[spmem:s11] =	stream.linear.scatter [tilespmem:s24], [sflag:$0x3], $0x2800, $0x38;
	[tilespmem:$0x1F780] =	vst v63  }
0x39: {  	_ =	swait.ge [sflag:s25], $0x2800  }
0x3a: {  	[sflag:s25] =	ssyncset.done $0x0  }
0x3b: {  	[sflag:s25] =	ssyncadd.s32 $0xFFFFD800  }
0x3c: {  	[spmem:s12] =	stream.linear.scatter [tilespmem:s24], [sflag:$0x3], $0x2800, $0x38;
	[tilespmem:$0x1F780] =	vst v63  }
0x3d: {  	_ =	swait.ge [sflag:s25], $0x2800  }
0x3e: {  	[sflag:s25] =	ssyncset.done $0x0  }
0x3f: {  	[sflag:s25] =	ssyncadd.s32 $0xFFFFD800  }
0x40: {  	[spmem:s13] =	stream.linear.scatter [tilespmem:s24], [sflag:$0x3], $0x2800, $0x38;
	[tilespmem:$0x1F780] =	vst v63  }
0x41: {  	_ =	swait.ge [sflag:s25], $0x2800  }
0x42: {  	[sflag:s25] =	ssyncset.done $0x0  }
0x43: {  	[sflag:s25] =	ssyncadd.s32 $0xFFFFD800  }
0x44: {  	[spmem:s14] =	stream.linear.scatter [tilespmem:s24], [sflag:$0x3], $0x2800, $0x38;
	[tilespmem:$0x1F780] =	vst v63  }
0x45: {  	_ =	swait.ge [sflag:s25], $0x2800  }
0x46: {  	[sflag:s25] =	ssyncset.done $0x0  }
0x47: {  	[sflag:s25] =	ssyncadd.s32 $0xFFFFD800  }
0x48: {  	[spmem:s15] =	stream.linear.scatter [tilespmem:s24], [sflag:$0x3], $0x2800, $0x38;
	[tilespmem:$0x1F780] =	vst v63  }
0x49: {  	_ =	swait.ge [sflag:s25], $0x2800  }
0x4a: {  	[sflag:s25] =	ssyncset.done $0x0  }
0x4b: {  	s8 =	simm.s32 $0x0;
	s5 =	rddreg [dreg:$0x3];
	[sflag:s25] =	ssyncadd.s32 $0xFFFFD800  }
0x4c: {  	[tilespmem:s8], [sflag:$0x3] =	stream.linear.gather [hbm4b:s5+s8], $0x2710, $0x38;
	[tilespmem:$0x1F780] =	vst v63  }
0x4d: {  	_ =	swait.ge [sflag:s25], $0x2710  }
0x4e: {  	[sflag:s25] =	ssyncset.done $0x0  }
0x4f: {  	s6 =	simm.s32 $0x2780;
	s26 =	rddreg [dreg:$0x4];
	[sflag:s25] =	ssyncadd.s32 $0xFFFFD8F0  }
0x50: {  	[tilespmem:s6], [sflag:$0x3] =	stream.linear.gather [hbm4b:s26+s8], $0x3E80, $0x38;
	[tilespmem:$0x1F780] =	vst v63  }
0x51: {  	_ =	swait.ge [sflag:s25], $0x3E80  }
0x52: {  	[sflag:s25] =	ssyncset.done $0x0  }
0x53: {  	[sflag:s25] =	ssyncadd.s32 $0xFFFFC180  }
0x54: {  	[bflag:$0x0] =	sbarrier.arrive $0xFFFF  }
0x55: {  	[tilespmem:s24], [sflag:$0x1] =	stream.indirect.gather [hbm4b:s4+s28], $0x80, s8, s28, $0xb8;
	[tilespmem:$0x1F780] =	vst v63  }
0x56: {  	s5 =	simm.s32 $0x50  }
0x57: {  	[tilespmem:s29], [sflag:$0x2] =	stream.indirect.gather [hbm4b:s4+s28], $0x80, s5, s28, $0xb8;
	[tilespmem:$0x1F780] =	vst v63  }
0x58: {  	_ =	swait.ge [sflag:s30], $0x2800  }
0x59: {  	[sflag:s30] =	ssyncset.done $0x0  }
0x5a: {  	s6 =	simm.s32 $0x2780;
	[sflag:s30] =	ssyncadd.s32 $0xFFFFD800  }
0x5b: {  	[spmem:s2] =	stream.indirect.scatter.add.f32 [tilespmem:s24], [sflag:$0x3], $0x80, s6, s28, $0xb8;
	[tilespmem:$0x1F780] =	vst v63  }
0x5c: {  	_ =	swait.ge [sflag:s25], $0x2800  }
0x5d: {  	[sflag:s25] =	ssyncset.done $0x0  }
0x5e: {  	s8 =	simm.s32 $0xA0;
	[sflag:s25] =	ssyncadd.s32 $0xFFFFD800  }
0x5f: {  	[tilespmem:s24], [sflag:$0x1] =	stream.indirect.gather [hbm4b:s4+s28], $0x80, s8, s28, $0xb8;
	[tilespmem:$0x1F780] =	vst v63  }
0x60: {  	_ =	swait.ge [sflag:s31], $0x2800  }
0x61: {  	[sflag:s31] =	ssyncset.done $0x0  }
0x62: {  	s26 =	simm.s32 $0x2800;
	[sflag:s31] =	ssyncadd.s32 $0xFFFFD800  }
0x63: {  	[spmem:s2] =	stream.indirect.scatter.add.f32 [tilespmem:s29], [sflag:$0x3], $0x80, s26, s28, $0xb8;
	[tilespmem:$0x1F780] =	vst v63  }
0x64: {  	s1 =	simm.s32 $0x400;
	_ =	swait.ge [sflag:s25], $0x2800  }
0x65: {  	s5 =	simm.s32 $0x800;
	s26 =	simm.s32 $0x140;
	[sflag:s25] =	ssyncset.done $0x0  }
.LBB2_4:
0x66: {  	p0 =	sne.s32 s5, $0xF400;
	s6 =	sadd.s32 $0xFFFFFFB0, s26;
	[sflag:s25] =	ssyncadd.s32 $0xFFFFD800  }
0x67: {  	[tilespmem:s29], [sflag:$0x2] =	stream.indirect.gather [hbm4b:s4+s28], $0x80, s6, s28, $0xb8;
	[tilespmem:$0x1F780] =	vst v63  }
0x68: {  	s6 =	smov.u32 s5;
	s5 =	sadd.s32 $0x400, s5;
	_ =	swait.ge [sflag:s30], $0x2800  }
0x69: {  	s8 =	sshra.s32 s1, $0x2;
	s1 =	smov.u32 s6;
	[sflag:s30] =	ssyncset.done $0x0  }
0x6a: {  	s6 =	sadd.s32 $0x2780, s8;
	[sflag:s30] =	ssyncadd.s32 $0xFFFFD800  }
0x6b: {  	[spmem:s2] =	stream.indirect.scatter.add.f32 [tilespmem:s24], [sflag:$0x3], $0x80, s6, s28, $0xb8;
	[tilespmem:$0x1F780] =	vst v63  }
0x6c: {  	_ =	swait.ge [sflag:s25], $0x2800  }
0x6d: {  	[sflag:s25] =	ssyncset.done $0x0  }
0x6e: {  	[sflag:s25] =	ssyncadd.s32 $0xFFFFD800  }
0x6f: {  	[tilespmem:s24], [sflag:$0x1] =	stream.indirect.gather [hbm4b:s4+s28], $0x80, s26, s28, $0xb8;
	[tilespmem:$0x1F780] =	vst v63  }
0x70: {  	_ =	swait.ge [sflag:s31], $0x2800  }
.Ltmp1:
0x71: {  	[sflag:s31] =	ssyncset.done $0x0;
	(pc) =	sbr.rel @p0 .LBB2_4-.Ltmp1, $4  }
0x72: {  	s6 =	sadd.s32 $0x2800, s8;
	[sflag:s31] =	ssyncadd.s32 $0xFFFFD800  }
0x73: {  	[spmem:s2] =	stream.indirect.scatter.add.f32 [tilespmem:s29], [sflag:$0x3], $0x80, s6, s28, $0xb8;
	[tilespmem:$0x1F780] =	vst v63  }
0x74: {  	_ =	swait.ge [sflag:s25], $0x2800  }
0x75: {  	s26 =	sadd.s32 $0xA0, s26;
	[sflag:s25] =	ssyncset.done $0x0  }
0x76: {  	s5 =	sadd.s32 $0xFFFFFFB0, s26;
	[sflag:s25] =	ssyncadd.s32 $0xFFFFD800  }
0x77: {  	[tilespmem:s29], [sflag:$0x2] =	stream.indirect.gather [hbm4b:s4+s28], $0x80, s5, s28, $0xb8;
	[tilespmem:$0x1F780] =	vst v63  }
0x78: {  	_ =	swait.ge [sflag:s30], $0x2800  }
0x79: {  	s1 =	sshra.s32 s1, $0x2;
	[sflag:s30] =	ssyncset.done $0x0  }
0x7a: {  	s6 =	sadd.s32 $0x2780, s1;
	[sflag:s30] =	ssyncadd.s32 $0xFFFFD800  }
0x7b: {  	[spmem:s2] =	stream.indirect.scatter.add.f32 [tilespmem:s24], [sflag:$0x3], $0x80, s6, s28, $0xb8;
	[tilespmem:$0x1F780] =	vst v63  }
0x7c: {  	_ =	swait.ge [sflag:s25], $0x2800  }
0x7d: {  	[sflag:s25] =	ssyncset.done $0x0  }
0x7e: {  	[sflag:s25] =	ssyncadd.s32 $0xFFFFD800  }
0x7f: {  	[tilespmem:s24], [sflag:$0x1] =	stream.indirect.gather [hbm4b:s4+s28], $0x80, s26, s28, $0xb8;
	[tilespmem:$0x1F780] =	vst v63  }
0x80: {  	_ =	swait.ge [sflag:s31], $0x2800  }
0x81: {  	[sflag:s31] =	ssyncset.done $0x0  }
0x82: {  	s1 =	sadd.s32 $0x2800, s1;
	[sflag:s31] =	ssyncadd.s32 $0xFFFFD800  }
0x83: {  	[spmem:s2] =	stream.indirect.scatter.add.f32 [tilespmem:s29], [sflag:$0x3], $0x80, s1, s28, $0xb8;
	[tilespmem:$0x1F780] =	vst v63  }
0x84: {  	_ =	swait.ge [sflag:s25], $0x2800  }
0x85: {  	[sflag:s25] =	ssyncset.done $0x0  }
0x86: {  	[sflag:s25] =	ssyncadd.s32 $0xFFFFD800  }
0x87: {  	_ =	swait.ge [sflag:s30], $0x2800  }
0x88: {  	[sflag:s30] =	ssyncset.done $0x0  }
0x89: {  	s8 =	simm.s32 $0x6580;
	[sflag:s30] =	ssyncadd.s32 $0xFFFFD800  }
0x8a: {  	[spmem:s2] =	stream.indirect.scatter.add.f32 [tilespmem:s24], [sflag:$0x3], $0x80, s8, s28, $0xb8;
	[tilespmem:$0x1F780] =	vst v63  }
0x8b: {  	_ =	swait.ge [sflag:s25], $0x2800  }
0x8c: {  	[sflag:s25] =	ssyncset.done $0x0  }
0x8d: {  	[sflag:s25] =	ssyncadd.s32 $0xFFFFD800  }
0x8e: {  	[bflag:$0x0] =	sbarrier.arrive $0xFFFF  }
0x8f: {  	[tilespmem:s24], [sflag:$0x3] =	stream.linear.gather [spmem:s7], $0x2800, $0x38;
	[tilespmem:$0x1F780] =	vst v63  }
0x90: {  	_ =	swait.ge [sflag:s25], $0x2800  }
0x91: {  	[sflag:s25] =	ssyncset.done $0x0  }
0x92: {  	[sflag:s25] =	ssyncadd.s32 $0xFFFFD800  }
0x93: {  	[hbm4b:s16+s3] =	stream.linear.scatter [tilespmem:s24], [sflag:$0x3], $0x2800, $0x38;
	[tilespmem:$0x1F780] =	vst v63  }
0x94: {  	_ =	swait.ge [sflag:s25], $0x2800  }
0x95: {  	[sflag:s25] =	ssyncset.done $0x0  }
0x96: {  	[sflag:s25] =	ssyncadd.s32 $0xFFFFD800  }
0x97: {  	[tilespmem:s24], [sflag:$0x3] =	stream.linear.gather [spmem:s9], $0x2800, $0x38;
	[tilespmem:$0x1F780] =	vst v63  }
0x98: {  	_ =	swait.ge [sflag:s25], $0x2800  }
0x99: {  	[sflag:s25] =	ssyncset.done $0x0  }
0x9a: {  	[sflag:s25] =	ssyncadd.s32 $0xFFFFD800  }
0x9b: {  	[hbm4b:s17+s3] =	stream.linear.scatter [tilespmem:s24], [sflag:$0x3], $0x2800, $0x38;
	[tilespmem:$0x1F780] =	vst v63  }
0x9c: {  	_ =	swait.ge [sflag:s25], $0x2800  }
0x9d: {  	[sflag:s25] =	ssyncset.done $0x0  }
0x9e: {  	[sflag:s25] =	ssyncadd.s32 $0xFFFFD800  }
0x9f: {  	[tilespmem:s24], [sflag:$0x3] =	stream.linear.gather [spmem:s10], $0x2800, $0x38;
	[tilespmem:$0x1F780] =	vst v63  }
0xa0: {  	_ =	swait.ge [sflag:s25], $0x2800  }
0xa1: {  	[sflag:s25] =	ssyncset.done $0x0  }
0xa2: {  	[sflag:s25] =	ssyncadd.s32 $0xFFFFD800  }
0xa3: {  	[hbm4b:s18+s3] =	stream.linear.scatter [tilespmem:s24], [sflag:$0x3], $0x2800, $0x38;
	[tilespmem:$0x1F780] =	vst v63  }
0xa4: {  	_ =	swait.ge [sflag:s25], $0x2800  }
0xa5: {  	[sflag:s25] =	ssyncset.done $0x0  }
0xa6: {  	[sflag:s25] =	ssyncadd.s32 $0xFFFFD800  }
0xa7: {  	[tilespmem:s24], [sflag:$0x3] =	stream.linear.gather [spmem:s11], $0x2800, $0x38;
	[tilespmem:$0x1F780] =	vst v63  }
0xa8: {  	_ =	swait.ge [sflag:s25], $0x2800  }
0xa9: {  	[sflag:s25] =	ssyncset.done $0x0  }
0xaa: {  	[sflag:s25] =	ssyncadd.s32 $0xFFFFD800  }
0xab: {  	[hbm4b:s19+s3] =	stream.linear.scatter [tilespmem:s24], [sflag:$0x3], $0x2800, $0x38;
	[tilespmem:$0x1F780] =	vst v63  }
0xac: {  	_ =	swait.ge [sflag:s25], $0x2800  }
0xad: {  	[sflag:s25] =	ssyncset.done $0x0  }
0xae: {  	[sflag:s25] =	ssyncadd.s32 $0xFFFFD800  }
0xaf: {  	[tilespmem:s24], [sflag:$0x3] =	stream.linear.gather [spmem:s12], $0x2800, $0x38;
	[tilespmem:$0x1F780] =	vst v63  }
0xb0: {  	_ =	swait.ge [sflag:s25], $0x2800  }
0xb1: {  	[sflag:s25] =	ssyncset.done $0x0  }
0xb2: {  	[sflag:s25] =	ssyncadd.s32 $0xFFFFD800  }
0xb3: {  	[hbm4b:s20+s3] =	stream.linear.scatter [tilespmem:s24], [sflag:$0x3], $0x2800, $0x38;
	[tilespmem:$0x1F780] =	vst v63  }
0xb4: {  	_ =	swait.ge [sflag:s25], $0x2800  }
0xb5: {  	[sflag:s25] =	ssyncset.done $0x0  }
0xb6: {  	[sflag:s25] =	ssyncadd.s32 $0xFFFFD800  }
0xb7: {  	[tilespmem:s24], [sflag:$0x3] =	stream.linear.gather [spmem:s13], $0x2800, $0x38;
	[tilespmem:$0x1F780] =	vst v63  }
0xb8: {  	_ =	swait.ge [sflag:s25], $0x2800  }
0xb9: {  	[sflag:s25] =	ssyncset.done $0x0  }
0xba: {  	[sflag:s25] =	ssyncadd.s32 $0xFFFFD800  }
0xbb: {  	[hbm4b:s21+s3] =	stream.linear.scatter [tilespmem:s24], [sflag:$0x3], $0x2800, $0x38;
	[tilespmem:$0x1F780] =	vst v63  }
0xbc: {  	_ =	swait.ge [sflag:s25], $0x2800  }
0xbd: {  	[sflag:s25] =	ssyncset.done $0x0  }
0xbe: {  	[sflag:s25] =	ssyncadd.s32 $0xFFFFD800  }
0xbf: {  	[tilespmem:s24], [sflag:$0x3] =	stream.linear.gather [spmem:s14], $0x2800, $0x38;
	[tilespmem:$0x1F780] =	vst v63  }
0xc0: {  	_ =	swait.ge [sflag:s25], $0x2800  }
0xc1: {  	[sflag:s25] =	ssyncset.done $0x0  }
0xc2: {  	[sflag:s25] =	ssyncadd.s32 $0xFFFFD800  }
0xc3: {  	[hbm4b:s22+s3] =	stream.linear.scatter [tilespmem:s24], [sflag:$0x3], $0x2800, $0x38;
	[tilespmem:$0x1F780] =	vst v63  }
0xc4: {  	_ =	swait.ge [sflag:s25], $0x2800  }
0xc5: {  	[sflag:s25] =	ssyncset.done $0x0  }
0xc6: {  	[sflag:s25] =	ssyncadd.s32 $0xFFFFD800  }
0xc7: {  	[tilespmem:s24], [sflag:$0x3] =	stream.linear.gather [spmem:s15], $0x2800, $0x38;
	[tilespmem:$0x1F780] =	vst v63  }
0xc8: {  	_ =	swait.ge [sflag:s25], $0x2800  }
0xc9: {  	[sflag:s25] =	ssyncset.done $0x0  }
0xca: {  	[sflag:s25] =	ssyncadd.s32 $0xFFFFD800  }
0xcb: {  	[hbm4b:s23+s3] =	stream.linear.scatter [tilespmem:s24], [sflag:$0x3], $0x2800, $0x38;
	[tilespmem:$0x1F780] =	vst v63  }
0xcc: {  	_ =	swait.ge [sflag:s25], $0x2800  }
0xcd: {  	s0 =	sadd.s32 $0x1, s0;
	s26 =	rddreg [dreg:$0x5]  }
0xce: {  	p0 =	sne.s32 s0, s26  }
.Ltmp2:
0xcf: {  	_ = 	snop;
	(pc) =	sbr.rel @p0 .LBB2_1-.Ltmp2, $3  }
0xd0: {  	_ =	sdelay $0x1  }
0xd1: {  	[sflag:s25] =	ssyncset.done $0x0  }
0xd2: {  	[sflag:s25] =	ssyncadd.s32 $0xFFFFD800  }
0xd3: {  	_ =	sfence.sel $0x180000  }
0xd4: {  	[bflag:$0x0] =	sbarrier.arrive $0xFFFF  }
0xd5: {  	_ =	strace $0x90000050  }
0xd6: {  	s0 =	stileid.u32;
	[bflag:$0x2] =	sbarrier.arrive $0xFFFF  }
0xd7: {  	p0 =	sne.s32 s0, $0x0;
	s0 =	rddreg [dreg:$0x2]  }
0xd8: {  	s0 =	sadd.s32 @!p0 $0x100000, s0  }
0xd9: {  	[sflag:s0] =	ssyncadd.tile.s32 @!p0 $0x1;
	_ =	shalt  }
.Lfunc_end2:
_tile_overlayer_lowered:
.L_overlay_start_2:
0xda: {  	(tag) =	ssettag $0x2  }
0xdb: {  	s0 =	rddreg [dreg:$0x0];
	s2 =	stileid.u32  }
0xdc: {  	s1 =	rddreg [dreg:$0x1];
	p0 =	sne.s32 s2, $0x0  }
0xdd: {  	s3 =	rddreg [dreg:$0x2];
	[bflag:$0x3] =	sbarrier.arrive $0xFFFF;
	s2 =	simm.s32 @!p0 $0x1C03  }
0xde: {  	[timem:s3], [sflag:s2] =	dma.local @!p0 [hbm:s0], s1  }
0xdf: {  	s0 =	simm.s32 @!p0 $0x3  }
0xe0: {  	_ =	swait.ge @!p0 [sflag:s0], s1  }
0xe1: {  	s1 =	ssub.s32 @!p0 $0x0, s1;
	[sflag:s0] =	ssyncset.done @!p0 $0x0  }
0xe2: {  	[sflag:s0] =	ssyncadd.s32 @!p0 s1  }
0xe3: {  	[bflag:$0x3] =	sbarrier.arrive $0xFFFF  }
0xe4: {  	_ =	shalt  }

// kernel: kernel.26.cloned.1.call-start
scs
__scs_entry_jumppad:
0x0: {  	(pc) =	sbr.rel $0x88, $3  }
0x1: {  	(tag) =	ssettag $0x0;
	lr =	simm.s32 $0x1  }
0x2: {  	[smem:$0x3F93] =	sst lr;
	_ =	strace $0xD0000000  }
0x3: {  	_ = 	snop  }
0x4: {  	_ = 	snop  }
0x5: {  	_ = 	snop  }
0x6: {  	_ = 	snop  }
0x7: {  	_ = 	snop  }
__scs_overlays_trampoline_lowered:
0x8: {  	[smem:$0x3FA2] =	sst s0  }
0x9: {  	[smem:$0x3FA3] =	sst s1  }
0xa: {  	[smem:$0x3FA4] =	sst s2  }
0xb: {  	[smem:$0x3FA5] =	sst s3  }
0xc: {  	[smem:$0x3FA6] =	sst s4  }
0xd: {  	[smem:$0x3FA7] =	sst s5  }
0xe: {  	[smem:$0x3FA8] =	sst s6  }
0xf: {  	[smem:$0x3FA9] =	sst s7  }
0x10: {  	[smem:$0x3FAA] =	sst s8  }
0x11: {  	[smem:$0x3FAB] =	sst s9;
	s0 =	simm.s32 @!p0 $0x0  }
0x12: {  	s1 =	sld [smem:$0x3F91];
	s0 =	simm.s32 @p0 $0x1  }
0x13: {  	[smem:$0x3FAC] =	sst s0;
	s0 =	simm.s32 @!p1 $0x0  }
0x14: {  	s2 =	sld [smem:$0x3F90];
	s0 =	simm.s32 @p1 $0x1  }
0x15: {  	[smem:$0x3FAD] =	sst s0;
	s0 =	simm.s32 @!p2 $0x0  }
0x16: {  	s3 =	sld [smem:$0x3FDB];
	s0 =	simm.s32 @p2 $0x1  }
0x17: {  	s4 =	simm.s32 $0x1BF5;
	[smem:$0x3FAF] =	sst s0  }
0x18: {  	s0 =	sld [smem:$0x3F92];
	_ =	swait.ge [sflag:s4], $0x0  }
0x19: {  	s7 =	sld [smem:$0x3F93]  }
0x1a: {  	s8 =	sadd.s32 $0xFFFFE003, lr  }
0x1b: {  	s9 =	sadd.s32 $0xFFFFFEF7, lr;
	s5 =	simm.s32 $0xFFFFFFFF;
	p2 =	slt.u32 s8, $0xFFFFF086  }
0x1c: {  	p1 =	slt.u32 s9, $0xF7A;
	s5 =	simm.s32 @!p2 $0x0  }
0x1d: {  	s5 =	simm.s32 @p1 $0x1;
	p0 =	seq.s32 s7, s2  }
0x1e: {  	s7 =	smul.u32 @!p0 $0xF7A, s2;
	p2 =	seq.s32 @!p0 s5, $0x0  }
0x1f: {  	s9 =	smul.u32 $0xF7A, s1;
	s8 =	simm.s32 @!p0 $0x1BF5;
	p2 =	por !p2, p0  }
0x20: {  	[sflag:s8] =	ssyncset.s32 @!p0 $0xFFFFF086;
	s6 =	sadd.s32 @!p0 s3, s7;
	s7 =	simm.s32 @!p0 $0x108  }
0x21: {  	s3 =	sadd.s32 s3, s9;
	s6 =	sadd.s32 @!p0 $0x88, s6;
	s7 =	simm.s32 @p2 $0x1082  }
0x22: {  	[simem:s7], [sflag:s8] =	dma.local @!p0 [hbm:s6], $0xF7A  }
0x23: {  	s9 =	sor.u32 $0xD0000000, s2;
	s6 =	simm.s32 $0x108;
	_ =	swait.ge @!p0 [sflag:s8], $0x0  }
0x24: {  	s3 =	sadd.s32 $0x88, s3;
	s6 =	simm.s32 @!p1 $0x1082;
	[sflag:s4] =	ssyncset.s32 $0xFFFFF086  }
0x25: {  	[simem:s6], [sflag:s4] =	dma.local [hbm:s3], $0xF7A  }
0x26: {  	[smem:$0x3F93] =	sst s1;
	(tag) =	ssettag s2;
	_ =	strace s9  }
0x27: {  	s1 =	sld [smem:$0x3FA3]  }
0x28: {  	s2 =	sld [smem:$0x3FA4]  }
0x29: {  	s4 =	sld [smem:$0x3FA6]  }
0x2a: {  	p0 =	seq.s32 s5, $0x0;
	s5 =	sld [smem:$0x3FA7]  }
0x2b: {  	s6 =	sld [smem:$0x3FA8]  }
0x2c: {  	s7 =	sld [smem:$0x3FA9]  }
0x2d: {  	s3 =	simm.s32 $0x108;
	s8 =	sld [smem:$0x3FAA]  }
0x2e: {  	s3 =	simm.s32 @!p0 $0x1082;
	s9 =	sld [smem:$0x3FAB]  }
0x2f: {  	lr =	sadd.s32 s0, s3;
	s0 =	sld [smem:$0x3FA2]  }
0x30: {  	s3 =	sld [smem:$0x3FA5]  }
0x31: {  	[smem:$0x3FAE] =	sst s10  }
0x32: {  	s10 =	sld [smem:$0x3FAC];
	_ =	sdelay $0x3  }
0x33: {  	p0 =	seq.s32 s10, $0x1;
	s10 =	sld [smem:$0x3FAE];
	_ =	sdelay $0x3  }
0x34: {  	[smem:$0x3FAE] =	sst s10  }
0x35: {  	s10 =	sld [smem:$0x3FAD];
	_ =	sdelay $0x3  }
0x36: {  	p1 =	seq.s32 s10, $0x1;
	s10 =	sld [smem:$0x3FAE];
	_ =	sdelay $0x3  }
0x37: {  	[smem:$0x3FAE] =	sst s10  }
0x38: {  	s10 =	sld [smem:$0x3FAF]  }
0x39: {  	_ = 	snop;
	(pc) =	sbr.ind lr, $3  }
0x3a: {  	_ = 	snop  }
0x3b: {  	_ = 	snop  }
0x3c: {  	p2 =	seq.s32 s10, $0x1;
	s10 =	sld [smem:$0x3FAE]  }
0x3d: {  	_ =	shalt  }
0x3e: {  	_ =	shalt  }
0x3f: {  	_ =	shalt  }
0x40: {  	_ =	shalt  }
0x41: {  	_ =	shalt  }
0x42: {  	_ =	shalt  }
0x43: {  	_ =	shalt  }
0x44: {  	_ =	shalt  }
0x45: {  	_ =	shalt  }
0x46: {  	_ =	shalt  }
0x47: {  	_ =	shalt  }
0x48: {  	_ =	shalt  }
0x49: {  	_ =	shalt  }
0x4a: {  	_ =	shalt  }
0x4b: {  	_ =	shalt  }
0x4c: {  	_ =	shalt  }
0x4d: {  	_ =	shalt  }
0x4e: {  	_ =	shalt  }
0x4f: {  	_ =	shalt  }
0x50: {  	_ =	shalt  }
0x51: {  	_ =	shalt  }
0x52: {  	_ =	shalt  }
0x53: {  	_ =	shalt  }
0x54: {  	_ =	shalt  }
0x55: {  	_ =	shalt  }
0x56: {  	_ =	shalt  }
0x57: {  	_ =	shalt  }
0x58: {  	_ =	shalt  }
0x59: {  	_ =	shalt  }
0x5a: {  	_ =	shalt  }
0x5b: {  	_ =	shalt  }
0x5c: {  	_ =	shalt  }
0x5d: {  	_ =	shalt  }
0x5e: {  	_ =	shalt  }
0x5f: {  	_ =	shalt  }
0x60: {  	_ =	shalt  }
0x61: {  	_ =	shalt  }
0x62: {  	_ =	shalt  }
0x63: {  	_ =	shalt  }
0x64: {  	_ =	shalt  }
0x65: {  	_ =	shalt  }
0x66: {  	_ =	shalt  }
0x67: {  	_ =	shalt  }
0x68: {  	_ =	shalt  }
0x69: {  	_ =	shalt  }
0x6a: {  	_ =	shalt  }
0x6b: {  	_ =	shalt  }
0x6c: {  	_ =	shalt  }
0x6d: {  	_ =	shalt  }
0x6e: {  	_ =	shalt  }
0x6f: {  	_ =	shalt  }
0x70: {  	_ =	shalt  }
0x71: {  	_ =	shalt  }
0x72: {  	_ =	shalt  }
0x73: {  	_ =	shalt  }
0x74: {  	_ =	shalt  }
0x75: {  	_ =	shalt  }
0x76: {  	_ =	shalt  }
0x77: {  	_ =	shalt  }
0x78: {  	_ =	shalt  }
0x79: {  	_ =	shalt  }
0x7a: {  	_ =	shalt  }
0x7b: {  	_ =	shalt  }
0x7c: {  	_ =	shalt  }
0x7d: {  	_ =	shalt  }
0x7e: {  	_ =	shalt  }
0x7f: {  	_ =	shalt  }
0x80: {  	_ =	shalt  }
0x81: {  	_ =	shalt  }
0x82: {  	_ =	shalt  }
0x83: {  	_ =	shalt  }
0x84: {  	_ =	shalt  }
0x85: {  	_ =	shalt  }
0x86: {  	_ =	shalt  }
0x87: {  	_ =	shalt  }
.Lfunc_end0:
.L_simem_size_0:
called_computation.4_lowered:
.L_overlay_start_0:
0x88: {  	s2 =	sld [smem:$0x3FD9]  }
0x89: {  	s3 =	sld [smem:$0x3FFE];
	_ =	sdelay $0x1  }
0x8a: {  	s1 =	srdreg.scid  }
0x8b: {  	s0 =	sand.u32 $0x1, s1  }
0x8c: {  	s16 =	sshll.u32 s0, $0xA;
	s2 =	sadd.s32 s3, s2  }
0x8d: {  	s2 =	sadd.s32 s2, s16  }
0x8e: {  	[smem:$0x3FBA] =	sst s2  }
0x8f: {  	_ = 	snop  }
0x90: {  	(tm) =	ssettm $0x1  }
0x91: {  	s17 =	sld [smem:$0x3FFB];
	_ =	sdelay $0x3  }
0x92: {  	_ =	strace s17  }
0x93: {  	s2 =	sld [smem:$0x3FFC];
	_ =	sdelay $0x3  }
0x94: {  	_ =	strace s2  }
0x95: {  	s2 =	sld [smem:$0x3FFD];
	_ =	sdelay $0x3  }
0x96: {  	_ =	strace s2  }
0x97: {  	_ =	strace $0x8FFFFFFF  }
0x98: {  	s18 =	sld [smem:$0x3FDB];
	_ =	sdelay $0x1  }
0x99: {  	s19 =	simm.s32 $_scs_section_size  }
0x9a: {  	s4 =	simm.s32 $_size__tile_overlayer_lowered;
	s5 =	simm.s32 $_tile_overlayer_lowered  }
0x9b: {  	s22 =	simm.s32 $0x1BFF;
	s21 =	sshll.u32 s5, $0x1;
	s2 =	sadd.s32 s19, s18  }
0x9c: {  	s6 =	simm.s32 $0x0;
	s20 =	sshll.u32 s4, $0x1;
	s4 =	sadd.s32 s21, s2  }
0x9d: {  	[timem:s6], [sflag:s22] =	dma.local [hbm:s4], s20  }
0x9e: {  	_ =	swait.ge [sflag:s22], s20  }
0x9f: {  	s3 =	ssub.s32 $0x0, s20;
	[sflag:s22] =	ssyncset.done $0x0  }
0xa0: {  	[sflag:s22] =	ssyncadd.s32 s3;
	_ =	sdelay $0x1  }
0xa1: {  	s23 =	simm.s32 $0x1B8B  }
0xa2: {  	_ =	swait.ge [sflag:s23], $0x1  }
0xa3: {  	[sflag:s23] =	ssyncset.done $0x0  }
0xa4: {  	s25 =	simm.s32 $0x1B8E;
	s24 =	sld [smem:$0x3FFE];
	[sflag:s23] =	ssyncadd.s32 $0xFFFFFFFF  }
0xa5: {  	s26 =	simm.s32 $execute0_lowered;
	[smem:$0x3FD2] =	sst s25  }
0xa6: {  	s4 =	sshll.u32 s26, $0x1;
	_ =	strace $0x80000052;
	[dreg:$0x1] =	wrdreg $0xFFFFFFFF  }
0xa7: {  	s28 =	simm.s32 $_size_execute0_lowered;
	s2 =	sadd.s32 s2, s4;
	[dreg:$0x0] =	wrdreg $0x0  }
0xa8: {  	s4 =	sshll.u32 s28, $0x1;
	[dreg:$0x2] =	wrdreg s2  }
0xa9: {  	[dreg:$0x3] =	wrdreg s4  }
0xaa: {  	[dreg:$0x4] =	wrdreg $0xC0  }
0xab: {  	_ =	task [dreg:s6], $0x5FFFF  }
0xac: {  	[dreg:$0x1] =	wrdreg $0xFFFFFFFF  }
0xad: {  	[dreg:$0x0] =	wrdreg $0x60  }
0xae: {  	[dreg:$0x2] =	wrdreg s24  }
0xaf: {  	[dreg:$0x3] =	wrdreg $0xB7800  }
0xb0: {  	[dreg:$0x4] =	wrdreg $0x9  }
0xb1: {  	_ =	task.clear_ibuf [dreg:s6], $0x5FFFF;
	_ =	strace $0x90000052  }
0xb2: {  	s29 =	simm.s32 $0x9;
	_ =	strace $0x80000054  }
0xb3: {  	_ =	swait.ge [sflag:s29], $0x1  }
0xb4: {  	[sflag:s29] =	ssyncadd.s32 $0xFFFFFFFF  }
0xb5: {  	_ =	strace $0x90000054  }
0xb6: {  	_ =	sfence  }
0xb7: {  	s30 =	sld [smem:$0x0];
	_ =	sdelay $0x2  }
0xb8: {  	s31 =	sshll.u32 s1, $0xD;
	s1 =	sshrl.u32 s1, $0x2  }
0xb9: {  	s3 =	sand.u32 $0x4000, s31;
	s1 =	sadd.s32 s1, s30  }
0xba: {  	s0 =	sor.u32 s3, s0;
	s1 =	sshll.u32 s1, $0x11  }
0xbb: {  	s0 =	sor.u32 s1, s0  }
0xbc: {  	s0 =	sadd.s32 $0x8F2B, s0  }
0xbd: {  	[sflag:s0] =	ssyncadd.remote.s32 $0x1  }
0xbe: {  	_ =	sfence.sel $0xFFFF  }
0xbf: {  	[dreg:$0x0] =	wrdreg $0xFFFFFFFF;
	(pc) =	sbr.abs _section_cstart, $3  }
0xc0: {  	[dreg:$0x1] =	wrdreg $0xFFFFFFFF  }
0xc1: {  	_ =	task.clear_ibuf [dreg:s6], $0x2FFFF;
	_ =	strace $0x9FFFFFFF  }
0xc2: {  	(tm) =	ssettm $0x7FFFFFFF  }
0xc3: {  	_ =	shalt  }
tec
execute0_lowered:
.L_overlay_start_1:
0x0: {  	(tag) =	ssettag $0x1  }
0x1: {  	s0 =	rddreg [dreg:$0x0]  }
0x2: {  	s1 =	srdreg.scid;
	s10 =	stileid.u32  }
0x3: {  	s2 =	rddreg [dreg:$0x1];
	s3 =	simm.s32 $0x0;
	s28 =	simm.s32 $0x50  }
0x4: {  	s29 =	simm.s32 $0x8F80;
	s30 =	simm.s32 $0x1;
	s31 =	simm.s32 $0x2  }
0x5: {  	s1 =	sand.u32 $0x1, s1;
	s4 =	sshll.u32 s10, $0x1;
	s9 =	smul.u32 $0x50000, s10  }
0x6: {  	[smem:$0x7FF] =	sst s3;
	s15 =	smul.u32 $0x14000, s10;
	s5 =	sor.u32 s1, s4  }
0x7: {  	_ =	strace $0x80000053;
	s7 =	ssub.s32 $0x2, s1;
	s1 =	smul.u32 $0x140000, s1  }
0x8: {  	s4 =	sadd.s32 $0x1F400, s0;
	s6 =	smul.u32 $0x4E2, s5;
	s5 =	sshll.u32 s5, $0xB  }
0x9: {  	s8 =	sshrl.u32 s7, $0x1;
	s22 =	sshrl.u32 s9, $0x2;
	s24 =	sor.u32 $0x2800, s15  }
0xa: {  	s18 =	sadd.s32 $0x5000, s15;
	s19 =	sadd.s32 $0x7800, s15;
	s20 =	sadd.s32 $0xA000, s15  }
0xb: {  	s21 =	sadd.s32 $0xC800, s15;
	s5 =	sadd.s32 s5, s0;
	s8 =	ssub.s32 s7, s8  }
0xc: {  	s7 =	sadd.s32 s22, s2;
	s9 =	sadd.s32 s24, s2;
	s10 =	sadd.s32 s18, s2  }
0xd: {  	s11 =	sadd.s32 s19, s2;
	s12 =	sadd.s32 s20, s2;
	s13 =	sadd.s32 s21, s2  }
0xe: {  	s22 =	sadd.s32 $0xF000, s15;
	s16 =	sadd.s32 s1, s15;
	s25 =	sadd.s32 s1, s18  }
0xf: {  	s26 =	sadd.s32 s1, s19;
	s6 =	sadd.s32 s6, s0;
	s0 =	sadd.s32 $0x6D800, s0  }
0x10: {  	s5 =	sadd.s32 $0xF400, s5;
	s23 =	smax.u32 s8, $0x1;
	s14 =	sadd.s32 s22, s2  }
0x11: {  	s16 =	sshrl.u32 s16, $0x3;
	s8 =	sshrl.u32 s26, $0x3;
	[dreg:$0x4] =	wrdreg s5  }
0x12: {  	s26 =	sadd.s32 s1, s22;
	s6 =	sadd.s32 $0x5600, s6;
	[dreg:$0x5] =	wrdreg s23  }
0x13: {  	s5 =	sadd.s32 s1, s24;
	s23 =	sadd.s32 $0x11800, s15;
	s16 =	sadd.s32 s0, s16  }
0x14: {  	s19 =	sadd.s32 s0, s8;
	s22 =	sshrl.u32 s26, $0x3;
	[dreg:$0x3] =	wrdreg s6  }
0x15: {  	s5 =	sshrl.u32 s5, $0x3;
	s15 =	sadd.s32 s23, s2;
	s6 =	sadd.s32 s1, s20  }
0x16: {  	s22 =	sadd.s32 s0, s22;
	s17 =	sadd.s32 s0, s5;
	s5 =	sshrl.u32 s25, $0x3  }
0x17: {  	s24 =	sshrl.u32 s6, $0x3;
	s25 =	sadd.s32 s1, s21;
	s1 =	sadd.s32 s1, s23  }
0x18: {  	s18 =	sadd.s32 s0, s5;
	s20 =	sadd.s32 s0, s24;
	s5 =	sshrl.u32 s25, $0x3  }
0x19: {  	s1 =	sshrl.u32 s1, $0x3;
	s24 =	simm.s32 $0x6780;
	s25 =	simm.s32 $0x3  }
0x1a: {  	v0 =	vimm.f32 $0.0e+00;
	s21 =	sadd.s32 s0, s5;
	s23 =	sadd.s32 s0, s1;
	s0 =	simm.s32 $0x0  }
.LBB2_1:
0x1b: {  	s1 =	simm.s32 $0x0;
	s5 =	simm.s32 $0x200  }
.LBB2_2:
0x1c: {  	p0 =	sne.s32 s5, $0x9E00;
	[tilespmem:s1+$0x67F0] =	vst v0  }
0x1d: {  	[tilespmem:s1+$0x6780] =	vst v0  }
0x1e: {  	[tilespmem:s1+$0x6790] =	vst v0  }
.Ltmp0:
0x1f: {  	[tilespmem:s1+$0x67A0] =	vst v0;
	(pc) =	sbr.rel @p0 .LBB2_2-.Ltmp0, $4  }
0x20: {  	[tilespmem:s1+$0x67B0] =	vst v0  }
0x21: {  	[tilespmem:s1+$0x67C0] =	vst v0  }
0x22: {  	[tilespmem:s1+$0x67D0] =	vst v0  }
0x23: {  	[tilespmem:s1+$0x67E0] =	vst v0;
	s1 =	sshra.s32 s5, $0x2;
	s5 =	sadd.s32 $0x200, s5  }
0x24: {  	[tilespmem:s1+$0x67F0] =	vst v0  }
0x25: {  	[tilespmem:s1+$0x6780] =	vst v0  }
0x26: {  	[tilespmem:s1+$0x6790] =	vst v0  }
0x27: {  	[tilespmem:s1+$0x67A0] =	vst v0  }
0x28: {  	[tilespmem:s1+$0x67B0] =	vst v0  }
0x29: {  	[tilespmem:s1+$0x67C0] =	vst v0  }
0x2a: {  	[tilespmem:s1+$0x67D0] =	vst v0  }
0x2b: {  	[tilespmem:s1+$0x67E0] =	vst v0  }
0x2c: {  	[spmem:s7] =	stream.linear.scatter [tilespmem:s24], [sflag:$0x3], $0x2800, $0x38;
	[tilespmem:$0x1F780] =	vst v63  }
0x2d: {  	_ =	swait.ge [sflag:s25], $0x2800  }
0x2e: {  	[sflag:s25] =	ssyncset.done $0x0  }
0x2f: {  	[sflag:s25] =	ssyncadd.s32 $0xFFFFD800  }
0x30: {  	[spmem:s9] =	stream.linear.scatter [tilespmem:s24], [sflag:$0x3], $0x2800, $0x38;
	[tilespmem:$0x1F780] =	vst v63  }
0x31: {  	_ =	swait.ge [sflag:s25], $0x2800  }
0x32: {  	[sflag:s25] =	ssyncset.done $0x0  }
0x33: {  	[sflag:s25] =	ssyncadd.s32 $0xFFFFD800  }
0x34: {  	[spmem:s10] =	stream.linear.scatter [tilespmem:s24], [sflag:$0x3], $0x2800, $0x38;
	[tilespmem:$0x1F780] =	vst v63  }
0x35: {  	_ =	swait.ge [sflag:s25], $0x2800  }
0x36: {  	[sflag:s25] =	ssyncset.done $0x0  }
0x37: {  	[sflag:s25] =	ssyncadd.s32 $0xFFFFD800  }
0x38: {  	[spmem:s11] =	stream.linear.scatter [tilespmem:s24], [sflag:$0x3], $0x2800, $0x38;
	[tilespmem:$0x1F780] =	vst v63  }
0x39: {  	_ =	swait.ge [sflag:s25], $0x2800  }
0x3a: {  	[sflag:s25] =	ssyncset.done $0x0  }
0x3b: {  	[sflag:s25] =	ssyncadd.s32 $0xFFFFD800  }
0x3c: {  	[spmem:s12] =	stream.linear.scatter [tilespmem:s24], [sflag:$0x3], $0x2800, $0x38;
	[tilespmem:$0x1F780] =	vst v63  }
0x3d: {  	_ =	swait.ge [sflag:s25], $0x2800  }
0x3e: {  	[sflag:s25] =	ssyncset.done $0x0  }
0x3f: {  	[sflag:s25] =	ssyncadd.s32 $0xFFFFD800  }
0x40: {  	[spmem:s13] =	stream.linear.scatter [tilespmem:s24], [sflag:$0x3], $0x2800, $0x38;
	[tilespmem:$0x1F780] =	vst v63  }
0x41: {  	_ =	swait.ge [sflag:s25], $0x2800  }
0x42: {  	[sflag:s25] =	ssyncset.done $0x0  }
0x43: {  	[sflag:s25] =	ssyncadd.s32 $0xFFFFD800  }
0x44: {  	[spmem:s14] =	stream.linear.scatter [tilespmem:s24], [sflag:$0x3], $0x2800, $0x38;
	[tilespmem:$0x1F780] =	vst v63  }
0x45: {  	_ =	swait.ge [sflag:s25], $0x2800  }
0x46: {  	[sflag:s25] =	ssyncset.done $0x0  }
0x47: {  	[sflag:s25] =	ssyncadd.s32 $0xFFFFD800  }
0x48: {  	[spmem:s15] =	stream.linear.scatter [tilespmem:s24], [sflag:$0x3], $0x2800, $0x38;
	[tilespmem:$0x1F780] =	vst v63  }
0x49: {  	_ =	swait.ge [sflag:s25], $0x2800  }
0x4a: {  	[sflag:s25] =	ssyncset.done $0x0  }
0x4b: {  	s8 =	simm.s32 $0x0;
	s5 =	rddreg [dreg:$0x3];
	[sflag:s25] =	ssyncadd.s32 $0xFFFFD800  }
0x4c: {  	[tilespmem:s8], [sflag:$0x3] =	stream.linear.gather [hbm4b:s5+s8], $0x2710, $0x38;
	[tilespmem:$0x1F780] =	vst v63  }
0x4d: {  	_ =	swait.ge [sflag:s25], $0x2710  }
0x4e: {  	[sflag:s25] =	ssyncset.done $0x0  }
0x4f: {  	s6 =	simm.s32 $0x2780;
	s26 =	rddreg [dreg:$0x4];
	[sflag:s25] =	ssyncadd.s32 $0xFFFFD8F0  }
0x50: {  	[tilespmem:s6], [sflag:$0x3] =	stream.linear.gather [hbm4b:s26+s8], $0x3E80, $0x38;
	[tilespmem:$0x1F780] =	vst v63  }
0x51: {  	_ =	swait.ge [sflag:s25], $0x3E80  }
0x52: {  	[sflag:s25] =	ssyncset.done $0x0  }
0x53: {  	[sflag:s25] =	ssyncadd.s32 $0xFFFFC180  }
0x54: {  	[bflag:$0x0] =	sbarrier.arrive $0xFFFF  }
0x55: {  	[tilespmem:s24], [sflag:$0x1] =	stream.indirect.gather [hbm4b:s4+s28], $0x80, s8, s28, $0xb8;
	[tilespmem:$0x1F780] =	vst v63  }
0x56: {  	s5 =	simm.s32 $0x50  }
0x57: {  	[tilespmem:s29], [sflag:$0x2] =	stream.indirect.gather [hbm4b:s4+s28], $0x80, s5, s28, $0xb8;
	[tilespmem:$0x1F780] =	vst v63  }
0x58: {  	_ =	swait.ge [sflag:s30], $0x2800  }
0x59: {  	[sflag:s30] =	ssyncset.done $0x0  }
0x5a: {  	s6 =	simm.s32 $0x2780;
	[sflag:s30] =	ssyncadd.s32 $0xFFFFD800  }
0x5b: {  	[spmem:s2] =	stream.indirect.scatter.add.f32 [tilespmem:s24], [sflag:$0x3], $0x80, s6, s28, $0xb8;
	[tilespmem:$0x1F780] =	vst v63  }
0x5c: {  	_ =	swait.ge [sflag:s25], $0x2800  }
0x5d: {  	[sflag:s25] =	ssyncset.done $0x0  }
0x5e: {  	s8 =	simm.s32 $0xA0;
	[sflag:s25] =	ssyncadd.s32 $0xFFFFD800  }
0x5f: {  	[tilespmem:s24], [sflag:$0x1] =	stream.indirect.gather [hbm4b:s4+s28], $0x80, s8, s28, $0xb8;
	[tilespmem:$0x1F780] =	vst v63  }
0x60: {  	_ =	swait.ge [sflag:s31], $0x2800  }
0x61: {  	[sflag:s31] =	ssyncset.done $0x0  }
0x62: {  	s26 =	simm.s32 $0x2800;
	[sflag:s31] =	ssyncadd.s32 $0xFFFFD800  }
0x63: {  	[spmem:s2] =	stream.indirect.scatter.add.f32 [tilespmem:s29], [sflag:$0x3], $0x80, s26, s28, $0xb8;
	[tilespmem:$0x1F780] =	vst v63  }
0x64: {  	s1 =	simm.s32 $0x400;
	_ =	swait.ge [sflag:s25], $0x2800  }
0x65: {  	s5 =	simm.s32 $0x800;
	s26 =	simm.s32 $0x140;
	[sflag:s25] =	ssyncset.done $0x0  }
.LBB2_4:
0x66: {  	p0 =	sne.s32 s5, $0xF400;
	s6 =	sadd.s32 $0xFFFFFFB0, s26;
	[sflag:s25] =	ssyncadd.s32 $0xFFFFD800  }
0x67: {  	[tilespmem:s29], [sflag:$0x2] =	stream.indirect.gather [hbm4b:s4+s28], $0x80, s6, s28, $0xb8;
	[tilespmem:$0x1F780] =	vst v63  }
0x68: {  	s6 =	smov.u32 s5;
	s5 =	sadd.s32 $0x400, s5;
	_ =	swait.ge [sflag:s30], $0x2800  }
0x69: {  	s8 =	sshra.s32 s1, $0x2;
	s1 =	smov.u32 s6;
	[sflag:s30] =	ssyncset.done $0x0  }
0x6a: {  	s6 =	sadd.s32 $0x2780, s8;
	[sflag:s30] =	ssyncadd.s32 $0xFFFFD800  }
0x6b: {  	[spmem:s2] =	stream.indirect.scatter.add.f32 [tilespmem:s24], [sflag:$0x3], $0x80, s6, s28, $0xb8;
	[tilespmem:$0x1F780] =	vst v63  }
0x6c: {  	_ =	swait.ge [sflag:s25], $0x2800  }
0x6d: {  	[sflag:s25] =	ssyncset.done $0x0  }
0x6e: {  	[sflag:s25] =	ssyncadd.s32 $0xFFFFD800  }
0x6f: {  	[tilespmem:s24], [sflag:$0x1] =	stream.indirect.gather [hbm4b:s4+s28], $0x80, s26, s28, $0xb8;
	[tilespmem:$0x1F780] =	vst v63  }
0x70: {  	_ =	swait.ge [sflag:s31], $0x2800  }
.Ltmp1:
0x71: {  	[sflag:s31] =	ssyncset.done $0x0;
	(pc) =	sbr.rel @p0 .LBB2_4-.Ltmp1, $4  }
0x72: {  	s6 =	sadd.s32 $0x2800, s8;
	[sflag:s31] =	ssyncadd.s32 $0xFFFFD800  }
0x73: {  	[spmem:s2] =	stream.indirect.scatter.add.f32 [tilespmem:s29], [sflag:$0x3], $0x80, s6, s28, $0xb8;
	[tilespmem:$0x1F780] =	vst v63  }
0x74: {  	_ =	swait.ge [sflag:s25], $0x2800  }
0x75: {  	s26 =	sadd.s32 $0xA0, s26;
	[sflag:s25] =	ssyncset.done $0x0  }
0x76: {  	s5 =	sadd.s32 $0xFFFFFFB0, s26;
	[sflag:s25] =	ssyncadd.s32 $0xFFFFD800  }
0x77: {  	[tilespmem:s29], [sflag:$0x2] =	stream.indirect.gather [hbm4b:s4+s28], $0x80, s5, s28, $0xb8;
	[tilespmem:$0x1F780] =	vst v63  }
0x78: {  	_ =	swait.ge [sflag:s30], $0x2800  }
0x79: {  	s1 =	sshra.s32 s1, $0x2;
	[sflag:s30] =	ssyncset.done $0x0  }
0x7a: {  	s6 =	sadd.s32 $0x2780, s1;
	[sflag:s30] =	ssyncadd.s32 $0xFFFFD800  }
0x7b: {  	[spmem:s2] =	stream.indirect.scatter.add.f32 [tilespmem:s24], [sflag:$0x3], $0x80, s6, s28, $0xb8;
	[tilespmem:$0x1F780] =	vst v63  }
0x7c: {  	_ =	swait.ge [sflag:s25], $0x2800  }
0x7d: {  	[sflag:s25] =	ssyncset.done $0x0  }
0x7e: {  	[sflag:s25] =	ssyncadd.s32 $0xFFFFD800  }
0x7f: {  	[tilespmem:s24], [sflag:$0x1] =	stream.indirect.gather [hbm4b:s4+s28], $0x80, s26, s28, $0xb8;
	[tilespmem:$0x1F780] =	vst v63  }
0x80: {  	_ =	swait.ge [sflag:s31], $0x2800  }
0x81: {  	[sflag:s31] =	ssyncset.done $0x0  }
0x82: {  	s1 =	sadd.s32 $0x2800, s1;
	[sflag:s31] =	ssyncadd.s32 $0xFFFFD800  }
0x83: {  	[spmem:s2] =	stream.indirect.scatter.add.f32 [tilespmem:s29], [sflag:$0x3], $0x80, s1, s28, $0xb8;
	[tilespmem:$0x1F780] =	vst v63  }
0x84: {  	_ =	swait.ge [sflag:s25], $0x2800  }
0x85: {  	[sflag:s25] =	ssyncset.done $0x0  }
0x86: {  	[sflag:s25] =	ssyncadd.s32 $0xFFFFD800  }
0x87: {  	_ =	swait.ge [sflag:s30], $0x2800  }
0x88: {  	[sflag:s30] =	ssyncset.done $0x0  }
0x89: {  	s8 =	simm.s32 $0x6580;
	[sflag:s30] =	ssyncadd.s32 $0xFFFFD800  }
0x8a: {  	[spmem:s2] =	stream.indirect.scatter.add.f32 [tilespmem:s24], [sflag:$0x3], $0x80, s8, s28, $0xb8;
	[tilespmem:$0x1F780] =	vst v63  }
0x8b: {  	_ =	swait.ge [sflag:s25], $0x2800  }
0x8c: {  	[sflag:s25] =	ssyncset.done $0x0  }
0x8d: {  	[sflag:s25] =	ssyncadd.s32 $0xFFFFD800  }
0x8e: {  	[bflag:$0x0] =	sbarrier.arrive $0xFFFF  }
0x8f: {  	[tilespmem:s24], [sflag:$0x3] =	stream.linear.gather [spmem:s7], $0x2800, $0x38;
	[tilespmem:$0x1F780] =	vst v63  }
0x90: {  	_ =	swait.ge [sflag:s25], $0x2800  }
0x91: {  	[sflag:s25] =	ssyncset.done $0x0  }
0x92: {  	[sflag:s25] =	ssyncadd.s32 $0xFFFFD800  }
0x93: {  	[hbm4b:s16+s3] =	stream.linear.scatter [tilespmem:s24], [sflag:$0x3], $0x2800, $0x38;
	[tilespmem:$0x1F780] =	vst v63  }
0x94: {  	_ =	swait.ge [sflag:s25], $0x2800  }
0x95: {  	[sflag:s25] =	ssyncset.done $0x0  }
0x96: {  	[sflag:s25] =	ssyncadd.s32 $0xFFFFD800  }
0x97: {  	[tilespmem:s24], [sflag:$0x3] =	stream.linear.gather [spmem:s9], $0x2800, $0x38;
	[tilespmem:$0x1F780] =	vst v63  }
0x98: {  	_ =	swait.ge [sflag:s25], $0x2800  }
0x99: {  	[sflag:s25] =	ssyncset.done $0x0  }
0x9a: {  	[sflag:s25] =	ssyncadd.s32 $0xFFFFD800  }
0x9b: {  	[hbm4b:s17+s3] =	stream.linear.scatter [tilespmem:s24], [sflag:$0x3], $0x2800, $0x38;
	[tilespmem:$0x1F780] =	vst v63  }
0x9c: {  	_ =	swait.ge [sflag:s25], $0x2800  }
0x9d: {  	[sflag:s25] =	ssyncset.done $0x0  }
0x9e: {  	[sflag:s25] =	ssyncadd.s32 $0xFFFFD800  }
0x9f: {  	[tilespmem:s24], [sflag:$0x3] =	stream.linear.gather [spmem:s10], $0x2800, $0x38;
	[tilespmem:$0x1F780] =	vst v63  }
0xa0: {  	_ =	swait.ge [sflag:s25], $0x2800  }
0xa1: {  	[sflag:s25] =	ssyncset.done $0x0  }
0xa2: {  	[sflag:s25] =	ssyncadd.s32 $0xFFFFD800  }
0xa3: {  	[hbm4b:s18+s3] =	stream.linear.scatter [tilespmem:s24], [sflag:$0x3], $0x2800, $0x38;
	[tilespmem:$0x1F780] =	vst v63  }
0xa4: {  	_ =	swait.ge [sflag:s25], $0x2800  }
0xa5: {  	[sflag:s25] =	ssyncset.done $0x0  }
0xa6: {  	[sflag:s25] =	ssyncadd.s32 $0xFFFFD800  }
0xa7: {  	[tilespmem:s24], [sflag:$0x3] =	stream.linear.gather [spmem:s11], $0x2800, $0x38;
	[tilespmem:$0x1F780] =	vst v63  }
0xa8: {  	_ =	swait.ge [sflag:s25], $0x2800  }
0xa9: {  	[sflag:s25] =	ssyncset.done $0x0  }
0xaa: {  	[sflag:s25] =	ssyncadd.s32 $0xFFFFD800  }
0xab: {  	[hbm4b:s19+s3] =	stream.linear.scatter [tilespmem:s24], [sflag:$0x3], $0x2800, $0x38;
	[tilespmem:$0x1F780] =	vst v63  }
0xac: {  	_ =	swait.ge [sflag:s25], $0x2800  }
0xad: {  	[sflag:s25] =	ssyncset.done $0x0  }
0xae: {  	[sflag:s25] =	ssyncadd.s32 $0xFFFFD800  }
0xaf: {  	[tilespmem:s24], [sflag:$0x3] =	stream.linear.gather [spmem:s12], $0x2800, $0x38;
	[tilespmem:$0x1F780] =	vst v63  }
0xb0: {  	_ =	swait.ge [sflag:s25], $0x2800  }
0xb1: {  	[sflag:s25] =	ssyncset.done $0x0  }
0xb2: {  	[sflag:s25] =	ssyncadd.s32 $0xFFFFD800  }
0xb3: {  	[hbm4b:s20+s3] =	stream.linear.scatter [tilespmem:s24], [sflag:$0x3], $0x2800, $0x38;
	[tilespmem:$0x1F780] =	vst v63  }
0xb4: {  	_ =	swait.ge [sflag:s25], $0x2800  }
0xb5: {  	[sflag:s25] =	ssyncset.done $0x0  }
0xb6: {  	[sflag:s25] =	ssyncadd.s32 $0xFFFFD800  }
0xb7: {  	[tilespmem:s24], [sflag:$0x3] =	stream.linear.gather [spmem:s13], $0x2800, $0x38;
	[tilespmem:$0x1F780] =	vst v63  }
0xb8: {  	_ =	swait.ge [sflag:s25], $0x2800  }
0xb9: {  	[sflag:s25] =	ssyncset.done $0x0  }
0xba: {  	[sflag:s25] =	ssyncadd.s32 $0xFFFFD800  }
0xbb: {  	[hbm4b:s21+s3] =	stream.linear.scatter [tilespmem:s24], [sflag:$0x3], $0x2800, $0x38;
	[tilespmem:$0x1F780] =	vst v63  }
0xbc: {  	_ =	swait.ge [sflag:s25], $0x2800  }
0xbd: {  	[sflag:s25] =	ssyncset.done $0x0  }
0xbe: {  	[sflag:s25] =	ssyncadd.s32 $0xFFFFD800  }
0xbf: {  	[tilespmem:s24], [sflag:$0x3] =	stream.linear.gather [spmem:s14], $0x2800, $0x38;
	[tilespmem:$0x1F780] =	vst v63  }
0xc0: {  	_ =	swait.ge [sflag:s25], $0x2800  }
0xc1: {  	[sflag:s25] =	ssyncset.done $0x0  }
0xc2: {  	[sflag:s25] =	ssyncadd.s32 $0xFFFFD800  }
0xc3: {  	[hbm4b:s22+s3] =	stream.linear.scatter [tilespmem:s24], [sflag:$0x3], $0x2800, $0x38;
	[tilespmem:$0x1F780] =	vst v63  }
0xc4: {  	_ =	swait.ge [sflag:s25], $0x2800  }
0xc5: {  	[sflag:s25] =	ssyncset.done $0x0  }
0xc6: {  	[sflag:s25] =	ssyncadd.s32 $0xFFFFD800  }
0xc7: {  	[tilespmem:s24], [sflag:$0x3] =	stream.linear.gather [spmem:s15], $0x2800, $0x38;
	[tilespmem:$0x1F780] =	vst v63  }
0xc8: {  	_ =	swait.ge [sflag:s25], $0x2800  }
0xc9: {  	[sflag:s25] =	ssyncset.done $0x0  }
0xca: {  	[sflag:s25] =	ssyncadd.s32 $0xFFFFD800  }
0xcb: {  	[hbm4b:s23+s3] =	stream.linear.scatter [tilespmem:s24], [sflag:$0x3], $0x2800, $0x38;
	[tilespmem:$0x1F780] =	vst v63  }
0xcc: {  	_ =	swait.ge [sflag:s25], $0x2800  }
0xcd: {  	s0 =	sadd.s32 $0x1, s0;
	s26 =	rddreg [dreg:$0x5]  }
0xce: {  	p0 =	sne.s32 s0, s26  }
.Ltmp2:
0xcf: {  	_ = 	snop;
	(pc) =	sbr.rel @p0 .LBB2_1-.Ltmp2, $3  }
0xd0: {  	_ =	sdelay $0x1  }
0xd1: {  	[sflag:s25] =	ssyncset.done $0x0  }
0xd2: {  	[sflag:s25] =	ssyncadd.s32 $0xFFFFD800  }
0xd3: {  	_ =	sfence.sel $0x180000  }
0xd4: {  	[bflag:$0x0] =	sbarrier.arrive $0xFFFF  }
0xd5: {  	_ =	strace $0x90000053  }
0xd6: {  	s0 =	stileid.u32;
	[bflag:$0x2] =	sbarrier.arrive $0xFFFF  }
0xd7: {  	p0 =	sne.s32 s0, $0x0;
	s0 =	rddreg [dreg:$0x2]  }
0xd8: {  	s0 =	sadd.s32 @!p0 $0x100000, s0  }
0xd9: {  	[sflag:s0] =	ssyncadd.tile.s32 @!p0 $0x1;
	_ =	shalt  }
.Lfunc_end2:
_tile_overlayer_lowered:
.L_overlay_start_2:
0xda: {  	(tag) =	ssettag $0x2  }
0xdb: {  	s0 =	rddreg [dreg:$0x0];
	s2 =	stileid.u32  }
0xdc: {  	s1 =	rddreg [dreg:$0x1];
	p0 =	sne.s32 s2, $0x0  }
0xdd: {  	s3 =	rddreg [dreg:$0x2];
	[bflag:$0x3] =	sbarrier.arrive $0xFFFF;
	s2 =	simm.s32 @!p0 $0x1C03  }
0xde: {  	[timem:s3], [sflag:s2] =	dma.local @!p0 [hbm:s0], s1  }
0xdf: {  	s0 =	simm.s32 @!p0 $0x3  }
0xe0: {  	_ =	swait.ge @!p0 [sflag:s0], s1  }
0xe1: {  	s1 =	ssub.s32 @!p0 $0x0, s1;
	[sflag:s0] =	ssyncset.done @!p0 $0x0  }
0xe2: {  	[sflag:s0] =	ssyncadd.s32 @!p0 s1  }
0xe3: {  	[bflag:$0x3] =	sbarrier.arrive $0xFFFF  }
0xe4: {  	_ =	shalt  }

// kernel: kernel.29.cloned.1.call-start
scs
__scs_entry_jumppad:
0x0: {  	(pc) =	sbr.rel $0x88, $3  }
0x1: {  	(tag) =	ssettag $0x0;
	lr =	simm.s32 $0x1  }
0x2: {  	[smem:$0x3F93] =	sst lr;
	_ =	strace $0xD0000000  }
0x3: {  	_ = 	snop  }
0x4: {  	_ = 	snop  }
0x5: {  	_ = 	snop  }
0x6: {  	_ = 	snop  }
0x7: {  	_ = 	snop  }
__scs_overlays_trampoline_lowered:
0x8: {  	[smem:$0x3FA2] =	sst s0  }
0x9: {  	[smem:$0x3FA3] =	sst s1  }
0xa: {  	[smem:$0x3FA4] =	sst s2  }
0xb: {  	[smem:$0x3FA5] =	sst s3  }
0xc: {  	[smem:$0x3FA6] =	sst s4  }
0xd: {  	[smem:$0x3FA7] =	sst s5  }
0xe: {  	[smem:$0x3FA8] =	sst s6  }
0xf: {  	[smem:$0x3FA9] =	sst s7  }
0x10: {  	[smem:$0x3FAA] =	sst s8  }
0x11: {  	[smem:$0x3FAB] =	sst s9;
	s0 =	simm.s32 @!p0 $0x0  }
0x12: {  	s1 =	sld [smem:$0x3F91];
	s0 =	simm.s32 @p0 $0x1  }
0x13: {  	[smem:$0x3FAC] =	sst s0;
	s0 =	simm.s32 @!p1 $0x0  }
0x14: {  	s2 =	sld [smem:$0x3F90];
	s0 =	simm.s32 @p1 $0x1  }
0x15: {  	[smem:$0x3FAD] =	sst s0;
	s0 =	simm.s32 @!p2 $0x0  }
0x16: {  	s3 =	sld [smem:$0x3FDB];
	s0 =	simm.s32 @p2 $0x1  }
0x17: {  	s4 =	simm.s32 $0x1BF5;
	[smem:$0x3FAF] =	sst s0  }
0x18: {  	s0 =	sld [smem:$0x3F92];
	_ =	swait.ge [sflag:s4], $0x0  }
0x19: {  	s7 =	sld [smem:$0x3F93]  }
0x1a: {  	s8 =	sadd.s32 $0xFFFFE003, lr  }
0x1b: {  	s9 =	sadd.s32 $0xFFFFFEF7, lr;
	s5 =	simm.s32 $0xFFFFFFFF;
	p2 =	slt.u32 s8, $0xFFFFF086  }
0x1c: {  	p1 =	slt.u32 s9, $0xF7A;
	s5 =	simm.s32 @!p2 $0x0  }
0x1d: {  	s5 =	simm.s32 @p1 $0x1;
	p0 =	seq.s32 s7, s2  }
0x1e: {  	s7 =	smul.u32 @!p0 $0xF7A, s2;
	p2 =	seq.s32 @!p0 s5, $0x0  }
0x1f: {  	s9 =	smul.u32 $0xF7A, s1;
	s8 =	simm.s32 @!p0 $0x1BF5;
	p2 =	por !p2, p0  }
0x20: {  	[sflag:s8] =	ssyncset.s32 @!p0 $0xFFFFF086;
	s6 =	sadd.s32 @!p0 s3, s7;
	s7 =	simm.s32 @!p0 $0x108  }
0x21: {  	s3 =	sadd.s32 s3, s9;
	s6 =	sadd.s32 @!p0 $0x88, s6;
	s7 =	simm.s32 @p2 $0x1082  }
0x22: {  	[simem:s7], [sflag:s8] =	dma.local @!p0 [hbm:s6], $0xF7A  }
0x23: {  	s9 =	sor.u32 $0xD0000000, s2;
	s6 =	simm.s32 $0x108;
	_ =	swait.ge @!p0 [sflag:s8], $0x0  }
0x24: {  	s3 =	sadd.s32 $0x88, s3;
	s6 =	simm.s32 @!p1 $0x1082;
	[sflag:s4] =	ssyncset.s32 $0xFFFFF086  }
0x25: {  	[simem:s6], [sflag:s4] =	dma.local [hbm:s3], $0xF7A  }
0x26: {  	[smem:$0x3F93] =	sst s1;
	(tag) =	ssettag s2;
	_ =	strace s9  }
0x27: {  	s1 =	sld [smem:$0x3FA3]  }
0x28: {  	s2 =	sld [smem:$0x3FA4]  }
0x29: {  	s4 =	sld [smem:$0x3FA6]  }
0x2a: {  	p0 =	seq.s32 s5, $0x0;
	s5 =	sld [smem:$0x3FA7]  }
0x2b: {  	s6 =	sld [smem:$0x3FA8]  }
0x2c: {  	s7 =	sld [smem:$0x3FA9]  }
0x2d: {  	s3 =	simm.s32 $0x108;
	s8 =	sld [smem:$0x3FAA]  }
0x2e: {  	s3 =	simm.s32 @!p0 $0x1082;
	s9 =	sld [smem:$0x3FAB]  }
0x2f: {  	lr =	sadd.s32 s0, s3;
	s0 =	sld [smem:$0x3FA2]  }
0x30: {  	s3 =	sld [smem:$0x3FA5]  }
0x31: {  	[smem:$0x3FAE] =	sst s10  }
0x32: {  	s10 =	sld [smem:$0x3FAC];
	_ =	sdelay $0x3  }
0x33: {  	p0 =	seq.s32 s10, $0x1;
	s10 =	sld [smem:$0x3FAE];
	_ =	sdelay $0x3  }
0x34: {  	[smem:$0x3FAE] =	sst s10  }
0x35: {  	s10 =	sld [smem:$0x3FAD];
	_ =	sdelay $0x3  }
0x36: {  	p1 =	seq.s32 s10, $0x1;
	s10 =	sld [smem:$0x3FAE];
	_ =	sdelay $0x3  }
0x37: {  	[smem:$0x3FAE] =	sst s10  }
0x38: {  	s10 =	sld [smem:$0x3FAF]  }
0x39: {  	_ = 	snop;
	(pc) =	sbr.ind lr, $3  }
0x3a: {  	_ = 	snop  }
0x3b: {  	_ = 	snop  }
0x3c: {  	p2 =	seq.s32 s10, $0x1;
	s10 =	sld [smem:$0x3FAE]  }
0x3d: {  	_ =	shalt  }
0x3e: {  	_ =	shalt  }
0x3f: {  	_ =	shalt  }
0x40: {  	_ =	shalt  }
0x41: {  	_ =	shalt  }
0x42: {  	_ =	shalt  }
0x43: {  	_ =	shalt  }
0x44: {  	_ =	shalt  }
0x45: {  	_ =	shalt  }
0x46: {  	_ =	shalt  }
0x47: {  	_ =	shalt  }
0x48: {  	_ =	shalt  }
0x49: {  	_ =	shalt  }
0x4a: {  	_ =	shalt  }
0x4b: {  	_ =	shalt  }
0x4c: {  	_ =	shalt  }
0x4d: {  	_ =	shalt  }
0x4e: {  	_ =	shalt  }
0x4f: {  	_ =	shalt  }
0x50: {  	_ =	shalt  }
0x51: {  	_ =	shalt  }
0x52: {  	_ =	shalt  }
0x53: {  	_ =	shalt  }
0x54: {  	_ =	shalt  }
0x55: {  	_ =	shalt  }
0x56: {  	_ =	shalt  }
0x57: {  	_ =	shalt  }
0x58: {  	_ =	shalt  }
0x59: {  	_ =	shalt  }
0x5a: {  	_ =	shalt  }
0x5b: {  	_ =	shalt  }
0x5c: {  	_ =	shalt  }
0x5d: {  	_ =	shalt  }
0x5e: {  	_ =	shalt  }
0x5f: {  	_ =	shalt  }
0x60: {  	_ =	shalt  }
0x61: {  	_ =	shalt  }
0x62: {  	_ =	shalt  }
0x63: {  	_ =	shalt  }
0x64: {  	_ =	shalt  }
0x65: {  	_ =	shalt  }
0x66: {  	_ =	shalt  }
0x67: {  	_ =	shalt  }
0x68: {  	_ =	shalt  }
0x69: {  	_ =	shalt  }
0x6a: {  	_ =	shalt  }
0x6b: {  	_ =	shalt  }
0x6c: {  	_ =	shalt  }
0x6d: {  	_ =	shalt  }
0x6e: {  	_ =	shalt  }
0x6f: {  	_ =	shalt  }
0x70: {  	_ =	shalt  }
0x71: {  	_ =	shalt  }
0x72: {  	_ =	shalt  }
0x73: {  	_ =	shalt  }
0x74: {  	_ =	shalt  }
0x75: {  	_ =	shalt  }
0x76: {  	_ =	shalt  }
0x77: {  	_ =	shalt  }
0x78: {  	_ =	shalt  }
0x79: {  	_ =	shalt  }
0x7a: {  	_ =	shalt  }
0x7b: {  	_ =	shalt  }
0x7c: {  	_ =	shalt  }
0x7d: {  	_ =	shalt  }
0x7e: {  	_ =	shalt  }
0x7f: {  	_ =	shalt  }
0x80: {  	_ =	shalt  }
0x81: {  	_ =	shalt  }
0x82: {  	_ =	shalt  }
0x83: {  	_ =	shalt  }
0x84: {  	_ =	shalt  }
0x85: {  	_ =	shalt  }
0x86: {  	_ =	shalt  }
0x87: {  	_ =	shalt  }
.Lfunc_end0:
.L_simem_size_0:
called_computation.5_lowered:
.L_overlay_start_0:
0x88: {  	s2 =	sld [smem:$0x3FD9]  }
0x89: {  	s3 =	sld [smem:$0x3FFE];
	_ =	sdelay $0x1  }
0x8a: {  	s1 =	srdreg.scid  }
0x8b: {  	s0 =	sand.u32 $0x1, s1  }
0x8c: {  	s14 =	sshll.u32 s0, $0xA;
	s2 =	sadd.s32 s3, s2  }
0x8d: {  	s2 =	sadd.s32 s2, s14  }
0x8e: {  	[smem:$0x3FBA] =	sst s2  }
0x8f: {  	_ = 	snop  }
0x90: {  	s2 =	sld [smem:$0x3FD0];
	_ =	sdelay $0x2  }
0x91: {  	s15 =	simm.s32 $0xA;
	s4 =	simm.s32 $0x10  }
0x92: {  	[smem:s4], [sflag:s15] =	dma.local [hbm:s2], $0x1  }
0x93: {  	_ =	swait.eq [sflag:s15], $0x1  }
0x94: {  	[sflag:s15] =	ssyncset.done $0x0  }
0x95: {  	[sflag:s15] =	ssyncadd.s32 $0xFFFFFFFF  }
0x96: {  	s16 =	sld [smem:$0x11];
	(tm) =	ssettm $0x1  }
0x97: {  	s17 =	sld [smem:$0x3FFB];
	_ =	sdelay $0x3  }
0x98: {  	_ =	strace s17  }
0x99: {  	s3 =	sld [smem:$0x3FFC];
	_ =	sdelay $0x3  }
0x9a: {  	_ =	strace s3  }
0x9b: {  	s3 =	sld [smem:$0x3FFD];
	_ =	sdelay $0x3  }
0x9c: {  	_ =	strace s3  }
0x9d: {  	_ =	strace $0x8FFFFFFF  }
0x9e: {  	s18 =	sld [smem:$0x3FDB];
	_ =	sdelay $0x1  }
0x9f: {  	s19 =	simm.s32 $_scs_section_size  }
0xa0: {  	s5 =	simm.s32 $_size__tile_overlayer_lowered;
	s6 =	simm.s32 $_tile_overlayer_lowered  }
0xa1: {  	s22 =	simm.s32 $0x1BFF;
	s21 =	sshll.u32 s6, $0x1;
	s3 =	sadd.s32 s19, s18  }
0xa2: {  	s7 =	simm.s32 $0x0;
	s20 =	sshll.u32 s5, $0x1;
	s5 =	sadd.s32 s21, s3  }
0xa3: {  	[timem:s7], [sflag:s22] =	dma.local [hbm:s5], s20  }
0xa4: {  	_ =	swait.ge [sflag:s22], s20  }
0xa5: {  	s4 =	ssub.s32 $0x0, s20;
	[sflag:s22] =	ssyncset.done $0x0  }
0xa6: {  	[sflag:s22] =	ssyncadd.s32 s4;
	_ =	sdelay $0x1  }
0xa7: {  	s23 =	simm.s32 $0x1B8B  }
0xa8: {  	_ =	swait.ge [sflag:s23], $0x1  }
0xa9: {  	[sflag:s23] =	ssyncset.done $0x0  }
0xaa: {  	s25 =	simm.s32 $0x1B8E;
	s24 =	sld [smem:$0x3FFE];
	[sflag:s23] =	ssyncadd.s32 $0xFFFFFFFF  }
0xab: {  	s26 =	simm.s32 $execute0_lowered;
	[smem:$0x3FD2] =	sst s25  }
0xac: {  	s5 =	sshll.u32 s26, $0x1;
	_ =	strace $0x80000055;
	[dreg:$0x1] =	wrdreg $0xFFFFFFFF  }
0xad: {  	s28 =	simm.s32 $_size_execute0_lowered;
	s3 =	sadd.s32 s3, s5;
	[dreg:$0x0] =	wrdreg $0x0  }
0xae: {  	s5 =	sshll.u32 s28, $0x1;
	[dreg:$0x2] =	wrdreg s3  }
0xaf: {  	[dreg:$0x3] =	wrdreg s5  }
0xb0: {  	[dreg:$0x4] =	wrdreg $0xC0  }
0xb1: {  	_ =	task [dreg:s7], $0x5FFFF  }
0xb2: {  	[dreg:$0x1] =	wrdreg $0xFFFFFFFF  }
0xb3: {  	[dreg:$0x0] =	wrdreg $0x60  }
0xb4: {  	[dreg:$0x2] =	wrdreg s24  }
0xb5: {  	[dreg:$0x3] =	wrdreg s16  }
0xb6: {  	[dreg:$0x4] =	wrdreg $0x9  }
0xb7: {  	_ =	task.clear_ibuf [dreg:s7], $0x5FFFF;
	_ =	strace $0x90000055  }
0xb8: {  	s29 =	simm.s32 $0x9;
	_ =	strace $0x80000057  }
0xb9: {  	_ =	swait.ge [sflag:s29], $0x1  }
0xba: {  	[sflag:s29] =	ssyncadd.s32 $0xFFFFFFFF  }
0xbb: {  	_ =	strace $0x90000057  }
0xbc: {  	_ =	sfence  }
0xbd: {  	s30 =	sld [smem:$0x0];
	_ =	sdelay $0x2  }
0xbe: {  	s31 =	sshll.u32 s1, $0xD;
	s1 =	sshrl.u32 s1, $0x2  }
0xbf: {  	s3 =	sand.u32 $0x4000, s31;
	s1 =	sadd.s32 s1, s30  }
0xc0: {  	s0 =	sor.u32 s3, s0;
	s1 =	sshll.u32 s1, $0x11  }
0xc1: {  	s0 =	sor.u32 s1, s0  }
0xc2: {  	s0 =	sadd.s32 $0x8F2B, s0  }
0xc3: {  	[sflag:s0] =	ssyncadd.remote.s32 $0x1  }
0xc4: {  	_ =	sfence.sel $0xFFFF  }
0xc5: {  	[dreg:$0x0] =	wrdreg $0xFFFFFFFF;
	(pc) =	sbr.abs _section_cstart, $3  }
0xc6: {  	[dreg:$0x1] =	wrdreg $0xFFFFFFFF  }
0xc7: {  	_ =	task.clear_ibuf [dreg:s7], $0x2FFFF;
	_ =	strace $0x9FFFFFFF  }
0xc8: {  	(tm) =	ssettm $0x7FFFFFFF  }
0xc9: {  	_ =	shalt  }
tec
execute0_lowered:
.L_overlay_start_1:
0x0: {  	(tag) =	ssettag $0x1  }
0x1: {  	s1 =	srdreg.scid;
	s9 =	rddreg [dreg:$0x0]  }
0x2: {  	s0 =	stileid.u32;
	s3 =	rddreg [dreg:$0x1]  }
0x3: {  	s2 =	simm.s32 $0x0;
	s7 =	simm.s32 $0x80;
	s6 =	sand.u32 $0x1, s1  }
0x4: {  	s4 =	sshll.u32 s0, $0x7;
	s1 =	rddreg [dreg:$0x2];
	s5 =	sshll.u32 s6, $0x6  }
0x5: {  	s8 =	simm.s32 $0x1;
	[smem:$0x7FF] =	sst s2;
	s10 =	sor.u32 s5, s4  }
0x6: {  	_ =	strace $0x80000056;
	s11 =	ssub.s32 $0x2, s6;
	s4 =	sshrl.u32 s10, $0x3  }
0x7: {  	s6 =	simm.s32 $0x40;
	s4 =	sadd.s32 s3, s4;
	s3 =	simm.s32 $0x2  }
0x8: {  	[tilespmem:s2], [sflag:$0x2] =	stream.linear.gather [hbm4b:s4+s2], $0x40, $0x38;
	[tilespmem:$0x2080] =	vst v63  }
0x9: {  	s5 =	sadd.s32 $0x5600, s9;
	s12 =	sshrl.u32 s11, $0x1;
	_ =	swait.ge [sflag:s3], $0x40  }
0xa: {  	s10 =	sshll.u32 s10, $0x4;
	s31 =	ssub.s32 s11, s12;
	[sflag:s3] =	ssyncset.done $0x0  }
0xb: {  	s9 =	sadd.s32 s10, s9;
	s10 =	smax.u32 s31, $0x1;
	[sflag:s3] =	ssyncadd.s32 $0xFFFFFFC0  }
0xc: {  	[tilespmem:s7], [sflag:$0x1] =	stream.indirect.gather [hbm4b:s5+s6], $0x80, s2, s6, $0xb8;
	[tilespmem:$0x2080] =	vst v63  }
0xd: {  	p0 =	sne.s32 s10, $0x1;
	_ =	swait.ge [sflag:s8], $0x2000  }
.Ltmp0:
0xe: {  	[sflag:s8] =	ssyncset.done $0x0;
	(pc) =	sbr.rel @!p0 .LBB2_2-.Ltmp0, $4  }
0xf: {  	s9 =	sadd.s32 $0x2C800, s9;
	[sflag:s8] =	ssyncadd.s32 $0xFFFFE000  }
0x10: {  	[hbm4b:s9+s2] =	stream.linear.scatter [tilespmem:s7], [sflag:$0x2], $0x2000, $0x38;
	[tilespmem:$0x2080] =	vst v63  }
0x11: {  	_ =	swait.ge [sflag:s3], $0x2000  }
0x12: {  	s10 =	sadd.s32 $0xFFFFFFFF, s10;
	[sflag:s3] =	ssyncset.done $0x0  }
.LBB2_1:
0x13: {  	p0 =	sne.s32 s10, $0x1;
	s10 =	sadd.s32 $0xFFFFFFFF, s10;
	[sflag:s3] =	ssyncadd.s32 $0xFFFFE000  }
0x14: {  	[tilespmem:s2], [sflag:$0x2] =	stream.linear.gather [hbm4b:s4+s2], $0x40, $0x38;
	[tilespmem:$0x2080] =	vst v63  }
0x15: {  	_ =	swait.ge [sflag:s3], $0x40  }
0x16: {  	[sflag:s3] =	ssyncset.done $0x0  }
0x17: {  	[sflag:s3] =	ssyncadd.s32 $0xFFFFFFC0  }
0x18: {  	[tilespmem:s7], [sflag:$0x1] =	stream.indirect.gather [hbm4b:s5+s6], $0x80, s2, s6, $0xb8;
	[tilespmem:$0x2080] =	vst v63  }
0x19: {  	_ =	swait.ge [sflag:s8], $0x2000  }
.Ltmp1:
0x1a: {  	[sflag:s8] =	ssyncset.done $0x0;
	(pc) =	sbr.rel @p0 .LBB2_1-.Ltmp1, $4  }
0x1b: {  	[sflag:s8] =	ssyncadd.s32 $0xFFFFE000  }
0x1c: {  	[hbm4b:s9+s2] =	stream.linear.scatter [tilespmem:s7], [sflag:$0x2], $0x2000, $0x38;
	[tilespmem:$0x2080] =	vst v63  }
0x1d: {  	_ =	swait.ge [sflag:s3], $0x2000  }
0x1e: {  	[sflag:s3] =	ssyncset.done $0x0  }
.LBB2_2:
0x1f: {  	[sflag:s3] =	ssyncadd.s32 $0xFFFFE000  }
0x20: {  	_ =	sfence.sel $0x180000  }
0x21: {  	[bflag:$0x0] =	sbarrier.arrive $0xFFFF  }
0x22: {  	p0 =	sne.s32 s0, $0x0;
	_ =	strace $0x90000056  }
0x23: {  	s0 =	sadd.s32 @!p0 $0x100000, s1;
	[bflag:$0x2] =	sbarrier.arrive $0xFFFF  }
0x24: {  	[sflag:s0] =	ssyncadd.tile.s32 @!p0 $0x1;
	_ =	shalt  }
.Lfunc_end2:
_tile_overlayer_lowered:
.L_overlay_start_2:
0x25: {  	(tag) =	ssettag $0x2  }
0x26: {  	s0 =	rddreg [dreg:$0x0];
	s2 =	stileid.u32  }
0x27: {  	s1 =	rddreg [dreg:$0x1];
	p0 =	sne.s32 s2, $0x0  }
0x28: {  	s3 =	rddreg [dreg:$0x2];
	[bflag:$0x3] =	sbarrier.arrive $0xFFFF;
	s2 =	simm.s32 @!p0 $0x1C02  }
0x29: {  	[timem:s3], [sflag:s2] =	dma.local @!p0 [hbm:s0], s1  }
0x2a: {  	s0 =	simm.s32 @!p0 $0x2  }
0x2b: {  	_ =	swait.ge @!p0 [sflag:s0], s1  }
0x2c: {  	s1 =	ssub.s32 @!p0 $0x0, s1;
	[sflag:s0] =	ssyncset.done @!p0 $0x0  }
0x2d: {  	[sflag:s0] =	ssyncadd.s32 @!p0 s1  }
0x2e: {  	[bflag:$0x3] =	sbarrier.arrive $0xFFFF  }
0x2f: {  	_ =	shalt  }

</sc_bundles>
